<compile_context>
chip_gen: v7x
topology: tpu7x:2x2x1
jax: 0.10.2.dev20260603
libtpu: 0.0.44.dev20260713+nightly
codegen_flags: <defaults>
</compile_context>

<pallas_src>
import functools

import jax
import jax.numpy as jnp
from jax import lax
from jax.experimental import pallas as pl
from jax.experimental.pallas import tpu as pltpu
from jax.experimental.pallas import tpu_sc as plsc

ALPHA = 0.1
BETA = 0.5

NC = 2
NS = 16
LANES = 16
NW = NC * NS
CHUNK = 128


def _sc_degree_kernel(n_pad, k_per_tile):
    mesh = plsc.VectorSubcoreMesh(core_axis_name="c", subcore_axis_name="s")
    rpt = n_pad // NS

    @functools.partial(
        pl.kernel,
        out_type=jax.ShapeDtypeStruct((NC, n_pad), jnp.float32),
        mesh=mesh,
        scratch_types=[
            pltpu.VMEM((k_per_tile, CHUNK), jnp.int32),
            pltpu.VMEM((CHUNK,), jnp.float32),
            pltpu.VMEM((rpt,), jnp.float32),
            pltpu.VMEM_SHARED((n_pad,), jnp.float32),
            pltpu.SemaphoreType.DMA,
        ],
    )
    def deg_kernel(dst_hbm, out_hbm, idx_v, ones_v, stage_v, acc_sh, dsem):
        c = lax.axis_index("c")
        s = lax.axis_index("s")
        tid = c * NS + s
        for i in range(CHUNK // LANES):
            ones_v[pl.ds(i * LANES, LANES)] = jnp.full((LANES,), 1.0, jnp.float32)
        for i in range(rpt // LANES):
            stage_v[pl.ds(i * LANES, LANES)] = jnp.zeros((LANES,), jnp.float32)
        pltpu.sync_copy(stage_v, acc_sh.at[pl.ds(s * rpt, rpt)])
        plsc.subcore_barrier()
        pltpu.sync_copy(dst_hbm.at[pl.ds(tid * k_per_tile, k_per_tile)], idx_v)

        def fire(j):
            pltpu.async_copy(ones_v, acc_sh.at[idx_v.at[j]], dsem, add=True)

        def drain(j):
            pltpu.make_async_copy(ones_v, acc_sh.at[idx_v.at[j]], dsem).wait()

        win = 8
        for j in range(win):
            fire(j)

        def body(j, carry):
            drain(j - win)
            fire(j)
            return carry

        lax.fori_loop(win, k_per_tile, body, 0)

        def tail(j, carry):
            drain(j)
            return carry

        lax.fori_loop(0, win, tail, 0)
        plsc.subcore_barrier()
        pltpu.sync_copy(acc_sh.at[pl.ds(s * rpt, rpt)], stage_v)
        pltpu.sync_copy(stage_v, out_hbm.at[c, pl.ds(s * rpt, rpt)])

    return deg_kernel


def _sc_gather_scatter_kernel(n_pad, k_per_tile, d):
    mesh = plsc.VectorSubcoreMesh(core_axis_name="c", subcore_axis_name="s")
    rpt = n_pad // NS
    nbuf = 4
    half = CHUNK // 2
    k2 = k_per_tile // 2

    @functools.partial(
        pl.kernel,
        out_type=jax.ShapeDtypeStruct((NC, n_pad, d), jnp.float32),
        mesh=mesh,
        scratch_types=[
            pltpu.VMEM((k2, CHUNK), jnp.int32),
            pltpu.VMEM((k2, CHUNK), jnp.int32),
            pltpu.VMEM((nbuf, half, 128), jnp.float32),
            pltpu.VMEM_SHARED((n_pad, 128), jnp.float32),
            [pltpu.SemaphoreType.DMA] * nbuf,
            [pltpu.SemaphoreType.DMA] * nbuf,
        ],
    )
    def gs_kernel(h_hbm, src_hbm, dst_hbm, out_hbm,
                  sidx, didx, rows_v, acc_sh, gsem, ssem):
        c = lax.axis_index("c")
        s = lax.axis_index("s")
        tid = c * NS + s
        k = k_per_tile

        def zrow_body(r, carry):
            for i in range(d // LANES):
                rows_v[0, r, pl.ds(i * LANES, LANES)] = jnp.zeros(
                    (LANES,), jnp.float32)
            return carry

        lax.fori_loop(0, half, zrow_body, 0)
        for t in range(rpt // half):
            pltpu.sync_copy(rows_v.at[0],
                            acc_sh.at[pl.ds(s * rpt + t * half, half)])
        plsc.subcore_barrier()

        def start_gather(r, off, b):
            pltpu.async_copy(h_hbm.at[sidx.at[r, pl.ds(off, half)]],
                             rows_v.at[b], gsem[b])

        def wait_gather(r, off, b):
            pltpu.make_async_copy(
                h_hbm.at[sidx.at[r, pl.ds(off, half)]],
                rows_v.at[b], gsem[b]).wait()

        def start_scatter(r, off, b):
            pltpu.async_copy(rows_v.at[b],
                             acc_sh.at[didx.at[r, pl.ds(off, half)]],
                             ssem[b], add=True)

        def wait_scatter(r, off, b):
            pltpu.make_async_copy(
                rows_v.at[b],
                acc_sh.at[didx.at[r, pl.ds(off, half)]],
                ssem[b]).wait()

        def step(s_r, s_off, s_b, p):
            wait_gather(s_r, s_off, s_b)
            start_scatter(s_r, s_off, s_b)
            if p is not None:
                (w_r, w_off), g, b2 = p
                wait_scatter(w_r, w_off, b2)
                if g is not None:
                    start_gather(g[0], g[1], b2)

        for ph in range(2):
            base = ph * k2
            pltpu.sync_copy(src_hbm.at[pl.ds(tid * k + base, k2)], sidx)
            pltpu.sync_copy(dst_hbm.at[pl.ds(tid * k + base, k2)], didx)
            start_gather(0, 0, 0)
            start_gather(0, half, 1)
            start_gather(1, 0, 2)
            wait_gather(0, 0, 0)
            start_scatter(0, 0, 0)
            start_gather(1, half, 3)
            step(0, half, 1, ((0, 0), (2, 0), 0))
            step(1, 0, 2, ((0, half), (2, half), 1))

            def body(j, carry):
                for o in range(4):
                    s_r = 2 * j + 1 + (o + 1) // 2
                    s_off = (1 - o % 2) * half
                    sm1_r = 2 * j + 1 + o // 2
                    sm1_off = (o % 2) * half
                    sp3_r = 2 * j + 3 + o // 2
                    sp3_off = (o % 2) * half
                    step(s_r, s_off, (3 + o) % 4,
                         ((sm1_r, sm1_off), (sp3_r, sp3_off), (2 + o) % 4))
                return carry

            lax.fori_loop(0, (2 * k2 - 8) // 4, body, 0)
            step(k2 - 3, half, 3, ((k2 - 3, 0), (k2 - 1, 0), 2))
            step(k2 - 2, 0, 0, ((k2 - 3, half), (k2 - 1, half), 3))
            step(k2 - 2, half, 1, ((k2 - 2, 0), None, 0))
            step(k2 - 1, 0, 2, ((k2 - 2, half), None, 1))
            step(k2 - 1, half, 3, ((k2 - 1, 0), None, 2))
            wait_scatter(k2 - 1, half, 3)
        plsc.subcore_barrier()

        def obody(t, carry):
            pltpu.sync_copy(acc_sh.at[pl.ds(s * rpt + t * half, half)],
                            rows_v.at[0])
            pltpu.sync_copy(rows_v.at[0],
                            out_hbm.at[c, pl.ds(s * rpt + t * half, half)])
            return carry

        lax.fori_loop(0, rpt // half, obody, 0)

    return gs_kernel


def _tc_prescale(deg0_ref, deg1_ref, x_ref, h_ref, n_ref):
    d = jnp.maximum(deg0_ref[...] + deg1_ref[...], 1.0)
    nr = lax.rsqrt(d)
    h_ref[...] = x_ref[...] * nr
    n_ref[...] = nr


def _tc_finish(agg_ref, n_ref, x0_ref, wt_ref, o_ref):
    a = agg_ref[0] + agg_ref[1]
    h2 = a * n_ref[...]
    h3 = (1.0 - ALPHA) * h2 + ALPHA * x0_ref[...]
    o_ref[...] = (1.0 - BETA) * h3 + BETA * jnp.dot(
        h3, wt_ref[...], preferred_element_type=jnp.float32)


def kernel(features, initial_features, edge_index, W):
    n, d = features.shape
    e = edge_index.shape[1]
    epw = NW * CHUNK * 8
    e_pad = ((e + epw - 1) // epw) * epw
    ce = e_pad // CHUNK
    k_per_tile = ce // NW
    n_pad = ((n + 16 + 255) // 256) * 256

    src = edge_index[0]
    dst = edge_index[1]
    pad = e_pad - e
    pad_iota = jnp.arange(pad, dtype=jnp.int32)
    src_p = jnp.concatenate([src, pad_iota % 16])
    dst_p = jnp.concatenate([dst, n + (pad_iota % 16)])
    src2 = src_p.reshape(ce, CHUNK)
    dst2 = dst_p.reshape(ce, CHUNK)

    degs = _sc_degree_kernel(n_pad, k_per_tile)(dst2)
    deg0 = degs[0, :n].reshape(n, 1)
    deg1 = degs[1, :n].reshape(n, 1)

    br = 1000
    grid = n // br
    h_pre, norm = pl.pallas_call(
        _tc_prescale,
        grid=(grid,),
        in_specs=[
            pl.BlockSpec((br, 1), lambda i: (i, 0)),
            pl.BlockSpec((br, 1), lambda i: (i, 0)),
            pl.BlockSpec((br, d), lambda i: (i, 0)),
        ],
        out_specs=[
            pl.BlockSpec((br, d), lambda i: (i, 0)),
            pl.BlockSpec((br, 1), lambda i: (i, 0)),
        ],
        out_shape=[
            jax.ShapeDtypeStruct((n, d), jnp.float32),
            jax.ShapeDtypeStruct((n, 1), jnp.float32),
        ],
    )(deg0, deg1, features)

    agg = _sc_gather_scatter_kernel(n_pad, k_per_tile, d)(h_pre, src2, dst2)

    out = pl.pallas_call(
        _tc_finish,
        grid=(grid,),
        in_specs=[
            pl.BlockSpec((NC, br, d), lambda i: (0, i, 0)),
            pl.BlockSpec((br, 1), lambda i: (i, 0)),
            pl.BlockSpec((br, d), lambda i: (i, 0)),
            pl.BlockSpec((d, d), lambda i: (0, 0)),
        ],
        out_specs=pl.BlockSpec((br, d), lambda i: (i, 0)),
        out_shape=jax.ShapeDtypeStruct((n, d), jnp.float32),
    )(agg, norm, initial_features, W.T)
    return out

# --- scband reference (transcript-rebuilt; emitter-appended) ---
"""Pipeline reference for scband-gcniilayer-87866440941693 (READ-ONLY COPY).

The authoritative reference and input builder live on the scoring server;
editing this copy changes nothing except your own understanding.
"""

import jax, jax.numpy as jnp
import numpy as np

N = 10000
E = 320000
D = 128
ALPHA = 0.1
BETA = 0.5


def setup_inputs(seed: int = 0) -> dict:
    key = jax.random.key(seed)
    k1, k2, k3, k4 = jax.random.split(key, 4)
    features = jax.random.normal(k1, (N, D), dtype=jnp.float32)
    initial_features = jax.random.normal(k2, (N, D), dtype=jnp.float32)
    edge_index = jax.random.randint(k3, (2, E), 0, N, dtype=jnp.int32)
    # xavier_uniform init for linear weight (gain=1 since activation is None)
    limit = float(np.sqrt(6.0 / (D + D)))
    W = jax.random.uniform(k4, (D, D), minval=-limit, maxval=limit, dtype=jnp.float32)
    return {"features": features, "initial_features": initial_features, "edge_index": edge_index, "W": W}


def reference(features, initial_features, edge_index, W):
    src = edge_index[0]
    dst = edge_index[1]
    # in-degrees (edges with node as destination), clamped to min 1
    ones = jnp.ones((E,), dtype=jnp.float32)
    degs = jax.ops.segment_sum(ones, dst, num_segments=N)
    degs = jnp.maximum(degs, 1.0)
    norm = jnp.power(degs, -0.5)[:, None]
    # symmetric normalization: pre-scale
    h = features * norm
    # message passing: m = u_mul_e(h, w) with w = ones -> just gather src; sum at dst
    msg = jnp.take(h, src, axis=0)
    agg = jax.ops.segment_sum(msg, dst, num_segments=N)
    # post-scale
    h = agg * norm
    # initial residual (GCNII alpha term)
    h = (1.0 - ALPHA) * h + ALPHA * initial_features
    # identity mapping (GCNII beta term), linear has no bias
    h = (1.0 - BETA) * h + BETA * (h @ W.T)
    return h

if __name__ == "__main__":
    import jax
    _d = setup_inputs()
    print(jax.jit(kernel)(*tuple(_d.values())))

</pallas_src>

<mosaic_0001>
#map = affine_map<(d0, d1) -> (0, 0)>
module attributes {stable_mosaic.version = 14 : i64} {
  func.func @deg_kernel(%arg0: i32, %arg1: i32, %arg2: memref<2560x128xi32, #tpu.memory_space<hbm>>, %arg3: memref<2x10240xf32, #tpu.memory_space<hbm>>, %arg4: memref<80x128xi32, #tpu.memory_space<vmem>>, %arg5: memref<128xf32, #tpu.memory_space<vmem>>, %arg6: memref<640xf32, #tpu.memory_space<vmem>>, %arg7: memref<10240xf32, #tpu.memory_space<vmem_shared>>, %arg8: memref<!tpu.dma_semaphore, #tpu.memory_space<semaphore_mem>>) attributes {dimension_semantics = [#tpu.dimension_semantics<core_parallel>, #tpu.dimension_semantics<subcore_parallel>], iteration_bounds = array<i64: 2, 16>, scalar_prefetch = 0 : i64, scratch_operands = 5 : i64, tpu.core_type = #tpu.core_type<sc_vector_subcore>, window_params = [{transform_indices = #map}, {transform_indices = #map}]} {
    %mul3A = arith.constant 16 : i32
    %mul3A_0 = arith.muli %arg0, %mul3A : i32
    %add3A = arith.addi %mul3A_0, %arg1 : i32
    %broadcast_in_dim3A = arith.constant 1.000000e+00 : f32
    %broadcast_in_dim3A_1 = vector.broadcast %broadcast_in_dim3A : f32 to vector<16xf32>
    %swap3A = arith.constant 0 : index
    %swap3A_2 = tpu.vector_load %arg5[%swap3A] {strides = array<i32>} : memref<128xf32, #tpu.memory_space<vmem>>, vector<16xf32>,
    %swap3A_3 = vector.shape_cast %swap3A_2 : vector<16xf32> to vector<16xf32>
    %swap3A_4 = vector.shape_cast %broadcast_in_dim3A_1 : vector<16xf32> to vector<16xf32>
    tpu.vector_store %arg5[%swap3A], %swap3A_4 {strides = array<i32>} : memref<128xf32, #tpu.memory_space<vmem>>, vector<16xf32>,
    %broadcast_in_dim3A_5 = arith.constant 1.000000e+00 : f32
    %broadcast_in_dim3A_6 = vector.broadcast %broadcast_in_dim3A_5 : f32 to vector<16xf32>
    %swap3A_7 = arith.constant 16 : index
    %swap3A_8 = tpu.vector_load %arg5[%swap3A_7] {strides = array<i32>} : memref<128xf32, #tpu.memory_space<vmem>>, vector<16xf32>,
    %swap3A_9 = vector.shape_cast %swap3A_8 : vector<16xf32> to vector<16xf32>
    %swap3A_10 = vector.shape_cast %broadcast_in_dim3A_6 : vector<16xf32> to vector<16xf32>
    tpu.vector_store %arg5[%swap3A_7], %swap3A_10 {strides = array<i32>} : memref<128xf32, #tpu.memory_space<vmem>>, vector<16xf32>,
    %broadcast_in_dim3A_11 = arith.constant 1.000000e+00 : f32
    %broadcast_in_dim3A_12 = vector.broadcast %broadcast_in_dim3A_11 : f32 to vector<16xf32>
    %swap3A_13 = arith.constant 32 : index
    %swap3A_14 = tpu.vector_load %arg5[%swap3A_13] {strides = array<i32>} : memref<128xf32, #tpu.memory_space<vmem>>, vector<16xf32>,
    %swap3A_15 = vector.shape_cast %swap3A_14 : vector<16xf32> to vector<16xf32>
    %swap3A_16 = vector.shape_cast %broadcast_in_dim3A_12 : vector<16xf32> to vector<16xf32>
    tpu.vector_store %arg5[%swap3A_13], %swap3A_16 {strides = array<i32>} : memref<128xf32, #tpu.memory_space<vmem>>, vector<16xf32>,
    %broadcast_in_dim3A_17 = arith.constant 1.000000e+00 : f32
    %broadcast_in_dim3A_18 = vector.broadcast %broadcast_in_dim3A_17 : f32 to vector<16xf32>
    %swap3A_19 = arith.constant 48 : index
    %swap3A_20 = tpu.vector_load %arg5[%swap3A_19] {strides = array<i32>} : memref<128xf32, #tpu.memory_space<vmem>>, vector<16xf32>,
    %swap3A_21 = vector.shape_cast %swap3A_20 : vector<16xf32> to vector<16xf32>
    %swap3A_22 = vector.shape_cast %broadcast_in_dim3A_18 : vector<16xf32> to vector<16xf32>
    tpu.vector_store %arg5[%swap3A_19], %swap3A_22 {strides = array<i32>} : memref<128xf32, #tpu.memory_space<vmem>>, vector<16xf32>,
    %broadcast_in_dim3A_23 = arith.constant 1.000000e+00 : f32
    %broadcast_in_dim3A_24 = vector.broadcast %broadcast_in_dim3A_23 : f32 to vector<16xf32>
    %swap3A_25 = arith.constant 64 : index
    %swap3A_26 = tpu.vector_load %arg5[%swap3A_25] {strides = array<i32>} : memref<128xf32, #tpu.memory_space<vmem>>, vector<16xf32>,
    %swap3A_27 = vector.shape_cast %swap3A_26 : vector<16xf32> to vector<16xf32>
    %swap3A_28 = vector.shape_cast %broadcast_in_dim3A_24 : vector<16xf32> to vector<16xf32>
    tpu.vector_store %arg5[%swap3A_25], %swap3A_28 {strides = array<i32>} : memref<128xf32, #tpu.memory_space<vmem>>, vector<16xf32>,
    %broadcast_in_dim3A_29 = arith.constant 1.000000e+00 : f32
    %broadcast_in_dim3A_30 = vector.broadcast %broadcast_in_dim3A_29 : f32 to vector<16xf32>
    %swap3A_31 = arith.constant 80 : index
    %swap3A_32 = tpu.vector_load %arg5[%swap3A_31] {strides = array<i32>} : memref<128xf32, #tpu.memory_space<vmem>>, vector<16xf32>,
    %swap3A_33 = vector.shape_cast %swap3A_32 : vector<16xf32> to vector<16xf32>
    %swap3A_34 = vector.shape_cast %broadcast_in_dim3A_30 : vector<16xf32> to vector<16xf32>
    tpu.vector_store %arg5[%swap3A_31], %swap3A_34 {strides = array<i32>} : memref<128xf32, #tpu.memory_space<vmem>>, vector<16xf32>,
    %broadcast_in_dim3A_35 = arith.constant 1.000000e+00 : f32
    %broadcast_in_dim3A_36 = vector.broadcast %broadcast_in_dim3A_35 : f32 to vector<16xf32>
    %swap3A_37 = arith.constant 96 : index
    %swap3A_38 = tpu.vector_load %arg5[%swap3A_37] {strides = array<i32>} : memref<128xf32, #tpu.memory_space<vmem>>, vector<16xf32>,
    %swap3A_39 = vector.shape_cast %swap3A_38 : vector<16xf32> to vector<16xf32>
    %swap3A_40 = vector.shape_cast %broadcast_in_dim3A_36 : vector<16xf32> to vector<16xf32>
    tpu.vector_store %arg5[%swap3A_37], %swap3A_40 {strides = array<i32>} : memref<128xf32, #tpu.memory_space<vmem>>, vector<16xf32>,
    %broadcast_in_dim3A_41 = arith.constant 1.000000e+00 : f32
    %broadcast_in_dim3A_42 = vector.broadcast %broadcast_in_dim3A_41 : f32 to vector<16xf32>
    %swap3A_43 = arith.constant 112 : index
    %swap3A_44 = tpu.vector_load %arg5[%swap3A_43] {strides = array<i32>} : memref<128xf32, #tpu.memory_space<vmem>>, vector<16xf32>,
    %swap3A_45 = vector.shape_cast %swap3A_44 : vector<16xf32> to vector<16xf32>
    %swap3A_46 = vector.shape_cast %broadcast_in_dim3A_42 : vector<16xf32> to vector<16xf32>
    tpu.vector_store %arg5[%swap3A_43], %swap3A_46 {strides = array<i32>} : memref<128xf32, #tpu.memory_space<vmem>>, vector<16xf32>,
    %broadcast_in_dim3A_47 = arith.constant 0.000000e+00 : f32
    %broadcast_in_dim3A_48 = vector.broadcast %broadcast_in_dim3A_47 : f32 to vector<16xf32>
    %swap3A_49 = arith.constant 0 : index
    %swap3A_50 = tpu.vector_load %arg6[%swap3A_49] {strides = array<i32>} : memref<640xf32, #tpu.memory_space<vmem>>, vector<16xf32>,
    %swap3A_51 = vector.shape_cast %swap3A_50 : vector<16xf32> to vector<16xf32>
    %swap3A_52 = vector.shape_cast %broadcast_in_dim3A_48 : vector<16xf32> to vector<16xf32>
    tpu.vector_store %arg6[%swap3A_49], %swap3A_52 {strides = array<i32>} : memref<640xf32, #tpu.memory_space<vmem>>, vector<16xf32>,
    %broadcast_in_dim3A_53 = arith.constant 0.000000e+00 : f32
    %broadcast_in_dim3A_54 = vector.broadcast %broadcast_in_dim3A_53 : f32 to vector<16xf32>
    %swap3A_55 = arith.constant 16 : index
    %swap3A_56 = tpu.vector_load %arg6[%swap3A_55] {strides = array<i32>} : memref<640xf32, #tpu.memory_space<vmem>>, vector<16xf32>,
    %swap3A_57 = vector.shape_cast %swap3A_56 : vector<16xf32> to vector<16xf32>
    %swap3A_58 = vector.shape_cast %broadcast_in_dim3A_54 : vector<16xf32> to vector<16xf32>
    tpu.vector_store %arg6[%swap3A_55], %swap3A_58 {strides = array<i32>} : memref<640xf32, #tpu.memory_space<vmem>>, vector<16xf32>,
    %broadcast_in_dim3A_59 = arith.constant 0.000000e+00 : f32
    %broadcast_in_dim3A_60 = vector.broadcast %broadcast_in_dim3A_59 : f32 to vector<16xf32>
    %swap3A_61 = arith.constant 32 : index
    %swap3A_62 = tpu.vector_load %arg6[%swap3A_61] {strides = array<i32>} : memref<640xf32, #tpu.memory_space<vmem>>, vector<16xf32>,
    %swap3A_63 = vector.shape_cast %swap3A_62 : vector<16xf32> to vector<16xf32>
    %swap3A_64 = vector.shape_cast %broadcast_in_dim3A_60 : vector<16xf32> to vector<16xf32>
    tpu.vector_store %arg6[%swap3A_61], %swap3A_64 {strides = array<i32>} : memref<640xf32, #tpu.memory_space<vmem>>, vector<16xf32>,
    %broadcast_in_dim3A_65 = arith.constant 0.000000e+00 : f32
    %broadcast_in_dim3A_66 = vector.broadcast %broadcast_in_dim3A_65 : f32 to vector<16xf32>
    %swap3A_67 = arith.constant 48 : index
    %swap3A_68 = tpu.vector_load %arg6[%swap3A_67] {strides = array<i32>} : memref<640xf32, #tpu.memory_space<vmem>>, vector<16xf32>,
    %swap3A_69 = vector.shape_cast %swap3A_68 : vector<16xf32> to vector<16xf32>
    %swap3A_70 = vector.shape_cast %broadcast_in_dim3A_66 : vector<16xf32> to vector<16xf32>
    tpu.vector_store %arg6[%swap3A_67], %swap3A_70 {strides = array<i32>} : memref<640xf32, #tpu.memory_space<vmem>>, vector<16xf32>,
    %broadcast_in_dim3A_71 = arith.constant 0.000000e+00 : f32
    %broadcast_in_dim3A_72 = vector.broadcast %broadcast_in_dim3A_71 : f32 to vector<16xf32>
    %swap3A_73 = arith.constant 64 : index
    %swap3A_74 = tpu.vector_load %arg6[%swap3A_73] {strides = array<i32>} : memref<640xf32, #tpu.memory_space<vmem>>, vector<16xf32>,
    %swap3A_75 = vector.shape_cast %swap3A_74 : vector<16xf32> to vector<16xf32>
    %swap3A_76 = vector.shape_cast %broadcast_in_dim3A_72 : vector<16xf32> to vector<16xf32>
    tpu.vector_store %arg6[%swap3A_73], %swap3A_76 {strides = array<i32>} : memref<640xf32, #tpu.memory_space<vmem>>, vector<16xf32>,
    %broadcast_in_dim3A_77 = arith.constant 0.000000e+00 : f32
    %broadcast_in_dim3A_78 = vector.broadcast %broadcast_in_dim3A_77 : f32 to vector<16xf32>
    %swap3A_79 = arith.constant 80 : index
    %swap3A_80 = tpu.vector_load %arg6[%swap3A_79] {strides = array<i32>} : memref<640xf32, #tpu.memory_space<vmem>>, vector<16xf32>,
    %swap3A_81 = vector.shape_cast %swap3A_80 : vector<16xf32> to vector<16xf32>
    %swap3A_82 = vector.shape_cast %broadcast_in_dim3A_78 : vector<16xf32> to vector<16xf32>
    tpu.vector_store %arg6[%swap3A_79], %swap3A_82 {strides = array<i32>} : memref<640xf32, #tpu.memory_space<vmem>>, vector<16xf32>,
    %broadcast_in_dim3A_83 = arith.constant 0.000000e+00 : f32
    %broadcast_in_dim3A_84 = vector.broadcast %broadcast_in_dim3A_83 : f32 to vector<16xf32>
    %swap3A_85 = arith.constant 96 : index
    %swap3A_86 = tpu.vector_load %arg6[%swap3A_85] {strides = array<i32>} : memref<640xf32, #tpu.memory_space<vmem>>, vector<16xf32>,
    %swap3A_87 = vector.shape_cast %swap3A_86 : vector<16xf32> to vector<16xf32>
    %swap3A_88 = vector.shape_cast %broadcast_in_dim3A_84 : vector<16xf32> to vector<16xf32>
    tpu.vector_store %arg6[%swap3A_85], %swap3A_88 {strides = array<i32>} : memref<640xf32, #tpu.memory_space<vmem>>, vector<16xf32>,
    %broadcast_in_dim3A_89 = arith.constant 0.000000e+00 : f32
    %broadcast_in_dim3A_90 = vector.broadcast %broadcast_in_dim3A_89 : f32 to vector<16xf32>
    %swap3A_91 = arith.constant 112 : index
    %swap3A_92 = tpu.vector_load %arg6[%swap3A_91] {strides = array<i32>} : memref<640xf32, #tpu.memory_space<vmem>>, vector<16xf32>,
    %swap3A_93 = vector.shape_cast %swap3A_92 : vector<16xf32> to vector<16xf32>
    %swap3A_94 = vector.shape_cast %broadcast_in_dim3A_90 : vector<16xf32> to vector<16xf32>
    tpu.vector_store %arg6[%swap3A_91], %swap3A_94 {strides = array<i32>} : memref<640xf32, #tpu.memory_space<vmem>>, vector<16xf32>,
    %broadcast_in_dim3A_95 = arith.constant 0.000000e+00 : f32
    %broadcast_in_dim3A_96 = vector.broadcast %broadcast_in_dim3A_95 : f32 to vector<16xf32>
    %swap3A_97 = arith.constant 128 : index
    %swap3A_98 = tpu.vector_load %arg6[%swap3A_97] {strides = array<i32>} : memref<640xf32, #tpu.memory_space<vmem>>, vector<16xf32>,
    %swap3A_99 = vector.shape_cast %swap3A_98 : vector<16xf32> to vector<16xf32>
    %swap3A_100 = vector.shape_cast %broadcast_in_dim3A_96 : vector<16xf32> to vector<16xf32>
    tpu.vector_store %arg6[%swap3A_97], %swap3A_100 {strides = array<i32>} : memref<640xf32, #tpu.memory_space<vmem>>, vector<16xf32>,
    %broadcast_in_dim3A_101 = arith.constant 0.000000e+00 : f32
    %broadcast_in_dim3A_102 = vector.broadcast %broadcast_in_dim3A_101 : f32 to vector<16xf32>
    %swap3A_103 = arith.constant 144 : index
    %swap3A_104 = tpu.vector_load %arg6[%swap3A_103] {strides = array<i32>} : memref<640xf32, #tpu.memory_space<vmem>>, vector<16xf32>,
    %swap3A_105 = vector.shape_cast %swap3A_104 : vector<16xf32> to vector<16xf32>
    %swap3A_106 = vector.shape_cast %broadcast_in_dim3A_102 : vector<16xf32> to vector<16xf32>
    tpu.vector_store %arg6[%swap3A_103], %swap3A_106 {strides = array<i32>} : memref<640xf32, #tpu.memory_space<vmem>>, vector<16xf32>,
    %broadcast_in_dim3A_107 = arith.constant 0.000000e+00 : f32
    %broadcast_in_dim3A_108 = vector.broadcast %broadcast_in_dim3A_107 : f32 to vector<16xf32>
    %swap3A_109 = arith.constant 160 : index
    %swap3A_110 = tpu.vector_load %arg6[%swap3A_109] {strides = array<i32>} : memref<640xf32, #tpu.memory_space<vmem>>, vector<16xf32>,
    %swap3A_111 = vector.shape_cast %swap3A_110 : vector<16xf32> to vector<16xf32>
    %swap3A_112 = vector.shape_cast %broadcast_in_dim3A_108 : vector<16xf32> to vector<16xf32>
    tpu.vector_store %arg6[%swap3A_109], %swap3A_112 {strides = array<i32>} : memref<640xf32, #tpu.memory_space<vmem>>, vector<16xf32>,
    %broadcast_in_dim3A_113 = arith.constant 0.000000e+00 : f32
    %broadcast_in_dim3A_114 = vector.broadcast %broadcast_in_dim3A_113 : f32 to vector<16xf32>
    %swap3A_115 = arith.constant 176 : index
    %swap3A_116 = tpu.vector_load %arg6[%swap3A_115] {strides = array<i32>} : memref<640xf32, #tpu.memory_space<vmem>>, vector<16xf32>,
    %swap3A_117 = vector.shape_cast %swap3A_116 : vector<16xf32> to vector<16xf32>
    %swap3A_118 = vector.shape_cast %broadcast_in_dim3A_114 : vector<16xf32> to vector<16xf32>
    tpu.vector_store %arg6[%swap3A_115], %swap3A_118 {strides = array<i32>} : memref<640xf32, #tpu.memory_space<vmem>>, vector<16xf32>,
    %broadcast_in_dim3A_119 = arith.constant 0.000000e+00 : f32
    %broadcast_in_dim3A_120 = vector.broadcast %broadcast_in_dim3A_119 : f32 to vector<16xf32>
    %swap3A_121 = arith.constant 192 : index
    %swap3A_122 = tpu.vector_load %arg6[%swap3A_121] {strides = array<i32>} : memref<640xf32, #tpu.memory_space<vmem>>, vector<16xf32>,
    %swap3A_123 = vector.shape_cast %swap3A_122 : vector<16xf32> to vector<16xf32>
    %swap3A_124 = vector.shape_cast %broadcast_in_dim3A_120 : vector<16xf32> to vector<16xf32>
    tpu.vector_store %arg6[%swap3A_121], %swap3A_124 {strides = array<i32>} : memref<640xf32, #tpu.memory_space<vmem>>, vector<16xf32>,
    %broadcast_in_dim3A_125 = arith.constant 0.000000e+00 : f32
    %broadcast_in_dim3A_126 = vector.broadcast %broadcast_in_dim3A_125 : f32 to vector<16xf32>
    %swap3A_127 = arith.constant 208 : index
    %swap3A_128 = tpu.vector_load %arg6[%swap3A_127] {strides = array<i32>} : memref<640xf32, #tpu.memory_space<vmem>>, vector<16xf32>,
    %swap3A_129 = vector.shape_cast %swap3A_128 : vector<16xf32> to vector<16xf32>
    %swap3A_130 = vector.shape_cast %broadcast_in_dim3A_126 : vector<16xf32> to vector<16xf32>
    tpu.vector_store %arg6[%swap3A_127], %swap3A_130 {strides = array<i32>} : memref<640xf32, #tpu.memory_space<vmem>>, vector<16xf32>,
    %broadcast_in_dim3A_131 = arith.constant 0.000000e+00 : f32
    %broadcast_in_dim3A_132 = vector.broadcast %broadcast_in_dim3A_131 : f32 to vector<16xf32>
    %swap3A_133 = arith.constant 224 : index
    %swap3A_134 = tpu.vector_load %arg6[%swap3A_133] {strides = array<i32>} : memref<640xf32, #tpu.memory_space<vmem>>, vector<16xf32>,
    %swap3A_135 = vector.shape_cast %swap3A_134 : vector<16xf32> to vector<16xf32>
    %swap3A_136 = vector.shape_cast %broadcast_in_dim3A_132 : vector<16xf32> to vector<16xf32>
    tpu.vector_store %arg6[%swap3A_133], %swap3A_136 {strides = array<i32>} : memref<640xf32, #tpu.memory_space<vmem>>, vector<16xf32>,
    %broadcast_in_dim3A_137 = arith.constant 0.000000e+00 : f32
    %broadcast_in_dim3A_138 = vector.broadcast %broadcast_in_dim3A_137 : f32 to vector<16xf32>
    %swap3A_139 = arith.constant 240 : index
    %swap3A_140 = tpu.vector_load %arg6[%swap3A_139] {strides = array<i32>} : memref<640xf32, #tpu.memory_space<vmem>>, vector<16xf32>,
    %swap3A_141 = vector.shape_cast %swap3A_140 : vector<16xf32> to vector<16xf32>
    %swap3A_142 = vector.shape_cast %broadcast_in_dim3A_138 : vector<16xf32> to vector<16xf32>
    tpu.vector_store %arg6[%swap3A_139], %swap3A_142 {strides = array<i32>} : memref<640xf32, #tpu.memory_space<vmem>>, vector<16xf32>,
    %broadcast_in_dim3A_143 = arith.constant 0.000000e+00 : f32
    %broadcast_in_dim3A_144 = vector.broadcast %broadcast_in_dim3A_143 : f32 to vector<16xf32>
    %swap3A_145 = arith.constant 256 : index
    %swap3A_146 = tpu.vector_load %arg6[%swap3A_145] {strides = array<i32>} : memref<640xf32, #tpu.memory_space<vmem>>, vector<16xf32>,
    %swap3A_147 = vector.shape_cast %swap3A_146 : vector<16xf32> to vector<16xf32>
    %swap3A_148 = vector.shape_cast %broadcast_in_dim3A_144 : vector<16xf32> to vector<16xf32>
    tpu.vector_store %arg6[%swap3A_145], %swap3A_148 {strides = array<i32>} : memref<640xf32, #tpu.memory_space<vmem>>, vector<16xf32>,
    %broadcast_in_dim3A_149 = arith.constant 0.000000e+00 : f32
    %broadcast_in_dim3A_150 = vector.broadcast %broadcast_in_dim3A_149 : f32 to vector<16xf32>
    %swap3A_151 = arith.constant 272 : index
    %swap3A_152 = tpu.vector_load %arg6[%swap3A_151] {strides = array<i32>} : memref<640xf32, #tpu.memory_space<vmem>>, vector<16xf32>,
    %swap3A_153 = vector.shape_cast %swap3A_152 : vector<16xf32> to vector<16xf32>
    %swap3A_154 = vector.shape_cast %broadcast_in_dim3A_150 : vector<16xf32> to vector<16xf32>
    tpu.vector_store %arg6[%swap3A_151], %swap3A_154 {strides = array<i32>} : memref<640xf32, #tpu.memory_space<vmem>>, vector<16xf32>,
    %broadcast_in_dim3A_155 = arith.constant 0.000000e+00 : f32
    %broadcast_in_dim3A_156 = vector.broadcast %broadcast_in_dim3A_155 : f32 to vector<16xf32>
    %swap3A_157 = arith.constant 288 : index
    %swap3A_158 = tpu.vector_load %arg6[%swap3A_157] {strides = array<i32>} : memref<640xf32, #tpu.memory_space<vmem>>, vector<16xf32>,
    %swap3A_159 = vector.shape_cast %swap3A_158 : vector<16xf32> to vector<16xf32>
    %swap3A_160 = vector.shape_cast %broadcast_in_dim3A_156 : vector<16xf32> to vector<16xf32>
    tpu.vector_store %arg6[%swap3A_157], %swap3A_160 {strides = array<i32>} : memref<640xf32, #tpu.memory_space<vmem>>, vector<16xf32>,
    %broadcast_in_dim3A_161 = arith.constant 0.000000e+00 : f32
    %broadcast_in_dim3A_162 = vector.broadcast %broadcast_in_dim3A_161 : f32 to vector<16xf32>
    %swap3A_163 = arith.constant 304 : index
    %swap3A_164 = tpu.vector_load %arg6[%swap3A_163] {strides = array<i32>} : memref<640xf32, #tpu.memory_space<vmem>>, vector<16xf32>,
    %swap3A_165 = vector.shape_cast %swap3A_164 : vector<16xf32> to vector<16xf32>
    %swap3A_166 = vector.shape_cast %broadcast_in_dim3A_162 : vector<16xf32> to vector<16xf32>
    tpu.vector_store %arg6[%swap3A_163], %swap3A_166 {strides = array<i32>} : memref<640xf32, #tpu.memory_space<vmem>>, vector<16xf32>,
    %broadcast_in_dim3A_167 = arith.constant 0.000000e+00 : f32
    %broadcast_in_dim3A_168 = vector.broadcast %broadcast_in_dim3A_167 : f32 to vector<16xf32>
    %swap3A_169 = arith.constant 320 : index
    %swap3A_170 = tpu.vector_load %arg6[%swap3A_169] {strides = array<i32>} : memref<640xf32, #tpu.memory_space<vmem>>, vector<16xf32>,
    %swap3A_171 = vector.shape_cast %swap3A_170 : vector<16xf32> to vector<16xf32>
    %swap3A_172 = vector.shape_cast %broadcast_in_dim3A_168 : vector<16xf32> to vector<16xf32>
    tpu.vector_store %arg6[%swap3A_169], %swap3A_172 {strides = array<i32>} : memref<640xf32, #tpu.memory_space<vmem>>, vector<16xf32>,
    %broadcast_in_dim3A_173 = arith.constant 0.000000e+00 : f32
    %broadcast_in_dim3A_174 = vector.broadcast %broadcast_in_dim3A_173 : f32 to vector<16xf32>
    %swap3A_175 = arith.constant 336 : index
    %swap3A_176 = tpu.vector_load %arg6[%swap3A_175] {strides = array<i32>} : memref<640xf32, #tpu.memory_space<vmem>>, vector<16xf32>,
    %swap3A_177 = vector.shape_cast %swap3A_176 : vector<16xf32> to vector<16xf32>
    %swap3A_178 = vector.shape_cast %broadcast_in_dim3A_174 : vector<16xf32> to vector<16xf32>
    tpu.vector_store %arg6[%swap3A_175], %swap3A_178 {strides = array<i32>} : memref<640xf32, #tpu.memory_space<vmem>>, vector<16xf32>,
    %broadcast_in_dim3A_179 = arith.constant 0.000000e+00 : f32
    %broadcast_in_dim3A_180 = vector.broadcast %broadcast_in_dim3A_179 : f32 to vector<16xf32>
    %swap3A_181 = arith.constant 352 : index
    %swap3A_182 = tpu.vector_load %arg6[%swap3A_181] {strides = array<i32>} : memref<640xf32, #tpu.memory_space<vmem>>, vector<16xf32>,
    %swap3A_183 = vector.shape_cast %swap3A_182 : vector<16xf32> to vector<16xf32>
    %swap3A_184 = vector.shape_cast %broadcast_in_dim3A_180 : vector<16xf32> to vector<16xf32>
    tpu.vector_store %arg6[%swap3A_181], %swap3A_184 {strides = array<i32>} : memref<640xf32, #tpu.memory_space<vmem>>, vector<16xf32>,
    %broadcast_in_dim3A_185 = arith.constant 0.000000e+00 : f32
    %broadcast_in_dim3A_186 = vector.broadcast %broadcast_in_dim3A_185 : f32 to vector<16xf32>
    %swap3A_187 = arith.constant 368 : index
    %swap3A_188 = tpu.vector_load %arg6[%swap3A_187] {strides = array<i32>} : memref<640xf32, #tpu.memory_space<vmem>>, vector<16xf32>,
    %swap3A_189 = vector.shape_cast %swap3A_188 : vector<16xf32> to vector<16xf32>
    %swap3A_190 = vector.shape_cast %broadcast_in_dim3A_186 : vector<16xf32> to vector<16xf32>
    tpu.vector_store %arg6[%swap3A_187], %swap3A_190 {strides = array<i32>} : memref<640xf32, #tpu.memory_space<vmem>>, vector<16xf32>,
    %broadcast_in_dim3A_191 = arith.constant 0.000000e+00 : f32
    %broadcast_in_dim3A_192 = vector.broadcast %broadcast_in_dim3A_191 : f32 to vector<16xf32>
    %swap3A_193 = arith.constant 384 : index
    %swap3A_194 = tpu.vector_load %arg6[%swap3A_193] {strides = array<i32>} : memref<640xf32, #tpu.memory_space<vmem>>, vector<16xf32>,
    %swap3A_195 = vector.shape_cast %swap3A_194 : vector<16xf32> to vector<16xf32>
    %swap3A_196 = vector.shape_cast %broadcast_in_dim3A_192 : vector<16xf32> to vector<16xf32>
    tpu.vector_store %arg6[%swap3A_193], %swap3A_196 {strides = array<i32>} : memref<640xf32, #tpu.memory_space<vmem>>, vector<16xf32>,
    %broadcast_in_dim3A_197 = arith.constant 0.000000e+00 : f32
    %broadcast_in_dim3A_198 = vector.broadcast %broadcast_in_dim3A_197 : f32 to vector<16xf32>
    %swap3A_199 = arith.constant 400 : index
    %swap3A_200 = tpu.vector_load %arg6[%swap3A_199] {strides = array<i32>} : memref<640xf32, #tpu.memory_space<vmem>>, vector<16xf32>,
    %swap3A_201 = vector.shape_cast %swap3A_200 : vector<16xf32> to vector<16xf32>
    %swap3A_202 = vector.shape_cast %broadcast_in_dim3A_198 : vector<16xf32> to vector<16xf32>
    tpu.vector_store %arg6[%swap3A_199], %swap3A_202 {strides = array<i32>} : memref<640xf32, #tpu.memory_space<vmem>>, vector<16xf32>,
    %broadcast_in_dim3A_203 = arith.constant 0.000000e+00 : f32
    %broadcast_in_dim3A_204 = vector.broadcast %broadcast_in_dim3A_203 : f32 to vector<16xf32>
    %swap3A_205 = arith.constant 416 : index
    %swap3A_206 = tpu.vector_load %arg6[%swap3A_205] {strides = array<i32>} : memref<640xf32, #tpu.memory_space<vmem>>, vector<16xf32>,
    %swap3A_207 = vector.shape_cast %swap3A_206 : vector<16xf32> to vector<16xf32>
    %swap3A_208 = vector.shape_cast %broadcast_in_dim3A_204 : vector<16xf32> to vector<16xf32>
    tpu.vector_store %arg6[%swap3A_205], %swap3A_208 {strides = array<i32>} : memref<640xf32, #tpu.memory_space<vmem>>, vector<16xf32>,
    %broadcast_in_dim3A_209 = arith.constant 0.000000e+00 : f32
    %broadcast_in_dim3A_210 = vector.broadcast %broadcast_in_dim3A_209 : f32 to vector<16xf32>
    %swap3A_211 = arith.constant 432 : index
    %swap3A_212 = tpu.vector_load %arg6[%swap3A_211] {strides = array<i32>} : memref<640xf32, #tpu.memory_space<vmem>>, vector<16xf32>,
    %swap3A_213 = vector.shape_cast %swap3A_212 : vector<16xf32> to vector<16xf32>
    %swap3A_214 = vector.shape_cast %broadcast_in_dim3A_210 : vector<16xf32> to vector<16xf32>
    tpu.vector_store %arg6[%swap3A_211], %swap3A_214 {strides = array<i32>} : memref<640xf32, #tpu.memory_space<vmem>>, vector<16xf32>,
    %broadcast_in_dim3A_215 = arith.constant 0.000000e+00 : f32
    %broadcast_in_dim3A_216 = vector.broadcast %broadcast_in_dim3A_215 : f32 to vector<16xf32>
    %swap3A_217 = arith.constant 448 : index
    %swap3A_218 = tpu.vector_load %arg6[%swap3A_217] {strides = array<i32>} : memref<640xf32, #tpu.memory_space<vmem>>, vector<16xf32>,
    %swap3A_219 = vector.shape_cast %swap3A_218 : vector<16xf32> to vector<16xf32>
    %swap3A_220 = vector.shape_cast %broadcast_in_dim3A_216 : vector<16xf32> to vector<16xf32>
    tpu.vector_store %arg6[%swap3A_217], %swap3A_220 {strides = array<i32>} : memref<640xf32, #tpu.memory_space<vmem>>, vector<16xf32>,
    %broadcast_in_dim3A_221 = arith.constant 0.000000e+00 : f32
    %broadcast_in_dim3A_222 = vector.broadcast %broadcast_in_dim3A_221 : f32 to vector<16xf32>
    %swap3A_223 = arith.constant 464 : index
    %swap3A_224 = tpu.vector_load %arg6[%swap3A_223] {strides = array<i32>} : memref<640xf32, #tpu.memory_space<vmem>>, vector<16xf32>,
    %swap3A_225 = vector.shape_cast %swap3A_224 : vector<16xf32> to vector<16xf32>
    %swap3A_226 = vector.shape_cast %broadcast_in_dim3A_222 : vector<16xf32> to vector<16xf32>
    tpu.vector_store %arg6[%swap3A_223], %swap3A_226 {strides = array<i32>} : memref<640xf32, #tpu.memory_space<vmem>>, vector<16xf32>,
    %broadcast_in_dim3A_227 = arith.constant 0.000000e+00 : f32
    %broadcast_in_dim3A_228 = vector.broadcast %broadcast_in_dim3A_227 : f32 to vector<16xf32>
    %swap3A_229 = arith.constant 480 : index
    %swap3A_230 = tpu.vector_load %arg6[%swap3A_229] {strides = array<i32>} : memref<640xf32, #tpu.memory_space<vmem>>, vector<16xf32>,
    %swap3A_231 = vector.shape_cast %swap3A_230 : vector<16xf32> to vector<16xf32>
    %swap3A_232 = vector.shape_cast %broadcast_in_dim3A_228 : vector<16xf32> to vector<16xf32>
    tpu.vector_store %arg6[%swap3A_229], %swap3A_232 {strides = array<i32>} : memref<640xf32, #tpu.memory_space<vmem>>, vector<16xf32>,
    %broadcast_in_dim3A_233 = arith.constant 0.000000e+00 : f32
    %broadcast_in_dim3A_234 = vector.broadcast %broadcast_in_dim3A_233 : f32 to vector<16xf32>
    %swap3A_235 = arith.constant 496 : index
    %swap3A_236 = tpu.vector_load %arg6[%swap3A_235] {strides = array<i32>} : memref<640xf32, #tpu.memory_space<vmem>>, vector<16xf32>,
    %swap3A_237 = vector.shape_cast %swap3A_236 : vector<16xf32> to vector<16xf32>
    %swap3A_238 = vector.shape_cast %broadcast_in_dim3A_234 : vector<16xf32> to vector<16xf32>
    tpu.vector_store %arg6[%swap3A_235], %swap3A_238 {strides = array<i32>} : memref<640xf32, #tpu.memory_space<vmem>>, vector<16xf32>,
    %broadcast_in_dim3A_239 = arith.constant 0.000000e+00 : f32
    %broadcast_in_dim3A_240 = vector.broadcast %broadcast_in_dim3A_239 : f32 to vector<16xf32>
    %swap3A_241 = arith.constant 512 : index
    %swap3A_242 = tpu.vector_load %arg6[%swap3A_241] {strides = array<i32>} : memref<640xf32, #tpu.memory_space<vmem>>, vector<16xf32>,
    %swap3A_243 = vector.shape_cast %swap3A_242 : vector<16xf32> to vector<16xf32>
    %swap3A_244 = vector.shape_cast %broadcast_in_dim3A_240 : vector<16xf32> to vector<16xf32>
    tpu.vector_store %arg6[%swap3A_241], %swap3A_244 {strides = array<i32>} : memref<640xf32, #tpu.memory_space<vmem>>, vector<16xf32>,
    %broadcast_in_dim3A_245 = arith.constant 0.000000e+00 : f32
    %broadcast_in_dim3A_246 = vector.broadcast %broadcast_in_dim3A_245 : f32 to vector<16xf32>
    %swap3A_247 = arith.constant 528 : index
    %swap3A_248 = tpu.vector_load %arg6[%swap3A_247] {strides = array<i32>} : memref<640xf32, #tpu.memory_space<vmem>>, vector<16xf32>,
    %swap3A_249 = vector.shape_cast %swap3A_248 : vector<16xf32> to vector<16xf32>
    %swap3A_250 = vector.shape_cast %broadcast_in_dim3A_246 : vector<16xf32> to vector<16xf32>
    tpu.vector_store %arg6[%swap3A_247], %swap3A_250 {strides = array<i32>} : memref<640xf32, #tpu.memory_space<vmem>>, vector<16xf32>,
    %broadcast_in_dim3A_251 = arith.constant 0.000000e+00 : f32
    %broadcast_in_dim3A_252 = vector.broadcast %broadcast_in_dim3A_251 : f32 to vector<16xf32>
    %swap3A_253 = arith.constant 544 : index
    %swap3A_254 = tpu.vector_load %arg6[%swap3A_253] {strides = array<i32>} : memref<640xf32, #tpu.memory_space<vmem>>, vector<16xf32>,
    %swap3A_255 = vector.shape_cast %swap3A_254 : vector<16xf32> to vector<16xf32>
    %swap3A_256 = vector.shape_cast %broadcast_in_dim3A_252 : vector<16xf32> to vector<16xf32>
    tpu.vector_store %arg6[%swap3A_253], %swap3A_256 {strides = array<i32>} : memref<640xf32, #tpu.memory_space<vmem>>, vector<16xf32>,
    %broadcast_in_dim3A_257 = arith.constant 0.000000e+00 : f32
    %broadcast_in_dim3A_258 = vector.broadcast %broadcast_in_dim3A_257 : f32 to vector<16xf32>
    %swap3A_259 = arith.constant 560 : index
    %swap3A_260 = tpu.vector_load %arg6[%swap3A_259] {strides = array<i32>} : memref<640xf32, #tpu.memory_space<vmem>>, vector<16xf32>,
    %swap3A_261 = vector.shape_cast %swap3A_260 : vector<16xf32> to vector<16xf32>
    %swap3A_262 = vector.shape_cast %broadcast_in_dim3A_258 : vector<16xf32> to vector<16xf32>
    tpu.vector_store %arg6[%swap3A_259], %swap3A_262 {strides = array<i32>} : memref<640xf32, #tpu.memory_space<vmem>>, vector<16xf32>,
    %broadcast_in_dim3A_263 = arith.constant 0.000000e+00 : f32
    %broadcast_in_dim3A_264 = vector.broadcast %broadcast_in_dim3A_263 : f32 to vector<16xf32>
    %swap3A_265 = arith.constant 576 : index
    %swap3A_266 = tpu.vector_load %arg6[%swap3A_265] {strides = array<i32>} : memref<640xf32, #tpu.memory_space<vmem>>, vector<16xf32>,
    %swap3A_267 = vector.shape_cast %swap3A_266 : vector<16xf32> to vector<16xf32>
    %swap3A_268 = vector.shape_cast %broadcast_in_dim3A_264 : vector<16xf32> to vector<16xf32>
    tpu.vector_store %arg6[%swap3A_265], %swap3A_268 {strides = array<i32>} : memref<640xf32, #tpu.memory_space<vmem>>, vector<16xf32>,
    %broadcast_in_dim3A_269 = arith.constant 0.000000e+00 : f32
    %broadcast_in_dim3A_270 = vector.broadcast %broadcast_in_dim3A_269 : f32 to vector<16xf32>
    %swap3A_271 = arith.constant 592 : index
    %swap3A_272 = tpu.vector_load %arg6[%swap3A_271] {strides = array<i32>} : memref<640xf32, #tpu.memory_space<vmem>>, vector<16xf32>,
    %swap3A_273 = vector.shape_cast %swap3A_272 : vector<16xf32> to vector<16xf32>
    %swap3A_274 = vector.shape_cast %broadcast_in_dim3A_270 : vector<16xf32> to vector<16xf32>
    tpu.vector_store %arg6[%swap3A_271], %swap3A_274 {strides = array<i32>} : memref<640xf32, #tpu.memory_space<vmem>>, vector<16xf32>,
    %broadcast_in_dim3A_275 = arith.constant 0.000000e+00 : f32
    %broadcast_in_dim3A_276 = vector.broadcast %broadcast_in_dim3A_275 : f32 to vector<16xf32>
    %swap3A_277 = arith.constant 608 : index
    %swap3A_278 = tpu.vector_load %arg6[%swap3A_277] {strides = array<i32>} : memref<640xf32, #tpu.memory_space<vmem>>, vector<16xf32>,
    %swap3A_279 = vector.shape_cast %swap3A_278 : vector<16xf32> to vector<16xf32>
    %swap3A_280 = vector.shape_cast %broadcast_in_dim3A_276 : vector<16xf32> to vector<16xf32>
    tpu.vector_store %arg6[%swap3A_277], %swap3A_280 {strides = array<i32>} : memref<640xf32, #tpu.memory_space<vmem>>, vector<16xf32>,
    %broadcast_in_dim3A_281 = arith.constant 0.000000e+00 : f32
    %broadcast_in_dim3A_282 = vector.broadcast %broadcast_in_dim3A_281 : f32 to vector<16xf32>
    %swap3A_283 = arith.constant 624 : index
    %swap3A_284 = tpu.vector_load %arg6[%swap3A_283] {strides = array<i32>} : memref<640xf32, #tpu.memory_space<vmem>>, vector<16xf32>,
    %swap3A_285 = vector.shape_cast %swap3A_284 : vector<16xf32> to vector<16xf32>
    %swap3A_286 = vector.shape_cast %broadcast_in_dim3A_282 : vector<16xf32> to vector<16xf32>
    tpu.vector_store %arg6[%swap3A_283], %swap3A_286 {strides = array<i32>} : memref<640xf32, #tpu.memory_space<vmem>>, vector<16xf32>,
    %mul3A_287 = arith.constant 640 : i32
    %mul3A_288 = arith.muli %arg1, %mul3A_287 : i32
    "tpu.region"() ({
      %run_scoped3A = tpu.sem_alloc : memref<!tpu.dma_semaphore, #tpu.memory_space<semaphore_mem>>
      %dma_start3A_354 = tpu.memref_slice %arg7[%mul3A_288] : memref<10240xf32, #tpu.memory_space<vmem_shared>> -> memref<640xf32, #tpu.memory_space<vmem_shared>>
      %dma_start3A_355 = tpu.memref_slice %arg7[%mul3A_288] : memref<10240xf32, #tpu.memory_space<vmem_shared>> -> memref<640xf32, #tpu.memory_space<vmem_shared>>
      tpu.enqueue_dma source(%arg6 : memref<640xf32, #tpu.memory_space<vmem>>) target(%dma_start3A_355 : memref<640xf32, #tpu.memory_space<vmem_shared>>) target_semaphore(%run_scoped3A : memref<!tpu.dma_semaphore, #tpu.memory_space<semaphore_mem>>)
      %dma_wait3A = tpu.memref_slice %arg7[%mul3A_288] : memref<10240xf32, #tpu.memory_space<vmem_shared>> -> memref<640xf32, #tpu.memory_space<vmem_shared>>
      %dma_wait3A_356 = tpu.memref_slice %arg7[%mul3A_288] : memref<10240xf32, #tpu.memory_space<vmem_shared>> -> memref<640xf32, #tpu.memory_space<vmem_shared>>
      tpu.wait_dma2 semaphore(%run_scoped3A : memref<!tpu.dma_semaphore, #tpu.memory_space<semaphore_mem>>) src(%arg6 : memref<640xf32, #tpu.memory_space<vmem>>) dst(%dma_wait3A_356 : memref<640xf32, #tpu.memory_space<vmem_shared>>)
      tpu.yield
    }) : () -> ()
    %barrier3A = arith.constant 0 : index
    tpu.barrier barrier_id(%barrier3A)
    %mul3A_289 = arith.constant 80 : i32
    %mul3A_290 = arith.muli %add3A, %mul3A_289 : i32
    "tpu.region"() ({
      %run_scoped3A = tpu.sem_alloc : memref<!tpu.dma_semaphore, #tpu.memory_space<semaphore_mem>>
      %dma_start3A_354 = arith.constant 0 : i32
      %dma_start3A_355 = tpu.memref_slice %arg2[%mul3A_290, %dma_start3A_354] : memref<2560x128xi32, #tpu.memory_space<hbm>> -> memref<80x128xi32, #tpu.memory_space<hbm>>
      %dma_start3A_356 = arith.constant 0 : i32
      %dma_start3A_357 = tpu.memref_slice %arg2[%mul3A_290, %dma_start3A_356] : memref<2560x128xi32, #tpu.memory_space<hbm>> -> memref<80x128xi32, #tpu.memory_space<hbm>>
      tpu.enqueue_dma source(%dma_start3A_357 : memref<80x128xi32, #tpu.memory_space<hbm>>) target(%arg4 : memref<80x128xi32, #tpu.memory_space<vmem>>) target_semaphore(%run_scoped3A : memref<!tpu.dma_semaphore, #tpu.memory_space<semaphore_mem>>)
      %dma_wait3A = arith.constant 0 : i32
      %dma_wait3A_358 = tpu.memref_slice %arg2[%mul3A_290, %dma_wait3A] : memref<2560x128xi32, #tpu.memory_space<hbm>> -> memref<80x128xi32, #tpu.memory_space<hbm>>
      %dma_wait3A_359 = arith.constant 0 : i32
      %dma_wait3A_360 = tpu.memref_slice %arg2[%mul3A_290, %dma_wait3A_359] : memref<2560x128xi32, #tpu.memory_space<hbm>> -> memref<80x128xi32, #tpu.memory_space<hbm>>
      tpu.wait_dma2 semaphore(%run_scoped3A : memref<!tpu.dma_semaphore, #tpu.memory_space<semaphore_mem>>) src(%dma_wait3A_360 : memref<80x128xi32, #tpu.memory_space<hbm>>) dst(%arg4 : memref<80x128xi32, #tpu.memory_space<vmem>>)
      tpu.yield
    }) : () -> ()
    %dma_start3A = arith.constant 0 : i32
    %dma_start3A_291 = arith.constant 0 : i32
    %dma_start3A_292 = tpu.memref_slice %arg4[%dma_start3A, %dma_start3A_291] : memref<80x128xi32, #tpu.memory_space<vmem>> -> memref<1x128xi32, #tpu.memory_space<vmem>>
    %dma_start3A_293 = tpu.memref_squeeze %dma_start3A_292 : memref<1x128xi32, #tpu.memory_space<vmem>> -> memref<128xi32, #tpu.memory_space<vmem>>
    %dma_start3A_294 = arith.constant 0 : i32
    %dma_start3A_295 = tpu.memref_slice %arg7[%dma_start3A_294] : memref<10240xf32, #tpu.memory_space<vmem_shared>> -> memref<10240xf32, #tpu.memory_space<vmem_shared>>
    tpu.enqueue_indirect_dma source(%arg5 : memref<128xf32, #tpu.memory_space<vmem>>) target(%dma_start3A_295 : memref<10240xf32, #tpu.memory_space<vmem_shared>>) offsets(%dma_start3A_293 : memref<128xi32, #tpu.memory_space<vmem>>) semaphore(%arg8 : memref<!tpu.dma_semaphore, #tpu.memory_space<semaphore_mem>>) {add = true}
    %dma_start3A_296 = arith.constant 1 : i32
    %dma_start3A_297 = arith.constant 0 : i32
    %dma_start3A_298 = tpu.memref_slice %arg4[%dma_start3A_296, %dma_start3A_297] : memref<80x128xi32, #tpu.memory_space<vmem>> -> memref<1x128xi32, #tpu.memory_space<vmem>>
    %dma_start3A_299 = tpu.memref_squeeze %dma_start3A_298 : memref<1x128xi32, #tpu.memory_space<vmem>> -> memref<128xi32, #tpu.memory_space<vmem>>
    %dma_start3A_300 = arith.constant 0 : i32
    %dma_start3A_301 = tpu.memref_slice %arg7[%dma_start3A_300] : memref<10240xf32, #tpu.memory_space<vmem_shared>> -> memref<10240xf32, #tpu.memory_space<vmem_shared>>
    tpu.enqueue_indirect_dma source(%arg5 : memref<128xf32, #tpu.memory_space<vmem>>) target(%dma_start3A_301 : memref<10240xf32, #tpu.memory_space<vmem_shared>>) offsets(%dma_start3A_299 : memref<128xi32, #tpu.memory_space<vmem>>) semaphore(%arg8 : memref<!tpu.dma_semaphore, #tpu.memory_space<semaphore_mem>>) {add = true}
    %dma_start3A_302 = arith.constant 2 : i32
    %dma_start3A_303 = arith.constant 0 : i32
    %dma_start3A_304 = tpu.memref_slice %arg4[%dma_start3A_302, %dma_start3A_303] : memref<80x128xi32, #tpu.memory_space<vmem>> -> memref<1x128xi32, #tpu.memory_space<vmem>>
    %dma_start3A_305 = tpu.memref_squeeze %dma_start3A_304 : memref<1x128xi32, #tpu.memory_space<vmem>> -> memref<128xi32, #tpu.memory_space<vmem>>
    %dma_start3A_306 = arith.constant 0 : i32
    %dma_start3A_307 = tpu.memref_slice %arg7[%dma_start3A_306] : memref<10240xf32, #tpu.memory_space<vmem_shared>> -> memref<10240xf32, #tpu.memory_space<vmem_shared>>
    tpu.enqueue_indirect_dma source(%arg5 : memref<128xf32, #tpu.memory_space<vmem>>) target(%dma_start3A_307 : memref<10240xf32, #tpu.memory_space<vmem_shared>>) offsets(%dma_start3A_305 : memref<128xi32, #tpu.memory_space<vmem>>) semaphore(%arg8 : memref<!tpu.dma_semaphore, #tpu.memory_space<semaphore_mem>>) {add = true}
    %dma_start3A_308 = arith.constant 3 : i32
    %dma_start3A_309 = arith.constant 0 : i32
    %dma_start3A_310 = tpu.memref_slice %arg4[%dma_start3A_308, %dma_start3A_309] : memref<80x128xi32, #tpu.memory_space<vmem>> -> memref<1x128xi32, #tpu.memory_space<vmem>>
    %dma_start3A_311 = tpu.memref_squeeze %dma_start3A_310 : memref<1x128xi32, #tpu.memory_space<vmem>> -> memref<128xi32, #tpu.memory_space<vmem>>
    %dma_start3A_312 = arith.constant 0 : i32
    %dma_start3A_313 = tpu.memref_slice %arg7[%dma_start3A_312] : memref<10240xf32, #tpu.memory_space<vmem_shared>> -> memref<10240xf32, #tpu.memory_space<vmem_shared>>
    tpu.enqueue_indirect_dma source(%arg5 : memref<128xf32, #tpu.memory_space<vmem>>) target(%dma_start3A_313 : memref<10240xf32, #tpu.memory_space<vmem_shared>>) offsets(%dma_start3A_311 : memref<128xi32, #tpu.memory_space<vmem>>) semaphore(%arg8 : memref<!tpu.dma_semaphore, #tpu.memory_space<semaphore_mem>>) {add = true}
    %dma_start3A_314 = arith.constant 4 : i32
    %dma_start3A_315 = arith.constant 0 : i32
    %dma_start3A_316 = tpu.memref_slice %arg4[%dma_start3A_314, %dma_start3A_315] : memref<80x128xi32, #tpu.memory_space<vmem>> -> memref<1x128xi32, #tpu.memory_space<vmem>>
    %dma_start3A_317 = tpu.memref_squeeze %dma_start3A_316 : memref<1x128xi32, #tpu.memory_space<vmem>> -> memref<128xi32, #tpu.memory_space<vmem>>
    %dma_start3A_318 = arith.constant 0 : i32
    %dma_start3A_319 = tpu.memref_slice %arg7[%dma_start3A_318] : memref<10240xf32, #tpu.memory_space<vmem_shared>> -> memref<10240xf32, #tpu.memory_space<vmem_shared>>
    tpu.enqueue_indirect_dma source(%arg5 : memref<128xf32, #tpu.memory_space<vmem>>) target(%dma_start3A_319 : memref<10240xf32, #tpu.memory_space<vmem_shared>>) offsets(%dma_start3A_317 : memref<128xi32, #tpu.memory_space<vmem>>) semaphore(%arg8 : memref<!tpu.dma_semaphore, #tpu.memory_space<semaphore_mem>>) {add = true}
    %dma_start3A_320 = arith.constant 5 : i32
    %dma_start3A_321 = arith.constant 0 : i32
    %dma_start3A_322 = tpu.memref_slice %arg4[%dma_start3A_320, %dma_start3A_321] : memref<80x128xi32, #tpu.memory_space<vmem>> -> memref<1x128xi32, #tpu.memory_space<vmem>>
    %dma_start3A_323 = tpu.memref_squeeze %dma_start3A_322 : memref<1x128xi32, #tpu.memory_space<vmem>> -> memref<128xi32, #tpu.memory_space<vmem>>
    %dma_start3A_324 = arith.constant 0 : i32
    %dma_start3A_325 = tpu.memref_slice %arg7[%dma_start3A_324] : memref<10240xf32, #tpu.memory_space<vmem_shared>> -> memref<10240xf32, #tpu.memory_space<vmem_shared>>
    tpu.enqueue_indirect_dma source(%arg5 : memref<128xf32, #tpu.memory_space<vmem>>) target(%dma_start3A_325 : memref<10240xf32, #tpu.memory_space<vmem_shared>>) offsets(%dma_start3A_323 : memref<128xi32, #tpu.memory_space<vmem>>) semaphore(%arg8 : memref<!tpu.dma_semaphore, #tpu.memory_space<semaphore_mem>>) {add = true}
    %dma_start3A_326 = arith.constant 6 : i32
    %dma_start3A_327 = arith.constant 0 : i32
    %dma_start3A_328 = tpu.memref_slice %arg4[%dma_start3A_326, %dma_start3A_327] : memref<80x128xi32, #tpu.memory_space<vmem>> -> memref<1x128xi32, #tpu.memory_space<vmem>>
    %dma_start3A_329 = tpu.memref_squeeze %dma_start3A_328 : memref<1x128xi32, #tpu.memory_space<vmem>> -> memref<128xi32, #tpu.memory_space<vmem>>
    %dma_start3A_330 = arith.constant 0 : i32
    %dma_start3A_331 = tpu.memref_slice %arg7[%dma_start3A_330] : memref<10240xf32, #tpu.memory_space<vmem_shared>> -> memref<10240xf32, #tpu.memory_space<vmem_shared>>
    tpu.enqueue_indirect_dma source(%arg5 : memref<128xf32, #tpu.memory_space<vmem>>) target(%dma_start3A_331 : memref<10240xf32, #tpu.memory_space<vmem_shared>>) offsets(%dma_start3A_329 : memref<128xi32, #tpu.memory_space<vmem>>) semaphore(%arg8 : memref<!tpu.dma_semaphore, #tpu.memory_space<semaphore_mem>>) {add = true}
    %dma_start3A_332 = arith.constant 7 : i32
    %dma_start3A_333 = arith.constant 0 : i32
    %dma_start3A_334 = tpu.memref_slice %arg4[%dma_start3A_332, %dma_start3A_333] : memref<80x128xi32, #tpu.memory_space<vmem>> -> memref<1x128xi32, #tpu.memory_space<vmem>>
    %dma_start3A_335 = tpu.memref_squeeze %dma_start3A_334 : memref<1x128xi32, #tpu.memory_space<vmem>> -> memref<128xi32, #tpu.memory_space<vmem>>
    %dma_start3A_336 = arith.constant 0 : i32
    %dma_start3A_337 = tpu.memref_slice %arg7[%dma_start3A_336] : memref<10240xf32, #tpu.memory_space<vmem_shared>> -> memref<10240xf32, #tpu.memory_space<vmem_shared>>
    tpu.enqueue_indirect_dma source(%arg5 : memref<128xf32, #tpu.memory_space<vmem>>) target(%dma_start3A_337 : memref<10240xf32, #tpu.memory_space<vmem_shared>>) offsets(%dma_start3A_335 : memref<128xi32, #tpu.memory_space<vmem>>) semaphore(%arg8 : memref<!tpu.dma_semaphore, #tpu.memory_space<semaphore_mem>>) {add = true}
    %scan3A = arith.constant 0 : i32
    %scan3A_338 = arith.constant 8 : i32
    %scan3A_339 = arith.constant 72 : i32
    %scan3A_340 = arith.addi %scan3A_338, %scan3A_339 : i32
    %scan3A_341 = arith.constant 1 : i32
    scf.for %scan3A_354 = %scan3A_338 to %scan3A_340 step %scan3A_341  : i32 {
      %sub3A = arith.constant 8 : i32
      %sub3A_355 = arith.subi %scan3A_354, %sub3A : i32
      %dma_wait3A = arith.constant 0 : i32
      %dma_wait3A_356 = tpu.memref_slice %arg4[%sub3A_355, %dma_wait3A] : memref<80x128xi32, #tpu.memory_space<vmem>> -> memref<1x128xi32, #tpu.memory_space<vmem>>
      %dma_wait3A_357 = tpu.memref_squeeze %dma_wait3A_356 : memref<1x128xi32, #tpu.memory_space<vmem>> -> memref<128xi32, #tpu.memory_space<vmem>>
      %dma_wait3A_358 = arith.constant 0 : i32
      %dma_wait3A_359 = tpu.memref_slice %arg7[%dma_wait3A_358] : memref<10240xf32, #tpu.memory_space<vmem_shared>> -> memref<10240xf32, #tpu.memory_space<vmem_shared>>
      tpu.wait_indirect_dma semaphore(%arg8 : memref<!tpu.dma_semaphore, #tpu.memory_space<semaphore_mem>>) src(%arg5 : memref<128xf32, #tpu.memory_space<vmem>>) dst(%dma_wait3A_359 : memref<10240xf32, #tpu.memory_space<vmem_shared>>)
      %dma_start3A_360 = arith.constant 0 : i32
      %dma_start3A_361 = tpu.memref_slice %arg4[%scan3A_354, %dma_start3A_360] : memref<80x128xi32, #tpu.memory_space<vmem>> -> memref<1x128xi32, #tpu.memory_space<vmem>>
      %dma_start3A_362 = tpu.memref_squeeze %dma_start3A_361 : memref<1x128xi32, #tpu.memory_space<vmem>> -> memref<128xi32, #tpu.memory_space<vmem>>
      %dma_start3A_363 = arith.constant 0 : i32
      %dma_start3A_364 = tpu.memref_slice %arg7[%dma_start3A_363] : memref<10240xf32, #tpu.memory_space<vmem_shared>> -> memref<10240xf32, #tpu.memory_space<vmem_shared>>
      tpu.enqueue_indirect_dma source(%arg5 : memref<128xf32, #tpu.memory_space<vmem>>) target(%dma_start3A_364 : memref<10240xf32, #tpu.memory_space<vmem_shared>>) offsets(%dma_start3A_362 : memref<128xi32, #tpu.memory_space<vmem>>) semaphore(%arg8 : memref<!tpu.dma_semaphore, #tpu.memory_space<semaphore_mem>>) {add = true}
    }
    %scan3A_342 = arith.constant 72 : i32
    %scan3A_343 = arith.constant 0 : i32
    %scan3A_344 = arith.constant 0 : i32
    %scan3A_345 = arith.constant 8 : i32
    %scan3A_346 = arith.addi %scan3A_344, %scan3A_345 : i32
    %scan3A_347 = arith.constant 1 : i32
    scf.for %scan3A_354 = %scan3A_344 to %scan3A_346 step %scan3A_347  : i32 {
      %dma_wait3A = arith.constant 0 : i32
      %dma_wait3A_355 = tpu.memref_slice %arg4[%scan3A_354, %dma_wait3A] : memref<80x128xi32, #tpu.memory_space<vmem>> -> memref<1x128xi32, #tpu.memory_space<vmem>>
      %dma_wait3A_356 = tpu.memref_squeeze %dma_wait3A_355 : memref<1x128xi32, #tpu.memory_space<vmem>> -> memref<128xi32, #tpu.memory_space<vmem>>
      %dma_wait3A_357 = arith.constant 0 : i32
      %dma_wait3A_358 = tpu.memref_slice %arg7[%dma_wait3A_357] : memref<10240xf32, #tpu.memory_space<vmem_shared>> -> memref<10240xf32, #tpu.memory_space<vmem_shared>>
      tpu.wait_indirect_dma semaphore(%arg8 : memref<!tpu.dma_semaphore, #tpu.memory_space<semaphore_mem>>) src(%arg5 : memref<128xf32, #tpu.memory_space<vmem>>) dst(%dma_wait3A_358 : memref<10240xf32, #tpu.memory_space<vmem_shared>>)
    }
    %scan3A_348 = arith.constant 8 : i32
    %barrier3A_349 = arith.constant 0 : index
    tpu.barrier barrier_id(%barrier3A_349)
    %mul3A_350 = arith.constant 640 : i32
    %mul3A_351 = arith.muli %arg1, %mul3A_350 : i32
    "tpu.region"() ({
      %run_scoped3A = tpu.sem_alloc : memref<!tpu.dma_semaphore, #tpu.memory_space<semaphore_mem>>
      %dma_start3A_354 = tpu.memref_slice %arg7[%mul3A_351] : memref<10240xf32, #tpu.memory_space<vmem_shared>> -> memref<640xf32, #tpu.memory_space<vmem_shared>>
      %dma_start3A_355 = tpu.memref_slice %arg7[%mul3A_351] : memref<10240xf32, #tpu.memory_space<vmem_shared>> -> memref<640xf32, #tpu.memory_space<vmem_shared>>
      tpu.enqueue_dma source(%dma_start3A_355 : memref<640xf32, #tpu.memory_space<vmem_shared>>) target(%arg6 : memref<640xf32, #tpu.memory_space<vmem>>) target_semaphore(%run_scoped3A : memref<!tpu.dma_semaphore, #tpu.memory_space<semaphore_mem>>)
      %dma_wait3A = tpu.memref_slice %arg7[%mul3A_351] : memref<10240xf32, #tpu.memory_space<vmem_shared>> -> memref<640xf32, #tpu.memory_space<vmem_shared>>
      %dma_wait3A_356 = tpu.memref_slice %arg7[%mul3A_351] : memref<10240xf32, #tpu.memory_space<vmem_shared>> -> memref<640xf32, #tpu.memory_space<vmem_shared>>
      tpu.wait_dma2 semaphore(%run_scoped3A : memref<!tpu.dma_semaphore, #tpu.memory_space<semaphore_mem>>) src(%dma_wait3A_356 : memref<640xf32, #tpu.memory_space<vmem_shared>>) dst(%arg6 : memref<640xf32, #tpu.memory_space<vmem>>)
      tpu.yield
    }) : () -> ()
    %mul3A_352 = arith.constant 640 : i32
    %mul3A_353 = arith.muli %arg1, %mul3A_352 : i32
    "tpu.region"() ({
      %run_scoped3A = tpu.sem_alloc : memref<!tpu.dma_semaphore, #tpu.memory_space<semaphore_mem>>
      %dma_start3A_354 = tpu.memref_slice %arg3[%arg0, %mul3A_353] : memref<2x10240xf32, #tpu.memory_space<hbm>> -> memref<1x640xf32, #tpu.memory_space<hbm>>
      %dma_start3A_355 = tpu.memref_squeeze %dma_start3A_354 : memref<1x640xf32, #tpu.memory_space<hbm>> -> memref<640xf32, #tpu.memory_space<hbm>>
      %dma_start3A_356 = tpu.memref_slice %arg3[%arg0, %mul3A_353] : memref<2x10240xf32, #tpu.memory_space<hbm>> -> memref<1x640xf32, #tpu.memory_space<hbm>>
      %dma_start3A_357 = tpu.memref_squeeze %dma_start3A_356 : memref<1x640xf32, #tpu.memory_space<hbm>> -> memref<640xf32, #tpu.memory_space<hbm>>
      tpu.enqueue_dma source(%arg6 : memref<640xf32, #tpu.memory_space<vmem>>) target(%dma_start3A_357 : memref<640xf32, #tpu.memory_space<hbm>>) target_semaphore(%run_scoped3A : memref<!tpu.dma_semaphore, #tpu.memory_space<semaphore_mem>>)
      %dma_wait3A = tpu.memref_slice %arg3[%arg0, %mul3A_353] : memref<2x10240xf32, #tpu.memory_space<hbm>> -> memref<1x640xf32, #tpu.memory_space<hbm>>
      %dma_wait3A_358 = tpu.memref_squeeze %dma_wait3A : memref<1x640xf32, #tpu.memory_space<hbm>> -> memref<640xf32, #tpu.memory_space<hbm>>
      %dma_wait3A_359 = tpu.memref_slice %arg3[%arg0, %mul3A_353] : memref<2x10240xf32, #tpu.memory_space<hbm>> -> memref<1x640xf32, #tpu.memory_space<hbm>>
      %dma_wait3A_360 = tpu.memref_squeeze %dma_wait3A_359 : memref<1x640xf32, #tpu.memory_space<hbm>> -> memref<640xf32, #tpu.memory_space<hbm>>
      tpu.wait_dma2 semaphore(%run_scoped3A : memref<!tpu.dma_semaphore, #tpu.memory_space<semaphore_mem>>) src(%arg6 : memref<640xf32, #tpu.memory_space<vmem>>) dst(%dma_wait3A_360 : memref<640xf32, #tpu.memory_space<hbm>>)
      tpu.yield
    }) : () -> ()
    return
  }
}

#map = affine_map<(d0, d1) -> (0, 0)>
#map1 = affine_map<(d0, d1) -> (0, 0, 0)>
module attributes {stable_mosaic.version = 14 : i64} {
  func.func @gs_kernel(%arg0: i32, %arg1: i32, %arg2: memref<10000x128xf32, #tpu.memory_space<hbm>>, %arg3: memref<2560x128xi32, #tpu.memory_space<hbm>>, %arg4: memref<2560x128xi32, #tpu.memory_space<hbm>>, %arg5: memref<2x10240x128xf32, #tpu.memory_space<hbm>>, %arg6: memref<40x128xi32, #tpu.memory_space<vmem>>, %arg7: memref<40x128xi32, #tpu.memory_space<vmem>>, %arg8: memref<4x64x128xf32, #tpu.memory_space<vmem>>, %arg9: memref<10240x128xf32, #tpu.memory_space<vmem_shared>>, %arg10: memref<!tpu.dma_semaphore, #tpu.memory_space<semaphore_mem>>, %arg11: memref<!tpu.dma_semaphore, #tpu.memory_space<semaphore_mem>>, %arg12: memref<!tpu.dma_semaphore, #tpu.memory_space<semaphore_mem>>, %arg13: memref<!tpu.dma_semaphore, #tpu.memory_space<semaphore_mem>>, %arg14: memref<!tpu.dma_semaphore, #tpu.memory_space<semaphore_mem>>, %arg15: memref<!tpu.dma_semaphore, #tpu.memory_space<semaphore_mem>>, %arg16: memref<!tpu.dma_semaphore, #tpu.memory_space<semaphore_mem>>, %arg17: memref<!tpu.dma_semaphore, #tpu.memory_space<semaphore_mem>>) attributes {dimension_semantics = [#tpu.dimension_semantics<core_parallel>, #tpu.dimension_semantics<subcore_parallel>], iteration_bounds = array<i64: 2, 16>, scalar_prefetch = 0 : i64, scratch_operands = 12 : i64, tpu.core_type = #tpu.core_type<sc_vector_subcore>, window_params = [{transform_indices = #map}, {transform_indices = #map}, {transform_indices = #map}, {transform_indices = #map1}]} {
    %mul3A = arith.constant 16 : i32
    %mul3A_0 = arith.muli %arg0, %mul3A : i32
    %add3A = arith.addi %mul3A_0, %arg1 : i32
    %scan3A = arith.constant 0 : i32
    %scan3A_1 = arith.constant 0 : i32
    %scan3A_2 = arith.constant 64 : i32
    %scan3A_3 = arith.addi %scan3A_1, %scan3A_2 : i32
    %scan3A_4 = arith.constant 1 : i32
    scf.for %scan3A_856 = %scan3A_1 to %scan3A_3 step %scan3A_4  : i32 {
      %broadcast_in_dim3A = arith.constant 0.000000e+00 : f32
      %broadcast_in_dim3A_857 = vector.broadcast %broadcast_in_dim3A : f32 to vector<16xf32>
      %swap3A = arith.constant 0 : i32
      %swap3A_858 = arith.index_cast %swap3A : i32 to index
      %swap3A_859 = arith.index_cast %scan3A_856 : i32 to index
      %swap3A_860 = arith.constant 0 : index
      %swap3A_861 = tpu.vector_load %arg8[%swap3A_858, %swap3A_859, %swap3A_860] {strides = array<i32>} : memref<4x64x128xf32, #tpu.memory_space<vmem>>, vector<1x1x16xf32>,
      %swap3A_862 = vector.shape_cast %swap3A_861 : vector<1x1x16xf32> to vector<16xf32>
      %swap3A_863 = vector.shape_cast %broadcast_in_dim3A_857 : vector<16xf32> to vector<1x1x16xf32>
      tpu.vector_store %arg8[%swap3A_858, %swap3A_859, %swap3A_860], %swap3A_863 {strides = array<i32>} : memref<4x64x128xf32, #tpu.memory_space<vmem>>, vector<1x1x16xf32>,
      %broadcast_in_dim3A_864 = arith.constant 0.000000e+00 : f32
      %broadcast_in_dim3A_865 = vector.broadcast %broadcast_in_dim3A_864 : f32 to vector<16xf32>
      %swap3A_866 = arith.constant 0 : i32
      %swap3A_867 = arith.index_cast %swap3A_866 : i32 to index
      %swap3A_868 = arith.index_cast %scan3A_856 : i32 to index
      %swap3A_869 = arith.constant 16 : index
      %swap3A_870 = tpu.vector_load %arg8[%swap3A_867, %swap3A_868, %swap3A_869] {strides = array<i32>} : memref<4x64x128xf32, #tpu.memory_space<vmem>>, vector<1x1x16xf32>,
      %swap3A_871 = vector.shape_cast %swap3A_870 : vector<1x1x16xf32> to vector<16xf32>
      %swap3A_872 = vector.shape_cast %broadcast_in_dim3A_865 : vector<16xf32> to vector<1x1x16xf32>
      tpu.vector_store %arg8[%swap3A_867, %swap3A_868, %swap3A_869], %swap3A_872 {strides = array<i32>} : memref<4x64x128xf32, #tpu.memory_space<vmem>>, vector<1x1x16xf32>,
      %broadcast_in_dim3A_873 = arith.constant 0.000000e+00 : f32
      %broadcast_in_dim3A_874 = vector.broadcast %broadcast_in_dim3A_873 : f32 to vector<16xf32>
      %swap3A_875 = arith.constant 0 : i32
      %swap3A_876 = arith.index_cast %swap3A_875 : i32 to index
      %swap3A_877 = arith.index_cast %scan3A_856 : i32 to index
      %swap3A_878 = arith.constant 32 : index
      %swap3A_879 = tpu.vector_load %arg8[%swap3A_876, %swap3A_877, %swap3A_878] {strides = array<i32>} : memref<4x64x128xf32, #tpu.memory_space<vmem>>, vector<1x1x16xf32>,
      %swap3A_880 = vector.shape_cast %swap3A_879 : vector<1x1x16xf32> to vector<16xf32>
      %swap3A_881 = vector.shape_cast %broadcast_in_dim3A_874 : vector<16xf32> to vector<1x1x16xf32>
      tpu.vector_store %arg8[%swap3A_876, %swap3A_877, %swap3A_878], %swap3A_881 {strides = array<i32>} : memref<4x64x128xf32, #tpu.memory_space<vmem>>, vector<1x1x16xf32>,
      %broadcast_in_dim3A_882 = arith.constant 0.000000e+00 : f32
      %broadcast_in_dim3A_883 = vector.broadcast %broadcast_in_dim3A_882 : f32 to vector<16xf32>
      %swap3A_884 = arith.constant 0 : i32
      %swap3A_885 = arith.index_cast %swap3A_884 : i32 to index
      %swap3A_886 = arith.index_cast %scan3A_856 : i32 to index
      %swap3A_887 = arith.constant 48 : index
      %swap3A_888 = tpu.vector_load %arg8[%swap3A_885, %swap3A_886, %swap3A_887] {strides = array<i32>} : memref<4x64x128xf32, #tpu.memory_space<vmem>>, vector<1x1x16xf32>,
      %swap3A_889 = vector.shape_cast %swap3A_888 : vector<1x1x16xf32> to vector<16xf32>
      %swap3A_890 = vector.shape_cast %broadcast_in_dim3A_883 : vector<16xf32> to vector<1x1x16xf32>
      tpu.vector_store %arg8[%swap3A_885, %swap3A_886, %swap3A_887], %swap3A_890 {strides = array<i32>} : memref<4x64x128xf32, #tpu.memory_space<vmem>>, vector<1x1x16xf32>,
      %broadcast_in_dim3A_891 = arith.constant 0.000000e+00 : f32
      %broadcast_in_dim3A_892 = vector.broadcast %broadcast_in_dim3A_891 : f32 to vector<16xf32>
      %swap3A_893 = arith.constant 0 : i32
      %swap3A_894 = arith.index_cast %swap3A_893 : i32 to index
      %swap3A_895 = arith.index_cast %scan3A_856 : i32 to index
      %swap3A_896 = arith.constant 64 : index
      %swap3A_897 = tpu.vector_load %arg8[%swap3A_894, %swap3A_895, %swap3A_896] {strides = array<i32>} : memref<4x64x128xf32, #tpu.memory_space<vmem>>, vector<1x1x16xf32>,
      %swap3A_898 = vector.shape_cast %swap3A_897 : vector<1x1x16xf32> to vector<16xf32>
      %swap3A_899 = vector.shape_cast %broadcast_in_dim3A_892 : vector<16xf32> to vector<1x1x16xf32>
      tpu.vector_store %arg8[%swap3A_894, %swap3A_895, %swap3A_896], %swap3A_899 {strides = array<i32>} : memref<4x64x128xf32, #tpu.memory_space<vmem>>, vector<1x1x16xf32>,
      %broadcast_in_dim3A_900 = arith.constant 0.000000e+00 : f32
      %broadcast_in_dim3A_901 = vector.broadcast %broadcast_in_dim3A_900 : f32 to vector<16xf32>
      %swap3A_902 = arith.constant 0 : i32
      %swap3A_903 = arith.index_cast %swap3A_902 : i32 to index
      %swap3A_904 = arith.index_cast %scan3A_856 : i32 to index
      %swap3A_905 = arith.constant 80 : index
      %swap3A_906 = tpu.vector_load %arg8[%swap3A_903, %swap3A_904, %swap3A_905] {strides = array<i32>} : memref<4x64x128xf32, #tpu.memory_space<vmem>>, vector<1x1x16xf32>,
      %swap3A_907 = vector.shape_cast %swap3A_906 : vector<1x1x16xf32> to vector<16xf32>
      %swap3A_908 = vector.shape_cast %broadcast_in_dim3A_901 : vector<16xf32> to vector<1x1x16xf32>
      tpu.vector_store %arg8[%swap3A_903, %swap3A_904, %swap3A_905], %swap3A_908 {strides = array<i32>} : memref<4x64x128xf32, #tpu.memory_space<vmem>>, vector<1x1x16xf32>,
      %broadcast_in_dim3A_909 = arith.constant 0.000000e+00 : f32
      %broadcast_in_dim3A_910 = vector.broadcast %broadcast_in_dim3A_909 : f32 to vector<16xf32>
      %swap3A_911 = arith.constant 0 : i32
      %swap3A_912 = arith.index_cast %swap3A_911 : i32 to index
      %swap3A_913 = arith.index_cast %scan3A_856 : i32 to index
      %swap3A_914 = arith.constant 96 : index
      %swap3A_915 = tpu.vector_load %arg8[%swap3A_912, %swap3A_913, %swap3A_914] {strides = array<i32>} : memref<4x64x128xf32, #tpu.memory_space<vmem>>, vector<1x1x16xf32>,
      %swap3A_916 = vector.shape_cast %swap3A_915 : vector<1x1x16xf32> to vector<16xf32>
      %swap3A_917 = vector.shape_cast %broadcast_in_dim3A_910 : vector<16xf32> to vector<1x1x16xf32>
      tpu.vector_store %arg8[%swap3A_912, %swap3A_913, %swap3A_914], %swap3A_917 {strides = array<i32>} : memref<4x64x128xf32, #tpu.memory_space<vmem>>, vector<1x1x16xf32>,
      %broadcast_in_dim3A_918 = arith.constant 0.000000e+00 : f32
      %broadcast_in_dim3A_919 = vector.broadcast %broadcast_in_dim3A_918 : f32 to vector<16xf32>
      %swap3A_920 = arith.constant 0 : i32
      %swap3A_921 = arith.index_cast %swap3A_920 : i32 to index
      %swap3A_922 = arith.index_cast %scan3A_856 : i32 to index
      %swap3A_923 = arith.constant 112 : index
      %swap3A_924 = tpu.vector_load %arg8[%swap3A_921, %swap3A_922, %swap3A_923] {strides = array<i32>} : memref<4x64x128xf32, #tpu.memory_space<vmem>>, vector<1x1x16xf32>,
      %swap3A_925 = vector.shape_cast %swap3A_924 : vector<1x1x16xf32> to vector<16xf32>
      %swap3A_926 = vector.shape_cast %broadcast_in_dim3A_919 : vector<16xf32> to vector<1x1x16xf32>
      tpu.vector_store %arg8[%swap3A_921, %swap3A_922, %swap3A_923], %swap3A_926 {strides = array<i32>} : memref<4x64x128xf32, #tpu.memory_space<vmem>>, vector<1x1x16xf32>,
    }
    %scan3A_5 = arith.constant 64 : i32
    %mul3A_6 = arith.constant 640 : i32
    %mul3A_7 = arith.muli %arg1, %mul3A_6 : i32
    %add3A_8 = arith.constant 0 : i32
    %add3A_9 = arith.addi %mul3A_7, %add3A_8 : i32
    %run_scoped3A = arith.constant 0 : i32
    "tpu.region"() ({
      %run_scoped3A_856 = tpu.sem_alloc : memref<!tpu.dma_semaphore, #tpu.memory_space<semaphore_mem>>
      %dma_start3A_857 = arith.constant 0 : i32
      %dma_start3A_858 = arith.constant 0 : i32
      %dma_start3A_859 = tpu.memref_slice %arg8[%run_scoped3A, %dma_start3A_857, %dma_start3A_858] : memref<4x64x128xf32, #tpu.memory_space<vmem>> -> memref<1x64x128xf32, #tpu.memory_space<vmem>>
      %dma_start3A_860 = tpu.memref_squeeze %dma_start3A_859 : memref<1x64x128xf32, #tpu.memory_space<vmem>> -> memref<64x128xf32, #tpu.memory_space<vmem>>
      %dma_start3A_861 = arith.constant 0 : i32
      %dma_start3A_862 = tpu.memref_slice %arg9[%add3A_9, %dma_start3A_861] : memref<10240x128xf32, #tpu.memory_space<vmem_shared>> -> memref<64x128xf32, #tpu.memory_space<vmem_shared>>
      %dma_start3A_863 = arith.constant 0 : i32
      %dma_start3A_864 = tpu.memref_slice %arg9[%add3A_9, %dma_start3A_863] : memref<10240x128xf32, #tpu.memory_space<vmem_shared>> -> memref<64x128xf32, #tpu.memory_space<vmem_shared>>
      %dma_start3A_865 = arith.constant 0 : i32
      %dma_start3A_866 = arith.constant 0 : i32
      %dma_start3A_867 = tpu.memref_slice %arg8[%run_scoped3A, %dma_start3A_865, %dma_start3A_866] : memref<4x64x128xf32, #tpu.memory_space<vmem>> -> memref<1x64x128xf32, #tpu.memory_space<vmem>>
      %dma_start3A_868 = tpu.memref_squeeze %dma_start3A_867 : memref<1x64x128xf32, #tpu.memory_space<vmem>> -> memref<64x128xf32, #tpu.memory_space<vmem>>
      tpu.enqueue_dma source(%dma_start3A_868 : memref<64x128xf32, #tpu.memory_space<vmem>>) target(%dma_start3A_864 : memref<64x128xf32, #tpu.memory_space<vmem_shared>>) target_semaphore(%run_scoped3A_856 : memref<!tpu.dma_semaphore, #tpu.memory_space<semaphore_mem>>)
      %dma_wait3A_869 = arith.constant 0 : i32
      %dma_wait3A_870 = arith.constant 0 : i32
      %dma_wait3A_871 = tpu.memref_slice %arg8[%run_scoped3A, %dma_wait3A_869, %dma_wait3A_870] : memref<4x64x128xf32, #tpu.memory_space<vmem>> -> memref<1x64x128xf32, #tpu.memory_space<vmem>>
      %dma_wait3A_872 = tpu.memref_squeeze %dma_wait3A_871 : memref<1x64x128xf32, #tpu.memory_space<vmem>> -> memref<64x128xf32, #tpu.memory_space<vmem>>
      %dma_wait3A_873 = arith.constant 0 : i32
      %dma_wait3A_874 = tpu.memref_slice %arg9[%add3A_9, %dma_wait3A_873] : memref<10240x128xf32, #tpu.memory_space<vmem_shared>> -> memref<64x128xf32, #tpu.memory_space<vmem_shared>>
      %dma_wait3A_875 = arith.constant 0 : i32
      %dma_wait3A_876 = tpu.memref_slice %arg9[%add3A_9, %dma_wait3A_875] : memref<10240x128xf32, #tpu.memory_space<vmem_shared>> -> memref<64x128xf32, #tpu.memory_space<vmem_shared>>
      %dma_wait3A_877 = arith.constant 0 : i32
      %dma_wait3A_878 = arith.constant 0 : i32
      %dma_wait3A_879 = tpu.memref_slice %arg8[%run_scoped3A, %dma_wait3A_877, %dma_wait3A_878] : memref<4x64x128xf32, #tpu.memory_space<vmem>> -> memref<1x64x128xf32, #tpu.memory_space<vmem>>
      %dma_wait3A_880 = tpu.memref_squeeze %dma_wait3A_879 : memref<1x64x128xf32, #tpu.memory_space<vmem>> -> memref<64x128xf32, #tpu.memory_space<vmem>>
      tpu.wait_dma2 semaphore(%run_scoped3A_856 : memref<!tpu.dma_semaphore, #tpu.memory_space<semaphore_mem>>) src(%dma_wait3A_880 : memref<64x128xf32, #tpu.memory_space<vmem>>) dst(%dma_wait3A_876 : memref<64x128xf32, #tpu.memory_space<vmem_shared>>)
      tpu.yield
    }) : () -> ()
    %mul3A_10 = arith.constant 640 : i32
    %mul3A_11 = arith.muli %arg1, %mul3A_10 : i32
    %add3A_12 = arith.constant 64 : i32
    %add3A_13 = arith.addi %mul3A_11, %add3A_12 : i32
    %run_scoped3A_14 = arith.constant 0 : i32
    "tpu.region"() ({
      %run_scoped3A_856 = tpu.sem_alloc : memref<!tpu.dma_semaphore, #tpu.memory_space<semaphore_mem>>
      %dma_start3A_857 = arith.constant 0 : i32
      %dma_start3A_858 = arith.constant 0 : i32
      %dma_start3A_859 = tpu.memref_slice %arg8[%run_scoped3A_14, %dma_start3A_857, %dma_start3A_858] : memref<4x64x128xf32, #tpu.memory_space<vmem>> -> memref<1x64x128xf32, #tpu.memory_space<vmem>>
      %dma_start3A_860 = tpu.memref_squeeze %dma_start3A_859 : memref<1x64x128xf32, #tpu.memory_space<vmem>> -> memref<64x128xf32, #tpu.memory_space<vmem>>
      %dma_start3A_861 = arith.constant 0 : i32
      %dma_start3A_862 = tpu.memref_slice %arg9[%add3A_13, %dma_start3A_861] : memref<10240x128xf32, #tpu.memory_space<vmem_shared>> -> memref<64x128xf32, #tpu.memory_space<vmem_shared>>
      %dma_start3A_863 = arith.constant 0 : i32
      %dma_start3A_864 = tpu.memref_slice %arg9[%add3A_13, %dma_start3A_863] : memref<10240x128xf32, #tpu.memory_space<vmem_shared>> -> memref<64x128xf32, #tpu.memory_space<vmem_shared>>
      %dma_start3A_865 = arith.constant 0 : i32
      %dma_start3A_866 = arith.constant 0 : i32
      %dma_start3A_867 = tpu.memref_slice %arg8[%run_scoped3A_14, %dma_start3A_865, %dma_start3A_866] : memref<4x64x128xf32, #tpu.memory_space<vmem>> -> memref<1x64x128xf32, #tpu.memory_space<vmem>>
      %dma_start3A_868 = tpu.memref_squeeze %dma_start3A_867 : memref<1x64x128xf32, #tpu.memory_space<vmem>> -> memref<64x128xf32, #tpu.memory_space<vmem>>
      tpu.enqueue_dma source(%dma_start3A_868 : memref<64x128xf32, #tpu.memory_space<vmem>>) target(%dma_start3A_864 : memref<64x128xf32, #tpu.memory_space<vmem_shared>>) target_semaphore(%run_scoped3A_856 : memref<!tpu.dma_semaphore, #tpu.memory_space<semaphore_mem>>)
      %dma_wait3A_869 = arith.constant 0 : i32
      %dma_wait3A_870 = arith.constant 0 : i32
      %dma_wait3A_871 = tpu.memref_slice %arg8[%run_scoped3A_14, %dma_wait3A_869, %dma_wait3A_870] : memref<4x64x128xf32, #tpu.memory_space<vmem>> -> memref<1x64x128xf32, #tpu.memory_space<vmem>>
      %dma_wait3A_872 = tpu.memref_squeeze %dma_wait3A_871 : memref<1x64x128xf32, #tpu.memory_space<vmem>> -> memref<64x128xf32, #tpu.memory_space<vmem>>
      %dma_wait3A_873 = arith.constant 0 : i32
      %dma_wait3A_874 = tpu.memref_slice %arg9[%add3A_13, %dma_wait3A_873] : memref<10240x128xf32, #tpu.memory_space<vmem_shared>> -> memref<64x128xf32, #tpu.memory_space<vmem_shared>>
      %dma_wait3A_875 = arith.constant 0 : i32
      %dma_wait3A_876 = tpu.memref_slice %arg9[%add3A_13, %dma_wait3A_875] : memref<10240x128xf32, #tpu.memory_space<vmem_shared>> -> memref<64x128xf32, #tpu.memory_space<vmem_shared>>
      %dma_wait3A_877 = arith.constant 0 : i32
      %dma_wait3A_878 = arith.constant 0 : i32
      %dma_wait3A_879 = tpu.memref_slice %arg8[%run_scoped3A_14, %dma_wait3A_877, %dma_wait3A_878] : memref<4x64x128xf32, #tpu.memory_space<vmem>> -> memref<1x64x128xf32, #tpu.memory_space<vmem>>
      %dma_wait3A_880 = tpu.memref_squeeze %dma_wait3A_879 : memref<1x64x128xf32, #tpu.memory_space<vmem>> -> memref<64x128xf32, #tpu.memory_space<vmem>>
      tpu.wait_dma2 semaphore(%run_scoped3A_856 : memref<!tpu.dma_semaphore, #tpu.memory_space<semaphore_mem>>) src(%dma_wait3A_880 : memref<64x128xf32, #tpu.memory_space<vmem>>) dst(%dma_wait3A_876 : memref<64x128xf32, #tpu.memory_space<vmem_shared>>)
      tpu.yield
    }) : () -> ()
    %mul3A_15 = arith.constant 640 : i32
    %mul3A_16 = arith.muli %arg1, %mul3A_15 : i32
    %add3A_17 = arith.constant 128 : i32
    %add3A_18 = arith.addi %mul3A_16, %add3A_17 : i32
    %run_scoped3A_19 = arith.constant 0 : i32
    "tpu.region"() ({
      %run_scoped3A_856 = tpu.sem_alloc : memref<!tpu.dma_semaphore, #tpu.memory_space<semaphore_mem>>
      %dma_start3A_857 = arith.constant 0 : i32
      %dma_start3A_858 = arith.constant 0 : i32
      %dma_start3A_859 = tpu.memref_slice %arg8[%run_scoped3A_19, %dma_start3A_857, %dma_start3A_858] : memref<4x64x128xf32, #tpu.memory_space<vmem>> -> memref<1x64x128xf32, #tpu.memory_space<vmem>>
      %dma_start3A_860 = tpu.memref_squeeze %dma_start3A_859 : memref<1x64x128xf32, #tpu.memory_space<vmem>> -> memref<64x128xf32, #tpu.memory_space<vmem>>
      %dma_start3A_861 = arith.constant 0 : i32
      %dma_start3A_862 = tpu.memref_slice %arg9[%add3A_18, %dma_start3A_861] : memref<10240x128xf32, #tpu.memory_space<vmem_shared>> -> memref<64x128xf32, #tpu.memory_space<vmem_shared>>
      %dma_start3A_863 = arith.constant 0 : i32
      %dma_start3A_864 = tpu.memref_slice %arg9[%add3A_18, %dma_start3A_863] : memref<10240x128xf32, #tpu.memory_space<vmem_shared>> -> memref<64x128xf32, #tpu.memory_space<vmem_shared>>
      %dma_start3A_865 = arith.constant 0 : i32
      %dma_start3A_866 = arith.constant 0 : i32
      %dma_start3A_867 = tpu.memref_slice %arg8[%run_scoped3A_19, %dma_start3A_865, %dma_start3A_866] : memref<4x64x128xf32, #tpu.memory_space<vmem>> -> memref<1x64x128xf32, #tpu.memory_space<vmem>>
      %dma_start3A_868 = tpu.memref_squeeze %dma_start3A_867 : memref<1x64x128xf32, #tpu.memory_space<vmem>> -> memref<64x128xf32, #tpu.memory_space<vmem>>
      tpu.enqueue_dma source(%dma_start3A_868 : memref<64x128xf32, #tpu.memory_space<vmem>>) target(%dma_start3A_864 : memref<64x128xf32, #tpu.memory_space<vmem_shared>>) target_semaphore(%run_scoped3A_856 : memref<!tpu.dma_semaphore, #tpu.memory_space<semaphore_mem>>)
      %dma_wait3A_869 = arith.constant 0 : i32
      %dma_wait3A_870 = arith.constant 0 : i32
      %dma_wait3A_871 = tpu.memref_slice %arg8[%run_scoped3A_19, %dma_wait3A_869, %dma_wait3A_870] : memref<4x64x128xf32, #tpu.memory_space<vmem>> -> memref<1x64x128xf32, #tpu.memory_space<vmem>>
      %dma_wait3A_872 = tpu.memref_squeeze %dma_wait3A_871 : memref<1x64x128xf32, #tpu.memory_space<vmem>> -> memref<64x128xf32, #tpu.memory_space<vmem>>
      %dma_wait3A_873 = arith.constant 0 : i32
      %dma_wait3A_874 = tpu.memref_slice %arg9[%add3A_18, %dma_wait3A_873] : memref<10240x128xf32, #tpu.memory_space<vmem_shared>> -> memref<64x128xf32, #tpu.memory_space<vmem_shared>>
      %dma_wait3A_875 = arith.constant 0 : i32
      %dma_wait3A_876 = tpu.memref_slice %arg9[%add3A_18, %dma_wait3A_875] : memref<10240x128xf32, #tpu.memory_space<vmem_shared>> -> memref<64x128xf32, #tpu.memory_space<vmem_shared>>
      %dma_wait3A_877 = arith.constant 0 : i32
      %dma_wait3A_878 = arith.constant 0 : i32
      %dma_wait3A_879 = tpu.memref_slice %arg8[%run_scoped3A_19, %dma_wait3A_877, %dma_wait3A_878] : memref<4x64x128xf32, #tpu.memory_space<vmem>> -> memref<1x64x128xf32, #tpu.memory_space<vmem>>
      %dma_wait3A_880 = tpu.memref_squeeze %dma_wait3A_879 : memref<1x64x128xf32, #tpu.memory_space<vmem>> -> memref<64x128xf32, #tpu.memory_space<vmem>>
      tpu.wait_dma2 semaphore(%run_scoped3A_856 : memref<!tpu.dma_semaphore, #tpu.memory_space<semaphore_mem>>) src(%dma_wait3A_880 : memref<64x128xf32, #tpu.memory_space<vmem>>) dst(%dma_wait3A_876 : memref<64x128xf32, #tpu.memory_space<vmem_shared>>)
      tpu.yield
    }) : () -> ()
    %mul3A_20 = arith.constant 640 : i32
    %mul3A_21 = arith.muli %arg1, %mul3A_20 : i32
    %add3A_22 = arith.constant 192 : i32
    %add3A_23 = arith.addi %mul3A_21, %add3A_22 : i32
    %run_scoped3A_24 = arith.constant 0 : i32
    "tpu.region"() ({
      %run_scoped3A_856 = tpu.sem_alloc : memref<!tpu.dma_semaphore, #tpu.memory_space<semaphore_mem>>
      %dma_start3A_857 = arith.constant 0 : i32
      %dma_start3A_858 = arith.constant 0 : i32
      %dma_start3A_859 = tpu.memref_slice %arg8[%run_scoped3A_24, %dma_start3A_857, %dma_start3A_858] : memref<4x64x128xf32, #tpu.memory_space<vmem>> -> memref<1x64x128xf32, #tpu.memory_space<vmem>>
      %dma_start3A_860 = tpu.memref_squeeze %dma_start3A_859 : memref<1x64x128xf32, #tpu.memory_space<vmem>> -> memref<64x128xf32, #tpu.memory_space<vmem>>
      %dma_start3A_861 = arith.constant 0 : i32
      %dma_start3A_862 = tpu.memref_slice %arg9[%add3A_23, %dma_start3A_861] : memref<10240x128xf32, #tpu.memory_space<vmem_shared>> -> memref<64x128xf32, #tpu.memory_space<vmem_shared>>
      %dma_start3A_863 = arith.constant 0 : i32
      %dma_start3A_864 = tpu.memref_slice %arg9[%add3A_23, %dma_start3A_863] : memref<10240x128xf32, #tpu.memory_space<vmem_shared>> -> memref<64x128xf32, #tpu.memory_space<vmem_shared>>
      %dma_start3A_865 = arith.constant 0 : i32
      %dma_start3A_866 = arith.constant 0 : i32
      %dma_start3A_867 = tpu.memref_slice %arg8[%run_scoped3A_24, %dma_start3A_865, %dma_start3A_866] : memref<4x64x128xf32, #tpu.memory_space<vmem>> -> memref<1x64x128xf32, #tpu.memory_space<vmem>>
      %dma_start3A_868 = tpu.memref_squeeze %dma_start3A_867 : memref<1x64x128xf32, #tpu.memory_space<vmem>> -> memref<64x128xf32, #tpu.memory_space<vmem>>
      tpu.enqueue_dma source(%dma_start3A_868 : memref<64x128xf32, #tpu.memory_space<vmem>>) target(%dma_start3A_864 : memref<64x128xf32, #tpu.memory_space<vmem_shared>>) target_semaphore(%run_scoped3A_856 : memref<!tpu.dma_semaphore, #tpu.memory_space<semaphore_mem>>)
      %dma_wait3A_869 = arith.constant 0 : i32
      %dma_wait3A_870 = arith.constant 0 : i32
      %dma_wait3A_871 = tpu.memref_slice %arg8[%run_scoped3A_24, %dma_wait3A_869, %dma_wait3A_870] : memref<4x64x128xf32, #tpu.memory_space<vmem>> -> memref<1x64x128xf32, #tpu.memory_space<vmem>>
      %dma_wait3A_872 = tpu.memref_squeeze %dma_wait3A_871 : memref<1x64x128xf32, #tpu.memory_space<vmem>> -> memref<64x128xf32, #tpu.memory_space<vmem>>
      %dma_wait3A_873 = arith.constant 0 : i32
      %dma_wait3A_874 = tpu.memref_slice %arg9[%add3A_23, %dma_wait3A_873] : memref<10240x128xf32, #tpu.memory_space<vmem_shared>> -> memref<64x128xf32, #tpu.memory_space<vmem_shared>>
      %dma_wait3A_875 = arith.constant 0 : i32
      %dma_wait3A_876 = tpu.memref_slice %arg9[%add3A_23, %dma_wait3A_875] : memref<10240x128xf32, #tpu.memory_space<vmem_shared>> -> memref<64x128xf32, #tpu.memory_space<vmem_shared>>
      %dma_wait3A_877 = arith.constant 0 : i32
      %dma_wait3A_878 = arith.constant 0 : i32
      %dma_wait3A_879 = tpu.memref_slice %arg8[%run_scoped3A_24, %dma_wait3A_877, %dma_wait3A_878] : memref<4x64x128xf32, #tpu.memory_space<vmem>> -> memref<1x64x128xf32, #tpu.memory_space<vmem>>
      %dma_wait3A_880 = tpu.memref_squeeze %dma_wait3A_879 : memref<1x64x128xf32, #tpu.memory_space<vmem>> -> memref<64x128xf32, #tpu.memory_space<vmem>>
      tpu.wait_dma2 semaphore(%run_scoped3A_856 : memref<!tpu.dma_semaphore, #tpu.memory_space<semaphore_mem>>) src(%dma_wait3A_880 : memref<64x128xf32, #tpu.memory_space<vmem>>) dst(%dma_wait3A_876 : memref<64x128xf32, #tpu.memory_space<vmem_shared>>)
      tpu.yield
    }) : () -> ()
    %mul3A_25 = arith.constant 640 : i32
    %mul3A_26 = arith.muli %arg1, %mul3A_25 : i32
    %add3A_27 = arith.constant 256 : i32
    %add3A_28 = arith.addi %mul3A_26, %add3A_27 : i32
    %run_scoped3A_29 = arith.constant 0 : i32
    "tpu.region"() ({
      %run_scoped3A_856 = tpu.sem_alloc : memref<!tpu.dma_semaphore, #tpu.memory_space<semaphore_mem>>
      %dma_start3A_857 = arith.constant 0 : i32
      %dma_start3A_858 = arith.constant 0 : i32
      %dma_start3A_859 = tpu.memref_slice %arg8[%run_scoped3A_29, %dma_start3A_857, %dma_start3A_858] : memref<4x64x128xf32, #tpu.memory_space<vmem>> -> memref<1x64x128xf32, #tpu.memory_space<vmem>>
      %dma_start3A_860 = tpu.memref_squeeze %dma_start3A_859 : memref<1x64x128xf32, #tpu.memory_space<vmem>> -> memref<64x128xf32, #tpu.memory_space<vmem>>
      %dma_start3A_861 = arith.constant 0 : i32
      %dma_start3A_862 = tpu.memref_slice %arg9[%add3A_28, %dma_start3A_861] : memref<10240x128xf32, #tpu.memory_space<vmem_shared>> -> memref<64x128xf32, #tpu.memory_space<vmem_shared>>
      %dma_start3A_863 = arith.constant 0 : i32
      %dma_start3A_864 = tpu.memref_slice %arg9[%add3A_28, %dma_start3A_863] : memref<10240x128xf32, #tpu.memory_space<vmem_shared>> -> memref<64x128xf32, #tpu.memory_space<vmem_shared>>
      %dma_start3A_865 = arith.constant 0 : i32
      %dma_start3A_866 = arith.constant 0 : i32
      %dma_start3A_867 = tpu.memref_slice %arg8[%run_scoped3A_29, %dma_start3A_865, %dma_start3A_866] : memref<4x64x128xf32, #tpu.memory_space<vmem>> -> memref<1x64x128xf32, #tpu.memory_space<vmem>>
      %dma_start3A_868 = tpu.memref_squeeze %dma_start3A_867 : memref<1x64x128xf32, #tpu.memory_space<vmem>> -> memref<64x128xf32, #tpu.memory_space<vmem>>
      tpu.enqueue_dma source(%dma_start3A_868 : memref<64x128xf32, #tpu.memory_space<vmem>>) target(%dma_start3A_864 : memref<64x128xf32, #tpu.memory_space<vmem_shared>>) target_semaphore(%run_scoped3A_856 : memref<!tpu.dma_semaphore, #tpu.memory_space<semaphore_mem>>)
      %dma_wait3A_869 = arith.constant 0 : i32
      %dma_wait3A_870 = arith.constant 0 : i32
      %dma_wait3A_871 = tpu.memref_slice %arg8[%run_scoped3A_29, %dma_wait3A_869, %dma_wait3A_870] : memref<4x64x128xf32, #tpu.memory_space<vmem>> -> memref<1x64x128xf32, #tpu.memory_space<vmem>>
      %dma_wait3A_872 = tpu.memref_squeeze %dma_wait3A_871 : memref<1x64x128xf32, #tpu.memory_space<vmem>> -> memref<64x128xf32, #tpu.memory_space<vmem>>
      %dma_wait3A_873 = arith.constant 0 : i32
      %dma_wait3A_874 = tpu.memref_slice %arg9[%add3A_28, %dma_wait3A_873] : memref<10240x128xf32, #tpu.memory_space<vmem_shared>> -> memref<64x128xf32, #tpu.memory_space<vmem_shared>>
      %dma_wait3A_875 = arith.constant 0 : i32
      %dma_wait3A_876 = tpu.memref_slice %arg9[%add3A_28, %dma_wait3A_875] : memref<10240x128xf32, #tpu.memory_space<vmem_shared>> -> memref<64x128xf32, #tpu.memory_space<vmem_shared>>
      %dma_wait3A_877 = arith.constant 0 : i32
      %dma_wait3A_878 = arith.constant 0 : i32
      %dma_wait3A_879 = tpu.memref_slice %arg8[%run_scoped3A_29, %dma_wait3A_877, %dma_wait3A_878] : memref<4x64x128xf32, #tpu.memory_space<vmem>> -> memref<1x64x128xf32, #tpu.memory_space<vmem>>
      %dma_wait3A_880 = tpu.memref_squeeze %dma_wait3A_879 : memref<1x64x128xf32, #tpu.memory_space<vmem>> -> memref<64x128xf32, #tpu.memory_space<vmem>>
      tpu.wait_dma2 semaphore(%run_scoped3A_856 : memref<!tpu.dma_semaphore, #tpu.memory_space<semaphore_mem>>) src(%dma_wait3A_880 : memref<64x128xf32, #tpu.memory_space<vmem>>) dst(%dma_wait3A_876 : memref<64x128xf32, #tpu.memory_space<vmem_shared>>)
      tpu.yield
    }) : () -> ()
    %mul3A_30 = arith.constant 640 : i32
    %mul3A_31 = arith.muli %arg1, %mul3A_30 : i32
    %add3A_32 = arith.constant 320 : i32
    %add3A_33 = arith.addi %mul3A_31, %add3A_32 : i32
    %run_scoped3A_34 = arith.constant 0 : i32
    "tpu.region"() ({
      %run_scoped3A_856 = tpu.sem_alloc : memref<!tpu.dma_semaphore, #tpu.memory_space<semaphore_mem>>
      %dma_start3A_857 = arith.constant 0 : i32
      %dma_start3A_858 = arith.constant 0 : i32
      %dma_start3A_859 = tpu.memref_slice %arg8[%run_scoped3A_34, %dma_start3A_857, %dma_start3A_858] : memref<4x64x128xf32, #tpu.memory_space<vmem>> -> memref<1x64x128xf32, #tpu.memory_space<vmem>>
      %dma_start3A_860 = tpu.memref_squeeze %dma_start3A_859 : memref<1x64x128xf32, #tpu.memory_space<vmem>> -> memref<64x128xf32, #tpu.memory_space<vmem>>
      %dma_start3A_861 = arith.constant 0 : i32
      %dma_start3A_862 = tpu.memref_slice %arg9[%add3A_33, %dma_start3A_861] : memref<10240x128xf32, #tpu.memory_space<vmem_shared>> -> memref<64x128xf32, #tpu.memory_space<vmem_shared>>
      %dma_start3A_863 = arith.constant 0 : i32
      %dma_start3A_864 = tpu.memref_slice %arg9[%add3A_33, %dma_start3A_863] : memref<10240x128xf32, #tpu.memory_space<vmem_shared>> -> memref<64x128xf32, #tpu.memory_space<vmem_shared>>
      %dma_start3A_865 = arith.constant 0 : i32
      %dma_start3A_866 = arith.constant 0 : i32
      %dma_start3A_867 = tpu.memref_slice %arg8[%run_scoped3A_34, %dma_start3A_865, %dma_start3A_866] : memref<4x64x128xf32, #tpu.memory_space<vmem>> -> memref<1x64x128xf32, #tpu.memory_space<vmem>>
      %dma_start3A_868 = tpu.memref_squeeze %dma_start3A_867 : memref<1x64x128xf32, #tpu.memory_space<vmem>> -> memref<64x128xf32, #tpu.memory_space<vmem>>
      tpu.enqueue_dma source(%dma_start3A_868 : memref<64x128xf32, #tpu.memory_space<vmem>>) target(%dma_start3A_864 : memref<64x128xf32, #tpu.memory_space<vmem_shared>>) target_semaphore(%run_scoped3A_856 : memref<!tpu.dma_semaphore, #tpu.memory_space<semaphore_mem>>)
      %dma_wait3A_869 = arith.constant 0 : i32
      %dma_wait3A_870 = arith.constant 0 : i32
      %dma_wait3A_871 = tpu.memref_slice %arg8[%run_scoped3A_34, %dma_wait3A_869, %dma_wait3A_870] : memref<4x64x128xf32, #tpu.memory_space<vmem>> -> memref<1x64x128xf32, #tpu.memory_space<vmem>>
      %dma_wait3A_872 = tpu.memref_squeeze %dma_wait3A_871 : memref<1x64x128xf32, #tpu.memory_space<vmem>> -> memref<64x128xf32, #tpu.memory_space<vmem>>
      %dma_wait3A_873 = arith.constant 0 : i32
      %dma_wait3A_874 = tpu.memref_slice %arg9[%add3A_33, %dma_wait3A_873] : memref<10240x128xf32, #tpu.memory_space<vmem_shared>> -> memref<64x128xf32, #tpu.memory_space<vmem_shared>>
      %dma_wait3A_875 = arith.constant 0 : i32
      %dma_wait3A_876 = tpu.memref_slice %arg9[%add3A_33, %dma_wait3A_875] : memref<10240x128xf32, #tpu.memory_space<vmem_shared>> -> memref<64x128xf32, #tpu.memory_space<vmem_shared>>
      %dma_wait3A_877 = arith.constant 0 : i32
      %dma_wait3A_878 = arith.constant 0 : i32
      %dma_wait3A_879 = tpu.memref_slice %arg8[%run_scoped3A_34, %dma_wait3A_877, %dma_wait3A_878] : memref<4x64x128xf32, #tpu.memory_space<vmem>> -> memref<1x64x128xf32, #tpu.memory_space<vmem>>
      %dma_wait3A_880 = tpu.memref_squeeze %dma_wait3A_879 : memref<1x64x128xf32, #tpu.memory_space<vmem>> -> memref<64x128xf32, #tpu.memory_space<vmem>>
      tpu.wait_dma2 semaphore(%run_scoped3A_856 : memref<!tpu.dma_semaphore, #tpu.memory_space<semaphore_mem>>) src(%dma_wait3A_880 : memref<64x128xf32, #tpu.memory_space<vmem>>) dst(%dma_wait3A_876 : memref<64x128xf32, #tpu.memory_space<vmem_shared>>)
      tpu.yield
    }) : () -> ()
    %mul3A_35 = arith.constant 640 : i32
    %mul3A_36 = arith.muli %arg1, %mul3A_35 : i32
    %add3A_37 = arith.constant 384 : i32
    %add3A_38 = arith.addi %mul3A_36, %add3A_37 : i32
    %run_scoped3A_39 = arith.constant 0 : i32
    "tpu.region"() ({
      %run_scoped3A_856 = tpu.sem_alloc : memref<!tpu.dma_semaphore, #tpu.memory_space<semaphore_mem>>
      %dma_start3A_857 = arith.constant 0 : i32
      %dma_start3A_858 = arith.constant 0 : i32
      %dma_start3A_859 = tpu.memref_slice %arg8[%run_scoped3A_39, %dma_start3A_857, %dma_start3A_858] : memref<4x64x128xf32, #tpu.memory_space<vmem>> -> memref<1x64x128xf32, #tpu.memory_space<vmem>>
      %dma_start3A_860 = tpu.memref_squeeze %dma_start3A_859 : memref<1x64x128xf32, #tpu.memory_space<vmem>> -> memref<64x128xf32, #tpu.memory_space<vmem>>
      %dma_start3A_861 = arith.constant 0 : i32
      %dma_start3A_862 = tpu.memref_slice %arg9[%add3A_38, %dma_start3A_861] : memref<10240x128xf32, #tpu.memory_space<vmem_shared>> -> memref<64x128xf32, #tpu.memory_space<vmem_shared>>
      %dma_start3A_863 = arith.constant 0 : i32
      %dma_start3A_864 = tpu.memref_slice %arg9[%add3A_38, %dma_start3A_863] : memref<10240x128xf32, #tpu.memory_space<vmem_shared>> -> memref<64x128xf32, #tpu.memory_space<vmem_shared>>
      %dma_start3A_865 = arith.constant 0 : i32
      %dma_start3A_866 = arith.constant 0 : i32
      %dma_start3A_867 = tpu.memref_slice %arg8[%run_scoped3A_39, %dma_start3A_865, %dma_start3A_866] : memref<4x64x128xf32, #tpu.memory_space<vmem>> -> memref<1x64x128xf32, #tpu.memory_space<vmem>>
      %dma_start3A_868 = tpu.memref_squeeze %dma_start3A_867 : memref<1x64x128xf32, #tpu.memory_space<vmem>> -> memref<64x128xf32, #tpu.memory_space<vmem>>
      tpu.enqueue_dma source(%dma_start3A_868 : memref<64x128xf32, #tpu.memory_space<vmem>>) target(%dma_start3A_864 : memref<64x128xf32, #tpu.memory_space<vmem_shared>>) target_semaphore(%run_scoped3A_856 : memref<!tpu.dma_semaphore, #tpu.memory_space<semaphore_mem>>)
      %dma_wait3A_869 = arith.constant 0 : i32
      %dma_wait3A_870 = arith.constant 0 : i32
      %dma_wait3A_871 = tpu.memref_slice %arg8[%run_scoped3A_39, %dma_wait3A_869, %dma_wait3A_870] : memref<4x64x128xf32, #tpu.memory_space<vmem>> -> memref<1x64x128xf32, #tpu.memory_space<vmem>>
      %dma_wait3A_872 = tpu.memref_squeeze %dma_wait3A_871 : memref<1x64x128xf32, #tpu.memory_space<vmem>> -> memref<64x128xf32, #tpu.memory_space<vmem>>
      %dma_wait3A_873 = arith.constant 0 : i32
      %dma_wait3A_874 = tpu.memref_slice %arg9[%add3A_38, %dma_wait3A_873] : memref<10240x128xf32, #tpu.memory_space<vmem_shared>> -> memref<64x128xf32, #tpu.memory_space<vmem_shared>>
      %dma_wait3A_875 = arith.constant 0 : i32
      %dma_wait3A_876 = tpu.memref_slice %arg9[%add3A_38, %dma_wait3A_875] : memref<10240x128xf32, #tpu.memory_space<vmem_shared>> -> memref<64x128xf32, #tpu.memory_space<vmem_shared>>
      %dma_wait3A_877 = arith.constant 0 : i32
      %dma_wait3A_878 = arith.constant 0 : i32
      %dma_wait3A_879 = tpu.memref_slice %arg8[%run_scoped3A_39, %dma_wait3A_877, %dma_wait3A_878] : memref<4x64x128xf32, #tpu.memory_space<vmem>> -> memref<1x64x128xf32, #tpu.memory_space<vmem>>
      %dma_wait3A_880 = tpu.memref_squeeze %dma_wait3A_879 : memref<1x64x128xf32, #tpu.memory_space<vmem>> -> memref<64x128xf32, #tpu.memory_space<vmem>>
      tpu.wait_dma2 semaphore(%run_scoped3A_856 : memref<!tpu.dma_semaphore, #tpu.memory_space<semaphore_mem>>) src(%dma_wait3A_880 : memref<64x128xf32, #tpu.memory_space<vmem>>) dst(%dma_wait3A_876 : memref<64x128xf32, #tpu.memory_space<vmem_shared>>)
      tpu.yield
    }) : () -> ()
    %mul3A_40 = arith.constant 640 : i32
    %mul3A_41 = arith.muli %arg1, %mul3A_40 : i32
    %add3A_42 = arith.constant 448 : i32
    %add3A_43 = arith.addi %mul3A_41, %add3A_42 : i32
    %run_scoped3A_44 = arith.constant 0 : i32
    "tpu.region"() ({
      %run_scoped3A_856 = tpu.sem_alloc : memref<!tpu.dma_semaphore, #tpu.memory_space<semaphore_mem>>
      %dma_start3A_857 = arith.constant 0 : i32
      %dma_start3A_858 = arith.constant 0 : i32
      %dma_start3A_859 = tpu.memref_slice %arg8[%run_scoped3A_44, %dma_start3A_857, %dma_start3A_858] : memref<4x64x128xf32, #tpu.memory_space<vmem>> -> memref<1x64x128xf32, #tpu.memory_space<vmem>>
      %dma_start3A_860 = tpu.memref_squeeze %dma_start3A_859 : memref<1x64x128xf32, #tpu.memory_space<vmem>> -> memref<64x128xf32, #tpu.memory_space<vmem>>
      %dma_start3A_861 = arith.constant 0 : i32
      %dma_start3A_862 = tpu.memref_slice %arg9[%add3A_43, %dma_start3A_861] : memref<10240x128xf32, #tpu.memory_space<vmem_shared>> -> memref<64x128xf32, #tpu.memory_space<vmem_shared>>
      %dma_start3A_863 = arith.constant 0 : i32
      %dma_start3A_864 = tpu.memref_slice %arg9[%add3A_43, %dma_start3A_863] : memref<10240x128xf32, #tpu.memory_space<vmem_shared>> -> memref<64x128xf32, #tpu.memory_space<vmem_shared>>
      %dma_start3A_865 = arith.constant 0 : i32
      %dma_start3A_866 = arith.constant 0 : i32
      %dma_start3A_867 = tpu.memref_slice %arg8[%run_scoped3A_44, %dma_start3A_865, %dma_start3A_866] : memref<4x64x128xf32, #tpu.memory_space<vmem>> -> memref<1x64x128xf32, #tpu.memory_space<vmem>>
      %dma_start3A_868 = tpu.memref_squeeze %dma_start3A_867 : memref<1x64x128xf32, #tpu.memory_space<vmem>> -> memref<64x128xf32, #tpu.memory_space<vmem>>
      tpu.enqueue_dma source(%dma_start3A_868 : memref<64x128xf32, #tpu.memory_space<vmem>>) target(%dma_start3A_864 : memref<64x128xf32, #tpu.memory_space<vmem_shared>>) target_semaphore(%run_scoped3A_856 : memref<!tpu.dma_semaphore, #tpu.memory_space<semaphore_mem>>)
      %dma_wait3A_869 = arith.constant 0 : i32
      %dma_wait3A_870 = arith.constant 0 : i32
      %dma_wait3A_871 = tpu.memref_slice %arg8[%run_scoped3A_44, %dma_wait3A_869, %dma_wait3A_870] : memref<4x64x128xf32, #tpu.memory_space<vmem>> -> memref<1x64x128xf32, #tpu.memory_space<vmem>>
      %dma_wait3A_872 = tpu.memref_squeeze %dma_wait3A_871 : memref<1x64x128xf32, #tpu.memory_space<vmem>> -> memref<64x128xf32, #tpu.memory_space<vmem>>
      %dma_wait3A_873 = arith.constant 0 : i32
      %dma_wait3A_874 = tpu.memref_slice %arg9[%add3A_43, %dma_wait3A_873] : memref<10240x128xf32, #tpu.memory_space<vmem_shared>> -> memref<64x128xf32, #tpu.memory_space<vmem_shared>>
      %dma_wait3A_875 = arith.constant 0 : i32
      %dma_wait3A_876 = tpu.memref_slice %arg9[%add3A_43, %dma_wait3A_875] : memref<10240x128xf32, #tpu.memory_space<vmem_shared>> -> memref<64x128xf32, #tpu.memory_space<vmem_shared>>
      %dma_wait3A_877 = arith.constant 0 : i32
      %dma_wait3A_878 = arith.constant 0 : i32
      %dma_wait3A_879 = tpu.memref_slice %arg8[%run_scoped3A_44, %dma_wait3A_877, %dma_wait3A_878] : memref<4x64x128xf32, #tpu.memory_space<vmem>> -> memref<1x64x128xf32, #tpu.memory_space<vmem>>
      %dma_wait3A_880 = tpu.memref_squeeze %dma_wait3A_879 : memref<1x64x128xf32, #tpu.memory_space<vmem>> -> memref<64x128xf32, #tpu.memory_space<vmem>>
      tpu.wait_dma2 semaphore(%run_scoped3A_856 : memref<!tpu.dma_semaphore, #tpu.memory_space<semaphore_mem>>) src(%dma_wait3A_880 : memref<64x128xf32, #tpu.memory_space<vmem>>) dst(%dma_wait3A_876 : memref<64x128xf32, #tpu.memory_space<vmem_shared>>)
      tpu.yield
    }) : () -> ()
    %mul3A_45 = arith.constant 640 : i32
    %mul3A_46 = arith.muli %arg1, %mul3A_45 : i32
    %add3A_47 = arith.constant 512 : i32
    %add3A_48 = arith.addi %mul3A_46, %add3A_47 : i32
    %run_scoped3A_49 = arith.constant 0 : i32
    "tpu.region"() ({
      %run_scoped3A_856 = tpu.sem_alloc : memref<!tpu.dma_semaphore, #tpu.memory_space<semaphore_mem>>
      %dma_start3A_857 = arith.constant 0 : i32
      %dma_start3A_858 = arith.constant 0 : i32
      %dma_start3A_859 = tpu.memref_slice %arg8[%run_scoped3A_49, %dma_start3A_857, %dma_start3A_858] : memref<4x64x128xf32, #tpu.memory_space<vmem>> -> memref<1x64x128xf32, #tpu.memory_space<vmem>>
      %dma_start3A_860 = tpu.memref_squeeze %dma_start3A_859 : memref<1x64x128xf32, #tpu.memory_space<vmem>> -> memref<64x128xf32, #tpu.memory_space<vmem>>
      %dma_start3A_861 = arith.constant 0 : i32
      %dma_start3A_862 = tpu.memref_slice %arg9[%add3A_48, %dma_start3A_861] : memref<10240x128xf32, #tpu.memory_space<vmem_shared>> -> memref<64x128xf32, #tpu.memory_space<vmem_shared>>
      %dma_start3A_863 = arith.constant 0 : i32
      %dma_start3A_864 = tpu.memref_slice %arg9[%add3A_48, %dma_start3A_863] : memref<10240x128xf32, #tpu.memory_space<vmem_shared>> -> memref<64x128xf32, #tpu.memory_space<vmem_shared>>
      %dma_start3A_865 = arith.constant 0 : i32
      %dma_start3A_866 = arith.constant 0 : i32
      %dma_start3A_867 = tpu.memref_slice %arg8[%run_scoped3A_49, %dma_start3A_865, %dma_start3A_866] : memref<4x64x128xf32, #tpu.memory_space<vmem>> -> memref<1x64x128xf32, #tpu.memory_space<vmem>>
      %dma_start3A_868 = tpu.memref_squeeze %dma_start3A_867 : memref<1x64x128xf32, #tpu.memory_space<vmem>> -> memref<64x128xf32, #tpu.memory_space<vmem>>
      tpu.enqueue_dma source(%dma_start3A_868 : memref<64x128xf32, #tpu.memory_space<vmem>>) target(%dma_start3A_864 : memref<64x128xf32, #tpu.memory_space<vmem_shared>>) target_semaphore(%run_scoped3A_856 : memref<!tpu.dma_semaphore, #tpu.memory_space<semaphore_mem>>)
      %dma_wait3A_869 = arith.constant 0 : i32
      %dma_wait3A_870 = arith.constant 0 : i32
      %dma_wait3A_871 = tpu.memref_slice %arg8[%run_scoped3A_49, %dma_wait3A_869, %dma_wait3A_870] : memref<4x64x128xf32, #tpu.memory_space<vmem>> -> memref<1x64x128xf32, #tpu.memory_space<vmem>>
      %dma_wait3A_872 = tpu.memref_squeeze %dma_wait3A_871 : memref<1x64x128xf32, #tpu.memory_space<vmem>> -> memref<64x128xf32, #tpu.memory_space<vmem>>
      %dma_wait3A_873 = arith.constant 0 : i32
      %dma_wait3A_874 = tpu.memref_slice %arg9[%add3A_48, %dma_wait3A_873] : memref<10240x128xf32, #tpu.memory_space<vmem_shared>> -> memref<64x128xf32, #tpu.memory_space<vmem_shared>>
      %dma_wait3A_875 = arith.constant 0 : i32
      %dma_wait3A_876 = tpu.memref_slice %arg9[%add3A_48, %dma_wait3A_875] : memref<10240x128xf32, #tpu.memory_space<vmem_shared>> -> memref<64x128xf32, #tpu.memory_space<vmem_shared>>
      %dma_wait3A_877 = arith.constant 0 : i32
      %dma_wait3A_878 = arith.constant 0 : i32
      %dma_wait3A_879 = tpu.memref_slice %arg8[%run_scoped3A_49, %dma_wait3A_877, %dma_wait3A_878] : memref<4x64x128xf32, #tpu.memory_space<vmem>> -> memref<1x64x128xf32, #tpu.memory_space<vmem>>
      %dma_wait3A_880 = tpu.memref_squeeze %dma_wait3A_879 : memref<1x64x128xf32, #tpu.memory_space<vmem>> -> memref<64x128xf32, #tpu.memory_space<vmem>>
      tpu.wait_dma2 semaphore(%run_scoped3A_856 : memref<!tpu.dma_semaphore, #tpu.memory_space<semaphore_mem>>) src(%dma_wait3A_880 : memref<64x128xf32, #tpu.memory_space<vmem>>) dst(%dma_wait3A_876 : memref<64x128xf32, #tpu.memory_space<vmem_shared>>)
      tpu.yield
    }) : () -> ()
    %mul3A_50 = arith.constant 640 : i32
    %mul3A_51 = arith.muli %arg1, %mul3A_50 : i32
    %add3A_52 = arith.constant 576 : i32
    %add3A_53 = arith.addi %mul3A_51, %add3A_52 : i32
    %run_scoped3A_54 = arith.constant 0 : i32
    "tpu.region"() ({
      %run_scoped3A_856 = tpu.sem_alloc : memref<!tpu.dma_semaphore, #tpu.memory_space<semaphore_mem>>
      %dma_start3A_857 = arith.constant 0 : i32
      %dma_start3A_858 = arith.constant 0 : i32
      %dma_start3A_859 = tpu.memref_slice %arg8[%run_scoped3A_54, %dma_start3A_857, %dma_start3A_858] : memref<4x64x128xf32, #tpu.memory_space<vmem>> -> memref<1x64x128xf32, #tpu.memory_space<vmem>>
      %dma_start3A_860 = tpu.memref_squeeze %dma_start3A_859 : memref<1x64x128xf32, #tpu.memory_space<vmem>> -> memref<64x128xf32, #tpu.memory_space<vmem>>
      %dma_start3A_861 = arith.constant 0 : i32
      %dma_start3A_862 = tpu.memref_slice %arg9[%add3A_53, %dma_start3A_861] : memref<10240x128xf32, #tpu.memory_space<vmem_shared>> -> memref<64x128xf32, #tpu.memory_space<vmem_shared>>
      %dma_start3A_863 = arith.constant 0 : i32
      %dma_start3A_864 = tpu.memref_slice %arg9[%add3A_53, %dma_start3A_863] : memref<10240x128xf32, #tpu.memory_space<vmem_shared>> -> memref<64x128xf32, #tpu.memory_space<vmem_shared>>
      %dma_start3A_865 = arith.constant 0 : i32
      %dma_start3A_866 = arith.constant 0 : i32
      %dma_start3A_867 = tpu.memref_slice %arg8[%run_scoped3A_54, %dma_start3A_865, %dma_start3A_866] : memref<4x64x128xf32, #tpu.memory_space<vmem>> -> memref<1x64x128xf32, #tpu.memory_space<vmem>>
      %dma_start3A_868 = tpu.memref_squeeze %dma_start3A_867 : memref<1x64x128xf32, #tpu.memory_space<vmem>> -> memref<64x128xf32, #tpu.memory_space<vmem>>
      tpu.enqueue_dma source(%dma_start3A_868 : memref<64x128xf32, #tpu.memory_space<vmem>>) target(%dma_start3A_864 : memref<64x128xf32, #tpu.memory_space<vmem_shared>>) target_semaphore(%run_scoped3A_856 : memref<!tpu.dma_semaphore, #tpu.memory_space<semaphore_mem>>)
      %dma_wait3A_869 = arith.constant 0 : i32
      %dma_wait3A_870 = arith.constant 0 : i32
      %dma_wait3A_871 = tpu.memref_slice %arg8[%run_scoped3A_54, %dma_wait3A_869, %dma_wait3A_870] : memref<4x64x128xf32, #tpu.memory_space<vmem>> -> memref<1x64x128xf32, #tpu.memory_space<vmem>>
      %dma_wait3A_872 = tpu.memref_squeeze %dma_wait3A_871 : memref<1x64x128xf32, #tpu.memory_space<vmem>> -> memref<64x128xf32, #tpu.memory_space<vmem>>
      %dma_wait3A_873 = arith.constant 0 : i32
      %dma_wait3A_874 = tpu.memref_slice %arg9[%add3A_53, %dma_wait3A_873] : memref<10240x128xf32, #tpu.memory_space<vmem_shared>> -> memref<64x128xf32, #tpu.memory_space<vmem_shared>>
      %dma_wait3A_875 = arith.constant 0 : i32
      %dma_wait3A_876 = tpu.memref_slice %arg9[%add3A_53, %dma_wait3A_875] : memref<10240x128xf32, #tpu.memory_space<vmem_shared>> -> memref<64x128xf32, #tpu.memory_space<vmem_shared>>
      %dma_wait3A_877 = arith.constant 0 : i32
      %dma_wait3A_878 = arith.constant 0 : i32
      %dma_wait3A_879 = tpu.memref_slice %arg8[%run_scoped3A_54, %dma_wait3A_877, %dma_wait3A_878] : memref<4x64x128xf32, #tpu.memory_space<vmem>> -> memref<1x64x128xf32, #tpu.memory_space<vmem>>
      %dma_wait3A_880 = tpu.memref_squeeze %dma_wait3A_879 : memref<1x64x128xf32, #tpu.memory_space<vmem>> -> memref<64x128xf32, #tpu.memory_space<vmem>>
      tpu.wait_dma2 semaphore(%run_scoped3A_856 : memref<!tpu.dma_semaphore, #tpu.memory_space<semaphore_mem>>) src(%dma_wait3A_880 : memref<64x128xf32, #tpu.memory_space<vmem>>) dst(%dma_wait3A_876 : memref<64x128xf32, #tpu.memory_space<vmem_shared>>)
      tpu.yield
    }) : () -> ()
    %barrier3A = arith.constant 0 : index
    tpu.barrier barrier_id(%barrier3A)
    %mul3A_55 = arith.constant 80 : i32
    %mul3A_56 = arith.muli %add3A, %mul3A_55 : i32
    %add3A_57 = arith.constant 0 : i32
    %add3A_58 = arith.addi %mul3A_56, %add3A_57 : i32
    "tpu.region"() ({
      %run_scoped3A_856 = tpu.sem_alloc : memref<!tpu.dma_semaphore, #tpu.memory_space<semaphore_mem>>
      %dma_start3A_857 = arith.constant 0 : i32
      %dma_start3A_858 = tpu.memref_slice %arg3[%add3A_58, %dma_start3A_857] : memref<2560x128xi32, #tpu.memory_space<hbm>> -> memref<40x128xi32, #tpu.memory_space<hbm>>
      %dma_start3A_859 = arith.constant 0 : i32
      %dma_start3A_860 = tpu.memref_slice %arg3[%add3A_58, %dma_start3A_859] : memref<2560x128xi32, #tpu.memory_space<hbm>> -> memref<40x128xi32, #tpu.memory_space<hbm>>
      tpu.enqueue_dma source(%dma_start3A_860 : memref<40x128xi32, #tpu.memory_space<hbm>>) target(%arg6 : memref<40x128xi32, #tpu.memory_space<vmem>>) target_semaphore(%run_scoped3A_856 : memref<!tpu.dma_semaphore, #tpu.memory_space<semaphore_mem>>)
      %dma_wait3A_861 = arith.constant 0 : i32
      %dma_wait3A_862 = tpu.memref_slice %arg3[%add3A_58, %dma_wait3A_861] : memref<2560x128xi32, #tpu.memory_space<hbm>> -> memref<40x128xi32, #tpu.memory_space<hbm>>
      %dma_wait3A_863 = arith.constant 0 : i32
      %dma_wait3A_864 = tpu.memref_slice %arg3[%add3A_58, %dma_wait3A_863] : memref<2560x128xi32, #tpu.memory_space<hbm>> -> memref<40x128xi32, #tpu.memory_space<hbm>>
      tpu.wait_dma2 semaphore(%run_scoped3A_856 : memref<!tpu.dma_semaphore, #tpu.memory_space<semaphore_mem>>) src(%dma_wait3A_864 : memref<40x128xi32, #tpu.memory_space<hbm>>) dst(%arg6 : memref<40x128xi32, #tpu.memory_space<vmem>>)
      tpu.yield
    }) : () -> ()
    %mul3A_59 = arith.constant 80 : i32
    %mul3A_60 = arith.muli %add3A, %mul3A_59 : i32
    %add3A_61 = arith.constant 0 : i32
    %add3A_62 = arith.addi %mul3A_60, %add3A_61 : i32
    "tpu.region"() ({
      %run_scoped3A_856 = tpu.sem_alloc : memref<!tpu.dma_semaphore, #tpu.memory_space<semaphore_mem>>
      %dma_start3A_857 = arith.constant 0 : i32
      %dma_start3A_858 = tpu.memref_slice %arg4[%add3A_62, %dma_start3A_857] : memref<2560x128xi32, #tpu.memory_space<hbm>> -> memref<40x128xi32, #tpu.memory_space<hbm>>
      %dma_start3A_859 = arith.constant 0 : i32
      %dma_start3A_860 = tpu.memref_slice %arg4[%add3A_62, %dma_start3A_859] : memref<2560x128xi32, #tpu.memory_space<hbm>> -> memref<40x128xi32, #tpu.memory_space<hbm>>
      tpu.enqueue_dma source(%dma_start3A_860 : memref<40x128xi32, #tpu.memory_space<hbm>>) target(%arg7 : memref<40x128xi32, #tpu.memory_space<vmem>>) target_semaphore(%run_scoped3A_856 : memref<!tpu.dma_semaphore, #tpu.memory_space<semaphore_mem>>)
      %dma_wait3A_861 = arith.constant 0 : i32
      %dma_wait3A_862 = tpu.memref_slice %arg4[%add3A_62, %dma_wait3A_861] : memref<2560x128xi32, #tpu.memory_space<hbm>> -> memref<40x128xi32, #tpu.memory_space<hbm>>
      %dma_wait3A_863 = arith.constant 0 : i32
      %dma_wait3A_864 = tpu.memref_slice %arg4[%add3A_62, %dma_wait3A_863] : memref<2560x128xi32, #tpu.memory_space<hbm>> -> memref<40x128xi32, #tpu.memory_space<hbm>>
      tpu.wait_dma2 semaphore(%run_scoped3A_856 : memref<!tpu.dma_semaphore, #tpu.memory_space<semaphore_mem>>) src(%dma_wait3A_864 : memref<40x128xi32, #tpu.memory_space<hbm>>) dst(%arg7 : memref<40x128xi32, #tpu.memory_space<vmem>>)
      tpu.yield
    }) : () -> ()
    %dma_start3A = arith.constant 0 : i32
    %dma_start3A_63 = arith.constant 0 : i32
    %dma_start3A_64 = arith.constant 0 : i32
    %dma_start3A_65 = arith.constant 0 : i32
    %dma_start3A_66 = tpu.memref_slice %arg8[%dma_start3A_63, %dma_start3A_64, %dma_start3A_65] : memref<4x64x128xf32, #tpu.memory_space<vmem>> -> memref<1x64x128xf32, #tpu.memory_space<vmem>>
    %dma_start3A_67 = tpu.memref_squeeze %dma_start3A_66 : memref<1x64x128xf32, #tpu.memory_space<vmem>> -> memref<64x128xf32, #tpu.memory_space<vmem>>
    %dma_start3A_68 = arith.constant 0 : i32
    %dma_start3A_69 = tpu.memref_slice %arg6[%dma_start3A, %dma_start3A_68] : memref<40x128xi32, #tpu.memory_space<vmem>> -> memref<1x64xi32, #tpu.memory_space<vmem>>
    %dma_start3A_70 = tpu.memref_squeeze %dma_start3A_69 : memref<1x64xi32, #tpu.memory_space<vmem>> -> memref<64xi32, #tpu.memory_space<vmem>>
    %dma_start3A_71 = arith.constant 0 : i32
    %dma_start3A_72 = arith.constant 0 : i32
    %dma_start3A_73 = tpu.memref_slice %arg2[%dma_start3A_71, %dma_start3A_72] : memref<10000x128xf32, #tpu.memory_space<hbm>> -> memref<10000x128xf32, #tpu.memory_space<hbm>>
    tpu.enqueue_indirect_dma source(%dma_start3A_73 : memref<10000x128xf32, #tpu.memory_space<hbm>>) target(%dma_start3A_67 : memref<64x128xf32, #tpu.memory_space<vmem>>) offsets(%dma_start3A_70 : memref<64xi32, #tpu.memory_space<vmem>>) semaphore(%arg10 : memref<!tpu.dma_semaphore, #tpu.memory_space<semaphore_mem>>)
    %dma_start3A_74 = arith.constant 0 : i32
    %dma_start3A_75 = arith.constant 1 : i32
    %dma_start3A_76 = arith.constant 0 : i32
    %dma_start3A_77 = arith.constant 0 : i32
    %dma_start3A_78 = tpu.memref_slice %arg8[%dma_start3A_75, %dma_start3A_76, %dma_start3A_77] : memref<4x64x128xf32, #tpu.memory_space<vmem>> -> memref<1x64x128xf32, #tpu.memory_space<vmem>>
    %dma_start3A_79 = tpu.memref_squeeze %dma_start3A_78 : memref<1x64x128xf32, #tpu.memory_space<vmem>> -> memref<64x128xf32, #tpu.memory_space<vmem>>
    %dma_start3A_80 = arith.constant 64 : i32
    %dma_start3A_81 = tpu.memref_slice %arg6[%dma_start3A_74, %dma_start3A_80] : memref<40x128xi32, #tpu.memory_space<vmem>> -> memref<1x64xi32, #tpu.memory_space<vmem>>
    %dma_start3A_82 = tpu.memref_squeeze %dma_start3A_81 : memref<1x64xi32, #tpu.memory_space<vmem>> -> memref<64xi32, #tpu.memory_space<vmem>>
    %dma_start3A_83 = arith.constant 0 : i32
    %dma_start3A_84 = arith.constant 0 : i32
    %dma_start3A_85 = tpu.memref_slice %arg2[%dma_start3A_83, %dma_start3A_84] : memref<10000x128xf32, #tpu.memory_space<hbm>> -> memref<10000x128xf32, #tpu.memory_space<hbm>>
    tpu.enqueue_indirect_dma source(%dma_start3A_85 : memref<10000x128xf32, #tpu.memory_space<hbm>>) target(%dma_start3A_79 : memref<64x128xf32, #tpu.memory_space<vmem>>) offsets(%dma_start3A_82 : memref<64xi32, #tpu.memory_space<vmem>>) semaphore(%arg11 : memref<!tpu.dma_semaphore, #tpu.memory_space<semaphore_mem>>)
    %dma_start3A_86 = arith.constant 1 : i32
    %dma_start3A_87 = arith.constant 2 : i32
    %dma_start3A_88 = arith.constant 0 : i32
    %dma_start3A_89 = arith.constant 0 : i32
    %dma_start3A_90 = tpu.memref_slice %arg8[%dma_start3A_87, %dma_start3A_88, %dma_start3A_89] : memref<4x64x128xf32, #tpu.memory_space<vmem>> -> memref<1x64x128xf32, #tpu.memory_space<vmem>>
    %dma_start3A_91 = tpu.memref_squeeze %dma_start3A_90 : memref<1x64x128xf32, #tpu.memory_space<vmem>> -> memref<64x128xf32, #tpu.memory_space<vmem>>
    %dma_start3A_92 = arith.constant 0 : i32
    %dma_start3A_93 = tpu.memref_slice %arg6[%dma_start3A_86, %dma_start3A_92] : memref<40x128xi32, #tpu.memory_space<vmem>> -> memref<1x64xi32, #tpu.memory_space<vmem>>
    %dma_start3A_94 = tpu.memref_squeeze %dma_start3A_93 : memref<1x64xi32, #tpu.memory_space<vmem>> -> memref<64xi32, #tpu.memory_space<vmem>>
    %dma_start3A_95 = arith.constant 0 : i32
    %dma_start3A_96 = arith.constant 0 : i32
    %dma_start3A_97 = tpu.memref_slice %arg2[%dma_start3A_95, %dma_start3A_96] : memref<10000x128xf32, #tpu.memory_space<hbm>> -> memref<10000x128xf32, #tpu.memory_space<hbm>>
    tpu.enqueue_indirect_dma source(%dma_start3A_97 : memref<10000x128xf32, #tpu.memory_space<hbm>>) target(%dma_start3A_91 : memref<64x128xf32, #tpu.memory_space<vmem>>) offsets(%dma_start3A_94 : memref<64xi32, #tpu.memory_space<vmem>>) semaphore(%arg12 : memref<!tpu.dma_semaphore, #tpu.memory_space<semaphore_mem>>)
    %dma_wait3A = arith.constant 0 : i32
    %dma_wait3A_98 = arith.constant 0 : i32
    %dma_wait3A_99 = arith.constant 0 : i32
    %dma_wait3A_100 = arith.constant 0 : i32
    %dma_wait3A_101 = tpu.memref_slice %arg8[%dma_wait3A_98, %dma_wait3A_99, %dma_wait3A_100] : memref<4x64x128xf32, #tpu.memory_space<vmem>> -> memref<1x64x128xf32, #tpu.memory_space<vmem>>
    %dma_wait3A_102 = tpu.memref_squeeze %dma_wait3A_101 : memref<1x64x128xf32, #tpu.memory_space<vmem>> -> memref<64x128xf32, #tpu.memory_space<vmem>>
    %dma_wait3A_103 = arith.constant 0 : i32
    %dma_wait3A_104 = tpu.memref_slice %arg6[%dma_wait3A, %dma_wait3A_103] : memref<40x128xi32, #tpu.memory_space<vmem>> -> memref<1x64xi32, #tpu.memory_space<vmem>>
    %dma_wait3A_105 = tpu.memref_squeeze %dma_wait3A_104 : memref<1x64xi32, #tpu.memory_space<vmem>> -> memref<64xi32, #tpu.memory_space<vmem>>
    %dma_wait3A_106 = arith.constant 0 : i32
    %dma_wait3A_107 = arith.constant 0 : i32
    %dma_wait3A_108 = tpu.memref_slice %arg2[%dma_wait3A_106, %dma_wait3A_107] : memref<10000x128xf32, #tpu.memory_space<hbm>> -> memref<10000x128xf32, #tpu.memory_space<hbm>>
    tpu.wait_indirect_dma semaphore(%arg10 : memref<!tpu.dma_semaphore, #tpu.memory_space<semaphore_mem>>) src(%dma_wait3A_108 : memref<10000x128xf32, #tpu.memory_space<hbm>>) dst(%dma_wait3A_102 : memref<64x128xf32, #tpu.memory_space<vmem>>)
    %dma_start3A_109 = arith.constant 0 : i32
    %dma_start3A_110 = arith.constant 0 : i32
    %dma_start3A_111 = arith.constant 0 : i32
    %dma_start3A_112 = arith.constant 0 : i32
    %dma_start3A_113 = tpu.memref_slice %arg8[%dma_start3A_109, %dma_start3A_111, %dma_start3A_112] : memref<4x64x128xf32, #tpu.memory_space<vmem>> -> memref<1x64x128xf32, #tpu.memory_space<vmem>>
    %dma_start3A_114 = tpu.memref_squeeze %dma_start3A_113 : memref<1x64x128xf32, #tpu.memory_space<vmem>> -> memref<64x128xf32, #tpu.memory_space<vmem>>
    %dma_start3A_115 = arith.constant 0 : i32
    %dma_start3A_116 = tpu.memref_slice %arg7[%dma_start3A_110, %dma_start3A_115] : memref<40x128xi32, #tpu.memory_space<vmem>> -> memref<1x64xi32, #tpu.memory_space<vmem>>
    %dma_start3A_117 = tpu.memref_squeeze %dma_start3A_116 : memref<1x64xi32, #tpu.memory_space<vmem>> -> memref<64xi32, #tpu.memory_space<vmem>>
    %dma_start3A_118 = arith.constant 0 : i32
    %dma_start3A_119 = arith.constant 0 : i32
    %dma_start3A_120 = tpu.memref_slice %arg9[%dma_start3A_118, %dma_start3A_119] : memref<10240x128xf32, #tpu.memory_space<vmem_shared>> -> memref<10240x128xf32, #tpu.memory_space<vmem_shared>>
    tpu.enqueue_indirect_dma source(%dma_start3A_114 : memref<64x128xf32, #tpu.memory_space<vmem>>) target(%dma_start3A_120 : memref<10240x128xf32, #tpu.memory_space<vmem_shared>>) offsets(%dma_start3A_117 : memref<64xi32, #tpu.memory_space<vmem>>) semaphore(%arg14 : memref<!tpu.dma_semaphore, #tpu.memory_space<semaphore_mem>>) {add = true}
    %dma_start3A_121 = arith.constant 1 : i32
    %dma_start3A_122 = arith.constant 3 : i32
    %dma_start3A_123 = arith.constant 0 : i32
    %dma_start3A_124 = arith.constant 0 : i32
    %dma_start3A_125 = tpu.memref_slice %arg8[%dma_start3A_122, %dma_start3A_123, %dma_start3A_124] : memref<4x64x128xf32, #tpu.memory_space<vmem>> -> memref<1x64x128xf32, #tpu.memory_space<vmem>>
    %dma_start3A_126 = tpu.memref_squeeze %dma_start3A_125 : memref<1x64x128xf32, #tpu.memory_space<vmem>> -> memref<64x128xf32, #tpu.memory_space<vmem>>
    %dma_start3A_127 = arith.constant 64 : i32
    %dma_start3A_128 = tpu.memref_slice %arg6[%dma_start3A_121, %dma_start3A_127] : memref<40x128xi32, #tpu.memory_space<vmem>> -> memref<1x64xi32, #tpu.memory_space<vmem>>
    %dma_start3A_129 = tpu.memref_squeeze %dma_start3A_128 : memref<1x64xi32, #tpu.memory_space<vmem>> -> memref<64xi32, #tpu.memory_space<vmem>>
    %dma_start3A_130 = arith.constant 0 : i32
    %dma_start3A_131 = arith.constant 0 : i32
    %dma_start3A_132 = tpu.memref_slice %arg2[%dma_start3A_130, %dma_start3A_131] : memref<10000x128xf32, #tpu.memory_space<hbm>> -> memref<10000x128xf32, #tpu.memory_space<hbm>>
    tpu.enqueue_indirect_dma source(%dma_start3A_132 : memref<10000x128xf32, #tpu.memory_space<hbm>>) target(%dma_start3A_126 : memref<64x128xf32, #tpu.memory_space<vmem>>) offsets(%dma_start3A_129 : memref<64xi32, #tpu.memory_space<vmem>>) semaphore(%arg13 : memref<!tpu.dma_semaphore, #tpu.memory_space<semaphore_mem>>)
    %dma_wait3A_133 = arith.constant 0 : i32
    %dma_wait3A_134 = arith.constant 1 : i32
    %dma_wait3A_135 = arith.constant 0 : i32
    %dma_wait3A_136 = arith.constant 0 : i32
    %dma_wait3A_137 = tpu.memref_slice %arg8[%dma_wait3A_134, %dma_wait3A_135, %dma_wait3A_136] : memref<4x64x128xf32, #tpu.memory_space<vmem>> -> memref<1x64x128xf32, #tpu.memory_space<vmem>>
    %dma_wait3A_138 = tpu.memref_squeeze %dma_wait3A_137 : memref<1x64x128xf32, #tpu.memory_space<vmem>> -> memref<64x128xf32, #tpu.memory_space<vmem>>
    %dma_wait3A_139 = arith.constant 64 : i32
    %dma_wait3A_140 = tpu.memref_slice %arg6[%dma_wait3A_133, %dma_wait3A_139] : memref<40x128xi32, #tpu.memory_space<vmem>> -> memref<1x64xi32, #tpu.memory_space<vmem>>
    %dma_wait3A_141 = tpu.memref_squeeze %dma_wait3A_140 : memref<1x64xi32, #tpu.memory_space<vmem>> -> memref<64xi32, #tpu.memory_space<vmem>>
    %dma_wait3A_142 = arith.constant 0 : i32
    %dma_wait3A_143 = arith.constant 0 : i32
    %dma_wait3A_144 = tpu.memref_slice %arg2[%dma_wait3A_142, %dma_wait3A_143] : memref<10000x128xf32, #tpu.memory_space<hbm>> -> memref<10000x128xf32, #tpu.memory_space<hbm>>
    tpu.wait_indirect_dma semaphore(%arg11 : memref<!tpu.dma_semaphore, #tpu.memory_space<semaphore_mem>>) src(%dma_wait3A_144 : memref<10000x128xf32, #tpu.memory_space<hbm>>) dst(%dma_wait3A_138 : memref<64x128xf32, #tpu.memory_space<vmem>>)
    %dma_start3A_145 = arith.constant 1 : i32
    %dma_start3A_146 = arith.constant 0 : i32
    %dma_start3A_147 = arith.constant 0 : i32
    %dma_start3A_148 = arith.constant 0 : i32
    %dma_start3A_149 = tpu.memref_slice %arg8[%dma_start3A_145, %dma_start3A_147, %dma_start3A_148] : memref<4x64x128xf32, #tpu.memory_space<vmem>> -> memref<1x64x128xf32, #tpu.memory_space<vmem>>
    %dma_start3A_150 = tpu.memref_squeeze %dma_start3A_149 : memref<1x64x128xf32, #tpu.memory_space<vmem>> -> memref<64x128xf32, #tpu.memory_space<vmem>>
    %dma_start3A_151 = arith.constant 64 : i32
    %dma_start3A_152 = tpu.memref_slice %arg7[%dma_start3A_146, %dma_start3A_151] : memref<40x128xi32, #tpu.memory_space<vmem>> -> memref<1x64xi32, #tpu.memory_space<vmem>>
    %dma_start3A_153 = tpu.memref_squeeze %dma_start3A_152 : memref<1x64xi32, #tpu.memory_space<vmem>> -> memref<64xi32, #tpu.memory_space<vmem>>
    %dma_start3A_154 = arith.constant 0 : i32
    %dma_start3A_155 = arith.constant 0 : i32
    %dma_start3A_156 = tpu.memref_slice %arg9[%dma_start3A_154, %dma_start3A_155] : memref<10240x128xf32, #tpu.memory_space<vmem_shared>> -> memref<10240x128xf32, #tpu.memory_space<vmem_shared>>
    tpu.enqueue_indirect_dma source(%dma_start3A_150 : memref<64x128xf32, #tpu.memory_space<vmem>>) target(%dma_start3A_156 : memref<10240x128xf32, #tpu.memory_space<vmem_shared>>) offsets(%dma_start3A_153 : memref<64xi32, #tpu.memory_space<vmem>>) semaphore(%arg15 : memref<!tpu.dma_semaphore, #tpu.memory_space<semaphore_mem>>) {add = true}
    %dma_wait3A_157 = arith.constant 0 : i32
    %dma_wait3A_158 = arith.constant 0 : i32
    %dma_wait3A_159 = arith.constant 0 : i32
    %dma_wait3A_160 = arith.constant 0 : i32
    %dma_wait3A_161 = tpu.memref_slice %arg8[%dma_wait3A_157, %dma_wait3A_159, %dma_wait3A_160] : memref<4x64x128xf32, #tpu.memory_space<vmem>> -> memref<1x64x128xf32, #tpu.memory_space<vmem>>
    %dma_wait3A_162 = tpu.memref_squeeze %dma_wait3A_161 : memref<1x64x128xf32, #tpu.memory_space<vmem>> -> memref<64x128xf32, #tpu.memory_space<vmem>>
    %dma_wait3A_163 = arith.constant 0 : i32
    %dma_wait3A_164 = tpu.memref_slice %arg7[%dma_wait3A_158, %dma_wait3A_163] : memref<40x128xi32, #tpu.memory_space<vmem>> -> memref<1x64xi32, #tpu.memory_space<vmem>>
    %dma_wait3A_165 = tpu.memref_squeeze %dma_wait3A_164 : memref<1x64xi32, #tpu.memory_space<vmem>> -> memref<64xi32, #tpu.memory_space<vmem>>
    %dma_wait3A_166 = arith.constant 0 : i32
    %dma_wait3A_167 = arith.constant 0 : i32
    %dma_wait3A_168 = tpu.memref_slice %arg9[%dma_wait3A_166, %dma_wait3A_167] : memref<10240x128xf32, #tpu.memory_space<vmem_shared>> -> memref<10240x128xf32, #tpu.memory_space<vmem_shared>>
    tpu.wait_indirect_dma semaphore(%arg14 : memref<!tpu.dma_semaphore, #tpu.memory_space<semaphore_mem>>) src(%dma_wait3A_162 : memref<64x128xf32, #tpu.memory_space<vmem>>) dst(%dma_wait3A_168 : memref<10240x128xf32, #tpu.memory_space<vmem_shared>>)
    %dma_start3A_169 = arith.constant 2 : i32
    %dma_start3A_170 = arith.constant 0 : i32
    %dma_start3A_171 = arith.constant 0 : i32
    %dma_start3A_172 = arith.constant 0 : i32
    %dma_start3A_173 = tpu.memref_slice %arg8[%dma_start3A_170, %dma_start3A_171, %dma_start3A_172] : memref<4x64x128xf32, #tpu.memory_space<vmem>> -> memref<1x64x128xf32, #tpu.memory_space<vmem>>
    %dma_start3A_174 = tpu.memref_squeeze %dma_start3A_173 : memref<1x64x128xf32, #tpu.memory_space<vmem>> -> memref<64x128xf32, #tpu.memory_space<vmem>>
    %dma_start3A_175 = arith.constant 0 : i32
    %dma_start3A_176 = tpu.memref_slice %arg6[%dma_start3A_169, %dma_start3A_175] : memref<40x128xi32, #tpu.memory_space<vmem>> -> memref<1x64xi32, #tpu.memory_space<vmem>>
    %dma_start3A_177 = tpu.memref_squeeze %dma_start3A_176 : memref<1x64xi32, #tpu.memory_space<vmem>> -> memref<64xi32, #tpu.memory_space<vmem>>
    %dma_start3A_178 = arith.constant 0 : i32
    %dma_start3A_179 = arith.constant 0 : i32
    %dma_start3A_180 = tpu.memref_slice %arg2[%dma_start3A_178, %dma_start3A_179] : memref<10000x128xf32, #tpu.memory_space<hbm>> -> memref<10000x128xf32, #tpu.memory_space<hbm>>
    tpu.enqueue_indirect_dma source(%dma_start3A_180 : memref<10000x128xf32, #tpu.memory_space<hbm>>) target(%dma_start3A_174 : memref<64x128xf32, #tpu.memory_space<vmem>>) offsets(%dma_start3A_177 : memref<64xi32, #tpu.memory_space<vmem>>) semaphore(%arg10 : memref<!tpu.dma_semaphore, #tpu.memory_space<semaphore_mem>>)
    %dma_wait3A_181 = arith.constant 1 : i32
    %dma_wait3A_182 = arith.constant 2 : i32
    %dma_wait3A_183 = arith.constant 0 : i32
    %dma_wait3A_184 = arith.constant 0 : i32
    %dma_wait3A_185 = tpu.memref_slice %arg8[%dma_wait3A_182, %dma_wait3A_183, %dma_wait3A_184] : memref<4x64x128xf32, #tpu.memory_space<vmem>> -> memref<1x64x128xf32, #tpu.memory_space<vmem>>
    %dma_wait3A_186 = tpu.memref_squeeze %dma_wait3A_185 : memref<1x64x128xf32, #tpu.memory_space<vmem>> -> memref<64x128xf32, #tpu.memory_space<vmem>>
    %dma_wait3A_187 = arith.constant 0 : i32
    %dma_wait3A_188 = tpu.memref_slice %arg6[%dma_wait3A_181, %dma_wait3A_187] : memref<40x128xi32, #tpu.memory_space<vmem>> -> memref<1x64xi32, #tpu.memory_space<vmem>>
    %dma_wait3A_189 = tpu.memref_squeeze %dma_wait3A_188 : memref<1x64xi32, #tpu.memory_space<vmem>> -> memref<64xi32, #tpu.memory_space<vmem>>
    %dma_wait3A_190 = arith.constant 0 : i32
    %dma_wait3A_191 = arith.constant 0 : i32
    %dma_wait3A_192 = tpu.memref_slice %arg2[%dma_wait3A_190, %dma_wait3A_191] : memref<10000x128xf32, #tpu.memory_space<hbm>> -> memref<10000x128xf32, #tpu.memory_space<hbm>>
    tpu.wait_indirect_dma semaphore(%arg12 : memref<!tpu.dma_semaphore, #tpu.memory_space<semaphore_mem>>) src(%dma_wait3A_192 : memref<10000x128xf32, #tpu.memory_space<hbm>>) dst(%dma_wait3A_186 : memref<64x128xf32, #tpu.memory_space<vmem>>)
    %dma_start3A_193 = arith.constant 2 : i32
    %dma_start3A_194 = arith.constant 1 : i32
    %dma_start3A_195 = arith.constant 0 : i32
    %dma_start3A_196 = arith.constant 0 : i32
    %dma_start3A_197 = tpu.memref_slice %arg8[%dma_start3A_193, %dma_start3A_195, %dma_start3A_196] : memref<4x64x128xf32, #tpu.memory_space<vmem>> -> memref<1x64x128xf32, #tpu.memory_space<vmem>>
    %dma_start3A_198 = tpu.memref_squeeze %dma_start3A_197 : memref<1x64x128xf32, #tpu.memory_space<vmem>> -> memref<64x128xf32, #tpu.memory_space<vmem>>
    %dma_start3A_199 = arith.constant 0 : i32
    %dma_start3A_200 = tpu.memref_slice %arg7[%dma_start3A_194, %dma_start3A_199] : memref<40x128xi32, #tpu.memory_space<vmem>> -> memref<1x64xi32, #tpu.memory_space<vmem>>
    %dma_start3A_201 = tpu.memref_squeeze %dma_start3A_200 : memref<1x64xi32, #tpu.memory_space<vmem>> -> memref<64xi32, #tpu.memory_space<vmem>>
    %dma_start3A_202 = arith.constant 0 : i32
    %dma_start3A_203 = arith.constant 0 : i32
    %dma_start3A_204 = tpu.memref_slice %arg9[%dma_start3A_202, %dma_start3A_203] : memref<10240x128xf32, #tpu.memory_space<vmem_shared>> -> memref<10240x128xf32, #tpu.memory_space<vmem_shared>>
    tpu.enqueue_indirect_dma source(%dma_start3A_198 : memref<64x128xf32, #tpu.memory_space<vmem>>) target(%dma_start3A_204 : memref<10240x128xf32, #tpu.memory_space<vmem_shared>>) offsets(%dma_start3A_201 : memref<64xi32, #tpu.memory_space<vmem>>) semaphore(%arg16 : memref<!tpu.dma_semaphore, #tpu.memory_space<semaphore_mem>>) {add = true}
    %dma_wait3A_205 = arith.constant 1 : i32
    %dma_wait3A_206 = arith.constant 0 : i32
    %dma_wait3A_207 = arith.constant 0 : i32
    %dma_wait3A_208 = arith.constant 0 : i32
    %dma_wait3A_209 = tpu.memref_slice %arg8[%dma_wait3A_205, %dma_wait3A_207, %dma_wait3A_208] : memref<4x64x128xf32, #tpu.memory_space<vmem>> -> memref<1x64x128xf32, #tpu.memory_space<vmem>>
    %dma_wait3A_210 = tpu.memref_squeeze %dma_wait3A_209 : memref<1x64x128xf32, #tpu.memory_space<vmem>> -> memref<64x128xf32, #tpu.memory_space<vmem>>
    %dma_wait3A_211 = arith.constant 64 : i32
    %dma_wait3A_212 = tpu.memref_slice %arg7[%dma_wait3A_206, %dma_wait3A_211] : memref<40x128xi32, #tpu.memory_space<vmem>> -> memref<1x64xi32, #tpu.memory_space<vmem>>
    %dma_wait3A_213 = tpu.memref_squeeze %dma_wait3A_212 : memref<1x64xi32, #tpu.memory_space<vmem>> -> memref<64xi32, #tpu.memory_space<vmem>>
    %dma_wait3A_214 = arith.constant 0 : i32
    %dma_wait3A_215 = arith.constant 0 : i32
    %dma_wait3A_216 = tpu.memref_slice %arg9[%dma_wait3A_214, %dma_wait3A_215] : memref<10240x128xf32, #tpu.memory_space<vmem_shared>> -> memref<10240x128xf32, #tpu.memory_space<vmem_shared>>
    tpu.wait_indirect_dma semaphore(%arg15 : memref<!tpu.dma_semaphore, #tpu.memory_space<semaphore_mem>>) src(%dma_wait3A_210 : memref<64x128xf32, #tpu.memory_space<vmem>>) dst(%dma_wait3A_216 : memref<10240x128xf32, #tpu.memory_space<vmem_shared>>)
    %dma_start3A_217 = arith.constant 2 : i32
    %dma_start3A_218 = arith.constant 1 : i32
    %dma_start3A_219 = arith.constant 0 : i32
    %dma_start3A_220 = arith.constant 0 : i32
    %dma_start3A_221 = tpu.memref_slice %arg8[%dma_start3A_218, %dma_start3A_219, %dma_start3A_220] : memref<4x64x128xf32, #tpu.memory_space<vmem>> -> memref<1x64x128xf32, #tpu.memory_space<vmem>>
    %dma_start3A_222 = tpu.memref_squeeze %dma_start3A_221 : memref<1x64x128xf32, #tpu.memory_space<vmem>> -> memref<64x128xf32, #tpu.memory_space<vmem>>
    %dma_start3A_223 = arith.constant 64 : i32
    %dma_start3A_224 = tpu.memref_slice %arg6[%dma_start3A_217, %dma_start3A_223] : memref<40x128xi32, #tpu.memory_space<vmem>> -> memref<1x64xi32, #tpu.memory_space<vmem>>
    %dma_start3A_225 = tpu.memref_squeeze %dma_start3A_224 : memref<1x64xi32, #tpu.memory_space<vmem>> -> memref<64xi32, #tpu.memory_space<vmem>>
    %dma_start3A_226 = arith.constant 0 : i32
    %dma_start3A_227 = arith.constant 0 : i32
    %dma_start3A_228 = tpu.memref_slice %arg2[%dma_start3A_226, %dma_start3A_227] : memref<10000x128xf32, #tpu.memory_space<hbm>> -> memref<10000x128xf32, #tpu.memory_space<hbm>>
    tpu.enqueue_indirect_dma source(%dma_start3A_228 : memref<10000x128xf32, #tpu.memory_space<hbm>>) target(%dma_start3A_222 : memref<64x128xf32, #tpu.memory_space<vmem>>) offsets(%dma_start3A_225 : memref<64xi32, #tpu.memory_space<vmem>>) semaphore(%arg11 : memref<!tpu.dma_semaphore, #tpu.memory_space<semaphore_mem>>)
    %scan3A_229 = arith.constant 0 : i32
    %scan3A_230 = arith.constant 0 : i32
    %scan3A_231 = arith.constant 18 : i32
    %scan3A_232 = arith.addi %scan3A_230, %scan3A_231 : i32
    %scan3A_233 = arith.constant 1 : i32
    scf.for %scan3A_856 = %scan3A_230 to %scan3A_232 step %scan3A_233  : i32 {
      %mul3A_857 = arith.constant 2 : i32
      %mul3A_858 = arith.muli %mul3A_857, %scan3A_856 : i32
      %add3A_859 = arith.constant 1 : i32
      %add3A_860 = arith.addi %mul3A_858, %add3A_859 : i32
      %add3A_861 = arith.constant 0 : i32
      %add3A_862 = arith.addi %add3A_860, %add3A_861 : i32
      %mul3A_863 = arith.constant 2 : i32
      %mul3A_864 = arith.muli %mul3A_863, %scan3A_856 : i32
      %add3A_865 = arith.constant 1 : i32
      %add3A_866 = arith.addi %mul3A_864, %add3A_865 : i32
      %add3A_867 = arith.constant 0 : i32
      %add3A_868 = arith.addi %add3A_866, %add3A_867 : i32
      %mul3A_869 = arith.constant 2 : i32
      %mul3A_870 = arith.muli %mul3A_869, %scan3A_856 : i32
      %add3A_871 = arith.constant 3 : i32
      %add3A_872 = arith.addi %mul3A_870, %add3A_871 : i32
      %add3A_873 = arith.constant 0 : i32
      %add3A_874 = arith.addi %add3A_872, %add3A_873 : i32
      %dma_wait3A_875 = arith.constant 3 : i32
      %dma_wait3A_876 = arith.constant 0 : i32
      %dma_wait3A_877 = arith.constant 0 : i32
      %dma_wait3A_878 = tpu.memref_slice %arg8[%dma_wait3A_875, %dma_wait3A_876, %dma_wait3A_877] : memref<4x64x128xf32, #tpu.memory_space<vmem>> -> memref<1x64x128xf32, #tpu.memory_space<vmem>>
      %dma_wait3A_879 = tpu.memref_squeeze %dma_wait3A_878 : memref<1x64x128xf32, #tpu.memory_space<vmem>> -> memref<64x128xf32, #tpu.memory_space<vmem>>
      %dma_wait3A_880 = arith.constant 64 : i32
      %dma_wait3A_881 = tpu.memref_slice %arg6[%add3A_862, %dma_wait3A_880] : memref<40x128xi32, #tpu.memory_space<vmem>> -> memref<1x64xi32, #tpu.memory_space<vmem>>
      %dma_wait3A_882 = tpu.memref_squeeze %dma_wait3A_881 : memref<1x64xi32, #tpu.memory_space<vmem>> -> memref<64xi32, #tpu.memory_space<vmem>>
      %dma_wait3A_883 = arith.constant 0 : i32
      %dma_wait3A_884 = arith.constant 0 : i32
      %dma_wait3A_885 = tpu.memref_slice %arg2[%dma_wait3A_883, %dma_wait3A_884] : memref<10000x128xf32, #tpu.memory_space<hbm>> -> memref<10000x128xf32, #tpu.memory_space<hbm>>
      tpu.wait_indirect_dma semaphore(%arg13 : memref<!tpu.dma_semaphore, #tpu.memory_space<semaphore_mem>>) src(%dma_wait3A_885 : memref<10000x128xf32, #tpu.memory_space<hbm>>) dst(%dma_wait3A_879 : memref<64x128xf32, #tpu.memory_space<vmem>>)
      %dma_start3A_886 = arith.constant 3 : i32
      %dma_start3A_887 = arith.constant 0 : i32
      %dma_start3A_888 = arith.constant 0 : i32
      %dma_start3A_889 = tpu.memref_slice %arg8[%dma_start3A_886, %dma_start3A_887, %dma_start3A_888] : memref<4x64x128xf32, #tpu.memory_space<vmem>> -> memref<1x64x128xf32, #tpu.memory_space<vmem>>
      %dma_start3A_890 = tpu.memref_squeeze %dma_start3A_889 : memref<1x64x128xf32, #tpu.memory_space<vmem>> -> memref<64x128xf32, #tpu.memory_space<vmem>>
      %dma_start3A_891 = arith.constant 64 : i32
      %dma_start3A_892 = tpu.memref_slice %arg7[%add3A_862, %dma_start3A_891] : memref<40x128xi32, #tpu.memory_space<vmem>> -> memref<1x64xi32, #tpu.memory_space<vmem>>
      %dma_start3A_893 = tpu.memref_squeeze %dma_start3A_892 : memref<1x64xi32, #tpu.memory_space<vmem>> -> memref<64xi32, #tpu.memory_space<vmem>>
      %dma_start3A_894 = arith.constant 0 : i32
      %dma_start3A_895 = arith.constant 0 : i32
      %dma_start3A_896 = tpu.memref_slice %arg9[%dma_start3A_894, %dma_start3A_895] : memref<10240x128xf32, #tpu.memory_space<vmem_shared>> -> memref<10240x128xf32, #tpu.memory_space<vmem_shared>>
      tpu.enqueue_indirect_dma source(%dma_start3A_890 : memref<64x128xf32, #tpu.memory_space<vmem>>) target(%dma_start3A_896 : memref<10240x128xf32, #tpu.memory_space<vmem_shared>>) offsets(%dma_start3A_893 : memref<64xi32, #tpu.memory_space<vmem>>) semaphore(%arg17 : memref<!tpu.dma_semaphore, #tpu.memory_space<semaphore_mem>>) {add = true}
      %dma_wait3A_897 = arith.constant 2 : i32
      %dma_wait3A_898 = arith.constant 0 : i32
      %dma_wait3A_899 = arith.constant 0 : i32
      %dma_wait3A_900 = tpu.memref_slice %arg8[%dma_wait3A_897, %dma_wait3A_898, %dma_wait3A_899] : memref<4x64x128xf32, #tpu.memory_space<vmem>> -> memref<1x64x128xf32, #tpu.memory_space<vmem>>
      %dma_wait3A_901 = tpu.memref_squeeze %dma_wait3A_900 : memref<1x64x128xf32, #tpu.memory_space<vmem>> -> memref<64x128xf32, #tpu.memory_space<vmem>>
      %dma_wait3A_902 = arith.constant 0 : i32
      %dma_wait3A_903 = tpu.memref_slice %arg7[%add3A_868, %dma_wait3A_902] : memref<40x128xi32, #tpu.memory_space<vmem>> -> memref<1x64xi32, #tpu.memory_space<vmem>>
      %dma_wait3A_904 = tpu.memref_squeeze %dma_wait3A_903 : memref<1x64xi32, #tpu.memory_space<vmem>> -> memref<64xi32, #tpu.memory_space<vmem>>
      %dma_wait3A_905 = arith.constant 0 : i32
      %dma_wait3A_906 = arith.constant 0 : i32
      %dma_wait3A_907 = tpu.memref_slice %arg9[%dma_wait3A_905, %dma_wait3A_906] : memref<10240x128xf32, #tpu.memory_space<vmem_shared>> -> memref<10240x128xf32, #tpu.memory_space<vmem_shared>>
      tpu.wait_indirect_dma semaphore(%arg16 : memref<!tpu.dma_semaphore, #tpu.memory_space<semaphore_mem>>) src(%dma_wait3A_901 : memref<64x128xf32, #tpu.memory_space<vmem>>) dst(%dma_wait3A_907 : memref<10240x128xf32, #tpu.memory_space<vmem_shared>>)
      %dma_start3A_908 = arith.constant 2 : i32
      %dma_start3A_909 = arith.constant 0 : i32
      %dma_start3A_910 = arith.constant 0 : i32
      %dma_start3A_911 = tpu.memref_slice %arg8[%dma_start3A_908, %dma_start3A_909, %dma_start3A_910] : memref<4x64x128xf32, #tpu.memory_space<vmem>> -> memref<1x64x128xf32, #tpu.memory_space<vmem>>
      %dma_start3A_912 = tpu.memref_squeeze %dma_start3A_911 : memref<1x64x128xf32, #tpu.memory_space<vmem>> -> memref<64x128xf32, #tpu.memory_space<vmem>>
      %dma_start3A_913 = arith.constant 0 : i32
      %dma_start3A_914 = tpu.memref_slice %arg6[%add3A_874, %dma_start3A_913] : memref<40x128xi32, #tpu.memory_space<vmem>> -> memref<1x64xi32, #tpu.memory_space<vmem>>
      %dma_start3A_915 = tpu.memref_squeeze %dma_start3A_914 : memref<1x64xi32, #tpu.memory_space<vmem>> -> memref<64xi32, #tpu.memory_space<vmem>>
      %dma_start3A_916 = arith.constant 0 : i32
      %dma_start3A_917 = arith.constant 0 : i32
      %dma_start3A_918 = tpu.memref_slice %arg2[%dma_start3A_916, %dma_start3A_917] : memref<10000x128xf32, #tpu.memory_space<hbm>> -> memref<10000x128xf32, #tpu.memory_space<hbm>>
      tpu.enqueue_indirect_dma source(%dma_start3A_918 : memref<10000x128xf32, #tpu.memory_space<hbm>>) target(%dma_start3A_912 : memref<64x128xf32, #tpu.memory_space<vmem>>) offsets(%dma_start3A_915 : memref<64xi32, #tpu.memory_space<vmem>>) semaphore(%arg12 : memref<!tpu.dma_semaphore, #tpu.memory_space<semaphore_mem>>)
      %mul3A_919 = arith.constant 2 : i32
      %mul3A_920 = arith.muli %mul3A_919, %scan3A_856 : i32
      %add3A_921 = arith.constant 1 : i32
      %add3A_922 = arith.addi %mul3A_920, %add3A_921 : i32
      %add3A_923 = arith.constant 1 : i32
      %add3A_924 = arith.addi %add3A_922, %add3A_923 : i32
      %mul3A_925 = arith.constant 2 : i32
      %mul3A_926 = arith.muli %mul3A_925, %scan3A_856 : i32
      %add3A_927 = arith.constant 1 : i32
      %add3A_928 = arith.addi %mul3A_926, %add3A_927 : i32
      %add3A_929 = arith.constant 0 : i32
      %add3A_930 = arith.addi %add3A_928, %add3A_929 : i32
      %mul3A_931 = arith.constant 2 : i32
      %mul3A_932 = arith.muli %mul3A_931, %scan3A_856 : i32
      %add3A_933 = arith.constant 3 : i32
      %add3A_934 = arith.addi %mul3A_932, %add3A_933 : i32
      %add3A_935 = arith.constant 0 : i32
      %add3A_936 = arith.addi %add3A_934, %add3A_935 : i32
      %dma_wait3A_937 = arith.constant 0 : i32
      %dma_wait3A_938 = arith.constant 0 : i32
      %dma_wait3A_939 = arith.constant 0 : i32
      %dma_wait3A_940 = tpu.memref_slice %arg8[%dma_wait3A_937, %dma_wait3A_938, %dma_wait3A_939] : memref<4x64x128xf32, #tpu.memory_space<vmem>> -> memref<1x64x128xf32, #tpu.memory_space<vmem>>
      %dma_wait3A_941 = tpu.memref_squeeze %dma_wait3A_940 : memref<1x64x128xf32, #tpu.memory_space<vmem>> -> memref<64x128xf32, #tpu.memory_space<vmem>>
      %dma_wait3A_942 = arith.constant 0 : i32
      %dma_wait3A_943 = tpu.memref_slice %arg6[%add3A_924, %dma_wait3A_942] : memref<40x128xi32, #tpu.memory_space<vmem>> -> memref<1x64xi32, #tpu.memory_space<vmem>>
      %dma_wait3A_944 = tpu.memref_squeeze %dma_wait3A_943 : memref<1x64xi32, #tpu.memory_space<vmem>> -> memref<64xi32, #tpu.memory_space<vmem>>
      %dma_wait3A_945 = arith.constant 0 : i32
      %dma_wait3A_946 = arith.constant 0 : i32
      %dma_wait3A_947 = tpu.memref_slice %arg2[%dma_wait3A_945, %dma_wait3A_946] : memref<10000x128xf32, #tpu.memory_space<hbm>> -> memref<10000x128xf32, #tpu.memory_space<hbm>>
      tpu.wait_indirect_dma semaphore(%arg10 : memref<!tpu.dma_semaphore, #tpu.memory_space<semaphore_mem>>) src(%dma_wait3A_947 : memref<10000x128xf32, #tpu.memory_space<hbm>>) dst(%dma_wait3A_941 : memref<64x128xf32, #tpu.memory_space<vmem>>)
      %dma_start3A_948 = arith.constant 0 : i32
      %dma_start3A_949 = arith.constant 0 : i32
      %dma_start3A_950 = arith.constant 0 : i32
      %dma_start3A_951 = tpu.memref_slice %arg8[%dma_start3A_948, %dma_start3A_949, %dma_start3A_950] : memref<4x64x128xf32, #tpu.memory_space<vmem>> -> memref<1x64x128xf32, #tpu.memory_space<vmem>>
      %dma_start3A_952 = tpu.memref_squeeze %dma_start3A_951 : memref<1x64x128xf32, #tpu.memory_space<vmem>> -> memref<64x128xf32, #tpu.memory_space<vmem>>
      %dma_start3A_953 = arith.constant 0 : i32
      %dma_start3A_954 = tpu.memref_slice %arg7[%add3A_924, %dma_start3A_953] : memref<40x128xi32, #tpu.memory_space<vmem>> -> memref<1x64xi32, #tpu.memory_space<vmem>>
      %dma_start3A_955 = tpu.memref_squeeze %dma_start3A_954 : memref<1x64xi32, #tpu.memory_space<vmem>> -> memref<64xi32, #tpu.memory_space<vmem>>
      %dma_start3A_956 = arith.constant 0 : i32
      %dma_start3A_957 = arith.constant 0 : i32
      %dma_start3A_958 = tpu.memref_slice %arg9[%dma_start3A_956, %dma_start3A_957] : memref<10240x128xf32, #tpu.memory_space<vmem_shared>> -> memref<10240x128xf32, #tpu.memory_space<vmem_shared>>
      tpu.enqueue_indirect_dma source(%dma_start3A_952 : memref<64x128xf32, #tpu.memory_space<vmem>>) target(%dma_start3A_958 : memref<10240x128xf32, #tpu.memory_space<vmem_shared>>) offsets(%dma_start3A_955 : memref<64xi32, #tpu.memory_space<vmem>>) semaphore(%arg14 : memref<!tpu.dma_semaphore, #tpu.memory_space<semaphore_mem>>) {add = true}
      %dma_wait3A_959 = arith.constant 3 : i32
      %dma_wait3A_960 = arith.constant 0 : i32
      %dma_wait3A_961 = arith.constant 0 : i32
      %dma_wait3A_962 = tpu.memref_slice %arg8[%dma_wait3A_959, %dma_wait3A_960, %dma_wait3A_961] : memref<4x64x128xf32, #tpu.memory_space<vmem>> -> memref<1x64x128xf32, #tpu.memory_space<vmem>>
      %dma_wait3A_963 = tpu.memref_squeeze %dma_wait3A_962 : memref<1x64x128xf32, #tpu.memory_space<vmem>> -> memref<64x128xf32, #tpu.memory_space<vmem>>
      %dma_wait3A_964 = arith.constant 64 : i32
      %dma_wait3A_965 = tpu.memref_slice %arg7[%add3A_930, %dma_wait3A_964] : memref<40x128xi32, #tpu.memory_space<vmem>> -> memref<1x64xi32, #tpu.memory_space<vmem>>
      %dma_wait3A_966 = tpu.memref_squeeze %dma_wait3A_965 : memref<1x64xi32, #tpu.memory_space<vmem>> -> memref<64xi32, #tpu.memory_space<vmem>>
      %dma_wait3A_967 = arith.constant 0 : i32
      %dma_wait3A_968 = arith.constant 0 : i32
      %dma_wait3A_969 = tpu.memref_slice %arg9[%dma_wait3A_967, %dma_wait3A_968] : memref<10240x128xf32, #tpu.memory_space<vmem_shared>> -> memref<10240x128xf32, #tpu.memory_space<vmem_shared>>
      tpu.wait_indirect_dma semaphore(%arg17 : memref<!tpu.dma_semaphore, #tpu.memory_space<semaphore_mem>>) src(%dma_wait3A_963 : memref<64x128xf32, #tpu.memory_space<vmem>>) dst(%dma_wait3A_969 : memref<10240x128xf32, #tpu.memory_space<vmem_shared>>)
      %dma_start3A_970 = arith.constant 3 : i32
      %dma_start3A_971 = arith.constant 0 : i32
      %dma_start3A_972 = arith.constant 0 : i32
      %dma_start3A_973 = tpu.memref_slice %arg8[%dma_start3A_970, %dma_start3A_971, %dma_start3A_972] : memref<4x64x128xf32, #tpu.memory_space<vmem>> -> memref<1x64x128xf32, #tpu.memory_space<vmem>>
      %dma_start3A_974 = tpu.memref_squeeze %dma_start3A_973 : memref<1x64x128xf32, #tpu.memory_space<vmem>> -> memref<64x128xf32, #tpu.memory_space<vmem>>
      %dma_start3A_975 = arith.constant 64 : i32
      %dma_start3A_976 = tpu.memref_slice %arg6[%add3A_936, %dma_start3A_975] : memref<40x128xi32, #tpu.memory_space<vmem>> -> memref<1x64xi32, #tpu.memory_space<vmem>>
      %dma_start3A_977 = tpu.memref_squeeze %dma_start3A_976 : memref<1x64xi32, #tpu.memory_space<vmem>> -> memref<64xi32, #tpu.memory_space<vmem>>
      %dma_start3A_978 = arith.constant 0 : i32
      %dma_start3A_979 = arith.constant 0 : i32
      %dma_start3A_980 = tpu.memref_slice %arg2[%dma_start3A_978, %dma_start3A_979] : memref<10000x128xf32, #tpu.memory_space<hbm>> -> memref<10000x128xf32, #tpu.memory_space<hbm>>
      tpu.enqueue_indirect_dma source(%dma_start3A_980 : memref<10000x128xf32, #tpu.memory_space<hbm>>) target(%dma_start3A_974 : memref<64x128xf32, #tpu.memory_space<vmem>>) offsets(%dma_start3A_977 : memref<64xi32, #tpu.memory_space<vmem>>) semaphore(%arg13 : memref<!tpu.dma_semaphore, #tpu.memory_space<semaphore_mem>>)
      %mul3A_981 = arith.constant 2 : i32
      %mul3A_982 = arith.muli %mul3A_981, %scan3A_856 : i32
      %add3A_983 = arith.constant 1 : i32
      %add3A_984 = arith.addi %mul3A_982, %add3A_983 : i32
      %add3A_985 = arith.constant 1 : i32
      %add3A_986 = arith.addi %add3A_984, %add3A_985 : i32
      %mul3A_987 = arith.constant 2 : i32
      %mul3A_988 = arith.muli %mul3A_987, %scan3A_856 : i32
      %add3A_989 = arith.constant 1 : i32
      %add3A_990 = arith.addi %mul3A_988, %add3A_989 : i32
      %add3A_991 = arith.constant 1 : i32
      %add3A_992 = arith.addi %add3A_990, %add3A_991 : i32
      %mul3A_993 = arith.constant 2 : i32
      %mul3A_994 = arith.muli %mul3A_993, %scan3A_856 : i32
      %add3A_995 = arith.constant 3 : i32
      %add3A_996 = arith.addi %mul3A_994, %add3A_995 : i32
      %add3A_997 = arith.constant 1 : i32
      %add3A_998 = arith.addi %add3A_996, %add3A_997 : i32
      %dma_wait3A_999 = arith.constant 1 : i32
      %dma_wait3A_1000 = arith.constant 0 : i32
      %dma_wait3A_1001 = arith.constant 0 : i32
      %dma_wait3A_1002 = tpu.memref_slice %arg8[%dma_wait3A_999, %dma_wait3A_1000, %dma_wait3A_1001] : memref<4x64x128xf32, #tpu.memory_space<vmem>> -> memref<1x64x128xf32, #tpu.memory_space<vmem>>
      %dma_wait3A_1003 = tpu.memref_squeeze %dma_wait3A_1002 : memref<1x64x128xf32, #tpu.memory_space<vmem>> -> memref<64x128xf32, #tpu.memory_space<vmem>>
      %dma_wait3A_1004 = arith.constant 64 : i32
      %dma_wait3A_1005 = tpu.memref_slice %arg6[%add3A_986, %dma_wait3A_1004] : memref<40x128xi32, #tpu.memory_space<vmem>> -> memref<1x64xi32, #tpu.memory_space<vmem>>
      %dma_wait3A_1006 = tpu.memref_squeeze %dma_wait3A_1005 : memref<1x64xi32, #tpu.memory_space<vmem>> -> memref<64xi32, #tpu.memory_space<vmem>>
      %dma_wait3A_1007 = arith.constant 0 : i32
      %dma_wait3A_1008 = arith.constant 0 : i32
      %dma_wait3A_1009 = tpu.memref_slice %arg2[%dma_wait3A_1007, %dma_wait3A_1008] : memref<10000x128xf32, #tpu.memory_space<hbm>> -> memref<10000x128xf32, #tpu.memory_space<hbm>>
      tpu.wait_indirect_dma semaphore(%arg11 : memref<!tpu.dma_semaphore, #tpu.memory_space<semaphore_mem>>) src(%dma_wait3A_1009 : memref<10000x128xf32, #tpu.memory_space<hbm>>) dst(%dma_wait3A_1003 : memref<64x128xf32, #tpu.memory_space<vmem>>)
      %dma_start3A_1010 = arith.constant 1 : i32
      %dma_start3A_1011 = arith.constant 0 : i32
      %dma_start3A_1012 = arith.constant 0 : i32
      %dma_start3A_1013 = tpu.memref_slice %arg8[%dma_start3A_1010, %dma_start3A_1011, %dma_start3A_1012] : memref<4x64x128xf32, #tpu.memory_space<vmem>> -> memref<1x64x128xf32, #tpu.memory_space<vmem>>
      %dma_start3A_1014 = tpu.memref_squeeze %dma_start3A_1013 : memref<1x64x128xf32, #tpu.memory_space<vmem>> -> memref<64x128xf32, #tpu.memory_space<vmem>>
      %dma_start3A_1015 = arith.constant 64 : i32
      %dma_start3A_1016 = tpu.memref_slice %arg7[%add3A_986, %dma_start3A_1015] : memref<40x128xi32, #tpu.memory_space<vmem>> -> memref<1x64xi32, #tpu.memory_space<vmem>>
      %dma_start3A_1017 = tpu.memref_squeeze %dma_start3A_1016 : memref<1x64xi32, #tpu.memory_space<vmem>> -> memref<64xi32, #tpu.memory_space<vmem>>
      %dma_start3A_1018 = arith.constant 0 : i32
      %dma_start3A_1019 = arith.constant 0 : i32
      %dma_start3A_1020 = tpu.memref_slice %arg9[%dma_start3A_1018, %dma_start3A_1019] : memref<10240x128xf32, #tpu.memory_space<vmem_shared>> -> memref<10240x128xf32, #tpu.memory_space<vmem_shared>>
      tpu.enqueue_indirect_dma source(%dma_start3A_1014 : memref<64x128xf32, #tpu.memory_space<vmem>>) target(%dma_start3A_1020 : memref<10240x128xf32, #tpu.memory_space<vmem_shared>>) offsets(%dma_start3A_1017 : memref<64xi32, #tpu.memory_space<vmem>>) semaphore(%arg15 : memref<!tpu.dma_semaphore, #tpu.memory_space<semaphore_mem>>) {add = true}
      %dma_wait3A_1021 = arith.constant 0 : i32
      %dma_wait3A_1022 = arith.constant 0 : i32
      %dma_wait3A_1023 = arith.constant 0 : i32
      %dma_wait3A_1024 = tpu.memref_slice %arg8[%dma_wait3A_1021, %dma_wait3A_1022, %dma_wait3A_1023] : memref<4x64x128xf32, #tpu.memory_space<vmem>> -> memref<1x64x128xf32, #tpu.memory_space<vmem>>
      %dma_wait3A_1025 = tpu.memref_squeeze %dma_wait3A_1024 : memref<1x64x128xf32, #tpu.memory_space<vmem>> -> memref<64x128xf32, #tpu.memory_space<vmem>>
      %dma_wait3A_1026 = arith.constant 0 : i32
      %dma_wait3A_1027 = tpu.memref_slice %arg7[%add3A_992, %dma_wait3A_1026] : memref<40x128xi32, #tpu.memory_space<vmem>> -> memref<1x64xi32, #tpu.memory_space<vmem>>
      %dma_wait3A_1028 = tpu.memref_squeeze %dma_wait3A_1027 : memref<1x64xi32, #tpu.memory_space<vmem>> -> memref<64xi32, #tpu.memory_space<vmem>>
      %dma_wait3A_1029 = arith.constant 0 : i32
      %dma_wait3A_1030 = arith.constant 0 : i32
      %dma_wait3A_1031 = tpu.memref_slice %arg9[%dma_wait3A_1029, %dma_wait3A_1030] : memref<10240x128xf32, #tpu.memory_space<vmem_shared>> -> memref<10240x128xf32, #tpu.memory_space<vmem_shared>>
      tpu.wait_indirect_dma semaphore(%arg14 : memref<!tpu.dma_semaphore, #tpu.memory_space<semaphore_mem>>) src(%dma_wait3A_1025 : memref<64x128xf32, #tpu.memory_space<vmem>>) dst(%dma_wait3A_1031 : memref<10240x128xf32, #tpu.memory_space<vmem_shared>>)
      %dma_start3A_1032 = arith.constant 0 : i32
      %dma_start3A_1033 = arith.constant 0 : i32
      %dma_start3A_1034 = arith.constant 0 : i32
      %dma_start3A_1035 = tpu.memref_slice %arg8[%dma_start3A_1032, %dma_start3A_1033, %dma_start3A_1034] : memref<4x64x128xf32, #tpu.memory_space<vmem>> -> memref<1x64x128xf32, #tpu.memory_space<vmem>>
      %dma_start3A_1036 = tpu.memref_squeeze %dma_start3A_1035 : memref<1x64x128xf32, #tpu.memory_space<vmem>> -> memref<64x128xf32, #tpu.memory_space<vmem>>
      %dma_start3A_1037 = arith.constant 0 : i32
      %dma_start3A_1038 = tpu.memref_slice %arg6[%add3A_998, %dma_start3A_1037] : memref<40x128xi32, #tpu.memory_space<vmem>> -> memref<1x64xi32, #tpu.memory_space<vmem>>
      %dma_start3A_1039 = tpu.memref_squeeze %dma_start3A_1038 : memref<1x64xi32, #tpu.memory_space<vmem>> -> memref<64xi32, #tpu.memory_space<vmem>>
      %dma_start3A_1040 = arith.constant 0 : i32
      %dma_start3A_1041 = arith.constant 0 : i32
      %dma_start3A_1042 = tpu.memref_slice %arg2[%dma_start3A_1040, %dma_start3A_1041] : memref<10000x128xf32, #tpu.memory_space<hbm>> -> memref<10000x128xf32, #tpu.memory_space<hbm>>
      tpu.enqueue_indirect_dma source(%dma_start3A_1042 : memref<10000x128xf32, #tpu.memory_space<hbm>>) target(%dma_start3A_1036 : memref<64x128xf32, #tpu.memory_space<vmem>>) offsets(%dma_start3A_1039 : memref<64xi32, #tpu.memory_space<vmem>>) semaphore(%arg10 : memref<!tpu.dma_semaphore, #tpu.memory_space<semaphore_mem>>)
      %mul3A_1043 = arith.constant 2 : i32
      %mul3A_1044 = arith.muli %mul3A_1043, %scan3A_856 : i32
      %add3A_1045 = arith.constant 1 : i32
      %add3A_1046 = arith.addi %mul3A_1044, %add3A_1045 : i32
      %add3A_1047 = arith.constant 2 : i32
      %add3A_1048 = arith.addi %add3A_1046, %add3A_1047 : i32
      %mul3A_1049 = arith.constant 2 : i32
      %mul3A_1050 = arith.muli %mul3A_1049, %scan3A_856 : i32
      %add3A_1051 = arith.constant 1 : i32
      %add3A_1052 = arith.addi %mul3A_1050, %add3A_1051 : i32
      %add3A_1053 = arith.constant 1 : i32
      %add3A_1054 = arith.addi %add3A_1052, %add3A_1053 : i32
      %mul3A_1055 = arith.constant 2 : i32
      %mul3A_1056 = arith.muli %mul3A_1055, %scan3A_856 : i32
      %add3A_1057 = arith.constant 3 : i32
      %add3A_1058 = arith.addi %mul3A_1056, %add3A_1057 : i32
      %add3A_1059 = arith.constant 1 : i32
      %add3A_1060 = arith.addi %add3A_1058, %add3A_1059 : i32
      %dma_wait3A_1061 = arith.constant 2 : i32
      %dma_wait3A_1062 = arith.constant 0 : i32
      %dma_wait3A_1063 = arith.constant 0 : i32
      %dma_wait3A_1064 = tpu.memref_slice %arg8[%dma_wait3A_1061, %dma_wait3A_1062, %dma_wait3A_1063] : memref<4x64x128xf32, #tpu.memory_space<vmem>> -> memref<1x64x128xf32, #tpu.memory_space<vmem>>
      %dma_wait3A_1065 = tpu.memref_squeeze %dma_wait3A_1064 : memref<1x64x128xf32, #tpu.memory_space<vmem>> -> memref<64x128xf32, #tpu.memory_space<vmem>>
      %dma_wait3A_1066 = arith.constant 0 : i32
      %dma_wait3A_1067 = tpu.memref_slice %arg6[%add3A_1048, %dma_wait3A_1066] : memref<40x128xi32, #tpu.memory_space<vmem>> -> memref<1x64xi32, #tpu.memory_space<vmem>>
      %dma_wait3A_1068 = tpu.memref_squeeze %dma_wait3A_1067 : memref<1x64xi32, #tpu.memory_space<vmem>> -> memref<64xi32, #tpu.memory_space<vmem>>
      %dma_wait3A_1069 = arith.constant 0 : i32
      %dma_wait3A_1070 = arith.constant 0 : i32
      %dma_wait3A_1071 = tpu.memref_slice %arg2[%dma_wait3A_1069, %dma_wait3A_1070] : memref<10000x128xf32, #tpu.memory_space<hbm>> -> memref<10000x128xf32, #tpu.memory_space<hbm>>
      tpu.wait_indirect_dma semaphore(%arg12 : memref<!tpu.dma_semaphore, #tpu.memory_space<semaphore_mem>>) src(%dma_wait3A_1071 : memref<10000x128xf32, #tpu.memory_space<hbm>>) dst(%dma_wait3A_1065 : memref<64x128xf32, #tpu.memory_space<vmem>>)
      %dma_start3A_1072 = arith.constant 2 : i32
      %dma_start3A_1073 = arith.constant 0 : i32
      %dma_start3A_1074 = arith.constant 0 : i32
      %dma_start3A_1075 = tpu.memref_slice %arg8[%dma_start3A_1072, %dma_start3A_1073, %dma_start3A_1074] : memref<4x64x128xf32, #tpu.memory_space<vmem>> -> memref<1x64x128xf32, #tpu.memory_space<vmem>>
      %dma_start3A_1076 = tpu.memref_squeeze %dma_start3A_1075 : memref<1x64x128xf32, #tpu.memory_space<vmem>> -> memref<64x128xf32, #tpu.memory_space<vmem>>
      %dma_start3A_1077 = arith.constant 0 : i32
      %dma_start3A_1078 = tpu.memref_slice %arg7[%add3A_1048, %dma_start3A_1077] : memref<40x128xi32, #tpu.memory_space<vmem>> -> memref<1x64xi32, #tpu.memory_space<vmem>>
      %dma_start3A_1079 = tpu.memref_squeeze %dma_start3A_1078 : memref<1x64xi32, #tpu.memory_space<vmem>> -> memref<64xi32, #tpu.memory_space<vmem>>
      %dma_start3A_1080 = arith.constant 0 : i32
      %dma_start3A_1081 = arith.constant 0 : i32
      %dma_start3A_1082 = tpu.memref_slice %arg9[%dma_start3A_1080, %dma_start3A_1081] : memref<10240x128xf32, #tpu.memory_space<vmem_shared>> -> memref<10240x128xf32, #tpu.memory_space<vmem_shared>>
      tpu.enqueue_indirect_dma source(%dma_start3A_1076 : memref<64x128xf32, #tpu.memory_space<vmem>>) target(%dma_start3A_1082 : memref<10240x128xf32, #tpu.memory_space<vmem_shared>>) offsets(%dma_start3A_1079 : memref<64xi32, #tpu.memory_space<vmem>>) semaphore(%arg16 : memref<!tpu.dma_semaphore, #tpu.memory_space<semaphore_mem>>) {add = true}
      %dma_wait3A_1083 = arith.constant 1 : i32
      %dma_wait3A_1084 = arith.constant 0 : i32
      %dma_wait3A_1085 = arith.constant 0 : i32
      %dma_wait3A_1086 = tpu.memref_slice %arg8[%dma_wait3A_1083, %dma_wait3A_1084, %dma_wait3A_1085] : memref<4x64x128xf32, #tpu.memory_space<vmem>> -> memref<1x64x128xf32, #tpu.memory_space<vmem>>
      %dma_wait3A_1087 = tpu.memref_squeeze %dma_wait3A_1086 : memref<1x64x128xf32, #tpu.memory_space<vmem>> -> memref<64x128xf32, #tpu.memory_space<vmem>>
      %dma_wait3A_1088 = arith.constant 64 : i32
      %dma_wait3A_1089 = tpu.memref_slice %arg7[%add3A_1054, %dma_wait3A_1088] : memref<40x128xi32, #tpu.memory_space<vmem>> -> memref<1x64xi32, #tpu.memory_space<vmem>>
      %dma_wait3A_1090 = tpu.memref_squeeze %dma_wait3A_1089 : memref<1x64xi32, #tpu.memory_space<vmem>> -> memref<64xi32, #tpu.memory_space<vmem>>
      %dma_wait3A_1091 = arith.constant 0 : i32
      %dma_wait3A_1092 = arith.constant 0 : i32
      %dma_wait3A_1093 = tpu.memref_slice %arg9[%dma_wait3A_1091, %dma_wait3A_1092] : memref<10240x128xf32, #tpu.memory_space<vmem_shared>> -> memref<10240x128xf32, #tpu.memory_space<vmem_shared>>
      tpu.wait_indirect_dma semaphore(%arg15 : memref<!tpu.dma_semaphore, #tpu.memory_space<semaphore_mem>>) src(%dma_wait3A_1087 : memref<64x128xf32, #tpu.memory_space<vmem>>) dst(%dma_wait3A_1093 : memref<10240x128xf32, #tpu.memory_space<vmem_shared>>)
      %dma_start3A_1094 = arith.constant 1 : i32
      %dma_start3A_1095 = arith.constant 0 : i32
      %dma_start3A_1096 = arith.constant 0 : i32
      %dma_start3A_1097 = tpu.memref_slice %arg8[%dma_start3A_1094, %dma_start3A_1095, %dma_start3A_1096] : memref<4x64x128xf32, #tpu.memory_space<vmem>> -> memref<1x64x128xf32, #tpu.memory_space<vmem>>
      %dma_start3A_1098 = tpu.memref_squeeze %dma_start3A_1097 : memref<1x64x128xf32, #tpu.memory_space<vmem>> -> memref<64x128xf32, #tpu.memory_space<vmem>>
      %dma_start3A_1099 = arith.constant 64 : i32
      %dma_start3A_1100 = tpu.memref_slice %arg6[%add3A_1060, %dma_start3A_1099] : memref<40x128xi32, #tpu.memory_space<vmem>> -> memref<1x64xi32, #tpu.memory_space<vmem>>
      %dma_start3A_1101 = tpu.memref_squeeze %dma_start3A_1100 : memref<1x64xi32, #tpu.memory_space<vmem>> -> memref<64xi32, #tpu.memory_space<vmem>>
      %dma_start3A_1102 = arith.constant 0 : i32
      %dma_start3A_1103 = arith.constant 0 : i32
      %dma_start3A_1104 = tpu.memref_slice %arg2[%dma_start3A_1102, %dma_start3A_1103] : memref<10000x128xf32, #tpu.memory_space<hbm>> -> memref<10000x128xf32, #tpu.memory_space<hbm>>
      tpu.enqueue_indirect_dma source(%dma_start3A_1104 : memref<10000x128xf32, #tpu.memory_space<hbm>>) target(%dma_start3A_1098 : memref<64x128xf32, #tpu.memory_space<vmem>>) offsets(%dma_start3A_1101 : memref<64xi32, #tpu.memory_space<vmem>>) semaphore(%arg11 : memref<!tpu.dma_semaphore, #tpu.memory_space<semaphore_mem>>)
    }
    %scan3A_234 = arith.constant 18 : i32
    %dma_wait3A_235 = arith.constant 37 : i32
    %dma_wait3A_236 = arith.constant 3 : i32
    %dma_wait3A_237 = arith.constant 0 : i32
    %dma_wait3A_238 = arith.constant 0 : i32
    %dma_wait3A_239 = tpu.memref_slice %arg8[%dma_wait3A_236, %dma_wait3A_237, %dma_wait3A_238] : memref<4x64x128xf32, #tpu.memory_space<vmem>> -> memref<1x64x128xf32, #tpu.memory_space<vmem>>
    %dma_wait3A_240 = tpu.memref_squeeze %dma_wait3A_239 : memref<1x64x128xf32, #tpu.memory_space<vmem>> -> memref<64x128xf32, #tpu.memory_space<vmem>>
    %dma_wait3A_241 = arith.constant 64 : i32
    %dma_wait3A_242 = tpu.memref_slice %arg6[%dma_wait3A_235, %dma_wait3A_241] : memref<40x128xi32, #tpu.memory_space<vmem>> -> memref<1x64xi32, #tpu.memory_space<vmem>>
    %dma_wait3A_243 = tpu.memref_squeeze %dma_wait3A_242 : memref<1x64xi32, #tpu.memory_space<vmem>> -> memref<64xi32, #tpu.memory_space<vmem>>
    %dma_wait3A_244 = arith.constant 0 : i32
    %dma_wait3A_245 = arith.constant 0 : i32
    %dma_wait3A_246 = tpu.memref_slice %arg2[%dma_wait3A_244, %dma_wait3A_245] : memref<10000x128xf32, #tpu.memory_space<hbm>> -> memref<10000x128xf32, #tpu.memory_space<hbm>>
    tpu.wait_indirect_dma semaphore(%arg13 : memref<!tpu.dma_semaphore, #tpu.memory_space<semaphore_mem>>) src(%dma_wait3A_246 : memref<10000x128xf32, #tpu.memory_space<hbm>>) dst(%dma_wait3A_240 : memref<64x128xf32, #tpu.memory_space<vmem>>)
    %dma_start3A_247 = arith.constant 3 : i32
    %dma_start3A_248 = arith.constant 37 : i32
    %dma_start3A_249 = arith.constant 0 : i32
    %dma_start3A_250 = arith.constant 0 : i32
    %dma_start3A_251 = tpu.memref_slice %arg8[%dma_start3A_247, %dma_start3A_249, %dma_start3A_250] : memref<4x64x128xf32, #tpu.memory_space<vmem>> -> memref<1x64x128xf32, #tpu.memory_space<vmem>>
    %dma_start3A_252 = tpu.memref_squeeze %dma_start3A_251 : memref<1x64x128xf32, #tpu.memory_space<vmem>> -> memref<64x128xf32, #tpu.memory_space<vmem>>
    %dma_start3A_253 = arith.constant 64 : i32
    %dma_start3A_254 = tpu.memref_slice %arg7[%dma_start3A_248, %dma_start3A_253] : memref<40x128xi32, #tpu.memory_space<vmem>> -> memref<1x64xi32, #tpu.memory_space<vmem>>
    %dma_start3A_255 = tpu.memref_squeeze %dma_start3A_254 : memref<1x64xi32, #tpu.memory_space<vmem>> -> memref<64xi32, #tpu.memory_space<vmem>>
    %dma_start3A_256 = arith.constant 0 : i32
    %dma_start3A_257 = arith.constant 0 : i32
    %dma_start3A_258 = tpu.memref_slice %arg9[%dma_start3A_256, %dma_start3A_257] : memref<10240x128xf32, #tpu.memory_space<vmem_shared>> -> memref<10240x128xf32, #tpu.memory_space<vmem_shared>>
    tpu.enqueue_indirect_dma source(%dma_start3A_252 : memref<64x128xf32, #tpu.memory_space<vmem>>) target(%dma_start3A_258 : memref<10240x128xf32, #tpu.memory_space<vmem_shared>>) offsets(%dma_start3A_255 : memref<64xi32, #tpu.memory_space<vmem>>) semaphore(%arg17 : memref<!tpu.dma_semaphore, #tpu.memory_space<semaphore_mem>>) {add = true}
    %dma_wait3A_259 = arith.constant 2 : i32
    %dma_wait3A_260 = arith.constant 37 : i32
    %dma_wait3A_261 = arith.constant 0 : i32
    %dma_wait3A_262 = arith.constant 0 : i32
    %dma_wait3A_263 = tpu.memref_slice %arg8[%dma_wait3A_259, %dma_wait3A_261, %dma_wait3A_262] : memref<4x64x128xf32, #tpu.memory_space<vmem>> -> memref<1x64x128xf32, #tpu.memory_space<vmem>>
    %dma_wait3A_264 = tpu.memref_squeeze %dma_wait3A_263 : memref<1x64x128xf32, #tpu.memory_space<vmem>> -> memref<64x128xf32, #tpu.memory_space<vmem>>
    %dma_wait3A_265 = arith.constant 0 : i32
    %dma_wait3A_266 = tpu.memref_slice %arg7[%dma_wait3A_260, %dma_wait3A_265] : memref<40x128xi32, #tpu.memory_space<vmem>> -> memref<1x64xi32, #tpu.memory_space<vmem>>
    %dma_wait3A_267 = tpu.memref_squeeze %dma_wait3A_266 : memref<1x64xi32, #tpu.memory_space<vmem>> -> memref<64xi32, #tpu.memory_space<vmem>>
    %dma_wait3A_268 = arith.constant 0 : i32
    %dma_wait3A_269 = arith.constant 0 : i32
    %dma_wait3A_270 = tpu.memref_slice %arg9[%dma_wait3A_268, %dma_wait3A_269] : memref<10240x128xf32, #tpu.memory_space<vmem_shared>> -> memref<10240x128xf32, #tpu.memory_space<vmem_shared>>
    tpu.wait_indirect_dma semaphore(%arg16 : memref<!tpu.dma_semaphore, #tpu.memory_space<semaphore_mem>>) src(%dma_wait3A_264 : memref<64x128xf32, #tpu.memory_space<vmem>>) dst(%dma_wait3A_270 : memref<10240x128xf32, #tpu.memory_space<vmem_shared>>)
    %dma_start3A_271 = arith.constant 39 : i32
    %dma_start3A_272 = arith.constant 2 : i32
    %dma_start3A_273 = arith.constant 0 : i32
    %dma_start3A_274 = arith.constant 0 : i32
    %dma_start3A_275 = tpu.memref_slice %arg8[%dma_start3A_272, %dma_start3A_273, %dma_start3A_274] : memref<4x64x128xf32, #tpu.memory_space<vmem>> -> memref<1x64x128xf32, #tpu.memory_space<vmem>>
    %dma_start3A_276 = tpu.memref_squeeze %dma_start3A_275 : memref<1x64x128xf32, #tpu.memory_space<vmem>> -> memref<64x128xf32, #tpu.memory_space<vmem>>
    %dma_start3A_277 = arith.constant 0 : i32
    %dma_start3A_278 = tpu.memref_slice %arg6[%dma_start3A_271, %dma_start3A_277] : memref<40x128xi32, #tpu.memory_space<vmem>> -> memref<1x64xi32, #tpu.memory_space<vmem>>
    %dma_start3A_279 = tpu.memref_squeeze %dma_start3A_278 : memref<1x64xi32, #tpu.memory_space<vmem>> -> memref<64xi32, #tpu.memory_space<vmem>>
    %dma_start3A_280 = arith.constant 0 : i32
    %dma_start3A_281 = arith.constant 0 : i32
    %dma_start3A_282 = tpu.memref_slice %arg2[%dma_start3A_280, %dma_start3A_281] : memref<10000x128xf32, #tpu.memory_space<hbm>> -> memref<10000x128xf32, #tpu.memory_space<hbm>>
    tpu.enqueue_indirect_dma source(%dma_start3A_282 : memref<10000x128xf32, #tpu.memory_space<hbm>>) target(%dma_start3A_276 : memref<64x128xf32, #tpu.memory_space<vmem>>) offsets(%dma_start3A_279 : memref<64xi32, #tpu.memory_space<vmem>>) semaphore(%arg12 : memref<!tpu.dma_semaphore, #tpu.memory_space<semaphore_mem>>)
    %dma_wait3A_283 = arith.constant 38 : i32
    %dma_wait3A_284 = arith.constant 0 : i32
    %dma_wait3A_285 = arith.constant 0 : i32
    %dma_wait3A_286 = arith.constant 0 : i32
    %dma_wait3A_287 = tpu.memref_slice %arg8[%dma_wait3A_284, %dma_wait3A_285, %dma_wait3A_286] : memref<4x64x128xf32, #tpu.memory_space<vmem>> -> memref<1x64x128xf32, #tpu.memory_space<vmem>>
    %dma_wait3A_288 = tpu.memref_squeeze %dma_wait3A_287 : memref<1x64x128xf32, #tpu.memory_space<vmem>> -> memref<64x128xf32, #tpu.memory_space<vmem>>
    %dma_wait3A_289 = arith.constant 0 : i32
    %dma_wait3A_290 = tpu.memref_slice %arg6[%dma_wait3A_283, %dma_wait3A_289] : memref<40x128xi32, #tpu.memory_space<vmem>> -> memref<1x64xi32, #tpu.memory_space<vmem>>
    %dma_wait3A_291 = tpu.memref_squeeze %dma_wait3A_290 : memref<1x64xi32, #tpu.memory_space<vmem>> -> memref<64xi32, #tpu.memory_space<vmem>>
    %dma_wait3A_292 = arith.constant 0 : i32
    %dma_wait3A_293 = arith.constant 0 : i32
    %dma_wait3A_294 = tpu.memref_slice %arg2[%dma_wait3A_292, %dma_wait3A_293] : memref<10000x128xf32, #tpu.memory_space<hbm>> -> memref<10000x128xf32, #tpu.memory_space<hbm>>
    tpu.wait_indirect_dma semaphore(%arg10 : memref<!tpu.dma_semaphore, #tpu.memory_space<semaphore_mem>>) src(%dma_wait3A_294 : memref<10000x128xf32, #tpu.memory_space<hbm>>) dst(%dma_wait3A_288 : memref<64x128xf32, #tpu.memory_space<vmem>>)
    %dma_start3A_295 = arith.constant 0 : i32
    %dma_start3A_296 = arith.constant 38 : i32
    %dma_start3A_297 = arith.constant 0 : i32
    %dma_start3A_298 = arith.constant 0 : i32
    %dma_start3A_299 = tpu.memref_slice %arg8[%dma_start3A_295, %dma_start3A_297, %dma_start3A_298] : memref<4x64x128xf32, #tpu.memory_space<vmem>> -> memref<1x64x128xf32, #tpu.memory_space<vmem>>
    %dma_start3A_300 = tpu.memref_squeeze %dma_start3A_299 : memref<1x64x128xf32, #tpu.memory_space<vmem>> -> memref<64x128xf32, #tpu.memory_space<vmem>>
    %dma_start3A_301 = arith.constant 0 : i32
    %dma_start3A_302 = tpu.memref_slice %arg7[%dma_start3A_296, %dma_start3A_301] : memref<40x128xi32, #tpu.memory_space<vmem>> -> memref<1x64xi32, #tpu.memory_space<vmem>>
    %dma_start3A_303 = tpu.memref_squeeze %dma_start3A_302 : memref<1x64xi32, #tpu.memory_space<vmem>> -> memref<64xi32, #tpu.memory_space<vmem>>
    %dma_start3A_304 = arith.constant 0 : i32
    %dma_start3A_305 = arith.constant 0 : i32
    %dma_start3A_306 = tpu.memref_slice %arg9[%dma_start3A_304, %dma_start3A_305] : memref<10240x128xf32, #tpu.memory_space<vmem_shared>> -> memref<10240x128xf32, #tpu.memory_space<vmem_shared>>
    tpu.enqueue_indirect_dma source(%dma_start3A_300 : memref<64x128xf32, #tpu.memory_space<vmem>>) target(%dma_start3A_306 : memref<10240x128xf32, #tpu.memory_space<vmem_shared>>) offsets(%dma_start3A_303 : memref<64xi32, #tpu.memory_space<vmem>>) semaphore(%arg14 : memref<!tpu.dma_semaphore, #tpu.memory_space<semaphore_mem>>) {add = true}
    %dma_wait3A_307 = arith.constant 3 : i32
    %dma_wait3A_308 = arith.constant 37 : i32
    %dma_wait3A_309 = arith.constant 0 : i32
    %dma_wait3A_310 = arith.constant 0 : i32
    %dma_wait3A_311 = tpu.memref_slice %arg8[%dma_wait3A_307, %dma_wait3A_309, %dma_wait3A_310] : memref<4x64x128xf32, #tpu.memory_space<vmem>> -> memref<1x64x128xf32, #tpu.memory_space<vmem>>
    %dma_wait3A_312 = tpu.memref_squeeze %dma_wait3A_311 : memref<1x64x128xf32, #tpu.memory_space<vmem>> -> memref<64x128xf32, #tpu.memory_space<vmem>>
    %dma_wait3A_313 = arith.constant 64 : i32
    %dma_wait3A_314 = tpu.memref_slice %arg7[%dma_wait3A_308, %dma_wait3A_313] : memref<40x128xi32, #tpu.memory_space<vmem>> -> memref<1x64xi32, #tpu.memory_space<vmem>>
    %dma_wait3A_315 = tpu.memref_squeeze %dma_wait3A_314 : memref<1x64xi32, #tpu.memory_space<vmem>> -> memref<64xi32, #tpu.memory_space<vmem>>
    %dma_wait3A_316 = arith.constant 0 : i32
    %dma_wait3A_317 = arith.constant 0 : i32
    %dma_wait3A_318 = tpu.memref_slice %arg9[%dma_wait3A_316, %dma_wait3A_317] : memref<10240x128xf32, #tpu.memory_space<vmem_shared>> -> memref<10240x128xf32, #tpu.memory_space<vmem_shared>>
    tpu.wait_indirect_dma semaphore(%arg17 : memref<!tpu.dma_semaphore, #tpu.memory_space<semaphore_mem>>) src(%dma_wait3A_312 : memref<64x128xf32, #tpu.memory_space<vmem>>) dst(%dma_wait3A_318 : memref<10240x128xf32, #tpu.memory_space<vmem_shared>>)
    %dma_start3A_319 = arith.constant 39 : i32
    %dma_start3A_320 = arith.constant 3 : i32
    %dma_start3A_321 = arith.constant 0 : i32
    %dma_start3A_322 = arith.constant 0 : i32
    %dma_start3A_323 = tpu.memref_slice %arg8[%dma_start3A_320, %dma_start3A_321, %dma_start3A_322] : memref<4x64x128xf32, #tpu.memory_space<vmem>> -> memref<1x64x128xf32, #tpu.memory_space<vmem>>
    %dma_start3A_324 = tpu.memref_squeeze %dma_start3A_323 : memref<1x64x128xf32, #tpu.memory_space<vmem>> -> memref<64x128xf32, #tpu.memory_space<vmem>>
    %dma_start3A_325 = arith.constant 64 : i32
    %dma_start3A_326 = tpu.memref_slice %arg6[%dma_start3A_319, %dma_start3A_325] : memref<40x128xi32, #tpu.memory_space<vmem>> -> memref<1x64xi32, #tpu.memory_space<vmem>>
    %dma_start3A_327 = tpu.memref_squeeze %dma_start3A_326 : memref<1x64xi32, #tpu.memory_space<vmem>> -> memref<64xi32, #tpu.memory_space<vmem>>
    %dma_start3A_328 = arith.constant 0 : i32
    %dma_start3A_329 = arith.constant 0 : i32
    %dma_start3A_330 = tpu.memref_slice %arg2[%dma_start3A_328, %dma_start3A_329] : memref<10000x128xf32, #tpu.memory_space<hbm>> -> memref<10000x128xf32, #tpu.memory_space<hbm>>
    tpu.enqueue_indirect_dma source(%dma_start3A_330 : memref<10000x128xf32, #tpu.memory_space<hbm>>) target(%dma_start3A_324 : memref<64x128xf32, #tpu.memory_space<vmem>>) offsets(%dma_start3A_327 : memref<64xi32, #tpu.memory_space<vmem>>) semaphore(%arg13 : memref<!tpu.dma_semaphore, #tpu.memory_space<semaphore_mem>>)
    %dma_wait3A_331 = arith.constant 38 : i32
    %dma_wait3A_332 = arith.constant 1 : i32
    %dma_wait3A_333 = arith.constant 0 : i32
    %dma_wait3A_334 = arith.constant 0 : i32
    %dma_wait3A_335 = tpu.memref_slice %arg8[%dma_wait3A_332, %dma_wait3A_333, %dma_wait3A_334] : memref<4x64x128xf32, #tpu.memory_space<vmem>> -> memref<1x64x128xf32, #tpu.memory_space<vmem>>
    %dma_wait3A_336 = tpu.memref_squeeze %dma_wait3A_335 : memref<1x64x128xf32, #tpu.memory_space<vmem>> -> memref<64x128xf32, #tpu.memory_space<vmem>>
    %dma_wait3A_337 = arith.constant 64 : i32
    %dma_wait3A_338 = tpu.memref_slice %arg6[%dma_wait3A_331, %dma_wait3A_337] : memref<40x128xi32, #tpu.memory_space<vmem>> -> memref<1x64xi32, #tpu.memory_space<vmem>>
    %dma_wait3A_339 = tpu.memref_squeeze %dma_wait3A_338 : memref<1x64xi32, #tpu.memory_space<vmem>> -> memref<64xi32, #tpu.memory_space<vmem>>
    %dma_wait3A_340 = arith.constant 0 : i32
    %dma_wait3A_341 = arith.constant 0 : i32
    %dma_wait3A_342 = tpu.memref_slice %arg2[%dma_wait3A_340, %dma_wait3A_341] : memref<10000x128xf32, #tpu.memory_space<hbm>> -> memref<10000x128xf32, #tpu.memory_space<hbm>>
    tpu.wait_indirect_dma semaphore(%arg11 : memref<!tpu.dma_semaphore, #tpu.memory_space<semaphore_mem>>) src(%dma_wait3A_342 : memref<10000x128xf32, #tpu.memory_space<hbm>>) dst(%dma_wait3A_336 : memref<64x128xf32, #tpu.memory_space<vmem>>)
    %dma_start3A_343 = arith.constant 1 : i32
    %dma_start3A_344 = arith.constant 38 : i32
    %dma_start3A_345 = arith.constant 0 : i32
    %dma_start3A_346 = arith.constant 0 : i32
    %dma_start3A_347 = tpu.memref_slice %arg8[%dma_start3A_343, %dma_start3A_345, %dma_start3A_346] : memref<4x64x128xf32, #tpu.memory_space<vmem>> -> memref<1x64x128xf32, #tpu.memory_space<vmem>>
    %dma_start3A_348 = tpu.memref_squeeze %dma_start3A_347 : memref<1x64x128xf32, #tpu.memory_space<vmem>> -> memref<64x128xf32, #tpu.memory_space<vmem>>
    %dma_start3A_349 = arith.constant 64 : i32
    %dma_start3A_350 = tpu.memref_slice %arg7[%dma_start3A_344, %dma_start3A_349] : memref<40x128xi32, #tpu.memory_space<vmem>> -> memref<1x64xi32, #tpu.memory_space<vmem>>
    %dma_start3A_351 = tpu.memref_squeeze %dma_start3A_350 : memref<1x64xi32, #tpu.memory_space<vmem>> -> memref<64xi32, #tpu.memory_space<vmem>>
    %dma_start3A_352 = arith.constant 0 : i32
    %dma_start3A_353 = arith.constant 0 : i32
    %dma_start3A_354 = tpu.memref_slice %arg9[%dma_start3A_352, %dma_start3A_353] : memref<10240x128xf32, #tpu.memory_space<vmem_shared>> -> memref<10240x128xf32, #tpu.memory_space<vmem_shared>>
    tpu.enqueue_indirect_dma source(%dma_start3A_348 : memref<64x128xf32, #tpu.memory_space<vmem>>) target(%dma_start3A_354 : memref<10240x128xf32, #tpu.memory_space<vmem_shared>>) offsets(%dma_start3A_351 : memref<64xi32, #tpu.memory_space<vmem>>) semaphore(%arg15 : memref<!tpu.dma_semaphore, #tpu.memory_space<semaphore_mem>>) {add = true}
    %dma_wait3A_355 = arith.constant 0 : i32
    %dma_wait3A_356 = arith.constant 38 : i32
    %dma_wait3A_357 = arith.constant 0 : i32
    %dma_wait3A_358 = arith.constant 0 : i32
    %dma_wait3A_359 = tpu.memref_slice %arg8[%dma_wait3A_355, %dma_wait3A_357, %dma_wait3A_358] : memref<4x64x128xf32, #tpu.memory_space<vmem>> -> memref<1x64x128xf32, #tpu.memory_space<vmem>>
    %dma_wait3A_360 = tpu.memref_squeeze %dma_wait3A_359 : memref<1x64x128xf32, #tpu.memory_space<vmem>> -> memref<64x128xf32, #tpu.memory_space<vmem>>
    %dma_wait3A_361 = arith.constant 0 : i32
    %dma_wait3A_362 = tpu.memref_slice %arg7[%dma_wait3A_356, %dma_wait3A_361] : memref<40x128xi32, #tpu.memory_space<vmem>> -> memref<1x64xi32, #tpu.memory_space<vmem>>
    %dma_wait3A_363 = tpu.memref_squeeze %dma_wait3A_362 : memref<1x64xi32, #tpu.memory_space<vmem>> -> memref<64xi32, #tpu.memory_space<vmem>>
    %dma_wait3A_364 = arith.constant 0 : i32
    %dma_wait3A_365 = arith.constant 0 : i32
    %dma_wait3A_366 = tpu.memref_slice %arg9[%dma_wait3A_364, %dma_wait3A_365] : memref<10240x128xf32, #tpu.memory_space<vmem_shared>> -> memref<10240x128xf32, #tpu.memory_space<vmem_shared>>
    tpu.wait_indirect_dma semaphore(%arg14 : memref<!tpu.dma_semaphore, #tpu.memory_space<semaphore_mem>>) src(%dma_wait3A_360 : memref<64x128xf32, #tpu.memory_space<vmem>>) dst(%dma_wait3A_366 : memref<10240x128xf32, #tpu.memory_space<vmem_shared>>)
    %dma_wait3A_367 = arith.constant 39 : i32
    %dma_wait3A_368 = arith.constant 2 : i32
    %dma_wait3A_369 = arith.constant 0 : i32
    %dma_wait3A_370 = arith.constant 0 : i32
    %dma_wait3A_371 = tpu.memref_slice %arg8[%dma_wait3A_368, %dma_wait3A_369, %dma_wait3A_370] : memref<4x64x128xf32, #tpu.memory_space<vmem>> -> memref<1x64x128xf32, #tpu.memory_space<vmem>>
    %dma_wait3A_372 = tpu.memref_squeeze %dma_wait3A_371 : memref<1x64x128xf32, #tpu.memory_space<vmem>> -> memref<64x128xf32, #tpu.memory_space<vmem>>
    %dma_wait3A_373 = arith.constant 0 : i32
    %dma_wait3A_374 = tpu.memref_slice %arg6[%dma_wait3A_367, %dma_wait3A_373] : memref<40x128xi32, #tpu.memory_space<vmem>> -> memref<1x64xi32, #tpu.memory_space<vmem>>
    %dma_wait3A_375 = tpu.memref_squeeze %dma_wait3A_374 : memref<1x64xi32, #tpu.memory_space<vmem>> -> memref<64xi32, #tpu.memory_space<vmem>>
    %dma_wait3A_376 = arith.constant 0 : i32
    %dma_wait3A_377 = arith.constant 0 : i32
    %dma_wait3A_378 = tpu.memref_slice %arg2[%dma_wait3A_376, %dma_wait3A_377] : memref<10000x128xf32, #tpu.memory_space<hbm>> -> memref<10000x128xf32, #tpu.memory_space<hbm>>
    tpu.wait_indirect_dma semaphore(%arg12 : memref<!tpu.dma_semaphore, #tpu.memory_space<semaphore_mem>>) src(%dma_wait3A_378 : memref<10000x128xf32, #tpu.memory_space<hbm>>) dst(%dma_wait3A_372 : memref<64x128xf32, #tpu.memory_space<vmem>>)
    %dma_start3A_379 = arith.constant 2 : i32
    %dma_start3A_380 = arith.constant 39 : i32
    %dma_start3A_381 = arith.constant 0 : i32
    %dma_start3A_382 = arith.constant 0 : i32
    %dma_start3A_383 = tpu.memref_slice %arg8[%dma_start3A_379, %dma_start3A_381, %dma_start3A_382] : memref<4x64x128xf32, #tpu.memory_space<vmem>> -> memref<1x64x128xf32, #tpu.memory_space<vmem>>
    %dma_start3A_384 = tpu.memref_squeeze %dma_start3A_383 : memref<1x64x128xf32, #tpu.memory_space<vmem>> -> memref<64x128xf32, #tpu.memory_space<vmem>>
    %dma_start3A_385 = arith.constant 0 : i32
    %dma_start3A_386 = tpu.memref_slice %arg7[%dma_start3A_380, %dma_start3A_385] : memref<40x128xi32, #tpu.memory_space<vmem>> -> memref<1x64xi32, #tpu.memory_space<vmem>>
    %dma_start3A_387 = tpu.memref_squeeze %dma_start3A_386 : memref<1x64xi32, #tpu.memory_space<vmem>> -> memref<64xi32, #tpu.memory_space<vmem>>
    %dma_start3A_388 = arith.constant 0 : i32
    %dma_start3A_389 = arith.constant 0 : i32
    %dma_start3A_390 = tpu.memref_slice %arg9[%dma_start3A_388, %dma_start3A_389] : memref<10240x128xf32, #tpu.memory_space<vmem_shared>> -> memref<10240x128xf32, #tpu.memory_space<vmem_shared>>
    tpu.enqueue_indirect_dma source(%dma_start3A_384 : memref<64x128xf32, #tpu.memory_space<vmem>>) target(%dma_start3A_390 : memref<10240x128xf32, #tpu.memory_space<vmem_shared>>) offsets(%dma_start3A_387 : memref<64xi32, #tpu.memory_space<vmem>>) semaphore(%arg16 : memref<!tpu.dma_semaphore, #tpu.memory_space<semaphore_mem>>) {add = true}
    %dma_wait3A_391 = arith.constant 1 : i32
    %dma_wait3A_392 = arith.constant 38 : i32
    %dma_wait3A_393 = arith.constant 0 : i32
    %dma_wait3A_394 = arith.constant 0 : i32
    %dma_wait3A_395 = tpu.memref_slice %arg8[%dma_wait3A_391, %dma_wait3A_393, %dma_wait3A_394] : memref<4x64x128xf32, #tpu.memory_space<vmem>> -> memref<1x64x128xf32, #tpu.memory_space<vmem>>
    %dma_wait3A_396 = tpu.memref_squeeze %dma_wait3A_395 : memref<1x64x128xf32, #tpu.memory_space<vmem>> -> memref<64x128xf32, #tpu.memory_space<vmem>>
    %dma_wait3A_397 = arith.constant 64 : i32
    %dma_wait3A_398 = tpu.memref_slice %arg7[%dma_wait3A_392, %dma_wait3A_397] : memref<40x128xi32, #tpu.memory_space<vmem>> -> memref<1x64xi32, #tpu.memory_space<vmem>>
    %dma_wait3A_399 = tpu.memref_squeeze %dma_wait3A_398 : memref<1x64xi32, #tpu.memory_space<vmem>> -> memref<64xi32, #tpu.memory_space<vmem>>
    %dma_wait3A_400 = arith.constant 0 : i32
    %dma_wait3A_401 = arith.constant 0 : i32
    %dma_wait3A_402 = tpu.memref_slice %arg9[%dma_wait3A_400, %dma_wait3A_401] : memref<10240x128xf32, #tpu.memory_space<vmem_shared>> -> memref<10240x128xf32, #tpu.memory_space<vmem_shared>>
    tpu.wait_indirect_dma semaphore(%arg15 : memref<!tpu.dma_semaphore, #tpu.memory_space<semaphore_mem>>) src(%dma_wait3A_396 : memref<64x128xf32, #tpu.memory_space<vmem>>) dst(%dma_wait3A_402 : memref<10240x128xf32, #tpu.memory_space<vmem_shared>>)
    %dma_wait3A_403 = arith.constant 39 : i32
    %dma_wait3A_404 = arith.constant 3 : i32
    %dma_wait3A_405 = arith.constant 0 : i32
    %dma_wait3A_406 = arith.constant 0 : i32
    %dma_wait3A_407 = tpu.memref_slice %arg8[%dma_wait3A_404, %dma_wait3A_405, %dma_wait3A_406] : memref<4x64x128xf32, #tpu.memory_space<vmem>> -> memref<1x64x128xf32, #tpu.memory_space<vmem>>
    %dma_wait3A_408 = tpu.memref_squeeze %dma_wait3A_407 : memref<1x64x128xf32, #tpu.memory_space<vmem>> -> memref<64x128xf32, #tpu.memory_space<vmem>>
    %dma_wait3A_409 = arith.constant 64 : i32
    %dma_wait3A_410 = tpu.memref_slice %arg6[%dma_wait3A_403, %dma_wait3A_409] : memref<40x128xi32, #tpu.memory_space<vmem>> -> memref<1x64xi32, #tpu.memory_space<vmem>>
    %dma_wait3A_411 = tpu.memref_squeeze %dma_wait3A_410 : memref<1x64xi32, #tpu.memory_space<vmem>> -> memref<64xi32, #tpu.memory_space<vmem>>
    %dma_wait3A_412 = arith.constant 0 : i32
    %dma_wait3A_413 = arith.constant 0 : i32
    %dma_wait3A_414 = tpu.memref_slice %arg2[%dma_wait3A_412, %dma_wait3A_413] : memref<10000x128xf32, #tpu.memory_space<hbm>> -> memref<10000x128xf32, #tpu.memory_space<hbm>>
    tpu.wait_indirect_dma semaphore(%arg13 : memref<!tpu.dma_semaphore, #tpu.memory_space<semaphore_mem>>) src(%dma_wait3A_414 : memref<10000x128xf32, #tpu.memory_space<hbm>>) dst(%dma_wait3A_408 : memref<64x128xf32, #tpu.memory_space<vmem>>)
    %dma_start3A_415 = arith.constant 3 : i32
    %dma_start3A_416 = arith.constant 39 : i32
    %dma_start3A_417 = arith.constant 0 : i32
    %dma_start3A_418 = arith.constant 0 : i32
    %dma_start3A_419 = tpu.memref_slice %arg8[%dma_start3A_415, %dma_start3A_417, %dma_start3A_418] : memref<4x64x128xf32, #tpu.memory_space<vmem>> -> memref<1x64x128xf32, #tpu.memory_space<vmem>>
    %dma_start3A_420 = tpu.memref_squeeze %dma_start3A_419 : memref<1x64x128xf32, #tpu.memory_space<vmem>> -> memref<64x128xf32, #tpu.memory_space<vmem>>
    %dma_start3A_421 = arith.constant 64 : i32
    %dma_start3A_422 = tpu.memref_slice %arg7[%dma_start3A_416, %dma_start3A_421] : memref<40x128xi32, #tpu.memory_space<vmem>> -> memref<1x64xi32, #tpu.memory_space<vmem>>
    %dma_start3A_423 = tpu.memref_squeeze %dma_start3A_422 : memref<1x64xi32, #tpu.memory_space<vmem>> -> memref<64xi32, #tpu.memory_space<vmem>>
    %dma_start3A_424 = arith.constant 0 : i32
    %dma_start3A_425 = arith.constant 0 : i32
    %dma_start3A_426 = tpu.memref_slice %arg9[%dma_start3A_424, %dma_start3A_425] : memref<10240x128xf32, #tpu.memory_space<vmem_shared>> -> memref<10240x128xf32, #tpu.memory_space<vmem_shared>>
    tpu.enqueue_indirect_dma source(%dma_start3A_420 : memref<64x128xf32, #tpu.memory_space<vmem>>) target(%dma_start3A_426 : memref<10240x128xf32, #tpu.memory_space<vmem_shared>>) offsets(%dma_start3A_423 : memref<64xi32, #tpu.memory_space<vmem>>) semaphore(%arg17 : memref<!tpu.dma_semaphore, #tpu.memory_space<semaphore_mem>>) {add = true}
    %dma_wait3A_427 = arith.constant 2 : i32
    %dma_wait3A_428 = arith.constant 39 : i32
    %dma_wait3A_429 = arith.constant 0 : i32
    %dma_wait3A_430 = arith.constant 0 : i32
    %dma_wait3A_431 = tpu.memref_slice %arg8[%dma_wait3A_427, %dma_wait3A_429, %dma_wait3A_430] : memref<4x64x128xf32, #tpu.memory_space<vmem>> -> memref<1x64x128xf32, #tpu.memory_space<vmem>>
    %dma_wait3A_432 = tpu.memref_squeeze %dma_wait3A_431 : memref<1x64x128xf32, #tpu.memory_space<vmem>> -> memref<64x128xf32, #tpu.memory_space<vmem>>
    %dma_wait3A_433 = arith.constant 0 : i32
    %dma_wait3A_434 = tpu.memref_slice %arg7[%dma_wait3A_428, %dma_wait3A_433] : memref<40x128xi32, #tpu.memory_space<vmem>> -> memref<1x64xi32, #tpu.memory_space<vmem>>
    %dma_wait3A_435 = tpu.memref_squeeze %dma_wait3A_434 : memref<1x64xi32, #tpu.memory_space<vmem>> -> memref<64xi32, #tpu.memory_space<vmem>>
    %dma_wait3A_436 = arith.constant 0 : i32
    %dma_wait3A_437 = arith.constant 0 : i32
    %dma_wait3A_438 = tpu.memref_slice %arg9[%dma_wait3A_436, %dma_wait3A_437] : memref<10240x128xf32, #tpu.memory_space<vmem_shared>> -> memref<10240x128xf32, #tpu.memory_space<vmem_shared>>
    tpu.wait_indirect_dma semaphore(%arg16 : memref<!tpu.dma_semaphore, #tpu.memory_space<semaphore_mem>>) src(%dma_wait3A_432 : memref<64x128xf32, #tpu.memory_space<vmem>>) dst(%dma_wait3A_438 : memref<10240x128xf32, #tpu.memory_space<vmem_shared>>)
    %dma_wait3A_439 = arith.constant 3 : i32
    %dma_wait3A_440 = arith.constant 39 : i32
    %dma_wait3A_441 = arith.constant 0 : i32
    %dma_wait3A_442 = arith.constant 0 : i32
    %dma_wait3A_443 = tpu.memref_slice %arg8[%dma_wait3A_439, %dma_wait3A_441, %dma_wait3A_442] : memref<4x64x128xf32, #tpu.memory_space<vmem>> -> memref<1x64x128xf32, #tpu.memory_space<vmem>>
    %dma_wait3A_444 = tpu.memref_squeeze %dma_wait3A_443 : memref<1x64x128xf32, #tpu.memory_space<vmem>> -> memref<64x128xf32, #tpu.memory_space<vmem>>
    %dma_wait3A_445 = arith.constant 64 : i32
    %dma_wait3A_446 = tpu.memref_slice %arg7[%dma_wait3A_440, %dma_wait3A_445] : memref<40x128xi32, #tpu.memory_space<vmem>> -> memref<1x64xi32, #tpu.memory_space<vmem>>
    %dma_wait3A_447 = tpu.memref_squeeze %dma_wait3A_446 : memref<1x64xi32, #tpu.memory_space<vmem>> -> memref<64xi32, #tpu.memory_space<vmem>>
    %dma_wait3A_448 = arith.constant 0 : i32
    %dma_wait3A_449 = arith.constant 0 : i32
    %dma_wait3A_450 = tpu.memref_slice %arg9[%dma_wait3A_448, %dma_wait3A_449] : memref<10240x128xf32, #tpu.memory_space<vmem_shared>> -> memref<10240x128xf32, #tpu.memory_space<vmem_shared>>
    tpu.wait_indirect_dma semaphore(%arg17 : memref<!tpu.dma_semaphore, #tpu.memory_space<semaphore_mem>>) src(%dma_wait3A_444 : memref<64x128xf32, #tpu.memory_space<vmem>>) dst(%dma_wait3A_450 : memref<10240x128xf32, #tpu.memory_space<vmem_shared>>)
    %mul3A_451 = arith.constant 80 : i32
    %mul3A_452 = arith.muli %add3A, %mul3A_451 : i32
    %add3A_453 = arith.constant 40 : i32
    %add3A_454 = arith.addi %mul3A_452, %add3A_453 : i32
    "tpu.region"() ({
      %run_scoped3A_856 = tpu.sem_alloc : memref<!tpu.dma_semaphore, #tpu.memory_space<semaphore_mem>>
      %dma_start3A_857 = arith.constant 0 : i32
      %dma_start3A_858 = tpu.memref_slice %arg3[%add3A_454, %dma_start3A_857] : memref<2560x128xi32, #tpu.memory_space<hbm>> -> memref<40x128xi32, #tpu.memory_space<hbm>>
      %dma_start3A_859 = arith.constant 0 : i32
      %dma_start3A_860 = tpu.memref_slice %arg3[%add3A_454, %dma_start3A_859] : memref<2560x128xi32, #tpu.memory_space<hbm>> -> memref<40x128xi32, #tpu.memory_space<hbm>>
      tpu.enqueue_dma source(%dma_start3A_860 : memref<40x128xi32, #tpu.memory_space<hbm>>) target(%arg6 : memref<40x128xi32, #tpu.memory_space<vmem>>) target_semaphore(%run_scoped3A_856 : memref<!tpu.dma_semaphore, #tpu.memory_space<semaphore_mem>>)
      %dma_wait3A_861 = arith.constant 0 : i32
      %dma_wait3A_862 = tpu.memref_slice %arg3[%add3A_454, %dma_wait3A_861] : memref<2560x128xi32, #tpu.memory_space<hbm>> -> memref<40x128xi32, #tpu.memory_space<hbm>>
      %dma_wait3A_863 = arith.constant 0 : i32
      %dma_wait3A_864 = tpu.memref_slice %arg3[%add3A_454, %dma_wait3A_863] : memref<2560x128xi32, #tpu.memory_space<hbm>> -> memref<40x128xi32, #tpu.memory_space<hbm>>
      tpu.wait_dma2 semaphore(%run_scoped3A_856 : memref<!tpu.dma_semaphore, #tpu.memory_space<semaphore_mem>>) src(%dma_wait3A_864 : memref<40x128xi32, #tpu.memory_space<hbm>>) dst(%arg6 : memref<40x128xi32, #tpu.memory_space<vmem>>)
      tpu.yield
    }) : () -> ()
    %mul3A_455 = arith.constant 80 : i32
    %mul3A_456 = arith.muli %add3A, %mul3A_455 : i32
    %add3A_457 = arith.constant 40 : i32
    %add3A_458 = arith.addi %mul3A_456, %add3A_457 : i32
    "tpu.region"() ({
      %run_scoped3A_856 = tpu.sem_alloc : memref<!tpu.dma_semaphore, #tpu.memory_space<semaphore_mem>>
      %dma_start3A_857 = arith.constant 0 : i32
      %dma_start3A_858 = tpu.memref_slice %arg4[%add3A_458, %dma_start3A_857] : memref<2560x128xi32, #tpu.memory_space<hbm>> -> memref<40x128xi32, #tpu.memory_space<hbm>>
      %dma_start3A_859 = arith.constant 0 : i32
      %dma_start3A_860 = tpu.memref_slice %arg4[%add3A_458, %dma_start3A_859] : memref<2560x128xi32, #tpu.memory_space<hbm>> -> memref<40x128xi32, #tpu.memory_space<hbm>>
      tpu.enqueue_dma source(%dma_start3A_860 : memref<40x128xi32, #tpu.memory_space<hbm>>) target(%arg7 : memref<40x128xi32, #tpu.memory_space<vmem>>) target_semaphore(%run_scoped3A_856 : memref<!tpu.dma_semaphore, #tpu.memory_space<semaphore_mem>>)
      %dma_wait3A_861 = arith.constant 0 : i32
      %dma_wait3A_862 = tpu.memref_slice %arg4[%add3A_458, %dma_wait3A_861] : memref<2560x128xi32, #tpu.memory_space<hbm>> -> memref<40x128xi32, #tpu.memory_space<hbm>>
      %dma_wait3A_863 = arith.constant 0 : i32
      %dma_wait3A_864 = tpu.memref_slice %arg4[%add3A_458, %dma_wait3A_863] : memref<2560x128xi32, #tpu.memory_space<hbm>> -> memref<40x128xi32, #tpu.memory_space<hbm>>
      tpu.wait_dma2 semaphore(%run_scoped3A_856 : memref<!tpu.dma_semaphore, #tpu.memory_space<semaphore_mem>>) src(%dma_wait3A_864 : memref<40x128xi32, #tpu.memory_space<hbm>>) dst(%arg7 : memref<40x128xi32, #tpu.memory_space<vmem>>)
      tpu.yield
    }) : () -> ()
    %dma_start3A_459 = arith.constant 0 : i32
    %dma_start3A_460 = arith.constant 0 : i32
    %dma_start3A_461 = arith.constant 0 : i32
    %dma_start3A_462 = arith.constant 0 : i32
    %dma_start3A_463 = tpu.memref_slice %arg8[%dma_start3A_460, %dma_start3A_461, %dma_start3A_462] : memref<4x64x128xf32, #tpu.memory_space<vmem>> -> memref<1x64x128xf32, #tpu.memory_space<vmem>>
    %dma_start3A_464 = tpu.memref_squeeze %dma_start3A_463 : memref<1x64x128xf32, #tpu.memory_space<vmem>> -> memref<64x128xf32, #tpu.memory_space<vmem>>
    %dma_start3A_465 = arith.constant 0 : i32
    %dma_start3A_466 = tpu.memref_slice %arg6[%dma_start3A_459, %dma_start3A_465] : memref<40x128xi32, #tpu.memory_space<vmem>> -> memref<1x64xi32, #tpu.memory_space<vmem>>
    %dma_start3A_467 = tpu.memref_squeeze %dma_start3A_466 : memref<1x64xi32, #tpu.memory_space<vmem>> -> memref<64xi32, #tpu.memory_space<vmem>>
    %dma_start3A_468 = arith.constant 0 : i32
    %dma_start3A_469 = arith.constant 0 : i32
    %dma_start3A_470 = tpu.memref_slice %arg2[%dma_start3A_468, %dma_start3A_469] : memref<10000x128xf32, #tpu.memory_space<hbm>> -> memref<10000x128xf32, #tpu.memory_space<hbm>>
    tpu.enqueue_indirect_dma source(%dma_start3A_470 : memref<10000x128xf32, #tpu.memory_space<hbm>>) target(%dma_start3A_464 : memref<64x128xf32, #tpu.memory_space<vmem>>) offsets(%dma_start3A_467 : memref<64xi32, #tpu.memory_space<vmem>>) semaphore(%arg10 : memref<!tpu.dma_semaphore, #tpu.memory_space<semaphore_mem>>)
    %dma_start3A_471 = arith.constant 0 : i32
    %dma_start3A_472 = arith.constant 1 : i32
    %dma_start3A_473 = arith.constant 0 : i32
    %dma_start3A_474 = arith.constant 0 : i32
    %dma_start3A_475 = tpu.memref_slice %arg8[%dma_start3A_472, %dma_start3A_473, %dma_start3A_474] : memref<4x64x128xf32, #tpu.memory_space<vmem>> -> memref<1x64x128xf32, #tpu.memory_space<vmem>>
    %dma_start3A_476 = tpu.memref_squeeze %dma_start3A_475 : memref<1x64x128xf32, #tpu.memory_space<vmem>> -> memref<64x128xf32, #tpu.memory_space<vmem>>
    %dma_start3A_477 = arith.constant 64 : i32
    %dma_start3A_478 = tpu.memref_slice %arg6[%dma_start3A_471, %dma_start3A_477] : memref<40x128xi32, #tpu.memory_space<vmem>> -> memref<1x64xi32, #tpu.memory_space<vmem>>
    %dma_start3A_479 = tpu.memref_squeeze %dma_start3A_478 : memref<1x64xi32, #tpu.memory_space<vmem>> -> memref<64xi32, #tpu.memory_space<vmem>>
    %dma_start3A_480 = arith.constant 0 : i32
    %dma_start3A_481 = arith.constant 0 : i32
    %dma_start3A_482 = tpu.memref_slice %arg2[%dma_start3A_480, %dma_start3A_481] : memref<10000x128xf32, #tpu.memory_space<hbm>> -> memref<10000x128xf32, #tpu.memory_space<hbm>>
    tpu.enqueue_indirect_dma source(%dma_start3A_482 : memref<10000x128xf32, #tpu.memory_space<hbm>>) target(%dma_start3A_476 : memref<64x128xf32, #tpu.memory_space<vmem>>) offsets(%dma_start3A_479 : memref<64xi32, #tpu.memory_space<vmem>>) semaphore(%arg11 : memref<!tpu.dma_semaphore, #tpu.memory_space<semaphore_mem>>)
    %dma_start3A_483 = arith.constant 1 : i32
    %dma_start3A_484 = arith.constant 2 : i32
    %dma_start3A_485 = arith.constant 0 : i32
    %dma_start3A_486 = arith.constant 0 : i32
    %dma_start3A_487 = tpu.memref_slice %arg8[%dma_start3A_484, %dma_start3A_485, %dma_start3A_486] : memref<4x64x128xf32, #tpu.memory_space<vmem>> -> memref<1x64x128xf32, #tpu.memory_space<vmem>>
    %dma_start3A_488 = tpu.memref_squeeze %dma_start3A_487 : memref<1x64x128xf32, #tpu.memory_space<vmem>> -> memref<64x128xf32, #tpu.memory_space<vmem>>
    %dma_start3A_489 = arith.constant 0 : i32
    %dma_start3A_490 = tpu.memref_slice %arg6[%dma_start3A_483, %dma_start3A_489] : memref<40x128xi32, #tpu.memory_space<vmem>> -> memref<1x64xi32, #tpu.memory_space<vmem>>
    %dma_start3A_491 = tpu.memref_squeeze %dma_start3A_490 : memref<1x64xi32, #tpu.memory_space<vmem>> -> memref<64xi32, #tpu.memory_space<vmem>>
    %dma_start3A_492 = arith.constant 0 : i32
    %dma_start3A_493 = arith.constant 0 : i32
    %dma_start3A_494 = tpu.memref_slice %arg2[%dma_start3A_492, %dma_start3A_493] : memref<10000x128xf32, #tpu.memory_space<hbm>> -> memref<10000x128xf32, #tpu.memory_space<hbm>>
    tpu.enqueue_indirect_dma source(%dma_start3A_494 : memref<10000x128xf32, #tpu.memory_space<hbm>>) target(%dma_start3A_488 : memref<64x128xf32, #tpu.memory_space<vmem>>) offsets(%dma_start3A_491 : memref<64xi32, #tpu.memory_space<vmem>>) semaphore(%arg12 : memref<!tpu.dma_semaphore, #tpu.memory_space<semaphore_mem>>)
    %dma_wait3A_495 = arith.constant 0 : i32
    %dma_wait3A_496 = arith.constant 0 : i32
    %dma_wait3A_497 = arith.constant 0 : i32
    %dma_wait3A_498 = arith.constant 0 : i32
    %dma_wait3A_499 = tpu.memref_slice %arg8[%dma_wait3A_496, %dma_wait3A_497, %dma_wait3A_498] : memref<4x64x128xf32, #tpu.memory_space<vmem>> -> memref<1x64x128xf32, #tpu.memory_space<vmem>>
    %dma_wait3A_500 = tpu.memref_squeeze %dma_wait3A_499 : memref<1x64x128xf32, #tpu.memory_space<vmem>> -> memref<64x128xf32, #tpu.memory_space<vmem>>
    %dma_wait3A_501 = arith.constant 0 : i32
    %dma_wait3A_502 = tpu.memref_slice %arg6[%dma_wait3A_495, %dma_wait3A_501] : memref<40x128xi32, #tpu.memory_space<vmem>> -> memref<1x64xi32, #tpu.memory_space<vmem>>
    %dma_wait3A_503 = tpu.memref_squeeze %dma_wait3A_502 : memref<1x64xi32, #tpu.memory_space<vmem>> -> memref<64xi32, #tpu.memory_space<vmem>>
    %dma_wait3A_504 = arith.constant 0 : i32
    %dma_wait3A_505 = arith.constant 0 : i32
    %dma_wait3A_506 = tpu.memref_slice %arg2[%dma_wait3A_504, %dma_wait3A_505] : memref<10000x128xf32, #tpu.memory_space<hbm>> -> memref<10000x128xf32, #tpu.memory_space<hbm>>
    tpu.wait_indirect_dma semaphore(%arg10 : memref<!tpu.dma_semaphore, #tpu.memory_space<semaphore_mem>>) src(%dma_wait3A_506 : memref<10000x128xf32, #tpu.memory_space<hbm>>) dst(%dma_wait3A_500 : memref<64x128xf32, #tpu.memory_space<vmem>>)
    %dma_start3A_507 = arith.constant 0 : i32
    %dma_start3A_508 = arith.constant 0 : i32
    %dma_start3A_509 = arith.constant 0 : i32
    %dma_start3A_510 = arith.constant 0 : i32
    %dma_start3A_511 = tpu.memref_slice %arg8[%dma_start3A_507, %dma_start3A_509, %dma_start3A_510] : memref<4x64x128xf32, #tpu.memory_space<vmem>> -> memref<1x64x128xf32, #tpu.memory_space<vmem>>
    %dma_start3A_512 = tpu.memref_squeeze %dma_start3A_511 : memref<1x64x128xf32, #tpu.memory_space<vmem>> -> memref<64x128xf32, #tpu.memory_space<vmem>>
    %dma_start3A_513 = arith.constant 0 : i32
    %dma_start3A_514 = tpu.memref_slice %arg7[%dma_start3A_508, %dma_start3A_513] : memref<40x128xi32, #tpu.memory_space<vmem>> -> memref<1x64xi32, #tpu.memory_space<vmem>>
    %dma_start3A_515 = tpu.memref_squeeze %dma_start3A_514 : memref<1x64xi32, #tpu.memory_space<vmem>> -> memref<64xi32, #tpu.memory_space<vmem>>
    %dma_start3A_516 = arith.constant 0 : i32
    %dma_start3A_517 = arith.constant 0 : i32
    %dma_start3A_518 = tpu.memref_slice %arg9[%dma_start3A_516, %dma_start3A_517] : memref<10240x128xf32, #tpu.memory_space<vmem_shared>> -> memref<10240x128xf32, #tpu.memory_space<vmem_shared>>
    tpu.enqueue_indirect_dma source(%dma_start3A_512 : memref<64x128xf32, #tpu.memory_space<vmem>>) target(%dma_start3A_518 : memref<10240x128xf32, #tpu.memory_space<vmem_shared>>) offsets(%dma_start3A_515 : memref<64xi32, #tpu.memory_space<vmem>>) semaphore(%arg14 : memref<!tpu.dma_semaphore, #tpu.memory_space<semaphore_mem>>) {add = true}
    %dma_start3A_519 = arith.constant 1 : i32
    %dma_start3A_520 = arith.constant 3 : i32
    %dma_start3A_521 = arith.constant 0 : i32
    %dma_start3A_522 = arith.constant 0 : i32
    %dma_start3A_523 = tpu.memref_slice %arg8[%dma_start3A_520, %dma_start3A_521, %dma_start3A_522] : memref<4x64x128xf32, #tpu.memory_space<vmem>> -> memref<1x64x128xf32, #tpu.memory_space<vmem>>
    %dma_start3A_524 = tpu.memref_squeeze %dma_start3A_523 : memref<1x64x128xf32, #tpu.memory_space<vmem>> -> memref<64x128xf32, #tpu.memory_space<vmem>>
    %dma_start3A_525 = arith.constant 64 : i32
    %dma_start3A_526 = tpu.memref_slice %arg6[%dma_start3A_519, %dma_start3A_525] : memref<40x128xi32, #tpu.memory_space<vmem>> -> memref<1x64xi32, #tpu.memory_space<vmem>>
    %dma_start3A_527 = tpu.memref_squeeze %dma_start3A_526 : memref<1x64xi32, #tpu.memory_space<vmem>> -> memref<64xi32, #tpu.memory_space<vmem>>
    %dma_start3A_528 = arith.constant 0 : i32
    %dma_start3A_529 = arith.constant 0 : i32
    %dma_start3A_530 = tpu.memref_slice %arg2[%dma_start3A_528, %dma_start3A_529] : memref<10000x128xf32, #tpu.memory_space<hbm>> -> memref<10000x128xf32, #tpu.memory_space<hbm>>
    tpu.enqueue_indirect_dma source(%dma_start3A_530 : memref<10000x128xf32, #tpu.memory_space<hbm>>) target(%dma_start3A_524 : memref<64x128xf32, #tpu.memory_space<vmem>>) offsets(%dma_start3A_527 : memref<64xi32, #tpu.memory_space<vmem>>) semaphore(%arg13 : memref<!tpu.dma_semaphore, #tpu.memory_space<semaphore_mem>>)
    %dma_wait3A_531 = arith.constant 0 : i32
    %dma_wait3A_532 = arith.constant 1 : i32
    %dma_wait3A_533 = arith.constant 0 : i32
    %dma_wait3A_534 = arith.constant 0 : i32
    %dma_wait3A_535 = tpu.memref_slice %arg8[%dma_wait3A_532, %dma_wait3A_533, %dma_wait3A_534] : memref<4x64x128xf32, #tpu.memory_space<vmem>> -> memref<1x64x128xf32, #tpu.memory_space<vmem>>
    %dma_wait3A_536 = tpu.memref_squeeze %dma_wait3A_535 : memref<1x64x128xf32, #tpu.memory_space<vmem>> -> memref<64x128xf32, #tpu.memory_space<vmem>>
    %dma_wait3A_537 = arith.constant 64 : i32
    %dma_wait3A_538 = tpu.memref_slice %arg6[%dma_wait3A_531, %dma_wait3A_537] : memref<40x128xi32, #tpu.memory_space<vmem>> -> memref<1x64xi32, #tpu.memory_space<vmem>>
    %dma_wait3A_539 = tpu.memref_squeeze %dma_wait3A_538 : memref<1x64xi32, #tpu.memory_space<vmem>> -> memref<64xi32, #tpu.memory_space<vmem>>
    %dma_wait3A_540 = arith.constant 0 : i32
    %dma_wait3A_541 = arith.constant 0 : i32
    %dma_wait3A_542 = tpu.memref_slice %arg2[%dma_wait3A_540, %dma_wait3A_541] : memref<10000x128xf32, #tpu.memory_space<hbm>> -> memref<10000x128xf32, #tpu.memory_space<hbm>>
    tpu.wait_indirect_dma semaphore(%arg11 : memref<!tpu.dma_semaphore, #tpu.memory_space<semaphore_mem>>) src(%dma_wait3A_542 : memref<10000x128xf32, #tpu.memory_space<hbm>>) dst(%dma_wait3A_536 : memref<64x128xf32, #tpu.memory_space<vmem>>)
    %dma_start3A_543 = arith.constant 1 : i32
    %dma_start3A_544 = arith.constant 0 : i32
    %dma_start3A_545 = arith.constant 0 : i32
    %dma_start3A_546 = arith.constant 0 : i32
    %dma_start3A_547 = tpu.memref_slice %arg8[%dma_start3A_543, %dma_start3A_545, %dma_start3A_546] : memref<4x64x128xf32, #tpu.memory_space<vmem>> -> memref<1x64x128xf32, #tpu.memory_space<vmem>>
    %dma_start3A_548 = tpu.memref_squeeze %dma_start3A_547 : memref<1x64x128xf32, #tpu.memory_space<vmem>> -> memref<64x128xf32, #tpu.memory_space<vmem>>
    %dma_start3A_549 = arith.constant 64 : i32
    %dma_start3A_550 = tpu.memref_slice %arg7[%dma_start3A_544, %dma_start3A_549] : memref<40x128xi32, #tpu.memory_space<vmem>> -> memref<1x64xi32, #tpu.memory_space<vmem>>
    %dma_start3A_551 = tpu.memref_squeeze %dma_start3A_550 : memref<1x64xi32, #tpu.memory_space<vmem>> -> memref<64xi32, #tpu.memory_space<vmem>>
    %dma_start3A_552 = arith.constant 0 : i32
    %dma_start3A_553 = arith.constant 0 : i32
    %dma_start3A_554 = tpu.memref_slice %arg9[%dma_start3A_552, %dma_start3A_553] : memref<10240x128xf32, #tpu.memory_space<vmem_shared>> -> memref<10240x128xf32, #tpu.memory_space<vmem_shared>>
    tpu.enqueue_indirect_dma source(%dma_start3A_548 : memref<64x128xf32, #tpu.memory_space<vmem>>) target(%dma_start3A_554 : memref<10240x128xf32, #tpu.memory_space<vmem_shared>>) offsets(%dma_start3A_551 : memref<64xi32, #tpu.memory_space<vmem>>) semaphore(%arg15 : memref<!tpu.dma_semaphore, #tpu.memory_space<semaphore_mem>>) {add = true}
    %dma_wait3A_555 = arith.constant 0 : i32
    %dma_wait3A_556 = arith.constant 0 : i32
    %dma_wait3A_557 = arith.constant 0 : i32
    %dma_wait3A_558 = arith.constant 0 : i32
    %dma_wait3A_559 = tpu.memref_slice %arg8[%dma_wait3A_555, %dma_wait3A_557, %dma_wait3A_558] : memref<4x64x128xf32, #tpu.memory_space<vmem>> -> memref<1x64x128xf32, #tpu.memory_space<vmem>>
    %dma_wait3A_560 = tpu.memref_squeeze %dma_wait3A_559 : memref<1x64x128xf32, #tpu.memory_space<vmem>> -> memref<64x128xf32, #tpu.memory_space<vmem>>
    %dma_wait3A_561 = arith.constant 0 : i32
    %dma_wait3A_562 = tpu.memref_slice %arg7[%dma_wait3A_556, %dma_wait3A_561] : memref<40x128xi32, #tpu.memory_space<vmem>> -> memref<1x64xi32, #tpu.memory_space<vmem>>
    %dma_wait3A_563 = tpu.memref_squeeze %dma_wait3A_562 : memref<1x64xi32, #tpu.memory_space<vmem>> -> memref<64xi32, #tpu.memory_space<vmem>>
    %dma_wait3A_564 = arith.constant 0 : i32
    %dma_wait3A_565 = arith.constant 0 : i32
    %dma_wait3A_566 = tpu.memref_slice %arg9[%dma_wait3A_564, %dma_wait3A_565] : memref<10240x128xf32, #tpu.memory_space<vmem_shared>> -> memref<10240x128xf32, #tpu.memory_space<vmem_shared>>
    tpu.wait_indirect_dma semaphore(%arg14 : memref<!tpu.dma_semaphore, #tpu.memory_space<semaphore_mem>>) src(%dma_wait3A_560 : memref<64x128xf32, #tpu.memory_space<vmem>>) dst(%dma_wait3A_566 : memref<10240x128xf32, #tpu.memory_space<vmem_shared>>)
    %dma_start3A_567 = arith.constant 2 : i32
    %dma_start3A_568 = arith.constant 0 : i32
    %dma_start3A_569 = arith.constant 0 : i32
    %dma_start3A_570 = arith.constant 0 : i32
    %dma_start3A_571 = tpu.memref_slice %arg8[%dma_start3A_568, %dma_start3A_569, %dma_start3A_570] : memref<4x64x128xf32, #tpu.memory_space<vmem>> -> memref<1x64x128xf32, #tpu.memory_space<vmem>>
    %dma_start3A_572 = tpu.memref_squeeze %dma_start3A_571 : memref<1x64x128xf32, #tpu.memory_space<vmem>> -> memref<64x128xf32, #tpu.memory_space<vmem>>
    %dma_start3A_573 = arith.constant 0 : i32
    %dma_start3A_574 = tpu.memref_slice %arg6[%dma_start3A_567, %dma_start3A_573] : memref<40x128xi32, #tpu.memory_space<vmem>> -> memref<1x64xi32, #tpu.memory_space<vmem>>
    %dma_start3A_575 = tpu.memref_squeeze %dma_start3A_574 : memref<1x64xi32, #tpu.memory_space<vmem>> -> memref<64xi32, #tpu.memory_space<vmem>>
    %dma_start3A_576 = arith.constant 0 : i32
    %dma_start3A_577 = arith.constant 0 : i32
    %dma_start3A_578 = tpu.memref_slice %arg2[%dma_start3A_576, %dma_start3A_577] : memref<10000x128xf32, #tpu.memory_space<hbm>> -> memref<10000x128xf32, #tpu.memory_space<hbm>>
    tpu.enqueue_indirect_dma source(%dma_start3A_578 : memref<10000x128xf32, #tpu.memory_space<hbm>>) target(%dma_start3A_572 : memref<64x128xf32, #tpu.memory_space<vmem>>) offsets(%dma_start3A_575 : memref<64xi32, #tpu.memory_space<vmem>>) semaphore(%arg10 : memref<!tpu.dma_semaphore, #tpu.memory_space<semaphore_mem>>)
    %dma_wait3A_579 = arith.constant 1 : i32
    %dma_wait3A_580 = arith.constant 2 : i32
    %dma_wait3A_581 = arith.constant 0 : i32
    %dma_wait3A_582 = arith.constant 0 : i32
    %dma_wait3A_583 = tpu.memref_slice %arg8[%dma_wait3A_580, %dma_wait3A_581, %dma_wait3A_582] : memref<4x64x128xf32, #tpu.memory_space<vmem>> -> memref<1x64x128xf32, #tpu.memory_space<vmem>>
    %dma_wait3A_584 = tpu.memref_squeeze %dma_wait3A_583 : memref<1x64x128xf32, #tpu.memory_space<vmem>> -> memref<64x128xf32, #tpu.memory_space<vmem>>
    %dma_wait3A_585 = arith.constant 0 : i32
    %dma_wait3A_586 = tpu.memref_slice %arg6[%dma_wait3A_579, %dma_wait3A_585] : memref<40x128xi32, #tpu.memory_space<vmem>> -> memref<1x64xi32, #tpu.memory_space<vmem>>
    %dma_wait3A_587 = tpu.memref_squeeze %dma_wait3A_586 : memref<1x64xi32, #tpu.memory_space<vmem>> -> memref<64xi32, #tpu.memory_space<vmem>>
    %dma_wait3A_588 = arith.constant 0 : i32
    %dma_wait3A_589 = arith.constant 0 : i32
    %dma_wait3A_590 = tpu.memref_slice %arg2[%dma_wait3A_588, %dma_wait3A_589] : memref<10000x128xf32, #tpu.memory_space<hbm>> -> memref<10000x128xf32, #tpu.memory_space<hbm>>
    tpu.wait_indirect_dma semaphore(%arg12 : memref<!tpu.dma_semaphore, #tpu.memory_space<semaphore_mem>>) src(%dma_wait3A_590 : memref<10000x128xf32, #tpu.memory_space<hbm>>) dst(%dma_wait3A_584 : memref<64x128xf32, #tpu.memory_space<vmem>>)
    %dma_start3A_591 = arith.constant 2 : i32
    %dma_start3A_592 = arith.constant 1 : i32
    %dma_start3A_593 = arith.constant 0 : i32
    %dma_start3A_594 = arith.constant 0 : i32
    %dma_start3A_595 = tpu.memref_slice %arg8[%dma_start3A_591, %dma_start3A_593, %dma_start3A_594] : memref<4x64x128xf32, #tpu.memory_space<vmem>> -> memref<1x64x128xf32, #tpu.memory_space<vmem>>
    %dma_start3A_596 = tpu.memref_squeeze %dma_start3A_595 : memref<1x64x128xf32, #tpu.memory_space<vmem>> -> memref<64x128xf32, #tpu.memory_space<vmem>>
    %dma_start3A_597 = arith.constant 0 : i32
    %dma_start3A_598 = tpu.memref_slice %arg7[%dma_start3A_592, %dma_start3A_597] : memref<40x128xi32, #tpu.memory_space<vmem>> -> memref<1x64xi32, #tpu.memory_space<vmem>>
    %dma_start3A_599 = tpu.memref_squeeze %dma_start3A_598 : memref<1x64xi32, #tpu.memory_space<vmem>> -> memref<64xi32, #tpu.memory_space<vmem>>
    %dma_start3A_600 = arith.constant 0 : i32
    %dma_start3A_601 = arith.constant 0 : i32
    %dma_start3A_602 = tpu.memref_slice %arg9[%dma_start3A_600, %dma_start3A_601] : memref<10240x128xf32, #tpu.memory_space<vmem_shared>> -> memref<10240x128xf32, #tpu.memory_space<vmem_shared>>
    tpu.enqueue_indirect_dma source(%dma_start3A_596 : memref<64x128xf32, #tpu.memory_space<vmem>>) target(%dma_start3A_602 : memref<10240x128xf32, #tpu.memory_space<vmem_shared>>) offsets(%dma_start3A_599 : memref<64xi32, #tpu.memory_space<vmem>>) semaphore(%arg16 : memref<!tpu.dma_semaphore, #tpu.memory_space<semaphore_mem>>) {add = true}
    %dma_wait3A_603 = arith.constant 1 : i32
    %dma_wait3A_604 = arith.constant 0 : i32
    %dma_wait3A_605 = arith.constant 0 : i32
    %dma_wait3A_606 = arith.constant 0 : i32
    %dma_wait3A_607 = tpu.memref_slice %arg8[%dma_wait3A_603, %dma_wait3A_605, %dma_wait3A_606] : memref<4x64x128xf32, #tpu.memory_space<vmem>> -> memref<1x64x128xf32, #tpu.memory_space<vmem>>
    %dma_wait3A_608 = tpu.memref_squeeze %dma_wait3A_607 : memref<1x64x128xf32, #tpu.memory_space<vmem>> -> memref<64x128xf32, #tpu.memory_space<vmem>>
    %dma_wait3A_609 = arith.constant 64 : i32
    %dma_wait3A_610 = tpu.memref_slice %arg7[%dma_wait3A_604, %dma_wait3A_609] : memref<40x128xi32, #tpu.memory_space<vmem>> -> memref<1x64xi32, #tpu.memory_space<vmem>>
    %dma_wait3A_611 = tpu.memref_squeeze %dma_wait3A_610 : memref<1x64xi32, #tpu.memory_space<vmem>> -> memref<64xi32, #tpu.memory_space<vmem>>
    %dma_wait3A_612 = arith.constant 0 : i32
    %dma_wait3A_613 = arith.constant 0 : i32
    %dma_wait3A_614 = tpu.memref_slice %arg9[%dma_wait3A_612, %dma_wait3A_613] : memref<10240x128xf32, #tpu.memory_space<vmem_shared>> -> memref<10240x128xf32, #tpu.memory_space<vmem_shared>>
    tpu.wait_indirect_dma semaphore(%arg15 : memref<!tpu.dma_semaphore, #tpu.memory_space<semaphore_mem>>) src(%dma_wait3A_608 : memref<64x128xf32, #tpu.memory_space<vmem>>) dst(%dma_wait3A_614 : memref<10240x128xf32, #tpu.memory_space<vmem_shared>>)
    %dma_start3A_615 = arith.constant 2 : i32
    %dma_start3A_616 = arith.constant 1 : i32
    %dma_start3A_617 = arith.constant 0 : i32
    %dma_start3A_618 = arith.constant 0 : i32
    %dma_start3A_619 = tpu.memref_slice %arg8[%dma_start3A_616, %dma_start3A_617, %dma_start3A_618] : memref<4x64x128xf32, #tpu.memory_space<vmem>> -> memref<1x64x128xf32, #tpu.memory_space<vmem>>
    %dma_start3A_620 = tpu.memref_squeeze %dma_start3A_619 : memref<1x64x128xf32, #tpu.memory_space<vmem>> -> memref<64x128xf32, #tpu.memory_space<vmem>>
    %dma_start3A_621 = arith.constant 64 : i32
    %dma_start3A_622 = tpu.memref_slice %arg6[%dma_start3A_615, %dma_start3A_621] : memref<40x128xi32, #tpu.memory_space<vmem>> -> memref<1x64xi32, #tpu.memory_space<vmem>>
    %dma_start3A_623 = tpu.memref_squeeze %dma_start3A_622 : memref<1x64xi32, #tpu.memory_space<vmem>> -> memref<64xi32, #tpu.memory_space<vmem>>
    %dma_start3A_624 = arith.constant 0 : i32
    %dma_start3A_625 = arith.constant 0 : i32
    %dma_start3A_626 = tpu.memref_slice %arg2[%dma_start3A_624, %dma_start3A_625] : memref<10000x128xf32, #tpu.memory_space<hbm>> -> memref<10000x128xf32, #tpu.memory_space<hbm>>
    tpu.enqueue_indirect_dma source(%dma_start3A_626 : memref<10000x128xf32, #tpu.memory_space<hbm>>) target(%dma_start3A_620 : memref<64x128xf32, #tpu.memory_space<vmem>>) offsets(%dma_start3A_623 : memref<64xi32, #tpu.memory_space<vmem>>) semaphore(%arg11 : memref<!tpu.dma_semaphore, #tpu.memory_space<semaphore_mem>>)
    %scan3A_627 = arith.constant 0 : i32
    %scan3A_628 = arith.constant 0 : i32
    %scan3A_629 = arith.constant 18 : i32
    %scan3A_630 = arith.addi %scan3A_628, %scan3A_629 : i32
    %scan3A_631 = arith.constant 1 : i32
    scf.for %scan3A_856 = %scan3A_628 to %scan3A_630 step %scan3A_631  : i32 {
      %mul3A_857 = arith.constant 2 : i32
      %mul3A_858 = arith.muli %mul3A_857, %scan3A_856 : i32
      %add3A_859 = arith.constant 1 : i32
      %add3A_860 = arith.addi %mul3A_858, %add3A_859 : i32
      %add3A_861 = arith.constant 0 : i32
      %add3A_862 = arith.addi %add3A_860, %add3A_861 : i32
      %mul3A_863 = arith.constant 2 : i32
      %mul3A_864 = arith.muli %mul3A_863, %scan3A_856 : i32
      %add3A_865 = arith.constant 1 : i32
      %add3A_866 = arith.addi %mul3A_864, %add3A_865 : i32
      %add3A_867 = arith.constant 0 : i32
      %add3A_868 = arith.addi %add3A_866, %add3A_867 : i32
      %mul3A_869 = arith.constant 2 : i32
      %mul3A_870 = arith.muli %mul3A_869, %scan3A_856 : i32
      %add3A_871 = arith.constant 3 : i32
      %add3A_872 = arith.addi %mul3A_870, %add3A_871 : i32
      %add3A_873 = arith.constant 0 : i32
      %add3A_874 = arith.addi %add3A_872, %add3A_873 : i32
      %dma_wait3A_875 = arith.constant 3 : i32
      %dma_wait3A_876 = arith.constant 0 : i32
      %dma_wait3A_877 = arith.constant 0 : i32
      %dma_wait3A_878 = tpu.memref_slice %arg8[%dma_wait3A_875, %dma_wait3A_876, %dma_wait3A_877] : memref<4x64x128xf32, #tpu.memory_space<vmem>> -> memref<1x64x128xf32, #tpu.memory_space<vmem>>
      %dma_wait3A_879 = tpu.memref_squeeze %dma_wait3A_878 : memref<1x64x128xf32, #tpu.memory_space<vmem>> -> memref<64x128xf32, #tpu.memory_space<vmem>>
      %dma_wait3A_880 = arith.constant 64 : i32
      %dma_wait3A_881 = tpu.memref_slice %arg6[%add3A_862, %dma_wait3A_880] : memref<40x128xi32, #tpu.memory_space<vmem>> -> memref<1x64xi32, #tpu.memory_space<vmem>>
      %dma_wait3A_882 = tpu.memref_squeeze %dma_wait3A_881 : memref<1x64xi32, #tpu.memory_space<vmem>> -> memref<64xi32, #tpu.memory_space<vmem>>
      %dma_wait3A_883 = arith.constant 0 : i32
      %dma_wait3A_884 = arith.constant 0 : i32
      %dma_wait3A_885 = tpu.memref_slice %arg2[%dma_wait3A_883, %dma_wait3A_884] : memref<10000x128xf32, #tpu.memory_space<hbm>> -> memref<10000x128xf32, #tpu.memory_space<hbm>>
      tpu.wait_indirect_dma semaphore(%arg13 : memref<!tpu.dma_semaphore, #tpu.memory_space<semaphore_mem>>) src(%dma_wait3A_885 : memref<10000x128xf32, #tpu.memory_space<hbm>>) dst(%dma_wait3A_879 : memref<64x128xf32, #tpu.memory_space<vmem>>)
      %dma_start3A_886 = arith.constant 3 : i32
      %dma_start3A_887 = arith.constant 0 : i32
      %dma_start3A_888 = arith.constant 0 : i32
      %dma_start3A_889 = tpu.memref_slice %arg8[%dma_start3A_886, %dma_start3A_887, %dma_start3A_888] : memref<4x64x128xf32, #tpu.memory_space<vmem>> -> memref<1x64x128xf32, #tpu.memory_space<vmem>>
      %dma_start3A_890 = tpu.memref_squeeze %dma_start3A_889 : memref<1x64x128xf32, #tpu.memory_space<vmem>> -> memref<64x128xf32, #tpu.memory_space<vmem>>
      %dma_start3A_891 = arith.constant 64 : i32
      %dma_start3A_892 = tpu.memref_slice %arg7[%add3A_862, %dma_start3A_891] : memref<40x128xi32, #tpu.memory_space<vmem>> -> memref<1x64xi32, #tpu.memory_space<vmem>>
      %dma_start3A_893 = tpu.memref_squeeze %dma_start3A_892 : memref<1x64xi32, #tpu.memory_space<vmem>> -> memref<64xi32, #tpu.memory_space<vmem>>
      %dma_start3A_894 = arith.constant 0 : i32
      %dma_start3A_895 = arith.constant 0 : i32
      %dma_start3A_896 = tpu.memref_slice %arg9[%dma_start3A_894, %dma_start3A_895] : memref<10240x128xf32, #tpu.memory_space<vmem_shared>> -> memref<10240x128xf32, #tpu.memory_space<vmem_shared>>
      tpu.enqueue_indirect_dma source(%dma_start3A_890 : memref<64x128xf32, #tpu.memory_space<vmem>>) target(%dma_start3A_896 : memref<10240x128xf32, #tpu.memory_space<vmem_shared>>) offsets(%dma_start3A_893 : memref<64xi32, #tpu.memory_space<vmem>>) semaphore(%arg17 : memref<!tpu.dma_semaphore, #tpu.memory_space<semaphore_mem>>) {add = true}
      %dma_wait3A_897 = arith.constant 2 : i32
      %dma_wait3A_898 = arith.constant 0 : i32
      %dma_wait3A_899 = arith.constant 0 : i32
      %dma_wait3A_900 = tpu.memref_slice %arg8[%dma_wait3A_897, %dma_wait3A_898, %dma_wait3A_899] : memref<4x64x128xf32, #tpu.memory_space<vmem>> -> memref<1x64x128xf32, #tpu.memory_space<vmem>>
      %dma_wait3A_901 = tpu.memref_squeeze %dma_wait3A_900 : memref<1x64x128xf32, #tpu.memory_space<vmem>> -> memref<64x128xf32, #tpu.memory_space<vmem>>
      %dma_wait3A_902 = arith.constant 0 : i32
      %dma_wait3A_903 = tpu.memref_slice %arg7[%add3A_868, %dma_wait3A_902] : memref<40x128xi32, #tpu.memory_space<vmem>> -> memref<1x64xi32, #tpu.memory_space<vmem>>
      %dma_wait3A_904 = tpu.memref_squeeze %dma_wait3A_903 : memref<1x64xi32, #tpu.memory_space<vmem>> -> memref<64xi32, #tpu.memory_space<vmem>>
      %dma_wait3A_905 = arith.constant 0 : i32
      %dma_wait3A_906 = arith.constant 0 : i32
      %dma_wait3A_907 = tpu.memref_slice %arg9[%dma_wait3A_905, %dma_wait3A_906] : memref<10240x128xf32, #tpu.memory_space<vmem_shared>> -> memref<10240x128xf32, #tpu.memory_space<vmem_shared>>
      tpu.wait_indirect_dma semaphore(%arg16 : memref<!tpu.dma_semaphore, #tpu.memory_space<semaphore_mem>>) src(%dma_wait3A_901 : memref<64x128xf32, #tpu.memory_space<vmem>>) dst(%dma_wait3A_907 : memref<10240x128xf32, #tpu.memory_space<vmem_shared>>)
      %dma_start3A_908 = arith.constant 2 : i32
      %dma_start3A_909 = arith.constant 0 : i32
      %dma_start3A_910 = arith.constant 0 : i32
      %dma_start3A_911 = tpu.memref_slice %arg8[%dma_start3A_908, %dma_start3A_909, %dma_start3A_910] : memref<4x64x128xf32, #tpu.memory_space<vmem>> -> memref<1x64x128xf32, #tpu.memory_space<vmem>>
      %dma_start3A_912 = tpu.memref_squeeze %dma_start3A_911 : memref<1x64x128xf32, #tpu.memory_space<vmem>> -> memref<64x128xf32, #tpu.memory_space<vmem>>
      %dma_start3A_913 = arith.constant 0 : i32
      %dma_start3A_914 = tpu.memref_slice %arg6[%add3A_874, %dma_start3A_913] : memref<40x128xi32, #tpu.memory_space<vmem>> -> memref<1x64xi32, #tpu.memory_space<vmem>>
      %dma_start3A_915 = tpu.memref_squeeze %dma_start3A_914 : memref<1x64xi32, #tpu.memory_space<vmem>> -> memref<64xi32, #tpu.memory_space<vmem>>
      %dma_start3A_916 = arith.constant 0 : i32
      %dma_start3A_917 = arith.constant 0 : i32
      %dma_start3A_918 = tpu.memref_slice %arg2[%dma_start3A_916, %dma_start3A_917] : memref<10000x128xf32, #tpu.memory_space<hbm>> -> memref<10000x128xf32, #tpu.memory_space<hbm>>
      tpu.enqueue_indirect_dma source(%dma_start3A_918 : memref<10000x128xf32, #tpu.memory_space<hbm>>) target(%dma_start3A_912 : memref<64x128xf32, #tpu.memory_space<vmem>>) offsets(%dma_start3A_915 : memref<64xi32, #tpu.memory_space<vmem>>) semaphore(%arg12 : memref<!tpu.dma_semaphore, #tpu.memory_space<semaphore_mem>>)
      %mul3A_919 = arith.constant 2 : i32
      %mul3A_920 = arith.muli %mul3A_919, %scan3A_856 : i32
      %add3A_921 = arith.constant 1 : i32
      %add3A_922 = arith.addi %mul3A_920, %add3A_921 : i32
      %add3A_923 = arith.constant 1 : i32
      %add3A_924 = arith.addi %add3A_922, %add3A_923 : i32
      %mul3A_925 = arith.constant 2 : i32
      %mul3A_926 = arith.muli %mul3A_925, %scan3A_856 : i32
      %add3A_927 = arith.constant 1 : i32
      %add3A_928 = arith.addi %mul3A_926, %add3A_927 : i32
      %add3A_929 = arith.constant 0 : i32
      %add3A_930 = arith.addi %add3A_928, %add3A_929 : i32
      %mul3A_931 = arith.constant 2 : i32
      %mul3A_932 = arith.muli %mul3A_931, %scan3A_856 : i32
      %add3A_933 = arith.constant 3 : i32
      %add3A_934 = arith.addi %mul3A_932, %add3A_933 : i32
      %add3A_935 = arith.constant 0 : i32
      %add3A_936 = arith.addi %add3A_934, %add3A_935 : i32
      %dma_wait3A_937 = arith.constant 0 : i32
      %dma_wait3A_938 = arith.constant 0 : i32
      %dma_wait3A_939 = arith.constant 0 : i32
      %dma_wait3A_940 = tpu.memref_slice %arg8[%dma_wait3A_937, %dma_wait3A_938, %dma_wait3A_939] : memref<4x64x128xf32, #tpu.memory_space<vmem>> -> memref<1x64x128xf32, #tpu.memory_space<vmem>>
      %dma_wait3A_941 = tpu.memref_squeeze %dma_wait3A_940 : memref<1x64x128xf32, #tpu.memory_space<vmem>> -> memref<64x128xf32, #tpu.memory_space<vmem>>
      %dma_wait3A_942 = arith.constant 0 : i32
      %dma_wait3A_943 = tpu.memref_slice %arg6[%add3A_924, %dma_wait3A_942] : memref<40x128xi32, #tpu.memory_space<vmem>> -> memref<1x64xi32, #tpu.memory_space<vmem>>
      %dma_wait3A_944 = tpu.memref_squeeze %dma_wait3A_943 : memref<1x64xi32, #tpu.memory_space<vmem>> -> memref<64xi32, #tpu.memory_space<vmem>>
      %dma_wait3A_945 = arith.constant 0 : i32
      %dma_wait3A_946 = arith.constant 0 : i32
      %dma_wait3A_947 = tpu.memref_slice %arg2[%dma_wait3A_945, %dma_wait3A_946] : memref<10000x128xf32, #tpu.memory_space<hbm>> -> memref<10000x128xf32, #tpu.memory_space<hbm>>
      tpu.wait_indirect_dma semaphore(%arg10 : memref<!tpu.dma_semaphore, #tpu.memory_space<semaphore_mem>>) src(%dma_wait3A_947 : memref<10000x128xf32, #tpu.memory_space<hbm>>) dst(%dma_wait3A_941 : memref<64x128xf32, #tpu.memory_space<vmem>>)
      %dma_start3A_948 = arith.constant 0 : i32
      %dma_start3A_949 = arith.constant 0 : i32
      %dma_start3A_950 = arith.constant 0 : i32
      %dma_start3A_951 = tpu.memref_slice %arg8[%dma_start3A_948, %dma_start3A_949, %dma_start3A_950] : memref<4x64x128xf32, #tpu.memory_space<vmem>> -> memref<1x64x128xf32, #tpu.memory_space<vmem>>
      %dma_start3A_952 = tpu.memref_squeeze %dma_start3A_951 : memref<1x64x128xf32, #tpu.memory_space<vmem>> -> memref<64x128xf32, #tpu.memory_space<vmem>>
      %dma_start3A_953 = arith.constant 0 : i32
      %dma_start3A_954 = tpu.memref_slice %arg7[%add3A_924, %dma_start3A_953] : memref<40x128xi32, #tpu.memory_space<vmem>> -> memref<1x64xi32, #tpu.memory_space<vmem>>
      %dma_start3A_955 = tpu.memref_squeeze %dma_start3A_954 : memref<1x64xi32, #tpu.memory_space<vmem>> -> memref<64xi32, #tpu.memory_space<vmem>>
      %dma_start3A_956 = arith.constant 0 : i32
      %dma_start3A_957 = arith.constant 0 : i32
      %dma_start3A_958 = tpu.memref_slice %arg9[%dma_start3A_956, %dma_start3A_957] : memref<10240x128xf32, #tpu.memory_space<vmem_shared>> -> memref<10240x128xf32, #tpu.memory_space<vmem_shared>>
      tpu.enqueue_indirect_dma source(%dma_start3A_952 : memref<64x128xf32, #tpu.memory_space<vmem>>) target(%dma_start3A_958 : memref<10240x128xf32, #tpu.memory_space<vmem_shared>>) offsets(%dma_start3A_955 : memref<64xi32, #tpu.memory_space<vmem>>) semaphore(%arg14 : memref<!tpu.dma_semaphore, #tpu.memory_space<semaphore_mem>>) {add = true}
      %dma_wait3A_959 = arith.constant 3 : i32
      %dma_wait3A_960 = arith.constant 0 : i32
      %dma_wait3A_961 = arith.constant 0 : i32
      %dma_wait3A_962 = tpu.memref_slice %arg8[%dma_wait3A_959, %dma_wait3A_960, %dma_wait3A_961] : memref<4x64x128xf32, #tpu.memory_space<vmem>> -> memref<1x64x128xf32, #tpu.memory_space<vmem>>
      %dma_wait3A_963 = tpu.memref_squeeze %dma_wait3A_962 : memref<1x64x128xf32, #tpu.memory_space<vmem>> -> memref<64x128xf32, #tpu.memory_space<vmem>>
      %dma_wait3A_964 = arith.constant 64 : i32
      %dma_wait3A_965 = tpu.memref_slice %arg7[%add3A_930, %dma_wait3A_964] : memref<40x128xi32, #tpu.memory_space<vmem>> -> memref<1x64xi32, #tpu.memory_space<vmem>>
      %dma_wait3A_966 = tpu.memref_squeeze %dma_wait3A_965 : memref<1x64xi32, #tpu.memory_space<vmem>> -> memref<64xi32, #tpu.memory_space<vmem>>
      %dma_wait3A_967 = arith.constant 0 : i32
      %dma_wait3A_968 = arith.constant 0 : i32
      %dma_wait3A_969 = tpu.memref_slice %arg9[%dma_wait3A_967, %dma_wait3A_968] : memref<10240x128xf32, #tpu.memory_space<vmem_shared>> -> memref<10240x128xf32, #tpu.memory_space<vmem_shared>>
      tpu.wait_indirect_dma semaphore(%arg17 : memref<!tpu.dma_semaphore, #tpu.memory_space<semaphore_mem>>) src(%dma_wait3A_963 : memref<64x128xf32, #tpu.memory_space<vmem>>) dst(%dma_wait3A_969 : memref<10240x128xf32, #tpu.memory_space<vmem_shared>>)
      %dma_start3A_970 = arith.constant 3 : i32
      %dma_start3A_971 = arith.constant 0 : i32
      %dma_start3A_972 = arith.constant 0 : i32
      %dma_start3A_973 = tpu.memref_slice %arg8[%dma_start3A_970, %dma_start3A_971, %dma_start3A_972] : memref<4x64x128xf32, #tpu.memory_space<vmem>> -> memref<1x64x128xf32, #tpu.memory_space<vmem>>
      %dma_start3A_974 = tpu.memref_squeeze %dma_start3A_973 : memref<1x64x128xf32, #tpu.memory_space<vmem>> -> memref<64x128xf32, #tpu.memory_space<vmem>>
      %dma_start3A_975 = arith.constant 64 : i32
      %dma_start3A_976 = tpu.memref_slice %arg6[%add3A_936, %dma_start3A_975] : memref<40x128xi32, #tpu.memory_space<vmem>> -> memref<1x64xi32, #tpu.memory_space<vmem>>
      %dma_start3A_977 = tpu.memref_squeeze %dma_start3A_976 : memref<1x64xi32, #tpu.memory_space<vmem>> -> memref<64xi32, #tpu.memory_space<vmem>>
      %dma_start3A_978 = arith.constant 0 : i32
      %dma_start3A_979 = arith.constant 0 : i32
      %dma_start3A_980 = tpu.memref_slice %arg2[%dma_start3A_978, %dma_start3A_979] : memref<10000x128xf32, #tpu.memory_space<hbm>> -> memref<10000x128xf32, #tpu.memory_space<hbm>>
      tpu.enqueue_indirect_dma source(%dma_start3A_980 : memref<10000x128xf32, #tpu.memory_space<hbm>>) target(%dma_start3A_974 : memref<64x128xf32, #tpu.memory_space<vmem>>) offsets(%dma_start3A_977 : memref<64xi32, #tpu.memory_space<vmem>>) semaphore(%arg13 : memref<!tpu.dma_semaphore, #tpu.memory_space<semaphore_mem>>)
      %mul3A_981 = arith.constant 2 : i32
      %mul3A_982 = arith.muli %mul3A_981, %scan3A_856 : i32
      %add3A_983 = arith.constant 1 : i32
      %add3A_984 = arith.addi %mul3A_982, %add3A_983 : i32
      %add3A_985 = arith.constant 1 : i32
      %add3A_986 = arith.addi %add3A_984, %add3A_985 : i32
      %mul3A_987 = arith.constant 2 : i32
      %mul3A_988 = arith.muli %mul3A_987, %scan3A_856 : i32
      %add3A_989 = arith.constant 1 : i32
      %add3A_990 = arith.addi %mul3A_988, %add3A_989 : i32
      %add3A_991 = arith.constant 1 : i32
      %add3A_992 = arith.addi %add3A_990, %add3A_991 : i32
      %mul3A_993 = arith.constant 2 : i32
      %mul3A_994 = arith.muli %mul3A_993, %scan3A_856 : i32
      %add3A_995 = arith.constant 3 : i32
      %add3A_996 = arith.addi %mul3A_994, %add3A_995 : i32
      %add3A_997 = arith.constant 1 : i32
      %add3A_998 = arith.addi %add3A_996, %add3A_997 : i32
      %dma_wait3A_999 = arith.constant 1 : i32
      %dma_wait3A_1000 = arith.constant 0 : i32
      %dma_wait3A_1001 = arith.constant 0 : i32
      %dma_wait3A_1002 = tpu.memref_slice %arg8[%dma_wait3A_999, %dma_wait3A_1000, %dma_wait3A_1001] : memref<4x64x128xf32, #tpu.memory_space<vmem>> -> memref<1x64x128xf32, #tpu.memory_space<vmem>>
      %dma_wait3A_1003 = tpu.memref_squeeze %dma_wait3A_1002 : memref<1x64x128xf32, #tpu.memory_space<vmem>> -> memref<64x128xf32, #tpu.memory_space<vmem>>
      %dma_wait3A_1004 = arith.constant 64 : i32
      %dma_wait3A_1005 = tpu.memref_slice %arg6[%add3A_986, %dma_wait3A_1004] : memref<40x128xi32, #tpu.memory_space<vmem>> -> memref<1x64xi32, #tpu.memory_space<vmem>>
      %dma_wait3A_1006 = tpu.memref_squeeze %dma_wait3A_1005 : memref<1x64xi32, #tpu.memory_space<vmem>> -> memref<64xi32, #tpu.memory_space<vmem>>
      %dma_wait3A_1007 = arith.constant 0 : i32
      %dma_wait3A_1008 = arith.constant 0 : i32
      %dma_wait3A_1009 = tpu.memref_slice %arg2[%dma_wait3A_1007, %dma_wait3A_1008] : memref<10000x128xf32, #tpu.memory_space<hbm>> -> memref<10000x128xf32, #tpu.memory_space<hbm>>
      tpu.wait_indirect_dma semaphore(%arg11 : memref<!tpu.dma_semaphore, #tpu.memory_space<semaphore_mem>>) src(%dma_wait3A_1009 : memref<10000x128xf32, #tpu.memory_space<hbm>>) dst(%dma_wait3A_1003 : memref<64x128xf32, #tpu.memory_space<vmem>>)
      %dma_start3A_1010 = arith.constant 1 : i32
      %dma_start3A_1011 = arith.constant 0 : i32
      %dma_start3A_1012 = arith.constant 0 : i32
      %dma_start3A_1013 = tpu.memref_slice %arg8[%dma_start3A_1010, %dma_start3A_1011, %dma_start3A_1012] : memref<4x64x128xf32, #tpu.memory_space<vmem>> -> memref<1x64x128xf32, #tpu.memory_space<vmem>>
      %dma_start3A_1014 = tpu.memref_squeeze %dma_start3A_1013 : memref<1x64x128xf32, #tpu.memory_space<vmem>> -> memref<64x128xf32, #tpu.memory_space<vmem>>
      %dma_start3A_1015 = arith.constant 64 : i32
      %dma_start3A_1016 = tpu.memref_slice %arg7[%add3A_986, %dma_start3A_1015] : memref<40x128xi32, #tpu.memory_space<vmem>> -> memref<1x64xi32, #tpu.memory_space<vmem>>
      %dma_start3A_1017 = tpu.memref_squeeze %dma_start3A_1016 : memref<1x64xi32, #tpu.memory_space<vmem>> -> memref<64xi32, #tpu.memory_space<vmem>>
      %dma_start3A_1018 = arith.constant 0 : i32
      %dma_start3A_1019 = arith.constant 0 : i32
      %dma_start3A_1020 = tpu.memref_slice %arg9[%dma_start3A_1018, %dma_start3A_1019] : memref<10240x128xf32, #tpu.memory_space<vmem_shared>> -> memref<10240x128xf32, #tpu.memory_space<vmem_shared>>
      tpu.enqueue_indirect_dma source(%dma_start3A_1014 : memref<64x128xf32, #tpu.memory_space<vmem>>) target(%dma_start3A_1020 : memref<10240x128xf32, #tpu.memory_space<vmem_shared>>) offsets(%dma_start3A_1017 : memref<64xi32, #tpu.memory_space<vmem>>) semaphore(%arg15 : memref<!tpu.dma_semaphore, #tpu.memory_space<semaphore_mem>>) {add = true}
      %dma_wait3A_1021 = arith.constant 0 : i32
      %dma_wait3A_1022 = arith.constant 0 : i32
      %dma_wait3A_1023 = arith.constant 0 : i32
      %dma_wait3A_1024 = tpu.memref_slice %arg8[%dma_wait3A_1021, %dma_wait3A_1022, %dma_wait3A_1023] : memref<4x64x128xf32, #tpu.memory_space<vmem>> -> memref<1x64x128xf32, #tpu.memory_space<vmem>>
      %dma_wait3A_1025 = tpu.memref_squeeze %dma_wait3A_1024 : memref<1x64x128xf32, #tpu.memory_space<vmem>> -> memref<64x128xf32, #tpu.memory_space<vmem>>
      %dma_wait3A_1026 = arith.constant 0 : i32
      %dma_wait3A_1027 = tpu.memref_slice %arg7[%add3A_992, %dma_wait3A_1026] : memref<40x128xi32, #tpu.memory_space<vmem>> -> memref<1x64xi32, #tpu.memory_space<vmem>>
      %dma_wait3A_1028 = tpu.memref_squeeze %dma_wait3A_1027 : memref<1x64xi32, #tpu.memory_space<vmem>> -> memref<64xi32, #tpu.memory_space<vmem>>
      %dma_wait3A_1029 = arith.constant 0 : i32
      %dma_wait3A_1030 = arith.constant 0 : i32
      %dma_wait3A_1031 = tpu.memref_slice %arg9[%dma_wait3A_1029, %dma_wait3A_1030] : memref<10240x128xf32, #tpu.memory_space<vmem_shared>> -> memref<10240x128xf32, #tpu.memory_space<vmem_shared>>
      tpu.wait_indirect_dma semaphore(%arg14 : memref<!tpu.dma_semaphore, #tpu.memory_space<semaphore_mem>>) src(%dma_wait3A_1025 : memref<64x128xf32, #tpu.memory_space<vmem>>) dst(%dma_wait3A_1031 : memref<10240x128xf32, #tpu.memory_space<vmem_shared>>)
      %dma_start3A_1032 = arith.constant 0 : i32
      %dma_start3A_1033 = arith.constant 0 : i32
      %dma_start3A_1034 = arith.constant 0 : i32
      %dma_start3A_1035 = tpu.memref_slice %arg8[%dma_start3A_1032, %dma_start3A_1033, %dma_start3A_1034] : memref<4x64x128xf32, #tpu.memory_space<vmem>> -> memref<1x64x128xf32, #tpu.memory_space<vmem>>
      %dma_start3A_1036 = tpu.memref_squeeze %dma_start3A_1035 : memref<1x64x128xf32, #tpu.memory_space<vmem>> -> memref<64x128xf32, #tpu.memory_space<vmem>>
      %dma_start3A_1037 = arith.constant 0 : i32
      %dma_start3A_1038 = tpu.memref_slice %arg6[%add3A_998, %dma_start3A_1037] : memref<40x128xi32, #tpu.memory_space<vmem>> -> memref<1x64xi32, #tpu.memory_space<vmem>>
      %dma_start3A_1039 = tpu.memref_squeeze %dma_start3A_1038 : memref<1x64xi32, #tpu.memory_space<vmem>> -> memref<64xi32, #tpu.memory_space<vmem>>
      %dma_start3A_1040 = arith.constant 0 : i32
      %dma_start3A_1041 = arith.constant 0 : i32
      %dma_start3A_1042 = tpu.memref_slice %arg2[%dma_start3A_1040, %dma_start3A_1041] : memref<10000x128xf32, #tpu.memory_space<hbm>> -> memref<10000x128xf32, #tpu.memory_space<hbm>>
      tpu.enqueue_indirect_dma source(%dma_start3A_1042 : memref<10000x128xf32, #tpu.memory_space<hbm>>) target(%dma_start3A_1036 : memref<64x128xf32, #tpu.memory_space<vmem>>) offsets(%dma_start3A_1039 : memref<64xi32, #tpu.memory_space<vmem>>) semaphore(%arg10 : memref<!tpu.dma_semaphore, #tpu.memory_space<semaphore_mem>>)
      %mul3A_1043 = arith.constant 2 : i32
      %mul3A_1044 = arith.muli %mul3A_1043, %scan3A_856 : i32
      %add3A_1045 = arith.constant 1 : i32
      %add3A_1046 = arith.addi %mul3A_1044, %add3A_1045 : i32
      %add3A_1047 = arith.constant 2 : i32
      %add3A_1048 = arith.addi %add3A_1046, %add3A_1047 : i32
      %mul3A_1049 = arith.constant 2 : i32
      %mul3A_1050 = arith.muli %mul3A_1049, %scan3A_856 : i32
      %add3A_1051 = arith.constant 1 : i32
      %add3A_1052 = arith.addi %mul3A_1050, %add3A_1051 : i32
      %add3A_1053 = arith.constant 1 : i32
      %add3A_1054 = arith.addi %add3A_1052, %add3A_1053 : i32
      %mul3A_1055 = arith.constant 2 : i32
      %mul3A_1056 = arith.muli %mul3A_1055, %scan3A_856 : i32
      %add3A_1057 = arith.constant 3 : i32
      %add3A_1058 = arith.addi %mul3A_1056, %add3A_1057 : i32
      %add3A_1059 = arith.constant 1 : i32
      %add3A_1060 = arith.addi %add3A_1058, %add3A_1059 : i32
      %dma_wait3A_1061 = arith.constant 2 : i32
      %dma_wait3A_1062 = arith.constant 0 : i32
      %dma_wait3A_1063 = arith.constant 0 : i32
      %dma_wait3A_1064 = tpu.memref_slice %arg8[%dma_wait3A_1061, %dma_wait3A_1062, %dma_wait3A_1063] : memref<4x64x128xf32, #tpu.memory_space<vmem>> -> memref<1x64x128xf32, #tpu.memory_space<vmem>>
      %dma_wait3A_1065 = tpu.memref_squeeze %dma_wait3A_1064 : memref<1x64x128xf32, #tpu.memory_space<vmem>> -> memref<64x128xf32, #tpu.memory_space<vmem>>
      %dma_wait3A_1066 = arith.constant 0 : i32
      %dma_wait3A_1067 = tpu.memref_slice %arg6[%add3A_1048, %dma_wait3A_1066] : memref<40x128xi32, #tpu.memory_space<vmem>> -> memref<1x64xi32, #tpu.memory_space<vmem>>
      %dma_wait3A_1068 = tpu.memref_squeeze %dma_wait3A_1067 : memref<1x64xi32, #tpu.memory_space<vmem>> -> memref<64xi32, #tpu.memory_space<vmem>>
      %dma_wait3A_1069 = arith.constant 0 : i32
      %dma_wait3A_1070 = arith.constant 0 : i32
      %dma_wait3A_1071 = tpu.memref_slice %arg2[%dma_wait3A_1069, %dma_wait3A_1070] : memref<10000x128xf32, #tpu.memory_space<hbm>> -> memref<10000x128xf32, #tpu.memory_space<hbm>>
      tpu.wait_indirect_dma semaphore(%arg12 : memref<!tpu.dma_semaphore, #tpu.memory_space<semaphore_mem>>) src(%dma_wait3A_1071 : memref<10000x128xf32, #tpu.memory_space<hbm>>) dst(%dma_wait3A_1065 : memref<64x128xf32, #tpu.memory_space<vmem>>)
      %dma_start3A_1072 = arith.constant 2 : i32
      %dma_start3A_1073 = arith.constant 0 : i32
      %dma_start3A_1074 = arith.constant 0 : i32
      %dma_start3A_1075 = tpu.memref_slice %arg8[%dma_start3A_1072, %dma_start3A_1073, %dma_start3A_1074] : memref<4x64x128xf32, #tpu.memory_space<vmem>> -> memref<1x64x128xf32, #tpu.memory_space<vmem>>
      %dma_start3A_1076 = tpu.memref_squeeze %dma_start3A_1075 : memref<1x64x128xf32, #tpu.memory_space<vmem>> -> memref<64x128xf32, #tpu.memory_space<vmem>>
      %dma_start3A_1077 = arith.constant 0 : i32
      %dma_start3A_1078 = tpu.memref_slice %arg7[%add3A_1048, %dma_start3A_1077] : memref<40x128xi32, #tpu.memory_space<vmem>> -> memref<1x64xi32, #tpu.memory_space<vmem>>
      %dma_start3A_1079 = tpu.memref_squeeze %dma_start3A_1078 : memref<1x64xi32, #tpu.memory_space<vmem>> -> memref<64xi32, #tpu.memory_space<vmem>>
      %dma_start3A_1080 = arith.constant 0 : i32
      %dma_start3A_1081 = arith.constant 0 : i32
      %dma_start3A_1082 = tpu.memref_slice %arg9[%dma_start3A_1080, %dma_start3A_1081] : memref<10240x128xf32, #tpu.memory_space<vmem_shared>> -> memref<10240x128xf32, #tpu.memory_space<vmem_shared>>
      tpu.enqueue_indirect_dma source(%dma_start3A_1076 : memref<64x128xf32, #tpu.memory_space<vmem>>) target(%dma_start3A_1082 : memref<10240x128xf32, #tpu.memory_space<vmem_shared>>) offsets(%dma_start3A_1079 : memref<64xi32, #tpu.memory_space<vmem>>) semaphore(%arg16 : memref<!tpu.dma_semaphore, #tpu.memory_space<semaphore_mem>>) {add = true}
      %dma_wait3A_1083 = arith.constant 1 : i32
      %dma_wait3A_1084 = arith.constant 0 : i32
      %dma_wait3A_1085 = arith.constant 0 : i32
      %dma_wait3A_1086 = tpu.memref_slice %arg8[%dma_wait3A_1083, %dma_wait3A_1084, %dma_wait3A_1085] : memref<4x64x128xf32, #tpu.memory_space<vmem>> -> memref<1x64x128xf32, #tpu.memory_space<vmem>>
      %dma_wait3A_1087 = tpu.memref_squeeze %dma_wait3A_1086 : memref<1x64x128xf32, #tpu.memory_space<vmem>> -> memref<64x128xf32, #tpu.memory_space<vmem>>
      %dma_wait3A_1088 = arith.constant 64 : i32
      %dma_wait3A_1089 = tpu.memref_slice %arg7[%add3A_1054, %dma_wait3A_1088] : memref<40x128xi32, #tpu.memory_space<vmem>> -> memref<1x64xi32, #tpu.memory_space<vmem>>
      %dma_wait3A_1090 = tpu.memref_squeeze %dma_wait3A_1089 : memref<1x64xi32, #tpu.memory_space<vmem>> -> memref<64xi32, #tpu.memory_space<vmem>>
      %dma_wait3A_1091 = arith.constant 0 : i32
      %dma_wait3A_1092 = arith.constant 0 : i32
      %dma_wait3A_1093 = tpu.memref_slice %arg9[%dma_wait3A_1091, %dma_wait3A_1092] : memref<10240x128xf32, #tpu.memory_space<vmem_shared>> -> memref<10240x128xf32, #tpu.memory_space<vmem_shared>>
      tpu.wait_indirect_dma semaphore(%arg15 : memref<!tpu.dma_semaphore, #tpu.memory_space<semaphore_mem>>) src(%dma_wait3A_1087 : memref<64x128xf32, #tpu.memory_space<vmem>>) dst(%dma_wait3A_1093 : memref<10240x128xf32, #tpu.memory_space<vmem_shared>>)
      %dma_start3A_1094 = arith.constant 1 : i32
      %dma_start3A_1095 = arith.constant 0 : i32
      %dma_start3A_1096 = arith.constant 0 : i32
      %dma_start3A_1097 = tpu.memref_slice %arg8[%dma_start3A_1094, %dma_start3A_1095, %dma_start3A_1096] : memref<4x64x128xf32, #tpu.memory_space<vmem>> -> memref<1x64x128xf32, #tpu.memory_space<vmem>>
      %dma_start3A_1098 = tpu.memref_squeeze %dma_start3A_1097 : memref<1x64x128xf32, #tpu.memory_space<vmem>> -> memref<64x128xf32, #tpu.memory_space<vmem>>
      %dma_start3A_1099 = arith.constant 64 : i32
      %dma_start3A_1100 = tpu.memref_slice %arg6[%add3A_1060, %dma_start3A_1099] : memref<40x128xi32, #tpu.memory_space<vmem>> -> memref<1x64xi32, #tpu.memory_space<vmem>>
      %dma_start3A_1101 = tpu.memref_squeeze %dma_start3A_1100 : memref<1x64xi32, #tpu.memory_space<vmem>> -> memref<64xi32, #tpu.memory_space<vmem>>
      %dma_start3A_1102 = arith.constant 0 : i32
      %dma_start3A_1103 = arith.constant 0 : i32
      %dma_start3A_1104 = tpu.memref_slice %arg2[%dma_start3A_1102, %dma_start3A_1103] : memref<10000x128xf32, #tpu.memory_space<hbm>> -> memref<10000x128xf32, #tpu.memory_space<hbm>>
      tpu.enqueue_indirect_dma source(%dma_start3A_1104 : memref<10000x128xf32, #tpu.memory_space<hbm>>) target(%dma_start3A_1098 : memref<64x128xf32, #tpu.memory_space<vmem>>) offsets(%dma_start3A_1101 : memref<64xi32, #tpu.memory_space<vmem>>) semaphore(%arg11 : memref<!tpu.dma_semaphore, #tpu.memory_space<semaphore_mem>>)
    }
    %scan3A_632 = arith.constant 18 : i32
    %dma_wait3A_633 = arith.constant 37 : i32
    %dma_wait3A_634 = arith.constant 3 : i32
    %dma_wait3A_635 = arith.constant 0 : i32
    %dma_wait3A_636 = arith.constant 0 : i32
    %dma_wait3A_637 = tpu.memref_slice %arg8[%dma_wait3A_634, %dma_wait3A_635, %dma_wait3A_636] : memref<4x64x128xf32, #tpu.memory_space<vmem>> -> memref<1x64x128xf32, #tpu.memory_space<vmem>>
    %dma_wait3A_638 = tpu.memref_squeeze %dma_wait3A_637 : memref<1x64x128xf32, #tpu.memory_space<vmem>> -> memref<64x128xf32, #tpu.memory_space<vmem>>
    %dma_wait3A_639 = arith.constant 64 : i32
    %dma_wait3A_640 = tpu.memref_slice %arg6[%dma_wait3A_633, %dma_wait3A_639] : memref<40x128xi32, #tpu.memory_space<vmem>> -> memref<1x64xi32, #tpu.memory_space<vmem>>
    %dma_wait3A_641 = tpu.memref_squeeze %dma_wait3A_640 : memref<1x64xi32, #tpu.memory_space<vmem>> -> memref<64xi32, #tpu.memory_space<vmem>>
    %dma_wait3A_642 = arith.constant 0 : i32
    %dma_wait3A_643 = arith.constant 0 : i32
    %dma_wait3A_644 = tpu.memref_slice %arg2[%dma_wait3A_642, %dma_wait3A_643] : memref<10000x128xf32, #tpu.memory_space<hbm>> -> memref<10000x128xf32, #tpu.memory_space<hbm>>
    tpu.wait_indirect_dma semaphore(%arg13 : memref<!tpu.dma_semaphore, #tpu.memory_space<semaphore_mem>>) src(%dma_wait3A_644 : memref<10000x128xf32, #tpu.memory_space<hbm>>) dst(%dma_wait3A_638 : memref<64x128xf32, #tpu.memory_space<vmem>>)
    %dma_start3A_645 = arith.constant 3 : i32
    %dma_start3A_646 = arith.constant 37 : i32
    %dma_start3A_647 = arith.constant 0 : i32
    %dma_start3A_648 = arith.constant 0 : i32
    %dma_start3A_649 = tpu.memref_slice %arg8[%dma_start3A_645, %dma_start3A_647, %dma_start3A_648] : memref<4x64x128xf32, #tpu.memory_space<vmem>> -> memref<1x64x128xf32, #tpu.memory_space<vmem>>
    %dma_start3A_650 = tpu.memref_squeeze %dma_start3A_649 : memref<1x64x128xf32, #tpu.memory_space<vmem>> -> memref<64x128xf32, #tpu.memory_space<vmem>>
    %dma_start3A_651 = arith.constant 64 : i32
    %dma_start3A_652 = tpu.memref_slice %arg7[%dma_start3A_646, %dma_start3A_651] : memref<40x128xi32, #tpu.memory_space<vmem>> -> memref<1x64xi32, #tpu.memory_space<vmem>>
    %dma_start3A_653 = tpu.memref_squeeze %dma_start3A_652 : memref<1x64xi32, #tpu.memory_space<vmem>> -> memref<64xi32, #tpu.memory_space<vmem>>
    %dma_start3A_654 = arith.constant 0 : i32
    %dma_start3A_655 = arith.constant 0 : i32
    %dma_start3A_656 = tpu.memref_slice %arg9[%dma_start3A_654, %dma_start3A_655] : memref<10240x128xf32, #tpu.memory_space<vmem_shared>> -> memref<10240x128xf32, #tpu.memory_space<vmem_shared>>
    tpu.enqueue_indirect_dma source(%dma_start3A_650 : memref<64x128xf32, #tpu.memory_space<vmem>>) target(%dma_start3A_656 : memref<10240x128xf32, #tpu.memory_space<vmem_shared>>) offsets(%dma_start3A_653 : memref<64xi32, #tpu.memory_space<vmem>>) semaphore(%arg17 : memref<!tpu.dma_semaphore, #tpu.memory_space<semaphore_mem>>) {add = true}
    %dma_wait3A_657 = arith.constant 2 : i32
    %dma_wait3A_658 = arith.constant 37 : i32
    %dma_wait3A_659 = arith.constant 0 : i32
    %dma_wait3A_660 = arith.constant 0 : i32
    %dma_wait3A_661 = tpu.memref_slice %arg8[%dma_wait3A_657, %dma_wait3A_659, %dma_wait3A_660] : memref<4x64x128xf32, #tpu.memory_space<vmem>> -> memref<1x64x128xf32, #tpu.memory_space<vmem>>
    %dma_wait3A_662 = tpu.memref_squeeze %dma_wait3A_661 : memref<1x64x128xf32, #tpu.memory_space<vmem>> -> memref<64x128xf32, #tpu.memory_space<vmem>>
    %dma_wait3A_663 = arith.constant 0 : i32
    %dma_wait3A_664 = tpu.memref_slice %arg7[%dma_wait3A_658, %dma_wait3A_663] : memref<40x128xi32, #tpu.memory_space<vmem>> -> memref<1x64xi32, #tpu.memory_space<vmem>>
    %dma_wait3A_665 = tpu.memref_squeeze %dma_wait3A_664 : memref<1x64xi32, #tpu.memory_space<vmem>> -> memref<64xi32, #tpu.memory_space<vmem>>
    %dma_wait3A_666 = arith.constant 0 : i32
    %dma_wait3A_667 = arith.constant 0 : i32
    %dma_wait3A_668 = tpu.memref_slice %arg9[%dma_wait3A_666, %dma_wait3A_667] : memref<10240x128xf32, #tpu.memory_space<vmem_shared>> -> memref<10240x128xf32, #tpu.memory_space<vmem_shared>>
    tpu.wait_indirect_dma semaphore(%arg16 : memref<!tpu.dma_semaphore, #tpu.memory_space<semaphore_mem>>) src(%dma_wait3A_662 : memref<64x128xf32, #tpu.memory_space<vmem>>) dst(%dma_wait3A_668 : memref<10240x128xf32, #tpu.memory_space<vmem_shared>>)
    %dma_start3A_669 = arith.constant 39 : i32
    %dma_start3A_670 = arith.constant 2 : i32
    %dma_start3A_671 = arith.constant 0 : i32
    %dma_start3A_672 = arith.constant 0 : i32
    %dma_start3A_673 = tpu.memref_slice %arg8[%dma_start3A_670, %dma_start3A_671, %dma_start3A_672] : memref<4x64x128xf32, #tpu.memory_space<vmem>> -> memref<1x64x128xf32, #tpu.memory_space<vmem>>
    %dma_start3A_674 = tpu.memref_squeeze %dma_start3A_673 : memref<1x64x128xf32, #tpu.memory_space<vmem>> -> memref<64x128xf32, #tpu.memory_space<vmem>>
    %dma_start3A_675 = arith.constant 0 : i32
    %dma_start3A_676 = tpu.memref_slice %arg6[%dma_start3A_669, %dma_start3A_675] : memref<40x128xi32, #tpu.memory_space<vmem>> -> memref<1x64xi32, #tpu.memory_space<vmem>>
    %dma_start3A_677 = tpu.memref_squeeze %dma_start3A_676 : memref<1x64xi32, #tpu.memory_space<vmem>> -> memref<64xi32, #tpu.memory_space<vmem>>
    %dma_start3A_678 = arith.constant 0 : i32
    %dma_start3A_679 = arith.constant 0 : i32
    %dma_start3A_680 = tpu.memref_slice %arg2[%dma_start3A_678, %dma_start3A_679] : memref<10000x128xf32, #tpu.memory_space<hbm>> -> memref<10000x128xf32, #tpu.memory_space<hbm>>
    tpu.enqueue_indirect_dma source(%dma_start3A_680 : memref<10000x128xf32, #tpu.memory_space<hbm>>) target(%dma_start3A_674 : memref<64x128xf32, #tpu.memory_space<vmem>>) offsets(%dma_start3A_677 : memref<64xi32, #tpu.memory_space<vmem>>) semaphore(%arg12 : memref<!tpu.dma_semaphore, #tpu.memory_space<semaphore_mem>>)
    %dma_wait3A_681 = arith.constant 38 : i32
    %dma_wait3A_682 = arith.constant 0 : i32
    %dma_wait3A_683 = arith.constant 0 : i32
    %dma_wait3A_684 = arith.constant 0 : i32
    %dma_wait3A_685 = tpu.memref_slice %arg8[%dma_wait3A_682, %dma_wait3A_683, %dma_wait3A_684] : memref<4x64x128xf32, #tpu.memory_space<vmem>> -> memref<1x64x128xf32, #tpu.memory_space<vmem>>
    %dma_wait3A_686 = tpu.memref_squeeze %dma_wait3A_685 : memref<1x64x128xf32, #tpu.memory_space<vmem>> -> memref<64x128xf32, #tpu.memory_space<vmem>>
    %dma_wait3A_687 = arith.constant 0 : i32
    %dma_wait3A_688 = tpu.memref_slice %arg6[%dma_wait3A_681, %dma_wait3A_687] : memref<40x128xi32, #tpu.memory_space<vmem>> -> memref<1x64xi32, #tpu.memory_space<vmem>>
    %dma_wait3A_689 = tpu.memref_squeeze %dma_wait3A_688 : memref<1x64xi32, #tpu.memory_space<vmem>> -> memref<64xi32, #tpu.memory_space<vmem>>
    %dma_wait3A_690 = arith.constant 0 : i32
    %dma_wait3A_691 = arith.constant 0 : i32
    %dma_wait3A_692 = tpu.memref_slice %arg2[%dma_wait3A_690, %dma_wait3A_691] : memref<10000x128xf32, #tpu.memory_space<hbm>> -> memref<10000x128xf32, #tpu.memory_space<hbm>>
    tpu.wait_indirect_dma semaphore(%arg10 : memref<!tpu.dma_semaphore, #tpu.memory_space<semaphore_mem>>) src(%dma_wait3A_692 : memref<10000x128xf32, #tpu.memory_space<hbm>>) dst(%dma_wait3A_686 : memref<64x128xf32, #tpu.memory_space<vmem>>)
    %dma_start3A_693 = arith.constant 0 : i32
    %dma_start3A_694 = arith.constant 38 : i32
    %dma_start3A_695 = arith.constant 0 : i32
    %dma_start3A_696 = arith.constant 0 : i32
    %dma_start3A_697 = tpu.memref_slice %arg8[%dma_start3A_693, %dma_start3A_695, %dma_start3A_696] : memref<4x64x128xf32, #tpu.memory_space<vmem>> -> memref<1x64x128xf32, #tpu.memory_space<vmem>>
    %dma_start3A_698 = tpu.memref_squeeze %dma_start3A_697 : memref<1x64x128xf32, #tpu.memory_space<vmem>> -> memref<64x128xf32, #tpu.memory_space<vmem>>
    %dma_start3A_699 = arith.constant 0 : i32
    %dma_start3A_700 = tpu.memref_slice %arg7[%dma_start3A_694, %dma_start3A_699] : memref<40x128xi32, #tpu.memory_space<vmem>> -> memref<1x64xi32, #tpu.memory_space<vmem>>
    %dma_start3A_701 = tpu.memref_squeeze %dma_start3A_700 : memref<1x64xi32, #tpu.memory_space<vmem>> -> memref<64xi32, #tpu.memory_space<vmem>>
    %dma_start3A_702 = arith.constant 0 : i32
    %dma_start3A_703 = arith.constant 0 : i32
    %dma_start3A_704 = tpu.memref_slice %arg9[%dma_start3A_702, %dma_start3A_703] : memref<10240x128xf32, #tpu.memory_space<vmem_shared>> -> memref<10240x128xf32, #tpu.memory_space<vmem_shared>>
    tpu.enqueue_indirect_dma source(%dma_start3A_698 : memref<64x128xf32, #tpu.memory_space<vmem>>) target(%dma_start3A_704 : memref<10240x128xf32, #tpu.memory_space<vmem_shared>>) offsets(%dma_start3A_701 : memref<64xi32, #tpu.memory_space<vmem>>) semaphore(%arg14 : memref<!tpu.dma_semaphore, #tpu.memory_space<semaphore_mem>>) {add = true}
    %dma_wait3A_705 = arith.constant 3 : i32
    %dma_wait3A_706 = arith.constant 37 : i32
    %dma_wait3A_707 = arith.constant 0 : i32
    %dma_wait3A_708 = arith.constant 0 : i32
    %dma_wait3A_709 = tpu.memref_slice %arg8[%dma_wait3A_705, %dma_wait3A_707, %dma_wait3A_708] : memref<4x64x128xf32, #tpu.memory_space<vmem>> -> memref<1x64x128xf32, #tpu.memory_space<vmem>>
    %dma_wait3A_710 = tpu.memref_squeeze %dma_wait3A_709 : memref<1x64x128xf32, #tpu.memory_space<vmem>> -> memref<64x128xf32, #tpu.memory_space<vmem>>
    %dma_wait3A_711 = arith.constant 64 : i32
    %dma_wait3A_712 = tpu.memref_slice %arg7[%dma_wait3A_706, %dma_wait3A_711] : memref<40x128xi32, #tpu.memory_space<vmem>> -> memref<1x64xi32, #tpu.memory_space<vmem>>
    %dma_wait3A_713 = tpu.memref_squeeze %dma_wait3A_712 : memref<1x64xi32, #tpu.memory_space<vmem>> -> memref<64xi32, #tpu.memory_space<vmem>>
    %dma_wait3A_714 = arith.constant 0 : i32
    %dma_wait3A_715 = arith.constant 0 : i32
    %dma_wait3A_716 = tpu.memref_slice %arg9[%dma_wait3A_714, %dma_wait3A_715] : memref<10240x128xf32, #tpu.memory_space<vmem_shared>> -> memref<10240x128xf32, #tpu.memory_space<vmem_shared>>
    tpu.wait_indirect_dma semaphore(%arg17 : memref<!tpu.dma_semaphore, #tpu.memory_space<semaphore_mem>>) src(%dma_wait3A_710 : memref<64x128xf32, #tpu.memory_space<vmem>>) dst(%dma_wait3A_716 : memref<10240x128xf32, #tpu.memory_space<vmem_shared>>)
    %dma_start3A_717 = arith.constant 39 : i32
    %dma_start3A_718 = arith.constant 3 : i32
    %dma_start3A_719 = arith.constant 0 : i32
    %dma_start3A_720 = arith.constant 0 : i32
    %dma_start3A_721 = tpu.memref_slice %arg8[%dma_start3A_718, %dma_start3A_719, %dma_start3A_720] : memref<4x64x128xf32, #tpu.memory_space<vmem>> -> memref<1x64x128xf32, #tpu.memory_space<vmem>>
    %dma_start3A_722 = tpu.memref_squeeze %dma_start3A_721 : memref<1x64x128xf32, #tpu.memory_space<vmem>> -> memref<64x128xf32, #tpu.memory_space<vmem>>
    %dma_start3A_723 = arith.constant 64 : i32
    %dma_start3A_724 = tpu.memref_slice %arg6[%dma_start3A_717, %dma_start3A_723] : memref<40x128xi32, #tpu.memory_space<vmem>> -> memref<1x64xi32, #tpu.memory_space<vmem>>
    %dma_start3A_725 = tpu.memref_squeeze %dma_start3A_724 : memref<1x64xi32, #tpu.memory_space<vmem>> -> memref<64xi32, #tpu.memory_space<vmem>>
    %dma_start3A_726 = arith.constant 0 : i32
    %dma_start3A_727 = arith.constant 0 : i32
    %dma_start3A_728 = tpu.memref_slice %arg2[%dma_start3A_726, %dma_start3A_727] : memref<10000x128xf32, #tpu.memory_space<hbm>> -> memref<10000x128xf32, #tpu.memory_space<hbm>>
    tpu.enqueue_indirect_dma source(%dma_start3A_728 : memref<10000x128xf32, #tpu.memory_space<hbm>>) target(%dma_start3A_722 : memref<64x128xf32, #tpu.memory_space<vmem>>) offsets(%dma_start3A_725 : memref<64xi32, #tpu.memory_space<vmem>>) semaphore(%arg13 : memref<!tpu.dma_semaphore, #tpu.memory_space<semaphore_mem>>)
    %dma_wait3A_729 = arith.constant 38 : i32
    %dma_wait3A_730 = arith.constant 1 : i32
    %dma_wait3A_731 = arith.constant 0 : i32
    %dma_wait3A_732 = arith.constant 0 : i32
    %dma_wait3A_733 = tpu.memref_slice %arg8[%dma_wait3A_730, %dma_wait3A_731, %dma_wait3A_732] : memref<4x64x128xf32, #tpu.memory_space<vmem>> -> memref<1x64x128xf32, #tpu.memory_space<vmem>>
    %dma_wait3A_734 = tpu.memref_squeeze %dma_wait3A_733 : memref<1x64x128xf32, #tpu.memory_space<vmem>> -> memref<64x128xf32, #tpu.memory_space<vmem>>
    %dma_wait3A_735 = arith.constant 64 : i32
    %dma_wait3A_736 = tpu.memref_slice %arg6[%dma_wait3A_729, %dma_wait3A_735] : memref<40x128xi32, #tpu.memory_space<vmem>> -> memref<1x64xi32, #tpu.memory_space<vmem>>
    %dma_wait3A_737 = tpu.memref_squeeze %dma_wait3A_736 : memref<1x64xi32, #tpu.memory_space<vmem>> -> memref<64xi32, #tpu.memory_space<vmem>>
    %dma_wait3A_738 = arith.constant 0 : i32
    %dma_wait3A_739 = arith.constant 0 : i32
    %dma_wait3A_740 = tpu.memref_slice %arg2[%dma_wait3A_738, %dma_wait3A_739] : memref<10000x128xf32, #tpu.memory_space<hbm>> -> memref<10000x128xf32, #tpu.memory_space<hbm>>
    tpu.wait_indirect_dma semaphore(%arg11 : memref<!tpu.dma_semaphore, #tpu.memory_space<semaphore_mem>>) src(%dma_wait3A_740 : memref<10000x128xf32, #tpu.memory_space<hbm>>) dst(%dma_wait3A_734 : memref<64x128xf32, #tpu.memory_space<vmem>>)
    %dma_start3A_741 = arith.constant 1 : i32
    %dma_start3A_742 = arith.constant 38 : i32
    %dma_start3A_743 = arith.constant 0 : i32
    %dma_start3A_744 = arith.constant 0 : i32
    %dma_start3A_745 = tpu.memref_slice %arg8[%dma_start3A_741, %dma_start3A_743, %dma_start3A_744] : memref<4x64x128xf32, #tpu.memory_space<vmem>> -> memref<1x64x128xf32, #tpu.memory_space<vmem>>
    %dma_start3A_746 = tpu.memref_squeeze %dma_start3A_745 : memref<1x64x128xf32, #tpu.memory_space<vmem>> -> memref<64x128xf32, #tpu.memory_space<vmem>>
    %dma_start3A_747 = arith.constant 64 : i32
    %dma_start3A_748 = tpu.memref_slice %arg7[%dma_start3A_742, %dma_start3A_747] : memref<40x128xi32, #tpu.memory_space<vmem>> -> memref<1x64xi32, #tpu.memory_space<vmem>>
    %dma_start3A_749 = tpu.memref_squeeze %dma_start3A_748 : memref<1x64xi32, #tpu.memory_space<vmem>> -> memref<64xi32, #tpu.memory_space<vmem>>
    %dma_start3A_750 = arith.constant 0 : i32
    %dma_start3A_751 = arith.constant 0 : i32
    %dma_start3A_752 = tpu.memref_slice %arg9[%dma_start3A_750, %dma_start3A_751] : memref<10240x128xf32, #tpu.memory_space<vmem_shared>> -> memref<10240x128xf32, #tpu.memory_space<vmem_shared>>
    tpu.enqueue_indirect_dma source(%dma_start3A_746 : memref<64x128xf32, #tpu.memory_space<vmem>>) target(%dma_start3A_752 : memref<10240x128xf32, #tpu.memory_space<vmem_shared>>) offsets(%dma_start3A_749 : memref<64xi32, #tpu.memory_space<vmem>>) semaphore(%arg15 : memref<!tpu.dma_semaphore, #tpu.memory_space<semaphore_mem>>) {add = true}
    %dma_wait3A_753 = arith.constant 0 : i32
    %dma_wait3A_754 = arith.constant 38 : i32
    %dma_wait3A_755 = arith.constant 0 : i32
    %dma_wait3A_756 = arith.constant 0 : i32
    %dma_wait3A_757 = tpu.memref_slice %arg8[%dma_wait3A_753, %dma_wait3A_755, %dma_wait3A_756] : memref<4x64x128xf32, #tpu.memory_space<vmem>> -> memref<1x64x128xf32, #tpu.memory_space<vmem>>
    %dma_wait3A_758 = tpu.memref_squeeze %dma_wait3A_757 : memref<1x64x128xf32, #tpu.memory_space<vmem>> -> memref<64x128xf32, #tpu.memory_space<vmem>>
    %dma_wait3A_759 = arith.constant 0 : i32
    %dma_wait3A_760 = tpu.memref_slice %arg7[%dma_wait3A_754, %dma_wait3A_759] : memref<40x128xi32, #tpu.memory_space<vmem>> -> memref<1x64xi32, #tpu.memory_space<vmem>>
    %dma_wait3A_761 = tpu.memref_squeeze %dma_wait3A_760 : memref<1x64xi32, #tpu.memory_space<vmem>> -> memref<64xi32, #tpu.memory_space<vmem>>
    %dma_wait3A_762 = arith.constant 0 : i32
    %dma_wait3A_763 = arith.constant 0 : i32
    %dma_wait3A_764 = tpu.memref_slice %arg9[%dma_wait3A_762, %dma_wait3A_763] : memref<10240x128xf32, #tpu.memory_space<vmem_shared>> -> memref<10240x128xf32, #tpu.memory_space<vmem_shared>>
    tpu.wait_indirect_dma semaphore(%arg14 : memref<!tpu.dma_semaphore, #tpu.memory_space<semaphore_mem>>) src(%dma_wait3A_758 : memref<64x128xf32, #tpu.memory_space<vmem>>) dst(%dma_wait3A_764 : memref<10240x128xf32, #tpu.memory_space<vmem_shared>>)
    %dma_wait3A_765 = arith.constant 39 : i32
    %dma_wait3A_766 = arith.constant 2 : i32
    %dma_wait3A_767 = arith.constant 0 : i32
    %dma_wait3A_768 = arith.constant 0 : i32
    %dma_wait3A_769 = tpu.memref_slice %arg8[%dma_wait3A_766, %dma_wait3A_767, %dma_wait3A_768] : memref<4x64x128xf32, #tpu.memory_space<vmem>> -> memref<1x64x128xf32, #tpu.memory_space<vmem>>
    %dma_wait3A_770 = tpu.memref_squeeze %dma_wait3A_769 : memref<1x64x128xf32, #tpu.memory_space<vmem>> -> memref<64x128xf32, #tpu.memory_space<vmem>>
    %dma_wait3A_771 = arith.constant 0 : i32
    %dma_wait3A_772 = tpu.memref_slice %arg6[%dma_wait3A_765, %dma_wait3A_771] : memref<40x128xi32, #tpu.memory_space<vmem>> -> memref<1x64xi32, #tpu.memory_space<vmem>>
    %dma_wait3A_773 = tpu.memref_squeeze %dma_wait3A_772 : memref<1x64xi32, #tpu.memory_space<vmem>> -> memref<64xi32, #tpu.memory_space<vmem>>
    %dma_wait3A_774 = arith.constant 0 : i32
    %dma_wait3A_775 = arith.constant 0 : i32
    %dma_wait3A_776 = tpu.memref_slice %arg2[%dma_wait3A_774, %dma_wait3A_775] : memref<10000x128xf32, #tpu.memory_space<hbm>> -> memref<10000x128xf32, #tpu.memory_space<hbm>>
    tpu.wait_indirect_dma semaphore(%arg12 : memref<!tpu.dma_semaphore, #tpu.memory_space<semaphore_mem>>) src(%dma_wait3A_776 : memref<10000x128xf32, #tpu.memory_space<hbm>>) dst(%dma_wait3A_770 : memref<64x128xf32, #tpu.memory_space<vmem>>)
    %dma_start3A_777 = arith.constant 2 : i32
    %dma_start3A_778 = arith.constant 39 : i32
    %dma_start3A_779 = arith.constant 0 : i32
    %dma_start3A_780 = arith.constant 0 : i32
    %dma_start3A_781 = tpu.memref_slice %arg8[%dma_start3A_777, %dma_start3A_779, %dma_start3A_780] : memref<4x64x128xf32, #tpu.memory_space<vmem>> -> memref<1x64x128xf32, #tpu.memory_space<vmem>>
    %dma_start3A_782 = tpu.memref_squeeze %dma_start3A_781 : memref<1x64x128xf32, #tpu.memory_space<vmem>> -> memref<64x128xf32, #tpu.memory_space<vmem>>
    %dma_start3A_783 = arith.constant 0 : i32
    %dma_start3A_784 = tpu.memref_slice %arg7[%dma_start3A_778, %dma_start3A_783] : memref<40x128xi32, #tpu.memory_space<vmem>> -> memref<1x64xi32, #tpu.memory_space<vmem>>
    %dma_start3A_785 = tpu.memref_squeeze %dma_start3A_784 : memref<1x64xi32, #tpu.memory_space<vmem>> -> memref<64xi32, #tpu.memory_space<vmem>>
    %dma_start3A_786 = arith.constant 0 : i32
    %dma_start3A_787 = arith.constant 0 : i32
    %dma_start3A_788 = tpu.memref_slice %arg9[%dma_start3A_786, %dma_start3A_787] : memref<10240x128xf32, #tpu.memory_space<vmem_shared>> -> memref<10240x128xf32, #tpu.memory_space<vmem_shared>>
    tpu.enqueue_indirect_dma source(%dma_start3A_782 : memref<64x128xf32, #tpu.memory_space<vmem>>) target(%dma_start3A_788 : memref<10240x128xf32, #tpu.memory_space<vmem_shared>>) offsets(%dma_start3A_785 : memref<64xi32, #tpu.memory_space<vmem>>) semaphore(%arg16 : memref<!tpu.dma_semaphore, #tpu.memory_space<semaphore_mem>>) {add = true}
    %dma_wait3A_789 = arith.constant 1 : i32
    %dma_wait3A_790 = arith.constant 38 : i32
    %dma_wait3A_791 = arith.constant 0 : i32
    %dma_wait3A_792 = arith.constant 0 : i32
    %dma_wait3A_793 = tpu.memref_slice %arg8[%dma_wait3A_789, %dma_wait3A_791, %dma_wait3A_792] : memref<4x64x128xf32, #tpu.memory_space<vmem>> -> memref<1x64x128xf32, #tpu.memory_space<vmem>>
    %dma_wait3A_794 = tpu.memref_squeeze %dma_wait3A_793 : memref<1x64x128xf32, #tpu.memory_space<vmem>> -> memref<64x128xf32, #tpu.memory_space<vmem>>
    %dma_wait3A_795 = arith.constant 64 : i32
    %dma_wait3A_796 = tpu.memref_slice %arg7[%dma_wait3A_790, %dma_wait3A_795] : memref<40x128xi32, #tpu.memory_space<vmem>> -> memref<1x64xi32, #tpu.memory_space<vmem>>
    %dma_wait3A_797 = tpu.memref_squeeze %dma_wait3A_796 : memref<1x64xi32, #tpu.memory_space<vmem>> -> memref<64xi32, #tpu.memory_space<vmem>>
    %dma_wait3A_798 = arith.constant 0 : i32
    %dma_wait3A_799 = arith.constant 0 : i32
    %dma_wait3A_800 = tpu.memref_slice %arg9[%dma_wait3A_798, %dma_wait3A_799] : memref<10240x128xf32, #tpu.memory_space<vmem_shared>> -> memref<10240x128xf32, #tpu.memory_space<vmem_shared>>
    tpu.wait_indirect_dma semaphore(%arg15 : memref<!tpu.dma_semaphore, #tpu.memory_space<semaphore_mem>>) src(%dma_wait3A_794 : memref<64x128xf32, #tpu.memory_space<vmem>>) dst(%dma_wait3A_800 : memref<10240x128xf32, #tpu.memory_space<vmem_shared>>)
    %dma_wait3A_801 = arith.constant 39 : i32
    %dma_wait3A_802 = arith.constant 3 : i32
    %dma_wait3A_803 = arith.constant 0 : i32
    %dma_wait3A_804 = arith.constant 0 : i32
    %dma_wait3A_805 = tpu.memref_slice %arg8[%dma_wait3A_802, %dma_wait3A_803, %dma_wait3A_804] : memref<4x64x128xf32, #tpu.memory_space<vmem>> -> memref<1x64x128xf32, #tpu.memory_space<vmem>>
    %dma_wait3A_806 = tpu.memref_squeeze %dma_wait3A_805 : memref<1x64x128xf32, #tpu.memory_space<vmem>> -> memref<64x128xf32, #tpu.memory_space<vmem>>
    %dma_wait3A_807 = arith.constant 64 : i32
    %dma_wait3A_808 = tpu.memref_slice %arg6[%dma_wait3A_801, %dma_wait3A_807] : memref<40x128xi32, #tpu.memory_space<vmem>> -> memref<1x64xi32, #tpu.memory_space<vmem>>
    %dma_wait3A_809 = tpu.memref_squeeze %dma_wait3A_808 : memref<1x64xi32, #tpu.memory_space<vmem>> -> memref<64xi32, #tpu.memory_space<vmem>>
    %dma_wait3A_810 = arith.constant 0 : i32
    %dma_wait3A_811 = arith.constant 0 : i32
    %dma_wait3A_812 = tpu.memref_slice %arg2[%dma_wait3A_810, %dma_wait3A_811] : memref<10000x128xf32, #tpu.memory_space<hbm>> -> memref<10000x128xf32, #tpu.memory_space<hbm>>
    tpu.wait_indirect_dma semaphore(%arg13 : memref<!tpu.dma_semaphore, #tpu.memory_space<semaphore_mem>>) src(%dma_wait3A_812 : memref<10000x128xf32, #tpu.memory_space<hbm>>) dst(%dma_wait3A_806 : memref<64x128xf32, #tpu.memory_space<vmem>>)
    %dma_start3A_813 = arith.constant 3 : i32
    %dma_start3A_814 = arith.constant 39 : i32
    %dma_start3A_815 = arith.constant 0 : i32
    %dma_start3A_816 = arith.constant 0 : i32
    %dma_start3A_817 = tpu.memref_slice %arg8[%dma_start3A_813, %dma_start3A_815, %dma_start3A_816] : memref<4x64x128xf32, #tpu.memory_space<vmem>> -> memref<1x64x128xf32, #tpu.memory_space<vmem>>
    %dma_start3A_818 = tpu.memref_squeeze %dma_start3A_817 : memref<1x64x128xf32, #tpu.memory_space<vmem>> -> memref<64x128xf32, #tpu.memory_space<vmem>>
    %dma_start3A_819 = arith.constant 64 : i32
    %dma_start3A_820 = tpu.memref_slice %arg7[%dma_start3A_814, %dma_start3A_819] : memref<40x128xi32, #tpu.memory_space<vmem>> -> memref<1x64xi32, #tpu.memory_space<vmem>>
    %dma_start3A_821 = tpu.memref_squeeze %dma_start3A_820 : memref<1x64xi32, #tpu.memory_space<vmem>> -> memref<64xi32, #tpu.memory_space<vmem>>
    %dma_start3A_822 = arith.constant 0 : i32
    %dma_start3A_823 = arith.constant 0 : i32
    %dma_start3A_824 = tpu.memref_slice %arg9[%dma_start3A_822, %dma_start3A_823] : memref<10240x128xf32, #tpu.memory_space<vmem_shared>> -> memref<10240x128xf32, #tpu.memory_space<vmem_shared>>
    tpu.enqueue_indirect_dma source(%dma_start3A_818 : memref<64x128xf32, #tpu.memory_space<vmem>>) target(%dma_start3A_824 : memref<10240x128xf32, #tpu.memory_space<vmem_shared>>) offsets(%dma_start3A_821 : memref<64xi32, #tpu.memory_space<vmem>>) semaphore(%arg17 : memref<!tpu.dma_semaphore, #tpu.memory_space<semaphore_mem>>) {add = true}
    %dma_wait3A_825 = arith.constant 2 : i32
    %dma_wait3A_826 = arith.constant 39 : i32
    %dma_wait3A_827 = arith.constant 0 : i32
    %dma_wait3A_828 = arith.constant 0 : i32
    %dma_wait3A_829 = tpu.memref_slice %arg8[%dma_wait3A_825, %dma_wait3A_827, %dma_wait3A_828] : memref<4x64x128xf32, #tpu.memory_space<vmem>> -> memref<1x64x128xf32, #tpu.memory_space<vmem>>
    %dma_wait3A_830 = tpu.memref_squeeze %dma_wait3A_829 : memref<1x64x128xf32, #tpu.memory_space<vmem>> -> memref<64x128xf32, #tpu.memory_space<vmem>>
    %dma_wait3A_831 = arith.constant 0 : i32
    %dma_wait3A_832 = tpu.memref_slice %arg7[%dma_wait3A_826, %dma_wait3A_831] : memref<40x128xi32, #tpu.memory_space<vmem>> -> memref<1x64xi32, #tpu.memory_space<vmem>>
    %dma_wait3A_833 = tpu.memref_squeeze %dma_wait3A_832 : memref<1x64xi32, #tpu.memory_space<vmem>> -> memref<64xi32, #tpu.memory_space<vmem>>
    %dma_wait3A_834 = arith.constant 0 : i32
    %dma_wait3A_835 = arith.constant 0 : i32
    %dma_wait3A_836 = tpu.memref_slice %arg9[%dma_wait3A_834, %dma_wait3A_835] : memref<10240x128xf32, #tpu.memory_space<vmem_shared>> -> memref<10240x128xf32, #tpu.memory_space<vmem_shared>>
    tpu.wait_indirect_dma semaphore(%arg16 : memref<!tpu.dma_semaphore, #tpu.memory_space<semaphore_mem>>) src(%dma_wait3A_830 : memref<64x128xf32, #tpu.memory_space<vmem>>) dst(%dma_wait3A_836 : memref<10240x128xf32, #tpu.memory_space<vmem_shared>>)
    %dma_wait3A_837 = arith.constant 3 : i32
    %dma_wait3A_838 = arith.constant 39 : i32
    %dma_wait3A_839 = arith.constant 0 : i32
    %dma_wait3A_840 = arith.constant 0 : i32
    %dma_wait3A_841 = tpu.memref_slice %arg8[%dma_wait3A_837, %dma_wait3A_839, %dma_wait3A_840] : memref<4x64x128xf32, #tpu.memory_space<vmem>> -> memref<1x64x128xf32, #tpu.memory_space<vmem>>
    %dma_wait3A_842 = tpu.memref_squeeze %dma_wait3A_841 : memref<1x64x128xf32, #tpu.memory_space<vmem>> -> memref<64x128xf32, #tpu.memory_space<vmem>>
    %dma_wait3A_843 = arith.constant 64 : i32
    %dma_wait3A_844 = tpu.memref_slice %arg7[%dma_wait3A_838, %dma_wait3A_843] : memref<40x128xi32, #tpu.memory_space<vmem>> -> memref<1x64xi32, #tpu.memory_space<vmem>>
    %dma_wait3A_845 = tpu.memref_squeeze %dma_wait3A_844 : memref<1x64xi32, #tpu.memory_space<vmem>> -> memref<64xi32, #tpu.memory_space<vmem>>
    %dma_wait3A_846 = arith.constant 0 : i32
    %dma_wait3A_847 = arith.constant 0 : i32
    %dma_wait3A_848 = tpu.memref_slice %arg9[%dma_wait3A_846, %dma_wait3A_847] : memref<10240x128xf32, #tpu.memory_space<vmem_shared>> -> memref<10240x128xf32, #tpu.memory_space<vmem_shared>>
    tpu.wait_indirect_dma semaphore(%arg17 : memref<!tpu.dma_semaphore, #tpu.memory_space<semaphore_mem>>) src(%dma_wait3A_842 : memref<64x128xf32, #tpu.memory_space<vmem>>) dst(%dma_wait3A_848 : memref<10240x128xf32, #tpu.memory_space<vmem_shared>>)
    %barrier3A_849 = arith.constant 0 : index
    tpu.barrier barrier_id(%barrier3A_849)
    %scan3A_850 = arith.constant 0 : i32
    %scan3A_851 = arith.constant 0 : i32
    %scan3A_852 = arith.constant 10 : i32
    %scan3A_853 = arith.addi %scan3A_851, %scan3A_852 : i32
    %scan3A_854 = arith.constant 1 : i32
    scf.for %scan3A_856 = %scan3A_851 to %scan3A_853 step %scan3A_854  : i32 {
      %mul3A_857 = arith.constant 640 : i32
      %mul3A_858 = arith.muli %arg1, %mul3A_857 : i32
      %mul3A_859 = arith.constant 64 : i32
      %mul3A_860 = arith.muli %scan3A_856, %mul3A_859 : i32
      %add3A_861 = arith.addi %mul3A_858, %mul3A_860 : i32
      %run_scoped3A_862 = arith.constant 0 : i32
      "tpu.region"() ({
        %run_scoped3A_869 = tpu.sem_alloc : memref<!tpu.dma_semaphore, #tpu.memory_space<semaphore_mem>>
        %dma_start3A_870 = arith.constant 0 : i32
        %dma_start3A_871 = arith.constant 0 : i32
        %dma_start3A_872 = tpu.memref_slice %arg8[%run_scoped3A_862, %dma_start3A_870, %dma_start3A_871] : memref<4x64x128xf32, #tpu.memory_space<vmem>> -> memref<1x64x128xf32, #tpu.memory_space<vmem>>
        %dma_start3A_873 = tpu.memref_squeeze %dma_start3A_872 : memref<1x64x128xf32, #tpu.memory_space<vmem>> -> memref<64x128xf32, #tpu.memory_space<vmem>>
        %dma_start3A_874 = arith.constant 0 : i32
        %dma_start3A_875 = tpu.memref_slice %arg9[%add3A_861, %dma_start3A_874] : memref<10240x128xf32, #tpu.memory_space<vmem_shared>> -> memref<64x128xf32, #tpu.memory_space<vmem_shared>>
        %dma_start3A_876 = arith.constant 0 : i32
        %dma_start3A_877 = arith.constant 0 : i32
        %dma_start3A_878 = tpu.memref_slice %arg8[%run_scoped3A_862, %dma_start3A_876, %dma_start3A_877] : memref<4x64x128xf32, #tpu.memory_space<vmem>> -> memref<1x64x128xf32, #tpu.memory_space<vmem>>
        %dma_start3A_879 = tpu.memref_squeeze %dma_start3A_878 : memref<1x64x128xf32, #tpu.memory_space<vmem>> -> memref<64x128xf32, #tpu.memory_space<vmem>>
        %dma_start3A_880 = arith.constant 0 : i32
        %dma_start3A_881 = tpu.memref_slice %arg9[%add3A_861, %dma_start3A_880] : memref<10240x128xf32, #tpu.memory_space<vmem_shared>> -> memref<64x128xf32, #tpu.memory_space<vmem_shared>>
        tpu.enqueue_dma source(%dma_start3A_881 : memref<64x128xf32, #tpu.memory_space<vmem_shared>>) target(%dma_start3A_879 : memref<64x128xf32, #tpu.memory_space<vmem>>) target_semaphore(%run_scoped3A_869 : memref<!tpu.dma_semaphore, #tpu.memory_space<semaphore_mem>>)
        %dma_wait3A_882 = arith.constant 0 : i32
        %dma_wait3A_883 = arith.constant 0 : i32
        %dma_wait3A_884 = tpu.memref_slice %arg8[%run_scoped3A_862, %dma_wait3A_882, %dma_wait3A_883] : memref<4x64x128xf32, #tpu.memory_space<vmem>> -> memref<1x64x128xf32, #tpu.memory_space<vmem>>
        %dma_wait3A_885 = tpu.memref_squeeze %dma_wait3A_884 : memref<1x64x128xf32, #tpu.memory_space<vmem>> -> memref<64x128xf32, #tpu.memory_space<vmem>>
        %dma_wait3A_886 = arith.constant 0 : i32
        %dma_wait3A_887 = tpu.memref_slice %arg9[%add3A_861, %dma_wait3A_886] : memref<10240x128xf32, #tpu.memory_space<vmem_shared>> -> memref<64x128xf32, #tpu.memory_space<vmem_shared>>
        %dma_wait3A_888 = arith.constant 0 : i32
        %dma_wait3A_889 = arith.constant 0 : i32
        %dma_wait3A_890 = tpu.memref_slice %arg8[%run_scoped3A_862, %dma_wait3A_888, %dma_wait3A_889] : memref<4x64x128xf32, #tpu.memory_space<vmem>> -> memref<1x64x128xf32, #tpu.memory_space<vmem>>
        %dma_wait3A_891 = tpu.memref_squeeze %dma_wait3A_890 : memref<1x64x128xf32, #tpu.memory_space<vmem>> -> memref<64x128xf32, #tpu.memory_space<vmem>>
        %dma_wait3A_892 = arith.constant 0 : i32
        %dma_wait3A_893 = tpu.memref_slice %arg9[%add3A_861, %dma_wait3A_892] : memref<10240x128xf32, #tpu.memory_space<vmem_shared>> -> memref<64x128xf32, #tpu.memory_space<vmem_shared>>
        tpu.wait_dma2 semaphore(%run_scoped3A_869 : memref<!tpu.dma_semaphore, #tpu.memory_space<semaphore_mem>>) src(%dma_wait3A_893 : memref<64x128xf32, #tpu.memory_space<vmem_shared>>) dst(%dma_wait3A_891 : memref<64x128xf32, #tpu.memory_space<vmem>>)
        tpu.yield
      }) : () -> ()
      %mul3A_863 = arith.constant 640 : i32
      %mul3A_864 = arith.muli %arg1, %mul3A_863 : i32
      %mul3A_865 = arith.constant 64 : i32
      %mul3A_866 = arith.muli %scan3A_856, %mul3A_865 : i32
      %add3A_867 = arith.addi %mul3A_864, %mul3A_866 : i32
      %run_scoped3A_868 = arith.constant 0 : i32
      "tpu.region"() ({
        %run_scoped3A_869 = tpu.sem_alloc : memref<!tpu.dma_semaphore, #tpu.memory_space<semaphore_mem>>
        %dma_start3A_870 = arith.constant 0 : i32
        %dma_start3A_871 = arith.constant 0 : i32
        %dma_start3A_872 = tpu.memref_slice %arg8[%run_scoped3A_868, %dma_start3A_870, %dma_start3A_871] : memref<4x64x128xf32, #tpu.memory_space<vmem>> -> memref<1x64x128xf32, #tpu.memory_space<vmem>>
        %dma_start3A_873 = tpu.memref_squeeze %dma_start3A_872 : memref<1x64x128xf32, #tpu.memory_space<vmem>> -> memref<64x128xf32, #tpu.memory_space<vmem>>
        %dma_start3A_874 = arith.constant 0 : i32
        %dma_start3A_875 = tpu.memref_slice %arg5[%arg0, %add3A_867, %dma_start3A_874] : memref<2x10240x128xf32, #tpu.memory_space<hbm>> -> memref<1x64x128xf32, #tpu.memory_space<hbm>>
        %dma_start3A_876 = tpu.memref_squeeze %dma_start3A_875 : memref<1x64x128xf32, #tpu.memory_space<hbm>> -> memref<64x128xf32, #tpu.memory_space<hbm>>
        %dma_start3A_877 = arith.constant 0 : i32
        %dma_start3A_878 = tpu.memref_slice %arg5[%arg0, %add3A_867, %dma_start3A_877] : memref<2x10240x128xf32, #tpu.memory_space<hbm>> -> memref<1x64x128xf32, #tpu.memory_space<hbm>>
        %dma_start3A_879 = tpu.memref_squeeze %dma_start3A_878 : memref<1x64x128xf32, #tpu.memory_space<hbm>> -> memref<64x128xf32, #tpu.memory_space<hbm>>
        %dma_start3A_880 = arith.constant 0 : i32
        %dma_start3A_881 = arith.constant 0 : i32
        %dma_start3A_882 = tpu.memref_slice %arg8[%run_scoped3A_868, %dma_start3A_880, %dma_start3A_881] : memref<4x64x128xf32, #tpu.memory_space<vmem>> -> memref<1x64x128xf32, #tpu.memory_space<vmem>>
        %dma_start3A_883 = tpu.memref_squeeze %dma_start3A_882 : memref<1x64x128xf32, #tpu.memory_space<vmem>> -> memref<64x128xf32, #tpu.memory_space<vmem>>
        tpu.enqueue_dma source(%dma_start3A_883 : memref<64x128xf32, #tpu.memory_space<vmem>>) target(%dma_start3A_879 : memref<64x128xf32, #tpu.memory_space<hbm>>) target_semaphore(%run_scoped3A_869 : memref<!tpu.dma_semaphore, #tpu.memory_space<semaphore_mem>>)
        %dma_wait3A_884 = arith.constant 0 : i32
        %dma_wait3A_885 = arith.constant 0 : i32
        %dma_wait3A_886 = tpu.memref_slice %arg8[%run_scoped3A_868, %dma_wait3A_884, %dma_wait3A_885] : memref<4x64x128xf32, #tpu.memory_space<vmem>> -> memref<1x64x128xf32, #tpu.memory_space<vmem>>
        %dma_wait3A_887 = tpu.memref_squeeze %dma_wait3A_886 : memref<1x64x128xf32, #tpu.memory_space<vmem>> -> memref<64x128xf32, #tpu.memory_space<vmem>>
        %dma_wait3A_888 = arith.constant 0 : i32
        %dma_wait3A_889 = tpu.memref_slice %arg5[%arg0, %add3A_867, %dma_wait3A_888] : memref<2x10240x128xf32, #tpu.memory_space<hbm>> -> memref<1x64x128xf32, #tpu.memory_space<hbm>>
        %dma_wait3A_890 = tpu.memref_squeeze %dma_wait3A_889 : memref<1x64x128xf32, #tpu.memory_space<hbm>> -> memref<64x128xf32, #tpu.memory_space<hbm>>
        %dma_wait3A_891 = arith.constant 0 : i32
        %dma_wait3A_892 = tpu.memref_slice %arg5[%arg0, %add3A_867, %dma_wait3A_891] : memref<2x10240x128xf32, #tpu.memory_space<hbm>> -> memref<1x64x128xf32, #tpu.memory_space<hbm>>
        %dma_wait3A_893 = tpu.memref_squeeze %dma_wait3A_892 : memref<1x64x128xf32, #tpu.memory_space<hbm>> -> memref<64x128xf32, #tpu.memory_space<hbm>>
        %dma_wait3A_894 = arith.constant 0 : i32
        %dma_wait3A_895 = arith.constant 0 : i32
        %dma_wait3A_896 = tpu.memref_slice %arg8[%run_scoped3A_868, %dma_wait3A_894, %dma_wait3A_895] : memref<4x64x128xf32, #tpu.memory_space<vmem>> -> memref<1x64x128xf32, #tpu.memory_space<vmem>>
        %dma_wait3A_897 = tpu.memref_squeeze %dma_wait3A_896 : memref<1x64x128xf32, #tpu.memory_space<vmem>> -> memref<64x128xf32, #tpu.memory_space<vmem>>
        tpu.wait_dma2 semaphore(%run_scoped3A_869 : memref<!tpu.dma_semaphore, #tpu.memory_space<semaphore_mem>>) src(%dma_wait3A_897 : memref<64x128xf32, #tpu.memory_space<vmem>>) dst(%dma_wait3A_893 : memref<64x128xf32, #tpu.memory_space<hbm>>)
        tpu.yield
      }) : () -> ()
    }
    %scan3A_855 = arith.constant 10 : i32
    return
  }
}

module attributes {stable_mosaic.version = 14 : i64} {
  func.func @_tc_prescale(%arg0: i32, %arg1: memref<1000x1xf32, #tpu.memory_space<vmem>>, %arg2: memref<1000x1xf32, #tpu.memory_space<vmem>>, %arg3: memref<1000x128xf32, #tpu.memory_space<vmem>>, %arg4: memref<1000x128xf32, #tpu.memory_space<vmem>>, %arg5: memref<1000x1xf32, #tpu.memory_space<vmem>>) attributes {dimension_semantics = [#tpu.dimension_semantics<arbitrary>], iteration_bounds = array<i64: 10>, scalar_prefetch = 0 : i64, scratch_operands = 0 : i64, tpu.core_type = #tpu.core_type<tc>, window_params = [{transform_indices = @transform_0, window_bounds = array<i64: 1000, 1>}, {transform_indices = @transform_1, window_bounds = array<i64: 1000, 1>}, {transform_indices = @transform_2, window_bounds = array<i64: 1000, 128>}, {transform_indices = @transform_3, window_bounds = array<i64: 1000, 128>}, {transform_indices = @transform_4, window_bounds = array<i64: 1000, 1>}]} {
    %get3A = arith.constant 0 : index
    %get3A_0 = arith.constant 0 : index
    %get3A_1 = vector.load %arg1[%get3A, %get3A_0] : memref<1000x1xf32, #tpu.memory_space<vmem>>, vector<1000x1xf32>
    %get3A_2 = arith.constant 0 : index
    %get3A_3 = arith.constant 0 : index
    %get3A_4 = vector.load %arg2[%get3A_2, %get3A_3] : memref<1000x1xf32, #tpu.memory_space<vmem>>, vector<1000x1xf32>
    %add3A = arith.addf %get3A_1, %get3A_4 : vector<1000x1xf32>
    %max3A = arith.constant 1.000000e+00 : f32
    %max3A_5 = vector.broadcast %max3A : f32 to vector<1000x1xf32>
    %max3A_6 = arith.maximumf %add3A, %max3A_5 : vector<1000x1xf32>
    %rsqrt3A = math.rsqrt %max3A_6 : vector<1000x1xf32>
    %get3A_7 = arith.constant 0 : index
    %get3A_8 = arith.constant 0 : index
    %get3A_9 = vector.load %arg3[%get3A_7, %get3A_8] : memref<1000x128xf32, #tpu.memory_space<vmem>>, vector<1000x128xf32>
    %mul3A = vector.broadcast %rsqrt3A : vector<1000x1xf32> to vector<1000x128xf32>
    %mul3A_10 = arith.mulf %get3A_9, %mul3A : vector<1000x128xf32>
    %swap3A = arith.constant 0 : index
    %swap3A_11 = arith.constant 0 : index
    %swap3A_12 = vector.load %arg4[%swap3A, %swap3A_11] : memref<1000x128xf32, #tpu.memory_space<vmem>>, vector<1000x128xf32>
    tpu.vector_store %arg4[%swap3A, %swap3A_11], %mul3A_10 {strides = array<i32>} : memref<1000x128xf32, #tpu.memory_space<vmem>>, vector<1000x128xf32>,
    %swap3A_13 = arith.constant 0 : index
    %swap3A_14 = arith.constant 0 : index
    %swap3A_15 = vector.load %arg5[%swap3A_13, %swap3A_14] : memref<1000x1xf32, #tpu.memory_space<vmem>>, vector<1000x1xf32>
    tpu.vector_store %arg5[%swap3A_13, %swap3A_14], %rsqrt3A {strides = array<i32>} : memref<1000x1xf32, #tpu.memory_space<vmem>>, vector<1000x1xf32>,
    return
  }
  func.func @transform_0(%arg0: i32) -> (i32, i32) {
    %c0_i32 = arith.constant 0 : i32
    %c0_i32_0 = arith.constant 0 : i32
    return %arg0, %c0_i32 : i32, i32
  }
  func.func @transform_1(%arg0: i32) -> (i32, i32) {
    %c0_i32 = arith.constant 0 : i32
    %c0_i32_0 = arith.constant 0 : i32
    return %arg0, %c0_i32 : i32, i32
  }
  func.func @transform_2(%arg0: i32) -> (i32, i32) {
    %c0_i32 = arith.constant 0 : i32
    %c0_i32_0 = arith.constant 0 : i32
    return %arg0, %c0_i32 : i32, i32
  }
  func.func @transform_3(%arg0: i32) -> (i32, i32) {
    %c0_i32 = arith.constant 0 : i32
    %c0_i32_0 = arith.constant 0 : i32
    return %arg0, %c0_i32 : i32, i32
  }
  func.func @transform_4(%arg0: i32) -> (i32, i32) {
    %c0_i32 = arith.constant 0 : i32
    %c0_i32_0 = arith.constant 0 : i32
    return %arg0, %c0_i32 : i32, i32
  }
}

module attributes {stable_mosaic.version = 14 : i64} {
  func.func @_tc_finish(%arg0: i32, %arg1: memref<2x1000x128xf32, #tpu.memory_space<vmem>>, %arg2: memref<1000x1xf32, #tpu.memory_space<vmem>>, %arg3: memref<1000x128xf32, #tpu.memory_space<vmem>>, %arg4: memref<128x128xf32, #tpu.memory_space<vmem>>, %arg5: memref<1000x128xf32, #tpu.memory_space<vmem>>) attributes {dimension_semantics = [#tpu.dimension_semantics<arbitrary>], iteration_bounds = array<i64: 10>, scalar_prefetch = 0 : i64, scratch_operands = 0 : i64, tpu.core_type = #tpu.core_type<tc>, window_params = [{transform_indices = @transform_0, window_bounds = array<i64: 2, 1000, 128>}, {transform_indices = @transform_1, window_bounds = array<i64: 1000, 1>}, {transform_indices = @transform_2, window_bounds = array<i64: 1000, 128>}, {pipeline_mode = #tpu.pipeline_mode<synchronous>, transform_indices = @transform_3, window_bounds = array<i64: 128, 128>}, {transform_indices = @transform_4, window_bounds = array<i64: 1000, 128>}]} {
    %get3A = arith.constant 0 : index
    %get3A_0 = arith.constant 0 : index
    %get3A_1 = arith.constant 0 : index
    %get3A_2 = vector.load %arg1[%get3A, %get3A_0, %get3A_1] : memref<2x1000x128xf32, #tpu.memory_space<vmem>>, vector<1x1000x128xf32>
    %get3A_3 = vector.shape_cast %get3A_2 : vector<1x1000x128xf32> to vector<1000x128xf32>
    %get3A_4 = arith.constant 1 : index
    %get3A_5 = arith.constant 0 : index
    %get3A_6 = arith.constant 0 : index
    %get3A_7 = vector.load %arg1[%get3A_4, %get3A_5, %get3A_6] : memref<2x1000x128xf32, #tpu.memory_space<vmem>>, vector<1x1000x128xf32>
    %get3A_8 = vector.shape_cast %get3A_7 : vector<1x1000x128xf32> to vector<1000x128xf32>
    %add3A = arith.addf %get3A_3, %get3A_8 : vector<1000x128xf32>
    %get3A_9 = arith.constant 0 : index
    %get3A_10 = arith.constant 0 : index
    %get3A_11 = vector.load %arg2[%get3A_9, %get3A_10] : memref<1000x1xf32, #tpu.memory_space<vmem>>, vector<1000x1xf32>
    %mul3A = vector.broadcast %get3A_11 : vector<1000x1xf32> to vector<1000x128xf32>
    %mul3A_12 = arith.mulf %add3A, %mul3A : vector<1000x128xf32>
    %mul3A_13 = arith.constant 0.899999976 : f32
    %mul3A_14 = vector.broadcast %mul3A_13 : f32 to vector<1000x128xf32>
    %mul3A_15 = arith.mulf %mul3A_14, %mul3A_12 : vector<1000x128xf32>
    %get3A_16 = arith.constant 0 : index
    %get3A_17 = arith.constant 0 : index
    %get3A_18 = vector.load %arg3[%get3A_16, %get3A_17] : memref<1000x128xf32, #tpu.memory_space<vmem>>, vector<1000x128xf32>
    %mul3A_19 = arith.constant 1.000000e-01 : f32
    %mul3A_20 = vector.broadcast %mul3A_19 : f32 to vector<1000x128xf32>
    %mul3A_21 = arith.mulf %mul3A_20, %get3A_18 : vector<1000x128xf32>
    %add3A_22 = arith.addf %mul3A_15, %mul3A_21 : vector<1000x128xf32>
    %mul3A_23 = arith.constant 5.000000e-01 : f32
    %mul3A_24 = vector.broadcast %mul3A_23 : f32 to vector<1000x128xf32>
    %mul3A_25 = arith.mulf %mul3A_24, %add3A_22 : vector<1000x128xf32>
    %get3A_26 = arith.constant 0 : index
    %get3A_27 = arith.constant 0 : index
    %get3A_28 = vector.load %arg4[%get3A_26, %get3A_27] : memref<128x128xf32, #tpu.memory_space<vmem>>, vector<128x128xf32>
    %dot_general3A = arith.constant dense<0.000000e+00> : vector<1000x128xf32>
    %dot_general3A_29 = tpu.matmul %add3A_22, %get3A_28, %dot_general3A {dimension_numbers = #tpu.dot_dimension_numbers<[1], [0], [0], [1], [0, 0, 1, 1], [], []>, transpose_lhs_hint = false} : vector<1000x128xf32>, vector<128x128xf32>, vector<1000x128xf32> -> vector<1000x128xf32>
    %mul3A_30 = arith.constant 5.000000e-01 : f32
    %mul3A_31 = vector.broadcast %mul3A_30 : f32 to vector<1000x128xf32>
    %mul3A_32 = arith.mulf %mul3A_31, %dot_general3A_29 : vector<1000x128xf32>
    %add3A_33 = arith.addf %mul3A_25, %mul3A_32 : vector<1000x128xf32>
    %swap3A = arith.constant 0 : index
    %swap3A_34 = arith.constant 0 : index
    %swap3A_35 = vector.load %arg5[%swap3A, %swap3A_34] : memref<1000x128xf32, #tpu.memory_space<vmem>>, vector<1000x128xf32>
    tpu.vector_store %arg5[%swap3A, %swap3A_34], %add3A_33 {strides = array<i32>} : memref<1000x128xf32, #tpu.memory_space<vmem>>, vector<1000x128xf32>,
    return
  }
  func.func @transform_0(%arg0: i32) -> (i32, i32, i32) {
    %c0_i32 = arith.constant 0 : i32
    %c0_i32_0 = arith.constant 0 : i32
    %c0_i32_1 = arith.constant 0 : i32
    return %c0_i32, %arg0, %c0_i32_0 : i32, i32, i32
  }
  func.func @transform_1(%arg0: i32) -> (i32, i32) {
    %c0_i32 = arith.constant 0 : i32
    %c0_i32_0 = arith.constant 0 : i32
    return %arg0, %c0_i32 : i32, i32
  }
  func.func @transform_2(%arg0: i32) -> (i32, i32) {
    %c0_i32 = arith.constant 0 : i32
    %c0_i32_0 = arith.constant 0 : i32
    return %arg0, %c0_i32 : i32, i32
  }
  func.func @transform_3(%arg0: i32) -> (i32, i32) {
    %c0_i32 = arith.constant 0 : i32
    %c0_i32_0 = arith.constant 0 : i32
    %c0_i32_1 = arith.constant 0 : i32
    return %c0_i32, %c0_i32_0 : i32, i32
  }
  func.func @transform_4(%arg0: i32) -> (i32, i32) {
    %c0_i32 = arith.constant 0 : i32
    %c0_i32_0 = arith.constant 0 : i32
    return %arg0, %c0_i32 : i32, i32
  }
}

</mosaic_0001>

<sc_bundles>
// kernel: kernel.6.cloned.1.call-start
scs
__scs_entry_jumppad:
0x0: {  	(pc) =	sbr.rel $0x88, $3  }
0x1: {  	(tag) =	ssettag $0x0;
	lr =	simm.s32 $0x1  }
0x2: {  	[smem:$0x3F9D] =	sst lr;
	_ =	strace $0xD0000000  }
0x3: {  	_ = 	snop  }
0x4: {  	_ = 	snop  }
0x5: {  	_ = 	snop  }
0x6: {  	_ = 	snop  }
0x7: {  	_ = 	snop  }
__scs_overlays_trampoline_lowered:
0x8: {  	[smem:$0x3FAC] =	sst s0  }
0x9: {  	[smem:$0x3FAD] =	sst s1  }
0xa: {  	[smem:$0x3FAE] =	sst s2  }
0xb: {  	[smem:$0x3FAF] =	sst s3  }
0xc: {  	[smem:$0x3FB0] =	sst s4  }
0xd: {  	[smem:$0x3FB1] =	sst s5  }
0xe: {  	[smem:$0x3FB2] =	sst s6  }
0xf: {  	[smem:$0x3FB3] =	sst s7  }
0x10: {  	[smem:$0x3FB4] =	sst s8  }
0x11: {  	[smem:$0x3FB5] =	sst s9;
	s0 =	simm.s32 @!p0 $0x0  }
0x12: {  	s1 =	sld [smem:$0x3F9B];
	s0 =	simm.s32 @p0 $0x1  }
0x13: {  	[smem:$0x3FB6] =	sst s0;
	s0 =	simm.s32 @!p1 $0x0  }
0x14: {  	s2 =	sld [smem:$0x3F9A];
	s0 =	simm.s32 @p1 $0x1  }
0x15: {  	[smem:$0x3FB7] =	sst s0;
	s0 =	simm.s32 @!p2 $0x0  }
0x16: {  	s3 =	sld [smem:$0x3FDB];
	s0 =	simm.s32 @p2 $0x1  }
0x17: {  	s4 =	simm.s32 $0x1BF5;
	[smem:$0x3FB9] =	sst s0  }
0x18: {  	s0 =	sld [smem:$0x3F9C];
	_ =	swait.ge [sflag:s4], $0x0  }
0x19: {  	s7 =	sld [smem:$0x3F9D]  }
0x1a: {  	s8 =	sadd.s32 $0xFFFFE003, lr  }
0x1b: {  	s9 =	sadd.s32 $0xFFFFFEF7, lr;
	s5 =	simm.s32 $0xFFFFFFFF;
	p2 =	slt.u32 s8, $0xFFFFF086  }
0x1c: {  	p1 =	slt.u32 s9, $0xF7A;
	s5 =	simm.s32 @!p2 $0x0  }
0x1d: {  	s5 =	simm.s32 @p1 $0x1;
	p0 =	seq.s32 s7, s2  }
0x1e: {  	s7 =	smul.u32 @!p0 $0xF7A, s2;
	p2 =	seq.s32 @!p0 s5, $0x0  }
0x1f: {  	s9 =	smul.u32 $0xF7A, s1;
	s8 =	simm.s32 @!p0 $0x1BF5;
	p2 =	por !p2, p0  }
0x20: {  	[sflag:s8] =	ssyncset.s32 @!p0 $0xFFFFF086;
	s6 =	sadd.s32 @!p0 s3, s7;
	s7 =	simm.s32 @!p0 $0x108  }
0x21: {  	s3 =	sadd.s32 s3, s9;
	s6 =	sadd.s32 @!p0 $0x88, s6;
	s7 =	simm.s32 @p2 $0x1082  }
0x22: {  	[simem:s7], [sflag:s8] =	dma.local @!p0 [hbm:s6], $0xF7A  }
0x23: {  	s9 =	sor.u32 $0xD0000000, s2;
	s6 =	simm.s32 $0x108;
	_ =	swait.ge @!p0 [sflag:s8], $0x0  }
0x24: {  	s3 =	sadd.s32 $0x88, s3;
	s6 =	simm.s32 @!p1 $0x1082;
	[sflag:s4] =	ssyncset.s32 $0xFFFFF086  }
0x25: {  	[simem:s6], [sflag:s4] =	dma.local [hbm:s3], $0xF7A  }
0x26: {  	[smem:$0x3F9D] =	sst s1;
	(tag) =	ssettag s2;
	_ =	strace s9  }
0x27: {  	s1 =	sld [smem:$0x3FAD]  }
0x28: {  	s2 =	sld [smem:$0x3FAE]  }
0x29: {  	s4 =	sld [smem:$0x3FB0]  }
0x2a: {  	p0 =	seq.s32 s5, $0x0;
	s5 =	sld [smem:$0x3FB1]  }
0x2b: {  	s6 =	sld [smem:$0x3FB2]  }
0x2c: {  	s7 =	sld [smem:$0x3FB3]  }
0x2d: {  	s3 =	simm.s32 $0x108;
	s8 =	sld [smem:$0x3FB4]  }
0x2e: {  	s3 =	simm.s32 @!p0 $0x1082;
	s9 =	sld [smem:$0x3FB5]  }
0x2f: {  	lr =	sadd.s32 s0, s3;
	s0 =	sld [smem:$0x3FAC]  }
0x30: {  	s3 =	sld [smem:$0x3FAF]  }
0x31: {  	[smem:$0x3FB8] =	sst s10  }
0x32: {  	s10 =	sld [smem:$0x3FB6];
	_ =	sdelay $0x3  }
0x33: {  	p0 =	seq.s32 s10, $0x1;
	s10 =	sld [smem:$0x3FB8];
	_ =	sdelay $0x3  }
0x34: {  	[smem:$0x3FB8] =	sst s10  }
0x35: {  	s10 =	sld [smem:$0x3FB7];
	_ =	sdelay $0x3  }
0x36: {  	p1 =	seq.s32 s10, $0x1;
	s10 =	sld [smem:$0x3FB8];
	_ =	sdelay $0x3  }
0x37: {  	[smem:$0x3FB8] =	sst s10  }
0x38: {  	s10 =	sld [smem:$0x3FB9]  }
0x39: {  	_ = 	snop;
	(pc) =	sbr.ind lr, $3  }
0x3a: {  	_ = 	snop  }
0x3b: {  	_ = 	snop  }
0x3c: {  	p2 =	seq.s32 s10, $0x1;
	s10 =	sld [smem:$0x3FB8]  }
0x3d: {  	_ =	shalt  }
0x3e: {  	_ =	shalt  }
0x3f: {  	_ =	shalt  }
0x40: {  	_ =	shalt  }
0x41: {  	_ =	shalt  }
0x42: {  	_ =	shalt  }
0x43: {  	_ =	shalt  }
0x44: {  	_ =	shalt  }
0x45: {  	_ =	shalt  }
0x46: {  	_ =	shalt  }
0x47: {  	_ =	shalt  }
0x48: {  	_ =	shalt  }
0x49: {  	_ =	shalt  }
0x4a: {  	_ =	shalt  }
0x4b: {  	_ =	shalt  }
0x4c: {  	_ =	shalt  }
0x4d: {  	_ =	shalt  }
0x4e: {  	_ =	shalt  }
0x4f: {  	_ =	shalt  }
0x50: {  	_ =	shalt  }
0x51: {  	_ =	shalt  }
0x52: {  	_ =	shalt  }
0x53: {  	_ =	shalt  }
0x54: {  	_ =	shalt  }
0x55: {  	_ =	shalt  }
0x56: {  	_ =	shalt  }
0x57: {  	_ =	shalt  }
0x58: {  	_ =	shalt  }
0x59: {  	_ =	shalt  }
0x5a: {  	_ =	shalt  }
0x5b: {  	_ =	shalt  }
0x5c: {  	_ =	shalt  }
0x5d: {  	_ =	shalt  }
0x5e: {  	_ =	shalt  }
0x5f: {  	_ =	shalt  }
0x60: {  	_ =	shalt  }
0x61: {  	_ =	shalt  }
0x62: {  	_ =	shalt  }
0x63: {  	_ =	shalt  }
0x64: {  	_ =	shalt  }
0x65: {  	_ =	shalt  }
0x66: {  	_ =	shalt  }
0x67: {  	_ =	shalt  }
0x68: {  	_ =	shalt  }
0x69: {  	_ =	shalt  }
0x6a: {  	_ =	shalt  }
0x6b: {  	_ =	shalt  }
0x6c: {  	_ =	shalt  }
0x6d: {  	_ =	shalt  }
0x6e: {  	_ =	shalt  }
0x6f: {  	_ =	shalt  }
0x70: {  	_ =	shalt  }
0x71: {  	_ =	shalt  }
0x72: {  	_ =	shalt  }
0x73: {  	_ =	shalt  }
0x74: {  	_ =	shalt  }
0x75: {  	_ =	shalt  }
0x76: {  	_ =	shalt  }
0x77: {  	_ =	shalt  }
0x78: {  	_ =	shalt  }
0x79: {  	_ =	shalt  }
0x7a: {  	_ =	shalt  }
0x7b: {  	_ =	shalt  }
0x7c: {  	_ =	shalt  }
0x7d: {  	_ =	shalt  }
0x7e: {  	_ =	shalt  }
0x7f: {  	_ =	shalt  }
0x80: {  	_ =	shalt  }
0x81: {  	_ =	shalt  }
0x82: {  	_ =	shalt  }
0x83: {  	_ =	shalt  }
0x84: {  	_ =	shalt  }
0x85: {  	_ =	shalt  }
0x86: {  	_ =	shalt  }
0x87: {  	_ =	shalt  }
.Lfunc_end0:
.L_simem_size_0:
called_computation_lowered:
.L_overlay_start_0:
0x88: {  	s2 =	sld [smem:$0x3FD9]  }
0x89: {  	s3 =	sld [smem:$0x3FFE];
	_ =	sdelay $0x1  }
0x8a: {  	s1 =	srdreg.scid  }
0x8b: {  	s0 =	sand.u32 $0x1, s1  }
0x8c: {  	s17 =	sshll.u32 s0, $0xA;
	s2 =	sadd.s32 s3, s2  }
0x8d: {  	s2 =	sadd.s32 s2, s17  }
0x8e: {  	[smem:$0x3FC4] =	sst s2  }
0x8f: {  	_ = 	snop  }
0x90: {  	s2 =	sld [smem:$0x3FD0];
	(tm) =	ssettm $0x1  }
0x91: {  	s18 =	sld [smem:$0x3FFB];
	_ =	sdelay $0x3  }
0x92: {  	_ =	strace s18  }
0x93: {  	s3 =	sld [smem:$0x3FFC];
	_ =	sdelay $0x3  }
0x94: {  	_ =	strace s3  }
0x95: {  	s3 =	sld [smem:$0x3FFD];
	_ =	sdelay $0x3  }
0x96: {  	_ =	strace s3  }
0x97: {  	_ =	strace $0x8FFFFFFF  }
0x98: {  	s19 =	sld [smem:$0x3FDB];
	_ =	sdelay $0x1  }
0x99: {  	s4 =	simm.s32 $_scs_section_size  }
0x9a: {  	s5 =	simm.s32 $_size__tile_overlayer_lowered;
	s6 =	simm.s32 $_tile_overlayer_lowered  }
0x9b: {  	s22 =	simm.s32 $0x1BFF;
	s21 =	sshll.u32 s6, $0x1;
	s3 =	sadd.s32 s4, s19  }
0x9c: {  	s7 =	simm.s32 $0x0;
	s20 =	sshll.u32 s5, $0x1;
	s5 =	sadd.s32 s21, s3  }
0x9d: {  	[timem:s7], [sflag:s22] =	dma.local [hbm:s5], s20  }
0x9e: {  	_ =	swait.ge [sflag:s22], s20  }
0x9f: {  	s4 =	ssub.s32 $0x0, s20;
	[sflag:s22] =	ssyncset.done $0x0  }
0xa0: {  	[sflag:s22] =	ssyncadd.s32 s4;
	_ =	sdelay $0x1  }
0xa1: {  	s23 =	simm.s32 $0x1B8B  }
0xa2: {  	_ =	swait.ge [sflag:s23], $0x1  }
0xa3: {  	[sflag:s23] =	ssyncset.done $0x0  }
0xa4: {  	s25 =	simm.s32 $0x1B8E;
	s24 =	sld [smem:$0x3FFE];
	[sflag:s23] =	ssyncadd.s32 $0xFFFFFFFF  }
0xa5: {  	s26 =	simm.s32 $execute0_lowered;
	[smem:$0x3FD2] =	sst s25  }
0xa6: {  	s5 =	sshll.u32 s26, $0x1;
	_ =	strace $0x80000046;
	[dreg:$0x1] =	wrdreg $0xFFFFFFFF  }
0xa7: {  	s28 =	simm.s32 $_size_execute0_lowered;
	s3 =	sadd.s32 s3, s5;
	[dreg:$0x0] =	wrdreg $0x0  }
0xa8: {  	s5 =	sshll.u32 s28, $0x1;
	[dreg:$0x2] =	wrdreg s3  }
0xa9: {  	[dreg:$0x3] =	wrdreg s5  }
0xaa: {  	[dreg:$0x4] =	wrdreg $0xC0  }
0xab: {  	_ =	task [dreg:s7], $0x5FFFF  }
0xac: {  	[dreg:$0x1] =	wrdreg $0xFFFFFFFF  }
0xad: {  	[dreg:$0x0] =	wrdreg $0x60  }
0xae: {  	[dreg:$0x2] =	wrdreg s24  }
0xaf: {  	[dreg:$0x3] =	wrdreg s2  }
0xb0: {  	[dreg:$0x4] =	wrdreg $0x2B000  }
0xb1: {  	[dreg:$0x5] =	wrdreg $0x9  }
0xb2: {  	_ =	task.clear_ibuf [dreg:s7], $0x6FFFF;
	_ =	strace $0x90000046  }
0xb3: {  	s29 =	simm.s32 $0x9;
	_ =	strace $0x80000048  }
0xb4: {  	_ =	swait.ge [sflag:s29], $0x1  }
0xb5: {  	[sflag:s29] =	ssyncadd.s32 $0xFFFFFFFF  }
0xb6: {  	_ =	strace $0x90000048  }
0xb7: {  	_ =	sfence  }
0xb8: {  	s30 =	sld [smem:$0x0];
	_ =	sdelay $0x2  }
0xb9: {  	s31 =	sshll.u32 s1, $0xD;
	s1 =	sshrl.u32 s1, $0x2  }
0xba: {  	s3 =	sand.u32 $0x4000, s31;
	s1 =	sadd.s32 s1, s30  }
0xbb: {  	s0 =	sor.u32 s3, s0;
	s1 =	sshll.u32 s1, $0x11  }
0xbc: {  	s0 =	sor.u32 s1, s0  }
0xbd: {  	s0 =	sadd.s32 $0x8F2B, s0  }
0xbe: {  	[sflag:s0] =	ssyncadd.remote.s32 $0x1  }
0xbf: {  	_ =	sfence.sel $0xFFFF  }
0xc0: {  	[dreg:$0x0] =	wrdreg $0xFFFFFFFF;
	(pc) =	sbr.abs _section_cstart, $3  }
0xc1: {  	[dreg:$0x1] =	wrdreg $0xFFFFFFFF  }
0xc2: {  	_ =	task.clear_ibuf [dreg:s7], $0x2FFFF;
	_ =	strace $0x9FFFFFFF  }
0xc3: {  	(tm) =	ssettm $0x7FFFFFFF  }
tec
execute0_lowered:
.L_overlay_start_1:
0x0: {  	(tag) =	ssettag $0x1  }
0x1: {  	s4 =	rddreg [dreg:$0x0]  }
0x2: {  	s0 =	srdreg.scid;
	s6 =	rddreg [dreg:$0x1]  }
0x3: {  	s2 =	rddreg [dreg:$0x2];
	s3 =	simm.s32 $0x0;
	s11 =	simm.s32 $0x2800  }
0x4: {  	s12 =	simm.s32 $0x100;
	s13 =	simm.s32 $0x180;
	s14 =	simm.s32 $0x200  }
0x5: {  	s15 =	simm.s32 $0x280;
	s16 =	simm.s32 $0x300;
	s17 =	simm.s32 $0x380  }
0x6: {  	s18 =	simm.s32 $0x1;
	s5 =	sand.u32 $0x1, s0;
	s0 =	stileid.u32  }
0x7: {  	s19 =	simm.s32 $0x0;
	[smem:$0x7FF] =	sst s3;
	s8 =	smul.u32 $0xA00, s0  }
0x8: {  	s1 =	sshll.u32 s5, $0x4;
	s9 =	smul.u32 $0x500, s0;
	s29 =	ssub.s32 $0x2, s5  }
0x9: {  	s5 =	sshll.u32 s5, $0x7;
	s7 =	sor.u32 s0, s1;
	s1 =	rddreg [dreg:$0x3]  }
0xa: {  	_ =	strace $0x80000047;
	s10 =	sshrl.u32 s29, $0x1;
	s7 =	smul.u32 $0x500, s7  }
0xb: {  	s8 =	sshrl.u32 s8, $0x2;
	s5 =	sor.u32 s5, s9;
	s30 =	ssub.s32 s29, s10  }
0xc: {  	s9 =	simm.s32 $0x2;
	s10 =	simm.s32 $0x80;
	s31 =	sshrl.u32 s5, $0x3  }
0xd: {  	s7 =	sadd.s32 s7, s4;
	s4 =	sadd.s32 s8, s2;
	s6 =	sadd.s32 s6, s31  }
0xe: {  	v0 =	vimm.f32 $1.000000000e+00;
	v1 =	vimm.f32 $0.0e+00;
	s8 =	simm.s32 $0x2880;
	s5 =	sadd.s32 $0x1400, s7;
	s7 =	smax.u32 s30, $0x1  }
.LBB2_1:
0xf: {  	[tilespmem:$0x2800] =	vst v0  }
0x10: {  	[tilespmem:$0x2810] =	vst v0  }
0x11: {  	[tilespmem:$0x2820] =	vst v0  }
0x12: {  	[tilespmem:$0x2830] =	vst v0  }
0x13: {  	[tilespmem:$0x2840] =	vst v0  }
0x14: {  	[tilespmem:$0x2850] =	vst v0  }
0x15: {  	[tilespmem:$0x2860] =	vst v0  }
0x16: {  	[tilespmem:$0x2870] =	vst v0  }
0x17: {  	[tilespmem:$0x2880] =	vst v1  }
0x18: {  	[tilespmem:$0x2890] =	vst v1  }
0x19: {  	[tilespmem:$0x28A0] =	vst v1  }
0x1a: {  	[tilespmem:$0x28B0] =	vst v1  }
0x1b: {  	[tilespmem:$0x28C0] =	vst v1  }
0x1c: {  	[tilespmem:$0x28D0] =	vst v1  }
0x1d: {  	[tilespmem:$0x28E0] =	vst v1  }
0x1e: {  	[tilespmem:$0x28F0] =	vst v1  }
0x1f: {  	[tilespmem:$0x2900] =	vst v1  }
0x20: {  	[tilespmem:$0x2910] =	vst v1  }
0x21: {  	[tilespmem:$0x2920] =	vst v1  }
0x22: {  	[tilespmem:$0x2930] =	vst v1  }
0x23: {  	[tilespmem:$0x2940] =	vst v1  }
0x24: {  	[tilespmem:$0x2950] =	vst v1  }
0x25: {  	[tilespmem:$0x2960] =	vst v1  }
0x26: {  	[tilespmem:$0x2970] =	vst v1  }
0x27: {  	[tilespmem:$0x2980] =	vst v1  }
0x28: {  	[tilespmem:$0x2990] =	vst v1  }
0x29: {  	[tilespmem:$0x29A0] =	vst v1  }
0x2a: {  	[tilespmem:$0x29B0] =	vst v1  }
0x2b: {  	[tilespmem:$0x29C0] =	vst v1  }
0x2c: {  	[tilespmem:$0x29D0] =	vst v1  }
0x2d: {  	[tilespmem:$0x29E0] =	vst v1  }
0x2e: {  	[tilespmem:$0x29F0] =	vst v1  }
0x2f: {  	[tilespmem:$0x2A00] =	vst v1  }
0x30: {  	[tilespmem:$0x2A10] =	vst v1  }
0x31: {  	[tilespmem:$0x2A20] =	vst v1  }
0x32: {  	[tilespmem:$0x2A30] =	vst v1  }
0x33: {  	[tilespmem:$0x2A40] =	vst v1  }
0x34: {  	[tilespmem:$0x2A50] =	vst v1  }
0x35: {  	[tilespmem:$0x2A60] =	vst v1  }
0x36: {  	[tilespmem:$0x2A70] =	vst v1  }
0x37: {  	[tilespmem:$0x2A80] =	vst v1  }
0x38: {  	[tilespmem:$0x2A90] =	vst v1  }
0x39: {  	[tilespmem:$0x2AA0] =	vst v1  }
0x3a: {  	[tilespmem:$0x2AB0] =	vst v1  }
0x3b: {  	[tilespmem:$0x2AC0] =	vst v1  }
0x3c: {  	[tilespmem:$0x2AD0] =	vst v1  }
0x3d: {  	[tilespmem:$0x2AE0] =	vst v1  }
0x3e: {  	[tilespmem:$0x2AF0] =	vst v1  }
0x3f: {  	[spmem:s4] =	stream.linear.scatter [tilespmem:s8], [sflag:$0x2], $0x280, $0x38;
	[tilespmem:$0x2D80] =	vst v63  }
0x40: {  	_ =	swait.ge [sflag:s9], $0x280  }
0x41: {  	[sflag:s9] =	ssyncset.done $0x0  }
0x42: {  	[sflag:s9] =	ssyncadd.s32 $0xFFFFFD80  }
0x43: {  	[bflag:$0x0] =	sbarrier.arrive $0xFFFF  }
0x44: {  	[tilespmem:s3], [sflag:$0x2] =	stream.linear.gather [hbm4b:s5+s3], $0x2800, $0x38;
	[tilespmem:$0x2D80] =	vst v63  }
0x45: {  	_ =	swait.ge [sflag:s9], $0x2800  }
0x46: {  	[sflag:s9] =	ssyncset.done $0x0  }
0x47: {  	[sflag:s9] =	ssyncadd.s32 $0xFFFFD800  }
0x48: {  	[spmem:s2] =	stream.indirect.scatter.add.f32 [tilespmem:s11], [sflag:$0x1], $0x1, s3, s10, $0xb8;
	[tilespmem:$0x2D80] =	vst v63  }
0x49: {  	_ = 	snop  }
0x4a: {  	[spmem:s2] =	stream.indirect.scatter.add.f32 [tilespmem:s11], [sflag:$0x1], $0x1, s10, s10, $0xb8;
	[tilespmem:$0x2D80] =	vst v63  }
0x4b: {  	_ = 	snop  }
0x4c: {  	[spmem:s2] =	stream.indirect.scatter.add.f32 [tilespmem:s11], [sflag:$0x1], $0x1, s12, s10, $0xb8;
	[tilespmem:$0x2D80] =	vst v63  }
0x4d: {  	_ = 	snop  }
0x4e: {  	[spmem:s2] =	stream.indirect.scatter.add.f32 [tilespmem:s11], [sflag:$0x1], $0x1, s13, s10, $0xb8;
	[tilespmem:$0x2D80] =	vst v63  }
0x4f: {  	_ = 	snop  }
0x50: {  	[spmem:s2] =	stream.indirect.scatter.add.f32 [tilespmem:s11], [sflag:$0x1], $0x1, s14, s10, $0xb8;
	[tilespmem:$0x2D80] =	vst v63  }
0x51: {  	_ = 	snop  }
0x52: {  	[spmem:s2] =	stream.indirect.scatter.add.f32 [tilespmem:s11], [sflag:$0x1], $0x1, s15, s10, $0xb8;
	[tilespmem:$0x2D80] =	vst v63  }
0x53: {  	_ = 	snop  }
0x54: {  	[spmem:s2] =	stream.indirect.scatter.add.f32 [tilespmem:s11], [sflag:$0x1], $0x1, s16, s10, $0xb8;
	[tilespmem:$0x2D80] =	vst v63  }
0x55: {  	_ = 	snop  }
0x56: {  	[spmem:s2] =	stream.indirect.scatter.add.f32 [tilespmem:s11], [sflag:$0x1], $0x1, s17, s10, $0xb8;
	[tilespmem:$0x2D80] =	vst v63  }
0x57: {  	_ =	swait.ge [sflag:s18], $0x80  }
0x58: {  	[sflag:s18] =	ssyncset.done $0x0  }
0x59: {  	s20 =	simm.s32 $0x1200;
	s21 =	simm.s32 $0x400;
	[sflag:s18] =	ssyncadd.s32 $0xFFFFFF80  }
.LBB2_2:
0x5a: {  	[spmem:s2] =	stream.indirect.scatter.add.f32 [tilespmem:s11], [sflag:$0x1], $0x1, s21, s10, $0xb8;
	[tilespmem:$0x2D80] =	vst v63  }
0x5b: {  	s21 =	smov.u32 s20;
	p0 =	sne.s32 s20, $0x9E00  }
.Ltmp0:
0x5c: {  	s20 =	sadd.s32 $0x200, s20;
	(pc) =	sbr.rel @p0 .LBB2_2-.Ltmp0, $4  }
0x5d: {  	_ = 	snop  }
0x5e: {  	_ =	swait.ge [sflag:s18], $0x80  }
0x5f: {  	[sflag:s18] =	ssyncset.done $0x0  }
0x60: {  	s21 =	sshra.s32 s21, $0x2;
	[sflag:s18] =	ssyncadd.s32 $0xFFFFFF80  }
0x61: {  	[spmem:s2] =	stream.indirect.scatter.add.f32 [tilespmem:s11], [sflag:$0x1], $0x1, s21, s10, $0xb8;
	[tilespmem:$0x2D80] =	vst v63  }
0x62: {  	_ =	swait.ge [sflag:s18], $0x80  }
0x63: {  	[sflag:s18] =	ssyncset.done $0x0  }
0x64: {  	[sflag:s18] =	ssyncadd.s32 $0xFFFFFF80  }
0x65: {  	_ =	swait.ge [sflag:s18], $0x80  }
0x66: {  	[sflag:s18] =	ssyncset.done $0x0  }
0x67: {  	[sflag:s18] =	ssyncadd.s32 $0xFFFFFF80  }
0x68: {  	_ =	swait.ge [sflag:s18], $0x80  }
0x69: {  	[sflag:s18] =	ssyncset.done $0x0  }
0x6a: {  	[sflag:s18] =	ssyncadd.s32 $0xFFFFFF80  }
0x6b: {  	_ =	swait.ge [sflag:s18], $0x80  }
0x6c: {  	[sflag:s18] =	ssyncset.done $0x0  }
0x6d: {  	[sflag:s18] =	ssyncadd.s32 $0xFFFFFF80  }
0x6e: {  	_ =	swait.ge [sflag:s18], $0x80  }
0x6f: {  	[sflag:s18] =	ssyncset.done $0x0  }
0x70: {  	[sflag:s18] =	ssyncadd.s32 $0xFFFFFF80  }
0x71: {  	_ =	swait.ge [sflag:s18], $0x80  }
0x72: {  	[sflag:s18] =	ssyncset.done $0x0  }
0x73: {  	[sflag:s18] =	ssyncadd.s32 $0xFFFFFF80  }
0x74: {  	_ =	swait.ge [sflag:s18], $0x80  }
0x75: {  	[sflag:s18] =	ssyncset.done $0x0  }
0x76: {  	[sflag:s18] =	ssyncadd.s32 $0xFFFFFF80  }
0x77: {  	_ =	swait.ge [sflag:s18], $0x80  }
0x78: {  	[sflag:s18] =	ssyncset.done $0x0  }
0x79: {  	[sflag:s18] =	ssyncadd.s32 $0xFFFFFF80  }
0x7a: {  	[bflag:$0x0] =	sbarrier.arrive $0xFFFF  }
0x7b: {  	[tilespmem:s8], [sflag:$0x2] =	stream.linear.gather [spmem:s4], $0x280, $0x38;
	[tilespmem:$0x2D80] =	vst v63  }
0x7c: {  	s19 =	sadd.s32 $0x1, s19;
	_ =	swait.ge [sflag:s9], $0x280  }
0x7d: {  	p0 =	sne.s32 s19, s7;
	[sflag:s9] =	ssyncset.done $0x0  }
.Ltmp1:
0x7e: {  	[sflag:s9] =	ssyncadd.s32 $0xFFFFFD80;
	(pc) =	sbr.rel @p0 .LBB2_1-.Ltmp1, $4  }
0x7f: {  	[hbm4b:s6+s10] =	stream.strided.scatter [tilespmem:s8], [sflag:$0x2], $0x280, s12, s10, $0x38;
	[tilespmem:$0x2D80] =	vst v63  }
0x80: {  	_ =	swait.ge [sflag:s9], $0x280  }
0x81: {  	[sflag:s9] =	ssyncset.done $0x0  }
0x82: {  	[sflag:s9] =	ssyncadd.s32 $0xFFFFFD80  }
0x83: {  	_ =	sfence.sel $0x180000  }
0x84: {  	[bflag:$0x0] =	sbarrier.arrive $0xFFFF  }
0x85: {  	p0 =	sne.s32 s0, $0x0;
	_ =	strace $0x90000047  }
0x86: {  	s0 =	sadd.s32 @!p0 $0x100000, s1;
	[bflag:$0x2] =	sbarrier.arrive $0xFFFF  }
0x87: {  	[sflag:s0] =	ssyncadd.tile.s32 @!p0 $0x1;
	_ =	shalt  }
.Lfunc_end2:
_tile_overlayer_lowered:
.L_overlay_start_2:
0x88: {  	(tag) =	ssettag $0x2  }
0x89: {  	s0 =	rddreg [dreg:$0x0];
	s2 =	stileid.u32  }
0x8a: {  	s1 =	rddreg [dreg:$0x1];
	p0 =	sne.s32 s2, $0x0  }
0x8b: {  	s3 =	rddreg [dreg:$0x2];
	[bflag:$0x3] =	sbarrier.arrive $0xFFFF;
	s2 =	simm.s32 @!p0 $0x1C02  }
0x8c: {  	[timem:s3], [sflag:s2] =	dma.local @!p0 [hbm:s0], s1  }
0x8d: {  	s0 =	simm.s32 @!p0 $0x2  }
0x8e: {  	_ =	swait.ge @!p0 [sflag:s0], s1  }
0x8f: {  	s1 =	ssub.s32 @!p0 $0x0, s1;
	[sflag:s0] =	ssyncset.done @!p0 $0x0  }
0x90: {  	[sflag:s0] =	ssyncadd.s32 @!p0 s1  }
0x91: {  	[bflag:$0x3] =	sbarrier.arrive $0xFFFF  }
0x92: {  	_ =	shalt  }

// kernel: kernel.9.cloned.1.call-start
scs
__scs_entry_jumppad:
0x0: {  	(pc) =	sbr.rel $0x88, $3  }
0x1: {  	(tag) =	ssettag $0x0;
	lr =	simm.s32 $0x1  }
0x2: {  	[smem:$0x3F9D] =	sst lr;
	_ =	strace $0xD0000000  }
0x3: {  	_ = 	snop  }
0x4: {  	_ = 	snop  }
0x5: {  	_ = 	snop  }
0x6: {  	_ = 	snop  }
0x7: {  	_ = 	snop  }
__scs_overlays_trampoline_lowered:
0x8: {  	[smem:$0x3FAC] =	sst s0  }
0x9: {  	[smem:$0x3FAD] =	sst s1  }
0xa: {  	[smem:$0x3FAE] =	sst s2  }
0xb: {  	[smem:$0x3FAF] =	sst s3  }
0xc: {  	[smem:$0x3FB0] =	sst s4  }
0xd: {  	[smem:$0x3FB1] =	sst s5  }
0xe: {  	[smem:$0x3FB2] =	sst s6  }
0xf: {  	[smem:$0x3FB3] =	sst s7  }
0x10: {  	[smem:$0x3FB4] =	sst s8  }
0x11: {  	[smem:$0x3FB5] =	sst s9;
	s0 =	simm.s32 @!p0 $0x0  }
0x12: {  	s1 =	sld [smem:$0x3F9B];
	s0 =	simm.s32 @p0 $0x1  }
0x13: {  	[smem:$0x3FB6] =	sst s0;
	s0 =	simm.s32 @!p1 $0x0  }
0x14: {  	s2 =	sld [smem:$0x3F9A];
	s0 =	simm.s32 @p1 $0x1  }
0x15: {  	[smem:$0x3FB7] =	sst s0;
	s0 =	simm.s32 @!p2 $0x0  }
0x16: {  	s3 =	sld [smem:$0x3FDB];
	s0 =	simm.s32 @p2 $0x1  }
0x17: {  	s4 =	simm.s32 $0x1BF5;
	[smem:$0x3FB9] =	sst s0  }
0x18: {  	s0 =	sld [smem:$0x3F9C];
	_ =	swait.ge [sflag:s4], $0x0  }
0x19: {  	s7 =	sld [smem:$0x3F9D]  }
0x1a: {  	s8 =	sadd.s32 $0xFFFFE003, lr  }
0x1b: {  	s9 =	sadd.s32 $0xFFFFFEF7, lr;
	s5 =	simm.s32 $0xFFFFFFFF;
	p2 =	slt.u32 s8, $0xFFFFF086  }
0x1c: {  	p1 =	slt.u32 s9, $0xF7A;
	s5 =	simm.s32 @!p2 $0x0  }
0x1d: {  	s5 =	simm.s32 @p1 $0x1;
	p0 =	seq.s32 s7, s2  }
0x1e: {  	s7 =	smul.u32 @!p0 $0xF7A, s2;
	p2 =	seq.s32 @!p0 s5, $0x0  }
0x1f: {  	s9 =	smul.u32 $0xF7A, s1;
	s8 =	simm.s32 @!p0 $0x1BF5;
	p2 =	por !p2, p0  }
0x20: {  	[sflag:s8] =	ssyncset.s32 @!p0 $0xFFFFF086;
	s6 =	sadd.s32 @!p0 s3, s7;
	s7 =	simm.s32 @!p0 $0x108  }
0x21: {  	s3 =	sadd.s32 s3, s9;
	s6 =	sadd.s32 @!p0 $0x88, s6;
	s7 =	simm.s32 @p2 $0x1082  }
0x22: {  	[simem:s7], [sflag:s8] =	dma.local @!p0 [hbm:s6], $0xF7A  }
0x23: {  	s9 =	sor.u32 $0xD0000000, s2;
	s6 =	simm.s32 $0x108;
	_ =	swait.ge @!p0 [sflag:s8], $0x0  }
0x24: {  	s3 =	sadd.s32 $0x88, s3;
	s6 =	simm.s32 @!p1 $0x1082;
	[sflag:s4] =	ssyncset.s32 $0xFFFFF086  }
0x25: {  	[simem:s6], [sflag:s4] =	dma.local [hbm:s3], $0xF7A  }
0x26: {  	[smem:$0x3F9D] =	sst s1;
	(tag) =	ssettag s2;
	_ =	strace s9  }
0x27: {  	s1 =	sld [smem:$0x3FAD]  }
0x28: {  	s2 =	sld [smem:$0x3FAE]  }
0x29: {  	s4 =	sld [smem:$0x3FB0]  }
0x2a: {  	p0 =	seq.s32 s5, $0x0;
	s5 =	sld [smem:$0x3FB1]  }
0x2b: {  	s6 =	sld [smem:$0x3FB2]  }
0x2c: {  	s7 =	sld [smem:$0x3FB3]  }
0x2d: {  	s3 =	simm.s32 $0x108;
	s8 =	sld [smem:$0x3FB4]  }
0x2e: {  	s3 =	simm.s32 @!p0 $0x1082;
	s9 =	sld [smem:$0x3FB5]  }
0x2f: {  	lr =	sadd.s32 s0, s3;
	s0 =	sld [smem:$0x3FAC]  }
0x30: {  	s3 =	sld [smem:$0x3FAF]  }
0x31: {  	[smem:$0x3FB8] =	sst s10  }
0x32: {  	s10 =	sld [smem:$0x3FB6];
	_ =	sdelay $0x3  }
0x33: {  	p0 =	seq.s32 s10, $0x1;
	s10 =	sld [smem:$0x3FB8];
	_ =	sdelay $0x3  }
0x34: {  	[smem:$0x3FB8] =	sst s10  }
0x35: {  	s10 =	sld [smem:$0x3FB7];
	_ =	sdelay $0x3  }
0x36: {  	p1 =	seq.s32 s10, $0x1;
	s10 =	sld [smem:$0x3FB8];
	_ =	sdelay $0x3  }
0x37: {  	[smem:$0x3FB8] =	sst s10  }
0x38: {  	s10 =	sld [smem:$0x3FB9]  }
0x39: {  	_ = 	snop;
	(pc) =	sbr.ind lr, $3  }
0x3a: {  	_ = 	snop  }
0x3b: {  	_ = 	snop  }
0x3c: {  	p2 =	seq.s32 s10, $0x1;
	s10 =	sld [smem:$0x3FB8]  }
0x3d: {  	_ =	shalt  }
0x3e: {  	_ =	shalt  }
0x3f: {  	_ =	shalt  }
0x40: {  	_ =	shalt  }
0x41: {  	_ =	shalt  }
0x42: {  	_ =	shalt  }
0x43: {  	_ =	shalt  }
0x44: {  	_ =	shalt  }
0x45: {  	_ =	shalt  }
0x46: {  	_ =	shalt  }
0x47: {  	_ =	shalt  }
0x48: {  	_ =	shalt  }
0x49: {  	_ =	shalt  }
0x4a: {  	_ =	shalt  }
0x4b: {  	_ =	shalt  }
0x4c: {  	_ =	shalt  }
0x4d: {  	_ =	shalt  }
0x4e: {  	_ =	shalt  }
0x4f: {  	_ =	shalt  }
0x50: {  	_ =	shalt  }
0x51: {  	_ =	shalt  }
0x52: {  	_ =	shalt  }
0x53: {  	_ =	shalt  }
0x54: {  	_ =	shalt  }
0x55: {  	_ =	shalt  }
0x56: {  	_ =	shalt  }
0x57: {  	_ =	shalt  }
0x58: {  	_ =	shalt  }
0x59: {  	_ =	shalt  }
0x5a: {  	_ =	shalt  }
0x5b: {  	_ =	shalt  }
0x5c: {  	_ =	shalt  }
0x5d: {  	_ =	shalt  }
0x5e: {  	_ =	shalt  }
0x5f: {  	_ =	shalt  }
0x60: {  	_ =	shalt  }
0x61: {  	_ =	shalt  }
0x62: {  	_ =	shalt  }
0x63: {  	_ =	shalt  }
0x64: {  	_ =	shalt  }
0x65: {  	_ =	shalt  }
0x66: {  	_ =	shalt  }
0x67: {  	_ =	shalt  }
0x68: {  	_ =	shalt  }
0x69: {  	_ =	shalt  }
0x6a: {  	_ =	shalt  }
0x6b: {  	_ =	shalt  }
0x6c: {  	_ =	shalt  }
0x6d: {  	_ =	shalt  }
0x6e: {  	_ =	shalt  }
0x6f: {  	_ =	shalt  }
0x70: {  	_ =	shalt  }
0x71: {  	_ =	shalt  }
0x72: {  	_ =	shalt  }
0x73: {  	_ =	shalt  }
0x74: {  	_ =	shalt  }
0x75: {  	_ =	shalt  }
0x76: {  	_ =	shalt  }
0x77: {  	_ =	shalt  }
0x78: {  	_ =	shalt  }
0x79: {  	_ =	shalt  }
0x7a: {  	_ =	shalt  }
0x7b: {  	_ =	shalt  }
0x7c: {  	_ =	shalt  }
0x7d: {  	_ =	shalt  }
0x7e: {  	_ =	shalt  }
0x7f: {  	_ =	shalt  }
0x80: {  	_ =	shalt  }
0x81: {  	_ =	shalt  }
0x82: {  	_ =	shalt  }
0x83: {  	_ =	shalt  }
0x84: {  	_ =	shalt  }
0x85: {  	_ =	shalt  }
0x86: {  	_ =	shalt  }
0x87: {  	_ =	shalt  }
.Lfunc_end0:
.L_simem_size_0:
called_computation.1_lowered:
.L_overlay_start_0:
0x88: {  	s2 =	sld [smem:$0x3FD9]  }
0x89: {  	s3 =	sld [smem:$0x3FFE];
	_ =	sdelay $0x1  }
0x8a: {  	s1 =	srdreg.scid  }
0x8b: {  	s0 =	sand.u32 $0x1, s1  }
0x8c: {  	s17 =	sshll.u32 s0, $0xA;
	s2 =	sadd.s32 s3, s2  }
0x8d: {  	s2 =	sadd.s32 s2, s17  }
0x8e: {  	[smem:$0x3FC4] =	sst s2  }
0x8f: {  	_ = 	snop  }
0x90: {  	s2 =	sld [smem:$0x3FD0];
	(tm) =	ssettm $0x1  }
0x91: {  	s18 =	sld [smem:$0x3FFB];
	_ =	sdelay $0x3  }
0x92: {  	_ =	strace s18  }
0x93: {  	s3 =	sld [smem:$0x3FFC];
	_ =	sdelay $0x3  }
0x94: {  	_ =	strace s3  }
0x95: {  	s3 =	sld [smem:$0x3FFD];
	_ =	sdelay $0x3  }
0x96: {  	_ =	strace s3  }
0x97: {  	_ =	strace $0x8FFFFFFF  }
0x98: {  	s19 =	sld [smem:$0x3FDB];
	_ =	sdelay $0x1  }
0x99: {  	s4 =	simm.s32 $_scs_section_size  }
0x9a: {  	s5 =	simm.s32 $_size__tile_overlayer_lowered;
	s6 =	simm.s32 $_tile_overlayer_lowered  }
0x9b: {  	s22 =	simm.s32 $0x1BFF;
	s21 =	sshll.u32 s6, $0x1;
	s3 =	sadd.s32 s4, s19  }
0x9c: {  	s7 =	simm.s32 $0x0;
	s20 =	sshll.u32 s5, $0x1;
	s5 =	sadd.s32 s21, s3  }
0x9d: {  	[timem:s7], [sflag:s22] =	dma.local [hbm:s5], s20  }
0x9e: {  	_ =	swait.ge [sflag:s22], s20  }
0x9f: {  	s4 =	ssub.s32 $0x0, s20;
	[sflag:s22] =	ssyncset.done $0x0  }
0xa0: {  	[sflag:s22] =	ssyncadd.s32 s4;
	_ =	sdelay $0x1  }
0xa1: {  	s23 =	simm.s32 $0x1B8B  }
0xa2: {  	_ =	swait.ge [sflag:s23], $0x1  }
0xa3: {  	[sflag:s23] =	ssyncset.done $0x0  }
0xa4: {  	s25 =	simm.s32 $0x1B8E;
	s24 =	sld [smem:$0x3FFE];
	[sflag:s23] =	ssyncadd.s32 $0xFFFFFFFF  }
0xa5: {  	s26 =	simm.s32 $execute0_lowered;
	[smem:$0x3FD2] =	sst s25  }
0xa6: {  	s5 =	sshll.u32 s26, $0x1;
	_ =	strace $0x80000049;
	[dreg:$0x1] =	wrdreg $0xFFFFFFFF  }
0xa7: {  	s28 =	simm.s32 $_size_execute0_lowered;
	s3 =	sadd.s32 s3, s5;
	[dreg:$0x0] =	wrdreg $0x0  }
0xa8: {  	s5 =	sshll.u32 s28, $0x1;
	[dreg:$0x2] =	wrdreg s3  }
0xa9: {  	[dreg:$0x3] =	wrdreg s5  }
0xaa: {  	[dreg:$0x4] =	wrdreg $0xC0  }
0xab: {  	_ =	task [dreg:s7], $0x5FFFF  }
0xac: {  	[dreg:$0x1] =	wrdreg $0xFFFFFFFF  }
0xad: {  	[dreg:$0x0] =	wrdreg $0x60  }
0xae: {  	[dreg:$0x2] =	wrdreg s2  }
0xaf: {  	[dreg:$0x3] =	wrdreg s24  }
0xb0: {  	[dreg:$0x4] =	wrdreg $0xA8000  }
0xb1: {  	[dreg:$0x5] =	wrdreg $0x9  }
0xb2: {  	_ =	task.clear_ibuf [dreg:s7], $0x6FFFF;
	_ =	strace $0x90000049  }
0xb3: {  	s29 =	simm.s32 $0x9;
	_ =	strace $0x8000004B  }
0xb4: {  	_ =	swait.ge [sflag:s29], $0x1  }
0xb5: {  	[sflag:s29] =	ssyncadd.s32 $0xFFFFFFFF  }
0xb6: {  	_ =	strace $0x9000004B  }
0xb7: {  	_ =	sfence  }
0xb8: {  	s30 =	sld [smem:$0x0];
	_ =	sdelay $0x2  }
0xb9: {  	s31 =	sshll.u32 s1, $0xD;
	s1 =	sshrl.u32 s1, $0x2  }
0xba: {  	s3 =	sand.u32 $0x4000, s31;
	s1 =	sadd.s32 s1, s30  }
0xbb: {  	s0 =	sor.u32 s3, s0;
	s1 =	sshll.u32 s1, $0x11  }
0xbc: {  	s0 =	sor.u32 s1, s0  }
0xbd: {  	s0 =	sadd.s32 $0x8F2B, s0  }
0xbe: {  	[sflag:s0] =	ssyncadd.remote.s32 $0x1  }
0xbf: {  	_ =	sfence.sel $0xFFFF  }
0xc0: {  	[dreg:$0x0] =	wrdreg $0xFFFFFFFF;
	(pc) =	sbr.abs _section_cstart, $3  }
0xc1: {  	[dreg:$0x1] =	wrdreg $0xFFFFFFFF  }
0xc2: {  	_ =	task.clear_ibuf [dreg:s7], $0x2FFFF;
	_ =	strace $0x9FFFFFFF  }
0xc3: {  	(tm) =	ssettm $0x7FFFFFFF  }
tec
execute0_lowered:
.L_overlay_start_1:
0x0: {  	(tag) =	ssettag $0x1  }
0x1: {  	s0 =	srdreg.scid;
	s2 =	rddreg [dreg:$0x1]  }
0x2: {  	s1 =	simm.s32 $0x0;
	s10 =	stileid.u32;
	s0 =	sand.u32 $0x1, s0  }
0x3: {  	[smem:$0x7FF] =	sst s1;
	s4 =	sadd.s32 $0xB400, s2;
	s5 =	smul.u32 $0x50000, s10  }
0x4: {  	s6 =	sadd.s32 $0x1400, s2;
	s2 =	sadd.s32 $0x15400, s2;
	s19 =	smul.u32 $0x14000, s10  }
0x5: {  	s3 =	sshll.u32 s0, $0x4;
	s7 =	ssub.s32 $0x2, s0;
	s0 =	smul.u32 $0x140000, s0  }
0x6: {  	s3 =	sor.u32 s10, s3;
	s9 =	sshrl.u32 s7, $0x1;
	s10 =	sadd.s32 $0x8000, s19  }
0x7: {  	s18 =	sadd.s32 $0xA000, s19;
	s21 =	sadd.s32 $0xC000, s19;
	s8 =	smul.u32 $0x500, s3  }
0x8: {  	s3 =	smul.u32 $0x2800, s3;
	s7 =	ssub.s32 s7, s9;
	s26 =	sadd.s32 s0, s19  }
0x9: {  	s20 =	sadd.s32 s0, s18;
	s9 =	sadd.s32 $0x12000, s19;
	s25 =	sadd.s32 s4, s8  }
0xa: {  	s3 =	sshrl.u32 s3, $0x3;
	s8 =	sadd.s32 s6, s8;
	[dreg:$0x4] =	wrdreg s25  }
0xb: {  	s11 =	sshrl.u32 s26, $0x3;
	[dreg:$0x5] =	wrdreg s8;
	s3 =	sadd.s32 $0x280, s3  }
0xc: {  	s8 =	sor.u32 $0x2000, s19;
	s25 =	sadd.s32 $0x10000, s19;
	s4 =	sadd.s32 s4, s3  }
0xd: {  	s28 =	sadd.s32 s0, s8;
	s3 =	sadd.s32 s6, s3;
	[dreg:$0x6] =	wrdreg s4  }
0xe: {  	s6 =	sadd.s32 $0x6000, s19;
	[dreg:$0x7] =	wrdreg s3;
	s3 =	sadd.s32 s2, s11  }
0xf: {  	s12 =	sshrl.u32 s28, $0x3;
	s11 =	sadd.s32 s0, s6;
	[dreg:$0x8] =	wrdreg s3  }
0x10: {  	s13 =	sadd.s32 s2, s12;
	s15 =	sshrl.u32 s11, $0x3;
	s11 =	sshrl.u32 s20, $0x3  }
0x11: {  	s12 =	sadd.s32 s0, s10;
	[dreg:$0x9] =	wrdreg s13;
	s11 =	sadd.s32 s2, s11  }
0x12: {  	s3 =	sadd.s32 $0x4000, s19;
	s16 =	sshrl.u32 s12, $0x3;
	[dreg:$0xd] =	wrdreg s11  }
0x13: {  	s14 =	sadd.s32 s0, s3;
	s17 =	sadd.s32 s2, s16;
	s16 =	rddreg [dreg:$0x2]  }
0x14: {  	s4 =	sshrl.u32 s14, $0x3;
	s14 =	sadd.s32 s0, s21;
	[dreg:$0xc] =	wrdreg s17  }
0x15: {  	s4 =	sadd.s32 s2, s4;
	s22 =	sshrl.u32 s14, $0x3;
	s14 =	rddreg [dreg:$0x0]  }
0x16: {  	s26 =	sadd.s32 s0, s25;
	s13 =	sadd.s32 $0xE000, s19;
	[dreg:$0xa] =	wrdreg s4  }
0x17: {  	s4 =	sadd.s32 s2, s15;
	s15 =	sadd.s32 s0, s13;
	s11 =	sadd.s32 s2, s22  }
0x18: {  	s0 =	sadd.s32 s0, s9;
	[dreg:$0xb] =	wrdreg s4;
	s23 =	sshrl.u32 s15, $0x3  }
0x19: {  	[dreg:$0xe] =	wrdreg s11;
	s15 =	sshrl.u32 s26, $0x3;
	s24 =	sadd.s32 s2, s23  }
0x1a: {  	s0 =	sshrl.u32 s0, $0x3;
	s15 =	sadd.s32 s2, s15;
	[dreg:$0xf] =	wrdreg s24  }
0x1b: {  	s0 =	sadd.s32 s2, s0;
	[dreg:$0x10] =	wrdreg s15  }
0x1c: {  	s5 =	sshrl.u32 s5, $0x2;
	s28 =	smax.u32 s7, $0x1;
	[dreg:$0x11] =	wrdreg s0  }
0x1d: {  	s2 =	sadd.s32 s8, s16;
	_ =	strace $0x8000004A;
	[dreg:$0x12] =	wrdreg s28  }
0x1e: {  	s19 =	sadd.s32 s5, s16;
	s5 =	sadd.s32 s3, s16;
	[dreg:$0x13] =	wrdreg s2  }
0x1f: {  	s7 =	sadd.s32 s6, s16;
	[dreg:$0x14] =	wrdreg s5  }
0x20: {  	s8 =	sadd.s32 s10, s16;
	[dreg:$0x15] =	wrdreg s7  }
0x21: {  	s10 =	sadd.s32 s18, s16;
	[dreg:$0x16] =	wrdreg s8  }
0x22: {  	s12 =	sadd.s32 s21, s16;
	[dreg:$0x17] =	wrdreg s10  }
0x23: {  	s13 =	sadd.s32 s13, s16;
	[dreg:$0x18] =	wrdreg s12  }
0x24: {  	s15 =	sadd.s32 s25, s16;
	[dreg:$0x19] =	wrdreg s13  }
0x25: {  	s29 =	simm.s32 $0x6;
	s17 =	sadd.s32 s9, s16;
	[dreg:$0x1a] =	wrdreg s15  }
0x26: {  	s30 =	simm.s32 $0x140;
	s18 =	sadd.s32 $0x2000, s19;
	[dreg:$0x1b] =	wrdreg s17  }
0x27: {  	s31 =	simm.s32 $0x4;
	s20 =	sadd.s32 $0x4000, s19;
	[dreg:$0x1c] =	wrdreg s18  }
0x28: {  	s3 =	simm.s32 $0x1380;
	s21 =	sadd.s32 $0x6000, s19;
	[dreg:$0x1d] =	wrdreg s20  }
0x29: {  	s6 =	simm.s32 $0x2780;
	s22 =	sadd.s32 $0x8000, s19;
	[dreg:$0x1e] =	wrdreg s21  }
0x2a: {  	s9 =	simm.s32 $0x9;
	s23 =	sadd.s32 $0xA000, s19;
	[dreg:$0x1f] =	wrdreg s22  }
0x2b: {  	s26 =	sadd.s32 $0x10000, s19;
	s24 =	sadd.s32 $0xC000, s19;
	[smem:$0x7F9] =	sst s23  }
0x2c: {  	s11 =	simm.s32 $0x40;
	s25 =	sadd.s32 $0xE000, s19;
	[smem:$0x7FA] =	sst s24  }
0x2d: {  	s4 =	simm.s32 $0x13C0;
	s0 =	simm.s32 $0x8;
	[smem:$0x7FB] =	sst s25  }
0x2e: {  	[smem:$0x7FC] =	sst s26;
	s28 =	sadd.s32 $0x12000, s19;
	s8 =	simm.s32 $0x2800  }
0x2f: {  	s10 =	simm.s32 $0x1400;
	s12 =	simm.s32 $0x4800;
	s17 =	simm.s32 $0x6800  }
0x30: {  	s18 =	simm.s32 $0x1;
	s21 =	simm.s32 $0x8800;
	s22 =	simm.s32 $0x2  }
0x31: {  	s24 =	simm.s32 $0x5;
	s26 =	simm.s32 $0x3;
	s15 =	simm.s32 $0x7  }
0x32: {  	s2 =	simm.s32 $0x26C0;
	s13 =	simm.s32 $0x2700;
	s5 =	simm.s32 $0x2740  }
0x33: {  	v0 =	vimm.f32 $0.0e+00;
	s20 =	simm.s32 $0x27C0;
	s7 =	simm.s32 $0x0;
	[smem:$0x7FD] =	sst s28  }
.LBB2_1:
0x34: {  	s23 =	simm.s32 $0x0;
	s25 =	simm.s32 $0x200  }
.LBB2_2:
0x35: {  	p0 =	sne.s32 s25, $0x7E00;
	[tilespmem:s23+$0x2870] =	vst v0  }
0x36: {  	[tilespmem:s23+$0x2800] =	vst v0  }
0x37: {  	[tilespmem:s23+$0x2810] =	vst v0  }
.Ltmp0:
0x38: {  	[tilespmem:s23+$0x2820] =	vst v0;
	(pc) =	sbr.rel @p0 .LBB2_2-.Ltmp0, $4  }
0x39: {  	[tilespmem:s23+$0x2830] =	vst v0  }
0x3a: {  	[tilespmem:s23+$0x2840] =	vst v0  }
0x3b: {  	[tilespmem:s23+$0x2850] =	vst v0  }
0x3c: {  	[tilespmem:s23+$0x2860] =	vst v0;
	s23 =	sshra.s32 s25, $0x2;
	s25 =	sadd.s32 $0x200, s25  }
0x3d: {  	[tilespmem:s23+$0x2870] =	vst v0  }
0x3e: {  	[tilespmem:s23+$0x2800] =	vst v0  }
0x3f: {  	[tilespmem:s23+$0x2810] =	vst v0  }
0x40: {  	[tilespmem:s23+$0x2820] =	vst v0  }
0x41: {  	[tilespmem:s23+$0x2830] =	vst v0  }
0x42: {  	[tilespmem:s23+$0x2840] =	vst v0  }
0x43: {  	[tilespmem:s23+$0x2850] =	vst v0  }
0x44: {  	[tilespmem:s23+$0x2860] =	vst v0  }
0x45: {  	[spmem:s19] =	stream.linear.scatter [tilespmem:s8], [sflag:$0x9], $0x2000, $0x38;
	[tilespmem:$0x1E800] =	vst v63  }
0x46: {  	_ =	swait.ge [sflag:s9], $0x2000  }
0x47: {  	[sflag:s9] =	ssyncset.done $0x0  }
0x48: {  	s25 =	rddreg [dreg:$0x1c];
	[sflag:s9] =	ssyncadd.s32 $0xFFFFE000  }
0x49: {  	[spmem:s25] =	stream.linear.scatter [tilespmem:s8], [sflag:$0x9], $0x2000, $0x38;
	[tilespmem:$0x1E800] =	vst v63  }
0x4a: {  	_ =	swait.ge [sflag:s9], $0x2000  }
0x4b: {  	[sflag:s9] =	ssyncset.done $0x0  }
0x4c: {  	s28 =	rddreg [dreg:$0x1d];
	[sflag:s9] =	ssyncadd.s32 $0xFFFFE000  }
0x4d: {  	[spmem:s28] =	stream.linear.scatter [tilespmem:s8], [sflag:$0x9], $0x2000, $0x38;
	[tilespmem:$0x1E800] =	vst v63  }
0x4e: {  	_ =	swait.ge [sflag:s9], $0x2000  }
0x4f: {  	[sflag:s9] =	ssyncset.done $0x0  }
0x50: {  	s25 =	rddreg [dreg:$0x1e];
	[sflag:s9] =	ssyncadd.s32 $0xFFFFE000  }
0x51: {  	[spmem:s25] =	stream.linear.scatter [tilespmem:s8], [sflag:$0x9], $0x2000, $0x38;
	[tilespmem:$0x1E800] =	vst v63  }
0x52: {  	_ =	swait.ge [sflag:s9], $0x2000  }
0x53: {  	[sflag:s9] =	ssyncset.done $0x0  }
0x54: {  	s28 =	rddreg [dreg:$0x1f];
	[sflag:s9] =	ssyncadd.s32 $0xFFFFE000  }
0x55: {  	[spmem:s28] =	stream.linear.scatter [tilespmem:s8], [sflag:$0x9], $0x2000, $0x38;
	[tilespmem:$0x1E800] =	vst v63  }
0x56: {  	_ =	swait.ge [sflag:s9], $0x2000  }
0x57: {  	s25 =	sld [smem:$0x7F9]  }
0x58: {  	[sflag:s9] =	ssyncset.done $0x0  }
0x59: {  	[sflag:s9] =	ssyncadd.s32 $0xFFFFE000  }
0x5a: {  	[spmem:s25] =	stream.linear.scatter [tilespmem:s8], [sflag:$0x9], $0x2000, $0x38;
	[tilespmem:$0x1E800] =	vst v63  }
0x5b: {  	_ =	swait.ge [sflag:s9], $0x2000  }
0x5c: {  	s28 =	sld [smem:$0x7FA]  }
0x5d: {  	[sflag:s9] =	ssyncset.done $0x0  }
0x5e: {  	[sflag:s9] =	ssyncadd.s32 $0xFFFFE000  }
0x5f: {  	[spmem:s28] =	stream.linear.scatter [tilespmem:s8], [sflag:$0x9], $0x2000, $0x38;
	[tilespmem:$0x1E800] =	vst v63  }
0x60: {  	_ =	swait.ge [sflag:s9], $0x2000  }
0x61: {  	s25 =	sld [smem:$0x7FB]  }
0x62: {  	[sflag:s9] =	ssyncset.done $0x0  }
0x63: {  	[sflag:s9] =	ssyncadd.s32 $0xFFFFE000  }
0x64: {  	[spmem:s25] =	stream.linear.scatter [tilespmem:s8], [sflag:$0x9], $0x2000, $0x38;
	[tilespmem:$0x1E800] =	vst v63  }
0x65: {  	_ =	swait.ge [sflag:s9], $0x2000  }
0x66: {  	s28 =	sld [smem:$0x7FC]  }
0x67: {  	[sflag:s9] =	ssyncset.done $0x0  }
0x68: {  	[sflag:s9] =	ssyncadd.s32 $0xFFFFE000  }
0x69: {  	[spmem:s28] =	stream.linear.scatter [tilespmem:s8], [sflag:$0x9], $0x2000, $0x38;
	[tilespmem:$0x1E800] =	vst v63  }
0x6a: {  	_ =	swait.ge [sflag:s9], $0x2000  }
0x6b: {  	s25 =	sld [smem:$0x7FD]  }
0x6c: {  	[sflag:s9] =	ssyncset.done $0x0  }
0x6d: {  	[sflag:s9] =	ssyncadd.s32 $0xFFFFE000  }
0x6e: {  	[spmem:s25] =	stream.linear.scatter [tilespmem:s8], [sflag:$0x9], $0x2000, $0x38;
	[tilespmem:$0x1E800] =	vst v63  }
0x6f: {  	_ =	swait.ge [sflag:s9], $0x2000  }
0x70: {  	[sflag:s9] =	ssyncset.done $0x0  }
0x71: {  	[sflag:s9] =	ssyncadd.s32 $0xFFFFE000  }
0x72: {  	[bflag:$0x0] =	sbarrier.arrive $0xFFFF  }
0x73: {  	s23 =	simm.s32 $0x0;
	s25 =	rddreg [dreg:$0x4]  }
0x74: {  	[tilespmem:s23], [sflag:$0x9] =	stream.linear.gather [hbm4b:s25+s23], $0x1400, $0x38;
	[tilespmem:$0x1E800] =	vst v63  }
0x75: {  	_ =	swait.ge [sflag:s9], $0x1400  }
0x76: {  	[sflag:s9] =	ssyncset.done $0x0  }
0x77: {  	s28 =	rddreg [dreg:$0x5];
	[sflag:s9] =	ssyncadd.s32 $0xFFFFEC00  }
0x78: {  	[tilespmem:s10], [sflag:$0x9] =	stream.linear.gather [hbm4b:s28+s23], $0x1400, $0x38;
	[tilespmem:$0x1E800] =	vst v63  }
0x79: {  	_ =	swait.ge [sflag:s9], $0x1400  }
0x7a: {  	[sflag:s9] =	ssyncset.done $0x0  }
0x7b: {  	[sflag:s9] =	ssyncadd.s32 $0xFFFFEC00  }
0x7c: {  	[tilespmem:s8], [sflag:$0x1] =	stream.indirect.gather [hbm4b:s14+s11], $0x80, s23, s11, $0xb8;
	[tilespmem:$0x1E800] =	vst v63  }
0x7d: {  	_ = 	snop  }
0x7e: {  	[tilespmem:s12], [sflag:$0x2] =	stream.indirect.gather [hbm4b:s14+s11], $0x80, s11, s11, $0xb8;
	[tilespmem:$0x1E800] =	vst v63  }
0x7f: {  	s25 =	simm.s32 $0x80  }
0x80: {  	[tilespmem:s17], [sflag:$0x3] =	stream.indirect.gather [hbm4b:s14+s11], $0x80, s25, s11, $0xb8;
	[tilespmem:$0x1E800] =	vst v63  }
0x81: {  	_ =	swait.ge [sflag:s18], $0x2000  }
0x82: {  	[sflag:s18] =	ssyncset.done $0x0  }
0x83: {  	[sflag:s18] =	ssyncadd.s32 $0xFFFFE000  }
0x84: {  	[spmem:s16] =	stream.indirect.scatter.add.f32 [tilespmem:s8], [sflag:$0x5], $0x80, s10, s11, $0xb8;
	[tilespmem:$0x1E800] =	vst v63  }
0x85: {  	s28 =	simm.s32 $0xC0  }
0x86: {  	[tilespmem:s21], [sflag:$0x4] =	stream.indirect.gather [hbm4b:s14+s11], $0x80, s28, s11, $0xb8;
	[tilespmem:$0x1E800] =	vst v63  }
0x87: {  	_ =	swait.ge [sflag:s22], $0x2000  }
0x88: {  	[sflag:s22] =	ssyncset.done $0x0  }
0x89: {  	s25 =	simm.s32 $0x1440;
	[sflag:s22] =	ssyncadd.s32 $0xFFFFE000  }
0x8a: {  	[spmem:s16] =	stream.indirect.scatter.add.f32 [tilespmem:s12], [sflag:$0x6], $0x80, s25, s11, $0xb8;
	[tilespmem:$0x1E800] =	vst v63  }
0x8b: {  	_ =	swait.ge [sflag:s24], $0x2000  }
0x8c: {  	[sflag:s24] =	ssyncset.done $0x0  }
0x8d: {  	s28 =	simm.s32 $0x100;
	[sflag:s24] =	ssyncadd.s32 $0xFFFFE000  }
0x8e: {  	[tilespmem:s8], [sflag:$0x1] =	stream.indirect.gather [hbm4b:s14+s11], $0x80, s28, s11, $0xb8;
	[tilespmem:$0x1E800] =	vst v63  }
0x8f: {  	_ =	swait.ge [sflag:s26], $0x2000  }
0x90: {  	[sflag:s26] =	ssyncset.done $0x0  }
0x91: {  	s25 =	simm.s32 $0x1480;
	[sflag:s26] =	ssyncadd.s32 $0xFFFFE000  }
0x92: {  	[spmem:s16] =	stream.indirect.scatter.add.f32 [tilespmem:s17], [sflag:$0x7], $0x80, s25, s11, $0xb8;
	[tilespmem:$0x1E800] =	vst v63  }
0x93: {  	_ =	swait.ge [sflag:s29], $0x2000  }
0x94: {  	[sflag:s29] =	ssyncset.done $0x0  }
0x95: {  	[sflag:s29] =	ssyncadd.s32 $0xFFFFE000  }
0x96: {  	[tilespmem:s12], [sflag:$0x2] =	stream.indirect.gather [hbm4b:s14+s11], $0x80, s30, s11, $0xb8;
	[tilespmem:$0x1E800] =	vst v63  }
0x97: {  	_ =	swait.ge [sflag:s31], $0x2000  }
0x98: {  	[sflag:s31] =	ssyncset.done $0x0  }
0x99: {  	s28 =	simm.s32 $0x14C0;
	[sflag:s31] =	ssyncadd.s32 $0xFFFFE000  }
0x9a: {  	[spmem:s16] =	stream.indirect.scatter.add.f32 [tilespmem:s21], [sflag:$0x8], $0x80, s28, s11, $0xb8;
	[tilespmem:$0x1E800] =	vst v63  }
0x9b: {  	_ =	swait.ge [sflag:s15], $0x2000  }
0x9c: {  	[sflag:s15] =	ssyncset.done $0x0  }
0x9d: {  	s25 =	simm.s32 $0x180;
	[sflag:s15] =	ssyncadd.s32 $0xFFFFE000  }
0x9e: {  	[tilespmem:s17], [sflag:$0x3] =	stream.indirect.gather [hbm4b:s14+s11], $0x80, s25, s11, $0xb8;
	[tilespmem:$0x1E800] =	vst v63  }
0x9f: {  	_ =	swait.ge [sflag:s18], $0x2000  }
0xa0: {  	[sflag:s18] =	ssyncset.done $0x0  }
0xa1: {  	s28 =	simm.s32 $0x1500;
	[sflag:s18] =	ssyncadd.s32 $0xFFFFE000  }
0xa2: {  	[spmem:s16] =	stream.indirect.scatter.add.f32 [tilespmem:s8], [sflag:$0x5], $0x80, s28, s11, $0xb8;
	[tilespmem:$0x1E800] =	vst v63  }
0xa3: {  	_ =	swait.ge [sflag:s0], $0x2000  }
0xa4: {  	[sflag:s0] =	ssyncset.done $0x0  }
0xa5: {  	s25 =	simm.s32 $0x1C0;
	[sflag:s0] =	ssyncadd.s32 $0xFFFFE000  }
0xa6: {  	[tilespmem:s21], [sflag:$0x4] =	stream.indirect.gather [hbm4b:s14+s11], $0x80, s25, s11, $0xb8;
	[tilespmem:$0x1E800] =	vst v63  }
0xa7: {  	_ =	swait.ge [sflag:s22], $0x2000  }
0xa8: {  	[sflag:s22] =	ssyncset.done $0x0  }
0xa9: {  	s28 =	simm.s32 $0x1540;
	[sflag:s22] =	ssyncadd.s32 $0xFFFFE000  }
0xaa: {  	[spmem:s16] =	stream.indirect.scatter.add.f32 [tilespmem:s12], [sflag:$0x6], $0x80, s28, s11, $0xb8;
	[tilespmem:$0x1E800] =	vst v63  }
0xab: {  	_ =	swait.ge [sflag:s24], $0x2000  }
0xac: {  	[sflag:s24] =	ssyncset.done $0x0  }
0xad: {  	s25 =	simm.s32 $0x200;
	[sflag:s24] =	ssyncadd.s32 $0xFFFFE000  }
0xae: {  	[tilespmem:s8], [sflag:$0x1] =	stream.indirect.gather [hbm4b:s14+s11], $0x80, s25, s11, $0xb8;
	[tilespmem:$0x1E800] =	vst v63  }
0xaf: {  	_ =	swait.ge [sflag:s26], $0x2000  }
0xb0: {  	[sflag:s26] =	ssyncset.done $0x0  }
0xb1: {  	s28 =	simm.s32 $0x1580;
	[sflag:s26] =	ssyncadd.s32 $0xFFFFE000  }
0xb2: {  	[spmem:s16] =	stream.indirect.scatter.add.f32 [tilespmem:s17], [sflag:$0x7], $0x80, s28, s11, $0xb8;
	[tilespmem:$0x1E800] =	vst v63  }
0xb3: {  	_ =	swait.ge [sflag:s29], $0x2000  }
0xb4: {  	[sflag:s29] =	ssyncset.done $0x0  }
0xb5: {  	s23 =	simm.s32 $0x400;
	s25 =	simm.s32 $0x240;
	[sflag:s29] =	ssyncadd.s32 $0xFFFFE000  }
.LBB2_4:
0xb6: {  	[tilespmem:s12], [sflag:$0x2] =	stream.indirect.gather [hbm4b:s14+s11], $0x80, s25, s11, $0xb8;
	[tilespmem:$0x1E800] =	vst v63  }
0xb7: {  	s25 =	smov.u32 s23  }
0xb8: {  	p0 =	sne.s32 s23, $0x4400;
	s23 =	sadd.s32 $0x400, s23;
	_ =	swait.ge [sflag:s31], $0x2000  }
0xb9: {  	s25 =	sshra.s32 s25, $0x2;
	[sflag:s31] =	ssyncset.done $0x0  }
0xba: {  	s28 =	sadd.s32 $0x14C0, s25;
	[sflag:s31] =	ssyncadd.s32 $0xFFFFE000  }
0xbb: {  	[spmem:s16] =	stream.indirect.scatter.add.f32 [tilespmem:s21], [sflag:$0x8], $0x80, s28, s11, $0xb8;
	[tilespmem:$0x1E800] =	vst v63  }
0xbc: {  	_ =	swait.ge [sflag:s15], $0x2000  }
0xbd: {  	[sflag:s15] =	ssyncset.done $0x0  }
0xbe: {  	s28 =	sadd.s32 $0x180, s25;
	[sflag:s15] =	ssyncadd.s32 $0xFFFFE000  }
0xbf: {  	[tilespmem:s17], [sflag:$0x3] =	stream.indirect.gather [hbm4b:s14+s11], $0x80, s28, s11, $0xb8;
	[tilespmem:$0x1E800] =	vst v63  }
0xc0: {  	_ =	swait.ge [sflag:s18], $0x2000  }
0xc1: {  	[sflag:s18] =	ssyncset.done $0x0  }
0xc2: {  	s28 =	sadd.s32 $0x1500, s25;
	[sflag:s18] =	ssyncadd.s32 $0xFFFFE000  }
0xc3: {  	[spmem:s16] =	stream.indirect.scatter.add.f32 [tilespmem:s8], [sflag:$0x5], $0x80, s28, s11, $0xb8;
	[tilespmem:$0x1E800] =	vst v63  }
0xc4: {  	_ =	swait.ge [sflag:s0], $0x2000  }
0xc5: {  	[sflag:s0] =	ssyncset.done $0x0  }
0xc6: {  	s28 =	sadd.s32 $0x1C0, s25;
	[sflag:s0] =	ssyncadd.s32 $0xFFFFE000  }
0xc7: {  	[tilespmem:s21], [sflag:$0x4] =	stream.indirect.gather [hbm4b:s14+s11], $0x80, s28, s11, $0xb8;
	[tilespmem:$0x1E800] =	vst v63  }
0xc8: {  	_ =	swait.ge [sflag:s22], $0x2000  }
0xc9: {  	[sflag:s22] =	ssyncset.done $0x0  }
0xca: {  	s28 =	sadd.s32 $0x1540, s25;
	[sflag:s22] =	ssyncadd.s32 $0xFFFFE000  }
0xcb: {  	[spmem:s16] =	stream.indirect.scatter.add.f32 [tilespmem:s12], [sflag:$0x6], $0x80, s28, s11, $0xb8;
	[tilespmem:$0x1E800] =	vst v63  }
0xcc: {  	_ =	swait.ge [sflag:s24], $0x2000  }
0xcd: {  	[sflag:s24] =	ssyncset.done $0x0  }
0xce: {  	s28 =	sadd.s32 $0x200, s25;
	[sflag:s24] =	ssyncadd.s32 $0xFFFFE000  }
0xcf: {  	[tilespmem:s8], [sflag:$0x1] =	stream.indirect.gather [hbm4b:s14+s11], $0x80, s28, s11, $0xb8;
	[tilespmem:$0x1E800] =	vst v63  }
0xd0: {  	_ =	swait.ge [sflag:s26], $0x2000  }
0xd1: {  	[sflag:s26] =	ssyncset.done $0x0  }
.Ltmp1:
0xd2: {  	s28 =	sadd.s32 $0x1580, s25;
	[sflag:s26] =	ssyncadd.s32 $0xFFFFE000;
	(pc) =	sbr.rel @p0 .LBB2_4-.Ltmp1, $4  }
0xd3: {  	[spmem:s16] =	stream.indirect.scatter.add.f32 [tilespmem:s17], [sflag:$0x7], $0x80, s28, s11, $0xb8;
	[tilespmem:$0x1E800] =	vst v63  }
0xd4: {  	_ =	swait.ge [sflag:s29], $0x2000  }
0xd5: {  	[sflag:s29] =	ssyncset.done $0x0  }
0xd6: {  	s25 =	sadd.s32 $0x240, s25;
	[sflag:s29] =	ssyncadd.s32 $0xFFFFE000  }
0xd7: {  	[tilespmem:s12], [sflag:$0x2] =	stream.indirect.gather [hbm4b:s14+s11], $0x80, s25, s11, $0xb8;
	[tilespmem:$0x1E800] =	vst v63  }
0xd8: {  	_ =	swait.ge [sflag:s31], $0x2000  }
0xd9: {  	[sflag:s31] =	ssyncset.done $0x0  }
0xda: {  	[sflag:s31] =	ssyncadd.s32 $0xFFFFE000  }
0xdb: {  	[spmem:s16] =	stream.indirect.scatter.add.f32 [tilespmem:s21], [sflag:$0x8], $0x80, s2, s11, $0xb8;
	[tilespmem:$0x1E800] =	vst v63  }
0xdc: {  	_ =	swait.ge [sflag:s15], $0x2000  }
0xdd: {  	[sflag:s15] =	ssyncset.done $0x0  }
0xde: {  	[sflag:s15] =	ssyncadd.s32 $0xFFFFE000  }
0xdf: {  	[tilespmem:s17], [sflag:$0x3] =	stream.indirect.gather [hbm4b:s14+s11], $0x80, s3, s11, $0xb8;
	[tilespmem:$0x1E800] =	vst v63  }
0xe0: {  	_ =	swait.ge [sflag:s18], $0x2000  }
0xe1: {  	[sflag:s18] =	ssyncset.done $0x0  }
0xe2: {  	[sflag:s18] =	ssyncadd.s32 $0xFFFFE000  }
0xe3: {  	[spmem:s16] =	stream.indirect.scatter.add.f32 [tilespmem:s8], [sflag:$0x5], $0x80, s13, s11, $0xb8;
	[tilespmem:$0x1E800] =	vst v63  }
0xe4: {  	_ =	swait.ge [sflag:s0], $0x2000  }
0xe5: {  	[sflag:s0] =	ssyncset.done $0x0  }
0xe6: {  	[sflag:s0] =	ssyncadd.s32 $0xFFFFE000  }
0xe7: {  	[tilespmem:s21], [sflag:$0x4] =	stream.indirect.gather [hbm4b:s14+s11], $0x80, s4, s11, $0xb8;
	[tilespmem:$0x1E800] =	vst v63  }
0xe8: {  	_ =	swait.ge [sflag:s22], $0x2000  }
0xe9: {  	[sflag:s22] =	ssyncset.done $0x0  }
0xea: {  	[sflag:s22] =	ssyncadd.s32 $0xFFFFE000  }
0xeb: {  	[spmem:s16] =	stream.indirect.scatter.add.f32 [tilespmem:s12], [sflag:$0x6], $0x80, s5, s11, $0xb8;
	[tilespmem:$0x1E800] =	vst v63  }
0xec: {  	_ =	swait.ge [sflag:s24], $0x2000  }
0xed: {  	[sflag:s24] =	ssyncset.done $0x0  }
0xee: {  	[sflag:s24] =	ssyncadd.s32 $0xFFFFE000  }
0xef: {  	_ =	swait.ge [sflag:s26], $0x2000  }
0xf0: {  	[sflag:s26] =	ssyncset.done $0x0  }
0xf1: {  	[sflag:s26] =	ssyncadd.s32 $0xFFFFE000  }
0xf2: {  	[spmem:s16] =	stream.indirect.scatter.add.f32 [tilespmem:s17], [sflag:$0x7], $0x80, s6, s11, $0xb8;
	[tilespmem:$0x1E800] =	vst v63  }
0xf3: {  	_ =	swait.ge [sflag:s29], $0x2000  }
0xf4: {  	[sflag:s29] =	ssyncset.done $0x0  }
0xf5: {  	[sflag:s29] =	ssyncadd.s32 $0xFFFFE000  }
0xf6: {  	_ =	swait.ge [sflag:s31], $0x2000  }
0xf7: {  	[sflag:s31] =	ssyncset.done $0x0  }
0xf8: {  	[sflag:s31] =	ssyncadd.s32 $0xFFFFE000  }
0xf9: {  	[spmem:s16] =	stream.indirect.scatter.add.f32 [tilespmem:s21], [sflag:$0x8], $0x80, s20, s11, $0xb8;
	[tilespmem:$0x1E800] =	vst v63  }
0xfa: {  	_ =	swait.ge [sflag:s15], $0x2000  }
0xfb: {  	[sflag:s15] =	ssyncset.done $0x0  }
0xfc: {  	[sflag:s15] =	ssyncadd.s32 $0xFFFFE000  }
0xfd: {  	_ =	swait.ge [sflag:s0], $0x2000  }
0xfe: {  	[sflag:s0] =	ssyncset.done $0x0  }
0xff: {  	s23 =	simm.s32 $0x0;
	s28 =	rddreg [dreg:$0x6];
	[sflag:s0] =	ssyncadd.s32 $0xFFFFE000  }
0x100: {  	[tilespmem:s23], [sflag:$0x9] =	stream.linear.gather [hbm4b:s28+s23], $0x1400, $0x38;
	[tilespmem:$0x1E800] =	vst v63  }
0x101: {  	_ =	swait.ge [sflag:s9], $0x1400  }
0x102: {  	[sflag:s9] =	ssyncset.done $0x0  }
0x103: {  	s28 =	rddreg [dreg:$0x7];
	[sflag:s9] =	ssyncadd.s32 $0xFFFFEC00  }
0x104: {  	[tilespmem:s10], [sflag:$0x9] =	stream.linear.gather [hbm4b:s28+s23], $0x1400, $0x38;
	[tilespmem:$0x1E800] =	vst v63  }
0x105: {  	_ =	swait.ge [sflag:s9], $0x1400  }
0x106: {  	[sflag:s9] =	ssyncset.done $0x0  }
0x107: {  	[sflag:s9] =	ssyncadd.s32 $0xFFFFEC00  }
0x108: {  	[tilespmem:s8], [sflag:$0x1] =	stream.indirect.gather [hbm4b:s14+s11], $0x80, s23, s11, $0xb8;
	[tilespmem:$0x1E800] =	vst v63  }
0x109: {  	_ = 	snop  }
0x10a: {  	[tilespmem:s12], [sflag:$0x2] =	stream.indirect.gather [hbm4b:s14+s11], $0x80, s11, s11, $0xb8;
	[tilespmem:$0x1E800] =	vst v63  }
0x10b: {  	s25 =	simm.s32 $0x80  }
0x10c: {  	[tilespmem:s17], [sflag:$0x3] =	stream.indirect.gather [hbm4b:s14+s11], $0x80, s25, s11, $0xb8;
	[tilespmem:$0x1E800] =	vst v63  }
0x10d: {  	_ =	swait.ge [sflag:s18], $0x2000  }
0x10e: {  	[sflag:s18] =	ssyncset.done $0x0  }
0x10f: {  	[sflag:s18] =	ssyncadd.s32 $0xFFFFE000  }
0x110: {  	[spmem:s16] =	stream.indirect.scatter.add.f32 [tilespmem:s8], [sflag:$0x5], $0x80, s10, s11, $0xb8;
	[tilespmem:$0x1E800] =	vst v63  }
0x111: {  	s28 =	simm.s32 $0xC0  }
0x112: {  	[tilespmem:s21], [sflag:$0x4] =	stream.indirect.gather [hbm4b:s14+s11], $0x80, s28, s11, $0xb8;
	[tilespmem:$0x1E800] =	vst v63  }
0x113: {  	_ =	swait.ge [sflag:s22], $0x2000  }
0x114: {  	[sflag:s22] =	ssyncset.done $0x0  }
0x115: {  	s25 =	simm.s32 $0x1440;
	[sflag:s22] =	ssyncadd.s32 $0xFFFFE000  }
0x116: {  	[spmem:s16] =	stream.indirect.scatter.add.f32 [tilespmem:s12], [sflag:$0x6], $0x80, s25, s11, $0xb8;
	[tilespmem:$0x1E800] =	vst v63  }
0x117: {  	_ =	swait.ge [sflag:s24], $0x2000  }
0x118: {  	[sflag:s24] =	ssyncset.done $0x0  }
0x119: {  	s28 =	simm.s32 $0x100;
	[sflag:s24] =	ssyncadd.s32 $0xFFFFE000  }
0x11a: {  	[tilespmem:s8], [sflag:$0x1] =	stream.indirect.gather [hbm4b:s14+s11], $0x80, s28, s11, $0xb8;
	[tilespmem:$0x1E800] =	vst v63  }
0x11b: {  	_ =	swait.ge [sflag:s26], $0x2000  }
0x11c: {  	[sflag:s26] =	ssyncset.done $0x0  }
0x11d: {  	s25 =	simm.s32 $0x1480;
	[sflag:s26] =	ssyncadd.s32 $0xFFFFE000  }
0x11e: {  	[spmem:s16] =	stream.indirect.scatter.add.f32 [tilespmem:s17], [sflag:$0x7], $0x80, s25, s11, $0xb8;
	[tilespmem:$0x1E800] =	vst v63  }
0x11f: {  	_ =	swait.ge [sflag:s29], $0x2000  }
0x120: {  	[sflag:s29] =	ssyncset.done $0x0  }
0x121: {  	[sflag:s29] =	ssyncadd.s32 $0xFFFFE000  }
0x122: {  	[tilespmem:s12], [sflag:$0x2] =	stream.indirect.gather [hbm4b:s14+s11], $0x80, s30, s11, $0xb8;
	[tilespmem:$0x1E800] =	vst v63  }
0x123: {  	_ =	swait.ge [sflag:s31], $0x2000  }
0x124: {  	[sflag:s31] =	ssyncset.done $0x0  }
0x125: {  	s28 =	simm.s32 $0x14C0;
	[sflag:s31] =	ssyncadd.s32 $0xFFFFE000  }
0x126: {  	[spmem:s16] =	stream.indirect.scatter.add.f32 [tilespmem:s21], [sflag:$0x8], $0x80, s28, s11, $0xb8;
	[tilespmem:$0x1E800] =	vst v63  }
0x127: {  	_ =	swait.ge [sflag:s15], $0x2000  }
0x128: {  	[sflag:s15] =	ssyncset.done $0x0  }
0x129: {  	s25 =	simm.s32 $0x180;
	[sflag:s15] =	ssyncadd.s32 $0xFFFFE000  }
0x12a: {  	[tilespmem:s17], [sflag:$0x3] =	stream.indirect.gather [hbm4b:s14+s11], $0x80, s25, s11, $0xb8;
	[tilespmem:$0x1E800] =	vst v63  }
0x12b: {  	_ =	swait.ge [sflag:s18], $0x2000  }
0x12c: {  	[sflag:s18] =	ssyncset.done $0x0  }
0x12d: {  	s28 =	simm.s32 $0x1500;
	[sflag:s18] =	ssyncadd.s32 $0xFFFFE000  }
0x12e: {  	[spmem:s16] =	stream.indirect.scatter.add.f32 [tilespmem:s8], [sflag:$0x5], $0x80, s28, s11, $0xb8;
	[tilespmem:$0x1E800] =	vst v63  }
0x12f: {  	_ =	swait.ge [sflag:s0], $0x2000  }
0x130: {  	[sflag:s0] =	ssyncset.done $0x0  }
0x131: {  	s25 =	simm.s32 $0x1C0;
	[sflag:s0] =	ssyncadd.s32 $0xFFFFE000  }
0x132: {  	[tilespmem:s21], [sflag:$0x4] =	stream.indirect.gather [hbm4b:s14+s11], $0x80, s25, s11, $0xb8;
	[tilespmem:$0x1E800] =	vst v63  }
0x133: {  	_ =	swait.ge [sflag:s22], $0x2000  }
0x134: {  	[sflag:s22] =	ssyncset.done $0x0  }
0x135: {  	s28 =	simm.s32 $0x1540;
	[sflag:s22] =	ssyncadd.s32 $0xFFFFE000  }
0x136: {  	[spmem:s16] =	stream.indirect.scatter.add.f32 [tilespmem:s12], [sflag:$0x6], $0x80, s28, s11, $0xb8;
	[tilespmem:$0x1E800] =	vst v63  }
0x137: {  	_ =	swait.ge [sflag:s24], $0x2000  }
0x138: {  	[sflag:s24] =	ssyncset.done $0x0  }
0x139: {  	s25 =	simm.s32 $0x200;
	[sflag:s24] =	ssyncadd.s32 $0xFFFFE000  }
0x13a: {  	[tilespmem:s8], [sflag:$0x1] =	stream.indirect.gather [hbm4b:s14+s11], $0x80, s25, s11, $0xb8;
	[tilespmem:$0x1E800] =	vst v63  }
0x13b: {  	_ =	swait.ge [sflag:s26], $0x2000  }
0x13c: {  	[sflag:s26] =	ssyncset.done $0x0  }
0x13d: {  	s28 =	simm.s32 $0x1580;
	[sflag:s26] =	ssyncadd.s32 $0xFFFFE000  }
0x13e: {  	[spmem:s16] =	stream.indirect.scatter.add.f32 [tilespmem:s17], [sflag:$0x7], $0x80, s28, s11, $0xb8;
	[tilespmem:$0x1E800] =	vst v63  }
0x13f: {  	_ =	swait.ge [sflag:s29], $0x2000  }
0x140: {  	[sflag:s29] =	ssyncset.done $0x0  }
0x141: {  	s23 =	simm.s32 $0x400;
	s25 =	simm.s32 $0x240;
	[sflag:s29] =	ssyncadd.s32 $0xFFFFE000  }
.LBB2_6:
0x142: {  	[tilespmem:s12], [sflag:$0x2] =	stream.indirect.gather [hbm4b:s14+s11], $0x80, s25, s11, $0xb8;
	[tilespmem:$0x1E800] =	vst v63  }
0x143: {  	s25 =	smov.u32 s23  }
0x144: {  	p0 =	sne.s32 s23, $0x4400;
	s23 =	sadd.s32 $0x400, s23;
	_ =	swait.ge [sflag:s31], $0x2000  }
0x145: {  	s25 =	sshra.s32 s25, $0x2;
	[sflag:s31] =	ssyncset.done $0x0  }
0x146: {  	s28 =	sadd.s32 $0x14C0, s25;
	[sflag:s31] =	ssyncadd.s32 $0xFFFFE000  }
0x147: {  	[spmem:s16] =	stream.indirect.scatter.add.f32 [tilespmem:s21], [sflag:$0x8], $0x80, s28, s11, $0xb8;
	[tilespmem:$0x1E800] =	vst v63  }
0x148: {  	_ =	swait.ge [sflag:s15], $0x2000  }
0x149: {  	[sflag:s15] =	ssyncset.done $0x0  }
0x14a: {  	s28 =	sadd.s32 $0x180, s25;
	[sflag:s15] =	ssyncadd.s32 $0xFFFFE000  }
0x14b: {  	[tilespmem:s17], [sflag:$0x3] =	stream.indirect.gather [hbm4b:s14+s11], $0x80, s28, s11, $0xb8;
	[tilespmem:$0x1E800] =	vst v63  }
0x14c: {  	_ =	swait.ge [sflag:s18], $0x2000  }
0x14d: {  	[sflag:s18] =	ssyncset.done $0x0  }
0x14e: {  	s28 =	sadd.s32 $0x1500, s25;
	[sflag:s18] =	ssyncadd.s32 $0xFFFFE000  }
0x14f: {  	[spmem:s16] =	stream.indirect.scatter.add.f32 [tilespmem:s8], [sflag:$0x5], $0x80, s28, s11, $0xb8;
	[tilespmem:$0x1E800] =	vst v63  }
0x150: {  	_ =	swait.ge [sflag:s0], $0x2000  }
0x151: {  	[sflag:s0] =	ssyncset.done $0x0  }
0x152: {  	s28 =	sadd.s32 $0x1C0, s25;
	[sflag:s0] =	ssyncadd.s32 $0xFFFFE000  }
0x153: {  	[tilespmem:s21], [sflag:$0x4] =	stream.indirect.gather [hbm4b:s14+s11], $0x80, s28, s11, $0xb8;
	[tilespmem:$0x1E800] =	vst v63  }
0x154: {  	_ =	swait.ge [sflag:s22], $0x2000  }
0x155: {  	[sflag:s22] =	ssyncset.done $0x0  }
0x156: {  	s28 =	sadd.s32 $0x1540, s25;
	[sflag:s22] =	ssyncadd.s32 $0xFFFFE000  }
0x157: {  	[spmem:s16] =	stream.indirect.scatter.add.f32 [tilespmem:s12], [sflag:$0x6], $0x80, s28, s11, $0xb8;
	[tilespmem:$0x1E800] =	vst v63  }
0x158: {  	_ =	swait.ge [sflag:s24], $0x2000  }
0x159: {  	[sflag:s24] =	ssyncset.done $0x0  }
0x15a: {  	s28 =	sadd.s32 $0x200, s25;
	[sflag:s24] =	ssyncadd.s32 $0xFFFFE000  }
0x15b: {  	[tilespmem:s8], [sflag:$0x1] =	stream.indirect.gather [hbm4b:s14+s11], $0x80, s28, s11, $0xb8;
	[tilespmem:$0x1E800] =	vst v63  }
0x15c: {  	_ =	swait.ge [sflag:s26], $0x2000  }
0x15d: {  	[sflag:s26] =	ssyncset.done $0x0  }
.Ltmp2:
0x15e: {  	s28 =	sadd.s32 $0x1580, s25;
	[sflag:s26] =	ssyncadd.s32 $0xFFFFE000;
	(pc) =	sbr.rel @p0 .LBB2_6-.Ltmp2, $4  }
0x15f: {  	[spmem:s16] =	stream.indirect.scatter.add.f32 [tilespmem:s17], [sflag:$0x7], $0x80, s28, s11, $0xb8;
	[tilespmem:$0x1E800] =	vst v63  }
0x160: {  	_ =	swait.ge [sflag:s29], $0x2000  }
0x161: {  	[sflag:s29] =	ssyncset.done $0x0  }
0x162: {  	s25 =	sadd.s32 $0x240, s25;
	[sflag:s29] =	ssyncadd.s32 $0xFFFFE000  }
0x163: {  	[tilespmem:s12], [sflag:$0x2] =	stream.indirect.gather [hbm4b:s14+s11], $0x80, s25, s11, $0xb8;
	[tilespmem:$0x1E800] =	vst v63  }
0x164: {  	_ =	swait.ge [sflag:s31], $0x2000  }
0x165: {  	[sflag:s31] =	ssyncset.done $0x0  }
0x166: {  	[sflag:s31] =	ssyncadd.s32 $0xFFFFE000  }
0x167: {  	[spmem:s16] =	stream.indirect.scatter.add.f32 [tilespmem:s21], [sflag:$0x8], $0x80, s2, s11, $0xb8;
	[tilespmem:$0x1E800] =	vst v63  }
0x168: {  	_ =	swait.ge [sflag:s15], $0x2000  }
0x169: {  	[sflag:s15] =	ssyncset.done $0x0  }
0x16a: {  	[sflag:s15] =	ssyncadd.s32 $0xFFFFE000  }
0x16b: {  	[tilespmem:s17], [sflag:$0x3] =	stream.indirect.gather [hbm4b:s14+s11], $0x80, s3, s11, $0xb8;
	[tilespmem:$0x1E800] =	vst v63  }
0x16c: {  	_ =	swait.ge [sflag:s18], $0x2000  }
0x16d: {  	[sflag:s18] =	ssyncset.done $0x0  }
0x16e: {  	[sflag:s18] =	ssyncadd.s32 $0xFFFFE000  }
0x16f: {  	[spmem:s16] =	stream.indirect.scatter.add.f32 [tilespmem:s8], [sflag:$0x5], $0x80, s13, s11, $0xb8;
	[tilespmem:$0x1E800] =	vst v63  }
0x170: {  	_ =	swait.ge [sflag:s0], $0x2000  }
0x171: {  	[sflag:s0] =	ssyncset.done $0x0  }
0x172: {  	[sflag:s0] =	ssyncadd.s32 $0xFFFFE000  }
0x173: {  	[tilespmem:s21], [sflag:$0x4] =	stream.indirect.gather [hbm4b:s14+s11], $0x80, s4, s11, $0xb8;
	[tilespmem:$0x1E800] =	vst v63  }
0x174: {  	_ =	swait.ge [sflag:s22], $0x2000  }
0x175: {  	[sflag:s22] =	ssyncset.done $0x0  }
0x176: {  	[sflag:s22] =	ssyncadd.s32 $0xFFFFE000  }
0x177: {  	[spmem:s16] =	stream.indirect.scatter.add.f32 [tilespmem:s12], [sflag:$0x6], $0x80, s5, s11, $0xb8;
	[tilespmem:$0x1E800] =	vst v63  }
0x178: {  	_ =	swait.ge [sflag:s24], $0x2000  }
0x179: {  	[sflag:s24] =	ssyncset.done $0x0  }
0x17a: {  	[sflag:s24] =	ssyncadd.s32 $0xFFFFE000  }
0x17b: {  	_ =	swait.ge [sflag:s26], $0x2000  }
0x17c: {  	[sflag:s26] =	ssyncset.done $0x0  }
0x17d: {  	[sflag:s26] =	ssyncadd.s32 $0xFFFFE000  }
0x17e: {  	[spmem:s16] =	stream.indirect.scatter.add.f32 [tilespmem:s17], [sflag:$0x7], $0x80, s6, s11, $0xb8;
	[tilespmem:$0x1E800] =	vst v63  }
0x17f: {  	_ =	swait.ge [sflag:s29], $0x2000  }
0x180: {  	[sflag:s29] =	ssyncset.done $0x0  }
0x181: {  	[sflag:s29] =	ssyncadd.s32 $0xFFFFE000  }
0x182: {  	_ =	swait.ge [sflag:s31], $0x2000  }
0x183: {  	[sflag:s31] =	ssyncset.done $0x0  }
0x184: {  	[sflag:s31] =	ssyncadd.s32 $0xFFFFE000  }
0x185: {  	[spmem:s16] =	stream.indirect.scatter.add.f32 [tilespmem:s21], [sflag:$0x8], $0x80, s20, s11, $0xb8;
	[tilespmem:$0x1E800] =	vst v63  }
0x186: {  	_ =	swait.ge [sflag:s15], $0x2000  }
0x187: {  	[sflag:s15] =	ssyncset.done $0x0  }
0x188: {  	[sflag:s15] =	ssyncadd.s32 $0xFFFFE000  }
0x189: {  	_ =	swait.ge [sflag:s0], $0x2000  }
0x18a: {  	[sflag:s0] =	ssyncset.done $0x0  }
0x18b: {  	[sflag:s0] =	ssyncadd.s32 $0xFFFFE000  }
0x18c: {  	[bflag:$0x0] =	sbarrier.arrive $0xFFFF  }
0x18d: {  	[tilespmem:s8], [sflag:$0x9] =	stream.linear.gather [spmem:s19], $0x2000, $0x38;
	[tilespmem:$0x1E800] =	vst v63  }
0x18e: {  	_ =	swait.ge [sflag:s9], $0x2000  }
0x18f: {  	[sflag:s9] =	ssyncset.done $0x0  }
0x190: {  	s23 =	rddreg [dreg:$0x8];
	[sflag:s9] =	ssyncadd.s32 $0xFFFFE000  }
0x191: {  	[hbm4b:s23+s1] =	stream.linear.scatter [tilespmem:s8], [sflag:$0x9], $0x2000, $0x38;
	[tilespmem:$0x1E800] =	vst v63  }
0x192: {  	_ =	swait.ge [sflag:s9], $0x2000  }
0x193: {  	[sflag:s9] =	ssyncset.done $0x0  }
0x194: {  	s28 =	rddreg [dreg:$0x13];
	[sflag:s9] =	ssyncadd.s32 $0xFFFFE000  }
0x195: {  	[tilespmem:s8], [sflag:$0x9] =	stream.linear.gather [spmem:s28], $0x2000, $0x38;
	[tilespmem:$0x1E800] =	vst v63  }
0x196: {  	_ =	swait.ge [sflag:s9], $0x2000  }
0x197: {  	[sflag:s9] =	ssyncset.done $0x0  }
0x198: {  	s25 =	rddreg [dreg:$0x9];
	[sflag:s9] =	ssyncadd.s32 $0xFFFFE000  }
0x199: {  	[hbm4b:s25+s1] =	stream.linear.scatter [tilespmem:s8], [sflag:$0x9], $0x2000, $0x38;
	[tilespmem:$0x1E800] =	vst v63  }
0x19a: {  	_ =	swait.ge [sflag:s9], $0x2000  }
0x19b: {  	[sflag:s9] =	ssyncset.done $0x0  }
0x19c: {  	s28 =	rddreg [dreg:$0x14];
	[sflag:s9] =	ssyncadd.s32 $0xFFFFE000  }
0x19d: {  	[tilespmem:s8], [sflag:$0x9] =	stream.linear.gather [spmem:s28], $0x2000, $0x38;
	[tilespmem:$0x1E800] =	vst v63  }
0x19e: {  	_ =	swait.ge [sflag:s9], $0x2000  }
0x19f: {  	[sflag:s9] =	ssyncset.done $0x0  }
0x1a0: {  	s25 =	rddreg [dreg:$0xa];
	[sflag:s9] =	ssyncadd.s32 $0xFFFFE000  }
0x1a1: {  	[hbm4b:s25+s1] =	stream.linear.scatter [tilespmem:s8], [sflag:$0x9], $0x2000, $0x38;
	[tilespmem:$0x1E800] =	vst v63  }
0x1a2: {  	_ =	swait.ge [sflag:s9], $0x2000  }
0x1a3: {  	[sflag:s9] =	ssyncset.done $0x0  }
0x1a4: {  	s28 =	rddreg [dreg:$0x15];
	[sflag:s9] =	ssyncadd.s32 $0xFFFFE000  }
0x1a5: {  	[tilespmem:s8], [sflag:$0x9] =	stream.linear.gather [spmem:s28], $0x2000, $0x38;
	[tilespmem:$0x1E800] =	vst v63  }
0x1a6: {  	_ =	swait.ge [sflag:s9], $0x2000  }
0x1a7: {  	[sflag:s9] =	ssyncset.done $0x0  }
0x1a8: {  	s25 =	rddreg [dreg:$0xb];
	[sflag:s9] =	ssyncadd.s32 $0xFFFFE000  }
0x1a9: {  	[hbm4b:s25+s1] =	stream.linear.scatter [tilespmem:s8], [sflag:$0x9], $0x2000, $0x38;
	[tilespmem:$0x1E800] =	vst v63  }
0x1aa: {  	_ =	swait.ge [sflag:s9], $0x2000  }
0x1ab: {  	[sflag:s9] =	ssyncset.done $0x0  }
0x1ac: {  	s28 =	rddreg [dreg:$0x16];
	[sflag:s9] =	ssyncadd.s32 $0xFFFFE000  }
0x1ad: {  	[tilespmem:s8], [sflag:$0x9] =	stream.linear.gather [spmem:s28], $0x2000, $0x38;
	[tilespmem:$0x1E800] =	vst v63  }
0x1ae: {  	_ =	swait.ge [sflag:s9], $0x2000  }
0x1af: {  	[sflag:s9] =	ssyncset.done $0x0  }
0x1b0: {  	s25 =	rddreg [dreg:$0xc];
	[sflag:s9] =	ssyncadd.s32 $0xFFFFE000  }
0x1b1: {  	[hbm4b:s25+s1] =	stream.linear.scatter [tilespmem:s8], [sflag:$0x9], $0x2000, $0x38;
	[tilespmem:$0x1E800] =	vst v63  }
0x1b2: {  	_ =	swait.ge [sflag:s9], $0x2000  }
0x1b3: {  	[sflag:s9] =	ssyncset.done $0x0  }
0x1b4: {  	s28 =	rddreg [dreg:$0x17];
	[sflag:s9] =	ssyncadd.s32 $0xFFFFE000  }
0x1b5: {  	[tilespmem:s8], [sflag:$0x9] =	stream.linear.gather [spmem:s28], $0x2000, $0x38;
	[tilespmem:$0x1E800] =	vst v63  }
0x1b6: {  	_ =	swait.ge [sflag:s9], $0x2000  }
0x1b7: {  	[sflag:s9] =	ssyncset.done $0x0  }
0x1b8: {  	s25 =	rddreg [dreg:$0xd];
	[sflag:s9] =	ssyncadd.s32 $0xFFFFE000  }
0x1b9: {  	[hbm4b:s25+s1] =	stream.linear.scatter [tilespmem:s8], [sflag:$0x9], $0x2000, $0x38;
	[tilespmem:$0x1E800] =	vst v63  }
0x1ba: {  	_ =	swait.ge [sflag:s9], $0x2000  }
0x1bb: {  	[sflag:s9] =	ssyncset.done $0x0  }
0x1bc: {  	s28 =	rddreg [dreg:$0x18];
	[sflag:s9] =	ssyncadd.s32 $0xFFFFE000  }
0x1bd: {  	[tilespmem:s8], [sflag:$0x9] =	stream.linear.gather [spmem:s28], $0x2000, $0x38;
	[tilespmem:$0x1E800] =	vst v63  }
0x1be: {  	_ =	swait.ge [sflag:s9], $0x2000  }
0x1bf: {  	[sflag:s9] =	ssyncset.done $0x0  }
0x1c0: {  	s25 =	rddreg [dreg:$0xe];
	[sflag:s9] =	ssyncadd.s32 $0xFFFFE000  }
0x1c1: {  	[hbm4b:s25+s1] =	stream.linear.scatter [tilespmem:s8], [sflag:$0x9], $0x2000, $0x38;
	[tilespmem:$0x1E800] =	vst v63  }
0x1c2: {  	_ =	swait.ge [sflag:s9], $0x2000  }
0x1c3: {  	[sflag:s9] =	ssyncset.done $0x0  }
0x1c4: {  	s28 =	rddreg [dreg:$0x19];
	[sflag:s9] =	ssyncadd.s32 $0xFFFFE000  }
0x1c5: {  	[tilespmem:s8], [sflag:$0x9] =	stream.linear.gather [spmem:s28], $0x2000, $0x38;
	[tilespmem:$0x1E800] =	vst v63  }
0x1c6: {  	_ =	swait.ge [sflag:s9], $0x2000  }
0x1c7: {  	[sflag:s9] =	ssyncset.done $0x0  }
0x1c8: {  	s25 =	rddreg [dreg:$0xf];
	[sflag:s9] =	ssyncadd.s32 $0xFFFFE000  }
0x1c9: {  	[hbm4b:s25+s1] =	stream.linear.scatter [tilespmem:s8], [sflag:$0x9], $0x2000, $0x38;
	[tilespmem:$0x1E800] =	vst v63  }
0x1ca: {  	_ =	swait.ge [sflag:s9], $0x2000  }
0x1cb: {  	[sflag:s9] =	ssyncset.done $0x0  }
0x1cc: {  	s28 =	rddreg [dreg:$0x1a];
	[sflag:s9] =	ssyncadd.s32 $0xFFFFE000  }
0x1cd: {  	[tilespmem:s8], [sflag:$0x9] =	stream.linear.gather [spmem:s28], $0x2000, $0x38;
	[tilespmem:$0x1E800] =	vst v63  }
0x1ce: {  	_ =	swait.ge [sflag:s9], $0x2000  }
0x1cf: {  	[sflag:s9] =	ssyncset.done $0x0  }
0x1d0: {  	s25 =	rddreg [dreg:$0x10];
	[sflag:s9] =	ssyncadd.s32 $0xFFFFE000  }
0x1d1: {  	[hbm4b:s25+s1] =	stream.linear.scatter [tilespmem:s8], [sflag:$0x9], $0x2000, $0x38;
	[tilespmem:$0x1E800] =	vst v63  }
0x1d2: {  	_ =	swait.ge [sflag:s9], $0x2000  }
0x1d3: {  	[sflag:s9] =	ssyncset.done $0x0  }
0x1d4: {  	s28 =	rddreg [dreg:$0x1b];
	[sflag:s9] =	ssyncadd.s32 $0xFFFFE000  }
0x1d5: {  	[tilespmem:s8], [sflag:$0x9] =	stream.linear.gather [spmem:s28], $0x2000, $0x38;
	[tilespmem:$0x1E800] =	vst v63  }
0x1d6: {  	_ =	swait.ge [sflag:s9], $0x2000  }
0x1d7: {  	[sflag:s9] =	ssyncset.done $0x0  }
0x1d8: {  	s25 =	rddreg [dreg:$0x11];
	[sflag:s9] =	ssyncadd.s32 $0xFFFFE000  }
0x1d9: {  	[hbm4b:s25+s1] =	stream.linear.scatter [tilespmem:s8], [sflag:$0x9], $0x2000, $0x38;
	[tilespmem:$0x1E800] =	vst v63  }
0x1da: {  	_ =	swait.ge [sflag:s9], $0x2000  }
0x1db: {  	s7 =	sadd.s32 $0x1, s7;
	s28 =	rddreg [dreg:$0x12]  }
0x1dc: {  	p0 =	sne.s32 s7, s28  }
.Ltmp3:
0x1dd: {  	_ = 	snop;
	(pc) =	sbr.rel @p0 .LBB2_1-.Ltmp3, $3  }
0x1de: {  	_ =	sdelay $0x1  }
0x1df: {  	[sflag:s9] =	ssyncset.done $0x0  }
0x1e0: {  	[sflag:s9] =	ssyncadd.s32 $0xFFFFE000  }
0x1e1: {  	_ =	sfence.sel $0x180000  }
0x1e2: {  	[bflag:$0x0] =	sbarrier.arrive $0xFFFF  }
0x1e3: {  	_ =	strace $0x9000004A  }
0x1e4: {  	s0 =	stileid.u32;
	[bflag:$0x2] =	sbarrier.arrive $0xFFFF  }
0x1e5: {  	p0 =	sne.s32 s0, $0x0;
	s0 =	rddreg [dreg:$0x3]  }
0x1e6: {  	s0 =	sadd.s32 @!p0 $0x100000, s0  }
0x1e7: {  	[sflag:s0] =	ssyncadd.tile.s32 @!p0 $0x1;
	_ =	shalt  }
.Lfunc_end2:
_tile_overlayer_lowered:
.L_overlay_start_2:
0x1e8: {  	(tag) =	ssettag $0x2  }
0x1e9: {  	s0 =	rddreg [dreg:$0x0];
	s2 =	stileid.u32  }
0x1ea: {  	s1 =	rddreg [dreg:$0x1];
	p0 =	sne.s32 s2, $0x0  }
0x1eb: {  	s3 =	rddreg [dreg:$0x2];
	[bflag:$0x3] =	sbarrier.arrive $0xFFFF;
	s2 =	simm.s32 @!p0 $0x1C09  }
0x1ec: {  	[timem:s3], [sflag:s2] =	dma.local @!p0 [hbm:s0], s1  }
0x1ed: {  	s0 =	simm.s32 @!p0 $0x9  }
0x1ee: {  	_ =	swait.ge @!p0 [sflag:s0], s1  }
0x1ef: {  	s1 =	ssub.s32 @!p0 $0x0, s1;
	[sflag:s0] =	ssyncset.done @!p0 $0x0  }
0x1f0: {  	[sflag:s0] =	ssyncadd.s32 @!p0 s1  }
0x1f1: {  	[bflag:$0x3] =	sbarrier.arrive $0xFFFF  }
0x1f2: {  	_ =	shalt  }

</sc_bundles>
